<compile_context>
chip_gen: v7x
topology: tpu7x:2x2x1
jax: 0.10.2.dev20260603
libtpu: 0.0.44.dev20260713+nightly
codegen_flags: <defaults>
</compile_context>

<pallas_src>
import functools

import jax
import jax.numpy as jnp
from jax import lax
from jax.experimental import pallas as pl
from jax.experimental.pallas import tpu as pltpu
from jax.experimental.pallas import tpu_sc as plsc

N = 10000
E = 320000
D = 128
CHUNK = 80
DCHUNK = 80
NBUF = 3
DNBUF = 5


def _slice_copy(src, dst, s, ns):
    rows_per_s = (N // ns // 8) * 8
    tail = N - ns * rows_per_s
    pltpu.sync_copy(src.at[pl.ds(s * rows_per_s, rows_per_s)],
                    dst.at[pl.ds(s * rows_per_s, rows_per_s)])
    if tail:
        @pl.when(s == 0)
        def _():
            pltpu.sync_copy(src.at[pl.ds(ns * rows_per_s, tail)],
                            dst.at[pl.ds(ns * rows_per_s, tail)])


def _edge_body(nc, ns, hs, srcg, dstg, zeros, out, *scratch):
    src_all = scratch[0]
    didx = scratch[1:1 + NBUF]
    rows = scratch[1 + NBUF:1 + 2 * NBUF]
    acc = scratch[1 + 2 * NBUF]
    gsems = scratch[2 + 2 * NBUF:2 + 3 * NBUF]
    dsems = scratch[2 + 3 * NBUF:2 + 4 * NBUF]
    c = lax.axis_index("c")
    s = lax.axis_index("s")
    wid = s * nc + c
    nw = nc * ns
    per_tile = E // nw
    nchunk = per_tile // CHUNK
    base = wid * per_tile

    pltpu.sync_copy(srcg.at[pl.ds(base, per_tile)], src_all)

    for b in range(NBUF):
        pltpu.async_copy(dstg.at[pl.ds(base + b * CHUNK, CHUNK)], didx[b],
                         dsems[b])
        pltpu.async_copy(hs.at[src_all.at[pl.ds(b * CHUNK, CHUNK)]], rows[b],
                         gsems[b])

    @pl.when(c == 0)
    def _():
        _slice_copy(hs, acc, s, ns)

    @pl.when(c != 0)
    def _():
        _slice_copy(zeros, acc, s, ns)

    plsc.subcore_barrier()

    def outer(g, carry):
        for b in range(NBUF):
            j = g * NBUF + b
            pltpu.make_async_copy(hs.at[src_all.at[pl.ds(0, CHUNK)]], rows[b],
                                  gsems[b]).wait()
            pltpu.make_async_copy(dstg.at[pl.ds(0, CHUNK)], didx[b],
                                  dsems[b]).wait()
            pltpu.sync_copy(rows[b], acc.at[didx[b]], add=True)
            nj = j + NBUF

            @pl.when(nj < nchunk)
            def _():
                off = nj * CHUNK
                pltpu.async_copy(dstg.at[pl.ds(base + off, CHUNK)], didx[b],
                                 dsems[b])
                pltpu.async_copy(hs.at[src_all.at[pl.ds(off, CHUNK)]],
                                 rows[b], gsems[b])
        return carry

    ntail = nchunk % NBUF
    lax.fori_loop(0, (nchunk - ntail) // NBUF, outer, 0)
    for b in range(ntail):
        pltpu.make_async_copy(hs.at[src_all.at[pl.ds(0, CHUNK)]], rows[b],
                              gsems[b]).wait()
        pltpu.make_async_copy(dstg.at[pl.ds(0, CHUNK)], didx[b],
                              dsems[b]).wait()
        pltpu.sync_copy(rows[b], acc.at[didx[b]], add=True)
    plsc.subcore_barrier()
    _slice_copy(acc, out.at[c], s, ns)


def _deg_body(nc, ns, dstg, ones, zeros, out, *scratch):
    didx = scratch[0:DNBUF]
    ones_v = scratch[DNBUF]
    acc = scratch[DNBUF + 1]
    sems = scratch[DNBUF + 2:]
    c = lax.axis_index("c")
    s = lax.axis_index("s")
    wid = s * nc + c
    nw = nc * ns
    per_tile = E // nw
    nchunk = per_tile // DCHUNK
    base = wid * per_tile

    pltpu.sync_copy(ones, ones_v)
    for b in range(DNBUF):
        pltpu.async_copy(dstg.at[pl.ds(base + b * DCHUNK, DCHUNK)], didx[b],
                         sems[b])
    _slice_copy(zeros, acc, s, ns)
    plsc.subcore_barrier()

    def outer(g, carry):
        for b in range(DNBUF):
            j = g * DNBUF + b
            pltpu.make_async_copy(dstg.at[pl.ds(0, DCHUNK)], didx[b],
                                  sems[b]).wait()
            pltpu.sync_copy(ones_v, acc.at[didx[b]], add=True)
            nj = j + DNBUF

            @pl.when(nj < nchunk)
            def _():
                pltpu.async_copy(dstg.at[pl.ds(base + nj * DCHUNK, DCHUNK)],
                                 didx[b], sems[b])
        return carry

    lax.fori_loop(0, nchunk // DNBUF, outer, 0)
    plsc.subcore_barrier()
    _slice_copy(acc, out.at[c], s, ns)


def _make_sc_kernels():
    info = plsc.get_sparse_core_info()
    nc, ns = info.num_cores, info.num_subcores
    nw = nc * ns
    nchunk = (E // nw) // CHUNK
    mesh = plsc.VectorSubcoreMesh(core_axis_name="c", subcore_axis_name="s")

    per_tile = E // nw
    edge = pl.kernel(
        functools.partial(_edge_body, nc, ns),
        out_type=jax.ShapeDtypeStruct((nc, N, D), jnp.float32),
        mesh=mesh,
        scratch_types=(
            [pltpu.VMEM((per_tile,), jnp.int32)]
            + [pltpu.VMEM((CHUNK,), jnp.int32)] * NBUF
            + [pltpu.VMEM((CHUNK, D), jnp.float32)] * NBUF
            + [pltpu.VMEM_SHARED((N, D), jnp.float32)]
            + [pltpu.SemaphoreType.DMA] * NBUF
            + [pltpu.SemaphoreType.DMA] * NBUF
        ),
    )

    deg = pl.kernel(
        functools.partial(_deg_body, nc, ns),
        out_type=jax.ShapeDtypeStruct((nc, N, D), jnp.float32),
        mesh=mesh,
        scratch_types=(
            [pltpu.VMEM((DCHUNK,), jnp.int32)] * DNBUF
            + [pltpu.VMEM((DCHUNK, D), jnp.float32)]
            + [pltpu.VMEM_SHARED((N, D), jnp.float32)]
            + [pltpu.SemaphoreType.DMA] * DNBUF
        ),
    )
    return edge, deg, nw, nchunk


def _tc_mm_body(x_ref, w_ref, h_ref):
    h_ref[...] = jnp.dot(x_ref[...], w_ref[...],
                         preferred_element_type=jnp.float32)


def _tc_first_body(degp_ref, h_ref, dinv_ref, hs_ref):
    degp = degp_ref[...]
    deg = degp[0][:, 0:1] + degp[1][:, 0:1] + 1.0
    dinv = lax.rsqrt(deg)
    dinv_ref[...] = dinv
    hs_ref[...] = dinv * h_ref[...]


def _tc_mid_body(p_ref, dinv_ref, b_ref, g_ref, beta_ref, w_ref, o_ref):
    p = p_ref[...]
    dinv = dinv_ref[...]
    t = dinv * (p[0] + p[1]) + b_ref[...]
    mean = jnp.mean(t, axis=0, keepdims=True)
    var = jnp.mean((t - mean) * (t - mean), axis=0, keepdims=True)
    y = (t - mean) * lax.rsqrt(var + 1e-5) * g_ref[...] + beta_ref[...]
    r = jnp.maximum(y, 0.0)
    o_ref[...] = dinv * jnp.dot(r, w_ref[...],
                                preferred_element_type=jnp.float32)


def _tc_final_body(p_ref, dinv_ref, b_ref, o_ref):
    p = p_ref[...]
    o_ref[...] = dinv_ref[...] * (p[0] + p[1]) + b_ref[...]


_tc_mm = pl.pallas_call(
    _tc_mm_body,
    out_shape=jax.ShapeDtypeStruct((N, D), jnp.float32),
)

_tc_first = pl.pallas_call(
    _tc_first_body,
    out_shape=(jax.ShapeDtypeStruct((N, 1), jnp.float32),
               jax.ShapeDtypeStruct((N, D), jnp.float32)),
)

_tc_mid = pl.pallas_call(
    _tc_mid_body,
    out_shape=jax.ShapeDtypeStruct((N, D), jnp.float32),
)

_tc_final = pl.pallas_call(
    _tc_final_body,
    out_shape=jax.ShapeDtypeStruct((N, D), jnp.float32),
)


def kernel(x, edge_index, W1, b1, W2, b2, W3, b3, W4, b4,
           g1, beta1, g2, beta2, g3, beta3):
    edge_call, deg_call, nw, nchunk = _make_sc_kernels()

    edge = jnp.asarray(edge_index, jnp.int32)
    src = edge[0]
    dst = edge[1]

    zeros_nd = jnp.zeros((N, D), jnp.float32)
    ones_t = jnp.ones((DCHUNK, D), jnp.float32)

    h = _tc_mm(x, W1)
    degp = deg_call(dst, ones_t, zeros_nd)
    dinv, hs = _tc_first(degp, h)

    b1r, b2r, b3r, b4r = (v.reshape(1, D) for v in (b1, b2, b3, b4))
    g1r, g2r, g3r = (v.reshape(1, D) for v in (g1, g2, g3))
    be1, be2, be3 = (v.reshape(1, D) for v in (beta1, beta2, beta3))

    p = edge_call(hs, src, dst, zeros_nd)
    hs = _tc_mid(p, dinv, b1r, g1r, be1, W2)
    p = edge_call(hs, src, dst, zeros_nd)
    hs = _tc_mid(p, dinv, b2r, g2r, be2, W3)
    p = edge_call(hs, src, dst, zeros_nd)
    hs = _tc_mid(p, dinv, b3r, g3r, be3, W4)
    p = edge_call(hs, src, dst, zeros_nd)
    return _tc_final(p, dinv, b4r)

# --- scband reference (transcript-rebuilt; emitter-appended) ---
"""Pipeline reference for scband-gcn-69226282877030 (READ-ONLY COPY).

The authoritative reference and input builder live on the scoring server;
editing this copy changes nothing except your own understanding.
"""

import jax, jax.numpy as jnp
import numpy as np

N_NODES = 10000
N_EDGES = 320000
D = 128


def setup_inputs(seed: int = 0) -> dict:
    key = jax.random.key(seed)
    ks = jax.random.split(key, 24)
    inp = {}
    inp['x'] = jax.random.normal(ks[0], (N_NODES, D), dtype=jnp.float32)
    inp['edge_index'] = jax.random.randint(ks[1], (2, N_EDGES), 0, N_NODES).astype(jnp.int64)
    scale = 1.0 / np.sqrt(D)
    for i in range(1, 5):
        inp[f'W{i}'] = jax.random.normal(ks[2 * i], (D, D), dtype=jnp.float32) * scale
        inp[f'b{i}'] = jnp.zeros((D,), dtype=jnp.float32)
    for i in range(1, 4):
        inp[f'g{i}'] = jnp.ones((D,), dtype=jnp.float32)
        inp[f'beta{i}'] = jnp.zeros((D,), dtype=jnp.float32)
    return inp


def _gcn_conv(x, src, dst, W, b):
    n = x.shape[0]
    loop = jnp.arange(n, dtype=src.dtype)
    src2 = jnp.concatenate([src, loop])
    dst2 = jnp.concatenate([dst, loop])
    deg = jax.ops.segment_sum(jnp.ones(src2.shape[0], dtype=jnp.float32), dst2, num_segments=n)
    dinv = jnp.where(deg > 0, 1.0 / jnp.sqrt(deg), 0.0)
    norm = dinv[src2] * dinv[dst2]
    h = x @ W
    msg = h[src2] * norm[:, None]
    out = jax.ops.segment_sum(msg, dst2, num_segments=n)
    return out + b


def _bn(x, g, beta, eps=1e-5):
    mean = jnp.mean(x, axis=0)
    var = jnp.var(x, axis=0)
    return (x - mean) / jnp.sqrt(var + eps) * g + beta


def reference(x, edge_index, W1, b1, W2, b2, W3, b3, W4, b4, g1, beta1, g2, beta2, g3, beta3):
    src = edge_index[0]
    dst = edge_index[1]
    h = _gcn_conv(x, src, dst, W1, b1)
    h = jax.nn.relu(_bn(h, g1, beta1))
    h = _gcn_conv(h, src, dst, W2, b2)
    h = jax.nn.relu(_bn(h, g2, beta2))
    h = _gcn_conv(h, src, dst, W3, b3)
    h = jax.nn.relu(_bn(h, g3, beta3))
    h = _gcn_conv(h, src, dst, W4, b4)
    return h

if __name__ == "__main__":
    import jax
    _d = setup_inputs()
    print(jax.jit(kernel)(*tuple(_d.values())))

</pallas_src>

<mosaic_0001>
#map = affine_map<(d0, d1) -> (0, 0)>
#map1 = affine_map<(d0, d1) -> (0)>
#map2 = affine_map<(d0, d1) -> (0, 0, 0)>
module attributes {stable_mosaic.version = 14 : i64} {
  func.func @_edge_body(%arg0: i32, %arg1: i32, %arg2: memref<10000x128xf32, #tpu.memory_space<hbm>>, %arg3: memref<320000xi32, #tpu.memory_space<hbm>>, %arg4: memref<320000xi32, #tpu.memory_space<hbm>>, %arg5: memref<10000x128xf32, #tpu.memory_space<hbm>>, %arg6: memref<2x10000x128xf32, #tpu.memory_space<hbm>>, %arg7: memref<10000xi32, #tpu.memory_space<vmem>>, %arg8: memref<80xi32, #tpu.memory_space<vmem>>, %arg9: memref<80xi32, #tpu.memory_space<vmem>>, %arg10: memref<80xi32, #tpu.memory_space<vmem>>, %arg11: memref<80x128xf32, #tpu.memory_space<vmem>>, %arg12: memref<80x128xf32, #tpu.memory_space<vmem>>, %arg13: memref<80x128xf32, #tpu.memory_space<vmem>>, %arg14: memref<10000x128xf32, #tpu.memory_space<vmem_shared>>, %arg15: memref<!tpu.dma_semaphore, #tpu.memory_space<semaphore_mem>>, %arg16: memref<!tpu.dma_semaphore, #tpu.memory_space<semaphore_mem>>, %arg17: memref<!tpu.dma_semaphore, #tpu.memory_space<semaphore_mem>>, %arg18: memref<!tpu.dma_semaphore, #tpu.memory_space<semaphore_mem>>, %arg19: memref<!tpu.dma_semaphore, #tpu.memory_space<semaphore_mem>>, %arg20: memref<!tpu.dma_semaphore, #tpu.memory_space<semaphore_mem>>) attributes {dimension_semantics = [#tpu.dimension_semantics<core_parallel>, #tpu.dimension_semantics<subcore_parallel>], iteration_bounds = array<i64: 2, 16>, scalar_prefetch = 0 : i64, scratch_operands = 14 : i64, tpu.core_type = #tpu.core_type<sc_vector_subcore>, window_params = [{transform_indices = #map}, {transform_indices = #map1}, {transform_indices = #map1}, {transform_indices = #map}, {transform_indices = #map2}]} {
    %mul3A = arith.constant 2 : i32
    %mul3A_0 = arith.muli %arg1, %mul3A : i32
    %add3A = arith.addi %mul3A_0, %arg0 : i32
    %mul3A_1 = arith.constant 10000 : i32
    %mul3A_2 = arith.muli %add3A, %mul3A_1 : i32
    "tpu.region"() ({
      %run_scoped3A = tpu.sem_alloc : memref<!tpu.dma_semaphore, #tpu.memory_space<semaphore_mem>>
      %dma_start3A_67 = tpu.memref_slice %arg3[%mul3A_2] : memref<320000xi32, #tpu.memory_space<hbm>> -> memref<10000xi32, #tpu.memory_space<hbm>>
      %dma_start3A_68 = tpu.memref_slice %arg3[%mul3A_2] : memref<320000xi32, #tpu.memory_space<hbm>> -> memref<10000xi32, #tpu.memory_space<hbm>>
      tpu.enqueue_dma source(%dma_start3A_68 : memref<10000xi32, #tpu.memory_space<hbm>>) target(%arg7 : memref<10000xi32, #tpu.memory_space<vmem>>) target_semaphore(%run_scoped3A : memref<!tpu.dma_semaphore, #tpu.memory_space<semaphore_mem>>)
      %dma_wait3A_69 = tpu.memref_slice %arg3[%mul3A_2] : memref<320000xi32, #tpu.memory_space<hbm>> -> memref<10000xi32, #tpu.memory_space<hbm>>
      %dma_wait3A_70 = tpu.memref_slice %arg3[%mul3A_2] : memref<320000xi32, #tpu.memory_space<hbm>> -> memref<10000xi32, #tpu.memory_space<hbm>>
      tpu.wait_dma2 semaphore(%run_scoped3A : memref<!tpu.dma_semaphore, #tpu.memory_space<semaphore_mem>>) src(%dma_wait3A_70 : memref<10000xi32, #tpu.memory_space<hbm>>) dst(%arg7 : memref<10000xi32, #tpu.memory_space<vmem>>)
      tpu.yield
    }) : () -> ()
    %add3A_3 = arith.constant 0 : i32
    %add3A_4 = arith.addi %mul3A_2, %add3A_3 : i32
    %dma_start3A = tpu.memref_slice %arg4[%add3A_4] : memref<320000xi32, #tpu.memory_space<hbm>> -> memref<80xi32, #tpu.memory_space<hbm>>
    %dma_start3A_5 = tpu.memref_slice %arg4[%add3A_4] : memref<320000xi32, #tpu.memory_space<hbm>> -> memref<80xi32, #tpu.memory_space<hbm>>
    tpu.enqueue_dma source(%dma_start3A_5 : memref<80xi32, #tpu.memory_space<hbm>>) target(%arg8 : memref<80xi32, #tpu.memory_space<vmem>>) target_semaphore(%arg18 : memref<!tpu.dma_semaphore, #tpu.memory_space<semaphore_mem>>)
    %dma_start3A_6 = arith.constant 0 : i32
    %dma_start3A_7 = tpu.memref_slice %arg7[%dma_start3A_6] : memref<10000xi32, #tpu.memory_space<vmem>> -> memref<80xi32, #tpu.memory_space<vmem>>
    %dma_start3A_8 = arith.constant 0 : i32
    %dma_start3A_9 = arith.constant 0 : i32
    %dma_start3A_10 = tpu.memref_slice %arg2[%dma_start3A_8, %dma_start3A_9] : memref<10000x128xf32, #tpu.memory_space<hbm>> -> memref<10000x128xf32, #tpu.memory_space<hbm>>
    tpu.enqueue_indirect_dma source(%dma_start3A_10 : memref<10000x128xf32, #tpu.memory_space<hbm>>) target(%arg11 : memref<80x128xf32, #tpu.memory_space<vmem>>) offsets(%dma_start3A_7 : memref<80xi32, #tpu.memory_space<vmem>>) semaphore(%arg15 : memref<!tpu.dma_semaphore, #tpu.memory_space<semaphore_mem>>)
    %add3A_11 = arith.constant 80 : i32
    %add3A_12 = arith.addi %mul3A_2, %add3A_11 : i32
    %dma_start3A_13 = tpu.memref_slice %arg4[%add3A_12] : memref<320000xi32, #tpu.memory_space<hbm>> -> memref<80xi32, #tpu.memory_space<hbm>>
    %dma_start3A_14 = tpu.memref_slice %arg4[%add3A_12] : memref<320000xi32, #tpu.memory_space<hbm>> -> memref<80xi32, #tpu.memory_space<hbm>>
    tpu.enqueue_dma source(%dma_start3A_14 : memref<80xi32, #tpu.memory_space<hbm>>) target(%arg9 : memref<80xi32, #tpu.memory_space<vmem>>) target_semaphore(%arg19 : memref<!tpu.dma_semaphore, #tpu.memory_space<semaphore_mem>>)
    %dma_start3A_15 = arith.constant 80 : i32
    %dma_start3A_16 = tpu.memref_slice %arg7[%dma_start3A_15] : memref<10000xi32, #tpu.memory_space<vmem>> -> memref<80xi32, #tpu.memory_space<vmem>>
    %dma_start3A_17 = arith.constant 0 : i32
    %dma_start3A_18 = arith.constant 0 : i32
    %dma_start3A_19 = tpu.memref_slice %arg2[%dma_start3A_17, %dma_start3A_18] : memref<10000x128xf32, #tpu.memory_space<hbm>> -> memref<10000x128xf32, #tpu.memory_space<hbm>>
    tpu.enqueue_indirect_dma source(%dma_start3A_19 : memref<10000x128xf32, #tpu.memory_space<hbm>>) target(%arg12 : memref<80x128xf32, #tpu.memory_space<vmem>>) offsets(%dma_start3A_16 : memref<80xi32, #tpu.memory_space<vmem>>) semaphore(%arg16 : memref<!tpu.dma_semaphore, #tpu.memory_space<semaphore_mem>>)
    %add3A_20 = arith.constant 160 : i32
    %add3A_21 = arith.addi %mul3A_2, %add3A_20 : i32
    %dma_start3A_22 = tpu.memref_slice %arg4[%add3A_21] : memref<320000xi32, #tpu.memory_space<hbm>> -> memref<80xi32, #tpu.memory_space<hbm>>
    %dma_start3A_23 = tpu.memref_slice %arg4[%add3A_21] : memref<320000xi32, #tpu.memory_space<hbm>> -> memref<80xi32, #tpu.memory_space<hbm>>
    tpu.enqueue_dma source(%dma_start3A_23 : memref<80xi32, #tpu.memory_space<hbm>>) target(%arg10 : memref<80xi32, #tpu.memory_space<vmem>>) target_semaphore(%arg20 : memref<!tpu.dma_semaphore, #tpu.memory_space<semaphore_mem>>)
    %dma_start3A_24 = arith.constant 160 : i32
    %dma_start3A_25 = tpu.memref_slice %arg7[%dma_start3A_24] : memref<10000xi32, #tpu.memory_space<vmem>> -> memref<80xi32, #tpu.memory_space<vmem>>
    %dma_start3A_26 = arith.constant 0 : i32
    %dma_start3A_27 = arith.constant 0 : i32
    %dma_start3A_28 = tpu.memref_slice %arg2[%dma_start3A_26, %dma_start3A_27] : memref<10000x128xf32, #tpu.memory_space<hbm>> -> memref<10000x128xf32, #tpu.memory_space<hbm>>
    tpu.enqueue_indirect_dma source(%dma_start3A_28 : memref<10000x128xf32, #tpu.memory_space<hbm>>) target(%arg13 : memref<80x128xf32, #tpu.memory_space<vmem>>) offsets(%dma_start3A_25 : memref<80xi32, #tpu.memory_space<vmem>>) semaphore(%arg17 : memref<!tpu.dma_semaphore, #tpu.memory_space<semaphore_mem>>)
    %eq3A = arith.constant 0 : i32
    %eq3A_29 = arith.cmpi eq, %arg0, %eq3A : i32
    %convert_element_type3A = arith.extui %eq3A_29 : i1 to i32
    %cond3A = arith.constant 0 : i32
    %cond3A_30 = arith.cmpi ne, %convert_element_type3A, %cond3A : i32
    scf.if %cond3A_30 {
      %mul3A_67 = arith.constant 624 : i32
      %mul3A_68 = arith.muli %arg1, %mul3A_67 : i32
      %mul3A_69 = arith.constant 624 : i32
      %mul3A_70 = arith.muli %arg1, %mul3A_69 : i32
      "tpu.region"() ({
        %run_scoped3A = tpu.sem_alloc : memref<!tpu.dma_semaphore, #tpu.memory_space<semaphore_mem>>
        %dma_start3A_76 = arith.constant 0 : i32
        %dma_start3A_77 = tpu.memref_slice %arg14[%mul3A_70, %dma_start3A_76] : memref<10000x128xf32, #tpu.memory_space<vmem_shared>> -> memref<624x128xf32, #tpu.memory_space<vmem_shared>>
        %dma_start3A_78 = arith.constant 0 : i32
        %dma_start3A_79 = tpu.memref_slice %arg2[%mul3A_68, %dma_start3A_78] : memref<10000x128xf32, #tpu.memory_space<hbm>> -> memref<624x128xf32, #tpu.memory_space<hbm>>
        tpu.enqueue_dma source(%dma_start3A_79 : memref<624x128xf32, #tpu.memory_space<hbm>>) target(%dma_start3A_77 : memref<624x128xf32, #tpu.memory_space<vmem_shared>>) target_semaphore(%run_scoped3A : memref<!tpu.dma_semaphore, #tpu.memory_space<semaphore_mem>>)
        %dma_wait3A_80 = arith.constant 0 : i32
        %dma_wait3A_81 = tpu.memref_slice %arg14[%mul3A_70, %dma_wait3A_80] : memref<10000x128xf32, #tpu.memory_space<vmem_shared>> -> memref<624x128xf32, #tpu.memory_space<vmem_shared>>
        %dma_wait3A_82 = arith.constant 0 : i32
        %dma_wait3A_83 = tpu.memref_slice %arg2[%mul3A_68, %dma_wait3A_82] : memref<10000x128xf32, #tpu.memory_space<hbm>> -> memref<624x128xf32, #tpu.memory_space<hbm>>
        tpu.wait_dma2 semaphore(%run_scoped3A : memref<!tpu.dma_semaphore, #tpu.memory_space<semaphore_mem>>) src(%dma_wait3A_83 : memref<624x128xf32, #tpu.memory_space<hbm>>) dst(%dma_wait3A_81 : memref<624x128xf32, #tpu.memory_space<vmem_shared>>)
        tpu.yield
      }) : () -> ()
      %eq3A_71 = arith.constant 0 : i32
      %eq3A_72 = arith.cmpi eq, %arg1, %eq3A_71 : i32
      %convert_element_type3A_73 = arith.extui %eq3A_72 : i1 to i32
      %cond3A_74 = arith.constant 0 : i32
      %cond3A_75 = arith.cmpi ne, %convert_element_type3A_73, %cond3A_74 : i32
      scf.if %cond3A_75 {
        "tpu.region"() ({
          %run_scoped3A = tpu.sem_alloc : memref<!tpu.dma_semaphore, #tpu.memory_space<semaphore_mem>>
          %dma_start3A_76 = arith.constant 9984 : i32
          %dma_start3A_77 = arith.constant 0 : i32
          %dma_start3A_78 = tpu.memref_slice %arg14[%dma_start3A_76, %dma_start3A_77] : memref<10000x128xf32, #tpu.memory_space<vmem_shared>> -> memref<16x128xf32, #tpu.memory_space<vmem_shared>>
          %dma_start3A_79 = arith.constant 9984 : i32
          %dma_start3A_80 = arith.constant 0 : i32
          %dma_start3A_81 = tpu.memref_slice %arg2[%dma_start3A_79, %dma_start3A_80] : memref<10000x128xf32, #tpu.memory_space<hbm>> -> memref<16x128xf32, #tpu.memory_space<hbm>>
          tpu.enqueue_dma source(%dma_start3A_81 : memref<16x128xf32, #tpu.memory_space<hbm>>) target(%dma_start3A_78 : memref<16x128xf32, #tpu.memory_space<vmem_shared>>) target_semaphore(%run_scoped3A : memref<!tpu.dma_semaphore, #tpu.memory_space<semaphore_mem>>)
          %dma_wait3A_82 = arith.constant 9984 : i32
          %dma_wait3A_83 = arith.constant 0 : i32
          %dma_wait3A_84 = tpu.memref_slice %arg14[%dma_wait3A_82, %dma_wait3A_83] : memref<10000x128xf32, #tpu.memory_space<vmem_shared>> -> memref<16x128xf32, #tpu.memory_space<vmem_shared>>
          %dma_wait3A_85 = arith.constant 9984 : i32
          %dma_wait3A_86 = arith.constant 0 : i32
          %dma_wait3A_87 = tpu.memref_slice %arg2[%dma_wait3A_85, %dma_wait3A_86] : memref<10000x128xf32, #tpu.memory_space<hbm>> -> memref<16x128xf32, #tpu.memory_space<hbm>>
          tpu.wait_dma2 semaphore(%run_scoped3A : memref<!tpu.dma_semaphore, #tpu.memory_space<semaphore_mem>>) src(%dma_wait3A_87 : memref<16x128xf32, #tpu.memory_space<hbm>>) dst(%dma_wait3A_84 : memref<16x128xf32, #tpu.memory_space<vmem_shared>>)
          tpu.yield
        }) : () -> ()
      } else {
      }
    } else {
    }
    %ne3A = arith.constant 0 : i32
    %ne3A_31 = arith.cmpi ne, %arg0, %ne3A : i32
    %convert_element_type3A_32 = arith.extui %ne3A_31 : i1 to i32
    %cond3A_33 = arith.constant 0 : i32
    %cond3A_34 = arith.cmpi ne, %convert_element_type3A_32, %cond3A_33 : i32
    scf.if %cond3A_34 {
      %mul3A_67 = arith.constant 624 : i32
      %mul3A_68 = arith.muli %arg1, %mul3A_67 : i32
      %mul3A_69 = arith.constant 624 : i32
      %mul3A_70 = arith.muli %arg1, %mul3A_69 : i32
      "tpu.region"() ({
        %run_scoped3A = tpu.sem_alloc : memref<!tpu.dma_semaphore, #tpu.memory_space<semaphore_mem>>
        %dma_start3A_76 = arith.constant 0 : i32
        %dma_start3A_77 = tpu.memref_slice %arg14[%mul3A_70, %dma_start3A_76] : memref<10000x128xf32, #tpu.memory_space<vmem_shared>> -> memref<624x128xf32, #tpu.memory_space<vmem_shared>>
        %dma_start3A_78 = arith.constant 0 : i32
        %dma_start3A_79 = tpu.memref_slice %arg5[%mul3A_68, %dma_start3A_78] : memref<10000x128xf32, #tpu.memory_space<hbm>> -> memref<624x128xf32, #tpu.memory_space<hbm>>
        tpu.enqueue_dma source(%dma_start3A_79 : memref<624x128xf32, #tpu.memory_space<hbm>>) target(%dma_start3A_77 : memref<624x128xf32, #tpu.memory_space<vmem_shared>>) target_semaphore(%run_scoped3A : memref<!tpu.dma_semaphore, #tpu.memory_space<semaphore_mem>>)
        %dma_wait3A_80 = arith.constant 0 : i32
        %dma_wait3A_81 = tpu.memref_slice %arg14[%mul3A_70, %dma_wait3A_80] : memref<10000x128xf32, #tpu.memory_space<vmem_shared>> -> memref<624x128xf32, #tpu.memory_space<vmem_shared>>
        %dma_wait3A_82 = arith.constant 0 : i32
        %dma_wait3A_83 = tpu.memref_slice %arg5[%mul3A_68, %dma_wait3A_82] : memref<10000x128xf32, #tpu.memory_space<hbm>> -> memref<624x128xf32, #tpu.memory_space<hbm>>
        tpu.wait_dma2 semaphore(%run_scoped3A : memref<!tpu.dma_semaphore, #tpu.memory_space<semaphore_mem>>) src(%dma_wait3A_83 : memref<624x128xf32, #tpu.memory_space<hbm>>) dst(%dma_wait3A_81 : memref<624x128xf32, #tpu.memory_space<vmem_shared>>)
        tpu.yield
      }) : () -> ()
      %eq3A_71 = arith.constant 0 : i32
      %eq3A_72 = arith.cmpi eq, %arg1, %eq3A_71 : i32
      %convert_element_type3A_73 = arith.extui %eq3A_72 : i1 to i32
      %cond3A_74 = arith.constant 0 : i32
      %cond3A_75 = arith.cmpi ne, %convert_element_type3A_73, %cond3A_74 : i32
      scf.if %cond3A_75 {
        "tpu.region"() ({
          %run_scoped3A = tpu.sem_alloc : memref<!tpu.dma_semaphore, #tpu.memory_space<semaphore_mem>>
          %dma_start3A_76 = arith.constant 9984 : i32
          %dma_start3A_77 = arith.constant 0 : i32
          %dma_start3A_78 = tpu.memref_slice %arg14[%dma_start3A_76, %dma_start3A_77] : memref<10000x128xf32, #tpu.memory_space<vmem_shared>> -> memref<16x128xf32, #tpu.memory_space<vmem_shared>>
          %dma_start3A_79 = arith.constant 9984 : i32
          %dma_start3A_80 = arith.constant 0 : i32
          %dma_start3A_81 = tpu.memref_slice %arg5[%dma_start3A_79, %dma_start3A_80] : memref<10000x128xf32, #tpu.memory_space<hbm>> -> memref<16x128xf32, #tpu.memory_space<hbm>>
          tpu.enqueue_dma source(%dma_start3A_81 : memref<16x128xf32, #tpu.memory_space<hbm>>) target(%dma_start3A_78 : memref<16x128xf32, #tpu.memory_space<vmem_shared>>) target_semaphore(%run_scoped3A : memref<!tpu.dma_semaphore, #tpu.memory_space<semaphore_mem>>)
          %dma_wait3A_82 = arith.constant 9984 : i32
          %dma_wait3A_83 = arith.constant 0 : i32
          %dma_wait3A_84 = tpu.memref_slice %arg14[%dma_wait3A_82, %dma_wait3A_83] : memref<10000x128xf32, #tpu.memory_space<vmem_shared>> -> memref<16x128xf32, #tpu.memory_space<vmem_shared>>
          %dma_wait3A_85 = arith.constant 9984 : i32
          %dma_wait3A_86 = arith.constant 0 : i32
          %dma_wait3A_87 = tpu.memref_slice %arg5[%dma_wait3A_85, %dma_wait3A_86] : memref<10000x128xf32, #tpu.memory_space<hbm>> -> memref<16x128xf32, #tpu.memory_space<hbm>>
          tpu.wait_dma2 semaphore(%run_scoped3A : memref<!tpu.dma_semaphore, #tpu.memory_space<semaphore_mem>>) src(%dma_wait3A_87 : memref<16x128xf32, #tpu.memory_space<hbm>>) dst(%dma_wait3A_84 : memref<16x128xf32, #tpu.memory_space<vmem_shared>>)
          tpu.yield
        }) : () -> ()
      } else {
      }
    } else {
    }
    %barrier3A = arith.constant 0 : index
    tpu.barrier barrier_id(%barrier3A)
    %scan3A = arith.constant 0 : i32
    %scan3A_35 = arith.constant 0 : i32
    %scan3A_36 = arith.constant 41 : i32
    %scan3A_37 = arith.addi %scan3A_35, %scan3A_36 : i32
    %scan3A_38 = arith.constant 1 : i32
    scf.for %scan3A_67 = %scan3A_35 to %scan3A_37 step %scan3A_38  : i32 {
      %mul3A_68 = arith.constant 3 : i32
      %mul3A_69 = arith.muli %scan3A_67, %mul3A_68 : i32
      %add3A_70 = arith.constant 0 : i32
      %add3A_71 = arith.addi %mul3A_69, %add3A_70 : i32
      %dma_wait3A_72 = arith.constant 0 : i32
      %dma_wait3A_73 = tpu.memref_slice %arg7[%dma_wait3A_72] : memref<10000xi32, #tpu.memory_space<vmem>> -> memref<80xi32, #tpu.memory_space<vmem>>
      %dma_wait3A_74 = arith.constant 0 : i32
      %dma_wait3A_75 = arith.constant 0 : i32
      %dma_wait3A_76 = tpu.memref_slice %arg2[%dma_wait3A_74, %dma_wait3A_75] : memref<10000x128xf32, #tpu.memory_space<hbm>> -> memref<10000x128xf32, #tpu.memory_space<hbm>>
      tpu.wait_indirect_dma semaphore(%arg15 : memref<!tpu.dma_semaphore, #tpu.memory_space<semaphore_mem>>) src(%dma_wait3A_76 : memref<10000x128xf32, #tpu.memory_space<hbm>>) dst(%arg11 : memref<80x128xf32, #tpu.memory_space<vmem>>)
      %dma_wait3A_77 = arith.constant 0 : i32
      %dma_wait3A_78 = tpu.memref_slice %arg4[%dma_wait3A_77] : memref<320000xi32, #tpu.memory_space<hbm>> -> memref<80xi32, #tpu.memory_space<hbm>>
      %dma_wait3A_79 = arith.constant 0 : i32
      %dma_wait3A_80 = tpu.memref_slice %arg4[%dma_wait3A_79] : memref<320000xi32, #tpu.memory_space<hbm>> -> memref<80xi32, #tpu.memory_space<hbm>>
      tpu.wait_dma2 semaphore(%arg18 : memref<!tpu.dma_semaphore, #tpu.memory_space<semaphore_mem>>) src(%dma_wait3A_80 : memref<80xi32, #tpu.memory_space<hbm>>) dst(%arg8 : memref<80xi32, #tpu.memory_space<vmem>>)
      "tpu.region"() ({
        %run_scoped3A = tpu.sem_alloc : memref<!tpu.dma_semaphore, #tpu.memory_space<semaphore_mem>>
        %dma_start3A_127 = arith.constant 0 : i32
        %dma_start3A_128 = arith.constant 0 : i32
        %dma_start3A_129 = tpu.memref_slice %arg14[%dma_start3A_127, %dma_start3A_128] : memref<10000x128xf32, #tpu.memory_space<vmem_shared>> -> memref<10000x128xf32, #tpu.memory_space<vmem_shared>>
        tpu.enqueue_indirect_dma source(%arg11 : memref<80x128xf32, #tpu.memory_space<vmem>>) target(%dma_start3A_129 : memref<10000x128xf32, #tpu.memory_space<vmem_shared>>) offsets(%arg8 : memref<80xi32, #tpu.memory_space<vmem>>) semaphore(%run_scoped3A : memref<!tpu.dma_semaphore, #tpu.memory_space<semaphore_mem>>) {add = true}
        %dma_wait3A_130 = arith.constant 0 : i32
        %dma_wait3A_131 = arith.constant 0 : i32
        %dma_wait3A_132 = tpu.memref_slice %arg14[%dma_wait3A_130, %dma_wait3A_131] : memref<10000x128xf32, #tpu.memory_space<vmem_shared>> -> memref<10000x128xf32, #tpu.memory_space<vmem_shared>>
        tpu.wait_indirect_dma semaphore(%run_scoped3A : memref<!tpu.dma_semaphore, #tpu.memory_space<semaphore_mem>>) src(%arg11 : memref<80x128xf32, #tpu.memory_space<vmem>>) dst(%dma_wait3A_132 : memref<10000x128xf32, #tpu.memory_space<vmem_shared>>)
        tpu.yield
      }) : () -> ()
      %add3A_81 = arith.constant 3 : i32
      %add3A_82 = arith.addi %add3A_71, %add3A_81 : i32
      %lt3A = arith.constant 125 : i32
      %lt3A_83 = arith.cmpi slt, %add3A_82, %lt3A : i32
      %convert_element_type3A_84 = arith.extui %lt3A_83 : i1 to i32
      %cond3A_85 = arith.constant 0 : i32
      %cond3A_86 = arith.cmpi ne, %convert_element_type3A_84, %cond3A_85 : i32
      scf.if %cond3A_86 {
        %mul3A_127 = arith.constant 80 : i32
        %mul3A_128 = arith.muli %add3A_82, %mul3A_127 : i32
        %add3A_129 = arith.addi %mul3A_2, %mul3A_128 : i32
        %dma_start3A_130 = tpu.memref_slice %arg4[%add3A_129] : memref<320000xi32, #tpu.memory_space<hbm>> -> memref<80xi32, #tpu.memory_space<hbm>>
        %dma_start3A_131 = tpu.memref_slice %arg4[%add3A_129] : memref<320000xi32, #tpu.memory_space<hbm>> -> memref<80xi32, #tpu.memory_space<hbm>>
        tpu.enqueue_dma source(%dma_start3A_131 : memref<80xi32, #tpu.memory_space<hbm>>) target(%arg8 : memref<80xi32, #tpu.memory_space<vmem>>) target_semaphore(%arg18 : memref<!tpu.dma_semaphore, #tpu.memory_space<semaphore_mem>>)
        %dma_start3A_132 = tpu.memref_slice %arg7[%mul3A_128] : memref<10000xi32, #tpu.memory_space<vmem>> -> memref<80xi32, #tpu.memory_space<vmem>>
        %dma_start3A_133 = arith.constant 0 : i32
        %dma_start3A_134 = arith.constant 0 : i32
        %dma_start3A_135 = tpu.memref_slice %arg2[%dma_start3A_133, %dma_start3A_134] : memref<10000x128xf32, #tpu.memory_space<hbm>> -> memref<10000x128xf32, #tpu.memory_space<hbm>>
        tpu.enqueue_indirect_dma source(%dma_start3A_135 : memref<10000x128xf32, #tpu.memory_space<hbm>>) target(%arg11 : memref<80x128xf32, #tpu.memory_space<vmem>>) offsets(%dma_start3A_132 : memref<80xi32, #tpu.memory_space<vmem>>) semaphore(%arg15 : memref<!tpu.dma_semaphore, #tpu.memory_space<semaphore_mem>>)
      } else {
      }
      %mul3A_87 = arith.constant 3 : i32
      %mul3A_88 = arith.muli %scan3A_67, %mul3A_87 : i32
      %add3A_89 = arith.constant 1 : i32
      %add3A_90 = arith.addi %mul3A_88, %add3A_89 : i32
      %dma_wait3A_91 = arith.constant 0 : i32
      %dma_wait3A_92 = tpu.memref_slice %arg7[%dma_wait3A_91] : memref<10000xi32, #tpu.memory_space<vmem>> -> memref<80xi32, #tpu.memory_space<vmem>>
      %dma_wait3A_93 = arith.constant 0 : i32
      %dma_wait3A_94 = arith.constant 0 : i32
      %dma_wait3A_95 = tpu.memref_slice %arg2[%dma_wait3A_93, %dma_wait3A_94] : memref<10000x128xf32, #tpu.memory_space<hbm>> -> memref<10000x128xf32, #tpu.memory_space<hbm>>
      tpu.wait_indirect_dma semaphore(%arg16 : memref<!tpu.dma_semaphore, #tpu.memory_space<semaphore_mem>>) src(%dma_wait3A_95 : memref<10000x128xf32, #tpu.memory_space<hbm>>) dst(%arg12 : memref<80x128xf32, #tpu.memory_space<vmem>>)
      %dma_wait3A_96 = arith.constant 0 : i32
      %dma_wait3A_97 = tpu.memref_slice %arg4[%dma_wait3A_96] : memref<320000xi32, #tpu.memory_space<hbm>> -> memref<80xi32, #tpu.memory_space<hbm>>
      %dma_wait3A_98 = arith.constant 0 : i32
      %dma_wait3A_99 = tpu.memref_slice %arg4[%dma_wait3A_98] : memref<320000xi32, #tpu.memory_space<hbm>> -> memref<80xi32, #tpu.memory_space<hbm>>
      tpu.wait_dma2 semaphore(%arg19 : memref<!tpu.dma_semaphore, #tpu.memory_space<semaphore_mem>>) src(%dma_wait3A_99 : memref<80xi32, #tpu.memory_space<hbm>>) dst(%arg9 : memref<80xi32, #tpu.memory_space<vmem>>)
      "tpu.region"() ({
        %run_scoped3A = tpu.sem_alloc : memref<!tpu.dma_semaphore, #tpu.memory_space<semaphore_mem>>
        %dma_start3A_127 = arith.constant 0 : i32
        %dma_start3A_128 = arith.constant 0 : i32
        %dma_start3A_129 = tpu.memref_slice %arg14[%dma_start3A_127, %dma_start3A_128] : memref<10000x128xf32, #tpu.memory_space<vmem_shared>> -> memref<10000x128xf32, #tpu.memory_space<vmem_shared>>
        tpu.enqueue_indirect_dma source(%arg12 : memref<80x128xf32, #tpu.memory_space<vmem>>) target(%dma_start3A_129 : memref<10000x128xf32, #tpu.memory_space<vmem_shared>>) offsets(%arg9 : memref<80xi32, #tpu.memory_space<vmem>>) semaphore(%run_scoped3A : memref<!tpu.dma_semaphore, #tpu.memory_space<semaphore_mem>>) {add = true}
        %dma_wait3A_130 = arith.constant 0 : i32
        %dma_wait3A_131 = arith.constant 0 : i32
        %dma_wait3A_132 = tpu.memref_slice %arg14[%dma_wait3A_130, %dma_wait3A_131] : memref<10000x128xf32, #tpu.memory_space<vmem_shared>> -> memref<10000x128xf32, #tpu.memory_space<vmem_shared>>
        tpu.wait_indirect_dma semaphore(%run_scoped3A : memref<!tpu.dma_semaphore, #tpu.memory_space<semaphore_mem>>) src(%arg12 : memref<80x128xf32, #tpu.memory_space<vmem>>) dst(%dma_wait3A_132 : memref<10000x128xf32, #tpu.memory_space<vmem_shared>>)
        tpu.yield
      }) : () -> ()
      %add3A_100 = arith.constant 3 : i32
      %add3A_101 = arith.addi %add3A_90, %add3A_100 : i32
      %lt3A_102 = arith.constant 125 : i32
      %lt3A_103 = arith.cmpi slt, %add3A_101, %lt3A_102 : i32
      %convert_element_type3A_104 = arith.extui %lt3A_103 : i1 to i32
      %cond3A_105 = arith.constant 0 : i32
      %cond3A_106 = arith.cmpi ne, %convert_element_type3A_104, %cond3A_105 : i32
      scf.if %cond3A_106 {
        %mul3A_127 = arith.constant 80 : i32
        %mul3A_128 = arith.muli %add3A_101, %mul3A_127 : i32
        %add3A_129 = arith.addi %mul3A_2, %mul3A_128 : i32
        %dma_start3A_130 = tpu.memref_slice %arg4[%add3A_129] : memref<320000xi32, #tpu.memory_space<hbm>> -> memref<80xi32, #tpu.memory_space<hbm>>
        %dma_start3A_131 = tpu.memref_slice %arg4[%add3A_129] : memref<320000xi32, #tpu.memory_space<hbm>> -> memref<80xi32, #tpu.memory_space<hbm>>
        tpu.enqueue_dma source(%dma_start3A_131 : memref<80xi32, #tpu.memory_space<hbm>>) target(%arg9 : memref<80xi32, #tpu.memory_space<vmem>>) target_semaphore(%arg19 : memref<!tpu.dma_semaphore, #tpu.memory_space<semaphore_mem>>)
        %dma_start3A_132 = tpu.memref_slice %arg7[%mul3A_128] : memref<10000xi32, #tpu.memory_space<vmem>> -> memref<80xi32, #tpu.memory_space<vmem>>
        %dma_start3A_133 = arith.constant 0 : i32
        %dma_start3A_134 = arith.constant 0 : i32
        %dma_start3A_135 = tpu.memref_slice %arg2[%dma_start3A_133, %dma_start3A_134] : memref<10000x128xf32, #tpu.memory_space<hbm>> -> memref<10000x128xf32, #tpu.memory_space<hbm>>
        tpu.enqueue_indirect_dma source(%dma_start3A_135 : memref<10000x128xf32, #tpu.memory_space<hbm>>) target(%arg12 : memref<80x128xf32, #tpu.memory_space<vmem>>) offsets(%dma_start3A_132 : memref<80xi32, #tpu.memory_space<vmem>>) semaphore(%arg16 : memref<!tpu.dma_semaphore, #tpu.memory_space<semaphore_mem>>)
      } else {
      }
      %mul3A_107 = arith.constant 3 : i32
      %mul3A_108 = arith.muli %scan3A_67, %mul3A_107 : i32
      %add3A_109 = arith.constant 2 : i32
      %add3A_110 = arith.addi %mul3A_108, %add3A_109 : i32
      %dma_wait3A_111 = arith.constant 0 : i32
      %dma_wait3A_112 = tpu.memref_slice %arg7[%dma_wait3A_111] : memref<10000xi32, #tpu.memory_space<vmem>> -> memref<80xi32, #tpu.memory_space<vmem>>
      %dma_wait3A_113 = arith.constant 0 : i32
      %dma_wait3A_114 = arith.constant 0 : i32
      %dma_wait3A_115 = tpu.memref_slice %arg2[%dma_wait3A_113, %dma_wait3A_114] : memref<10000x128xf32, #tpu.memory_space<hbm>> -> memref<10000x128xf32, #tpu.memory_space<hbm>>
      tpu.wait_indirect_dma semaphore(%arg17 : memref<!tpu.dma_semaphore, #tpu.memory_space<semaphore_mem>>) src(%dma_wait3A_115 : memref<10000x128xf32, #tpu.memory_space<hbm>>) dst(%arg13 : memref<80x128xf32, #tpu.memory_space<vmem>>)
      %dma_wait3A_116 = arith.constant 0 : i32
      %dma_wait3A_117 = tpu.memref_slice %arg4[%dma_wait3A_116] : memref<320000xi32, #tpu.memory_space<hbm>> -> memref<80xi32, #tpu.memory_space<hbm>>
      %dma_wait3A_118 = arith.constant 0 : i32
      %dma_wait3A_119 = tpu.memref_slice %arg4[%dma_wait3A_118] : memref<320000xi32, #tpu.memory_space<hbm>> -> memref<80xi32, #tpu.memory_space<hbm>>
      tpu.wait_dma2 semaphore(%arg20 : memref<!tpu.dma_semaphore, #tpu.memory_space<semaphore_mem>>) src(%dma_wait3A_119 : memref<80xi32, #tpu.memory_space<hbm>>) dst(%arg10 : memref<80xi32, #tpu.memory_space<vmem>>)
      "tpu.region"() ({
        %run_scoped3A = tpu.sem_alloc : memref<!tpu.dma_semaphore, #tpu.memory_space<semaphore_mem>>
        %dma_start3A_127 = arith.constant 0 : i32
        %dma_start3A_128 = arith.constant 0 : i32
        %dma_start3A_129 = tpu.memref_slice %arg14[%dma_start3A_127, %dma_start3A_128] : memref<10000x128xf32, #tpu.memory_space<vmem_shared>> -> memref<10000x128xf32, #tpu.memory_space<vmem_shared>>
        tpu.enqueue_indirect_dma source(%arg13 : memref<80x128xf32, #tpu.memory_space<vmem>>) target(%dma_start3A_129 : memref<10000x128xf32, #tpu.memory_space<vmem_shared>>) offsets(%arg10 : memref<80xi32, #tpu.memory_space<vmem>>) semaphore(%run_scoped3A : memref<!tpu.dma_semaphore, #tpu.memory_space<semaphore_mem>>) {add = true}
        %dma_wait3A_130 = arith.constant 0 : i32
        %dma_wait3A_131 = arith.constant 0 : i32
        %dma_wait3A_132 = tpu.memref_slice %arg14[%dma_wait3A_130, %dma_wait3A_131] : memref<10000x128xf32, #tpu.memory_space<vmem_shared>> -> memref<10000x128xf32, #tpu.memory_space<vmem_shared>>
        tpu.wait_indirect_dma semaphore(%run_scoped3A : memref<!tpu.dma_semaphore, #tpu.memory_space<semaphore_mem>>) src(%arg13 : memref<80x128xf32, #tpu.memory_space<vmem>>) dst(%dma_wait3A_132 : memref<10000x128xf32, #tpu.memory_space<vmem_shared>>)
        tpu.yield
      }) : () -> ()
      %add3A_120 = arith.constant 3 : i32
      %add3A_121 = arith.addi %add3A_110, %add3A_120 : i32
      %lt3A_122 = arith.constant 125 : i32
      %lt3A_123 = arith.cmpi slt, %add3A_121, %lt3A_122 : i32
      %convert_element_type3A_124 = arith.extui %lt3A_123 : i1 to i32
      %cond3A_125 = arith.constant 0 : i32
      %cond3A_126 = arith.cmpi ne, %convert_element_type3A_124, %cond3A_125 : i32
      scf.if %cond3A_126 {
        %mul3A_127 = arith.constant 80 : i32
        %mul3A_128 = arith.muli %add3A_121, %mul3A_127 : i32
        %add3A_129 = arith.addi %mul3A_2, %mul3A_128 : i32
        %dma_start3A_130 = tpu.memref_slice %arg4[%add3A_129] : memref<320000xi32, #tpu.memory_space<hbm>> -> memref<80xi32, #tpu.memory_space<hbm>>
        %dma_start3A_131 = tpu.memref_slice %arg4[%add3A_129] : memref<320000xi32, #tpu.memory_space<hbm>> -> memref<80xi32, #tpu.memory_space<hbm>>
        tpu.enqueue_dma source(%dma_start3A_131 : memref<80xi32, #tpu.memory_space<hbm>>) target(%arg10 : memref<80xi32, #tpu.memory_space<vmem>>) target_semaphore(%arg20 : memref<!tpu.dma_semaphore, #tpu.memory_space<semaphore_mem>>)
        %dma_start3A_132 = tpu.memref_slice %arg7[%mul3A_128] : memref<10000xi32, #tpu.memory_space<vmem>> -> memref<80xi32, #tpu.memory_space<vmem>>
        %dma_start3A_133 = arith.constant 0 : i32
        %dma_start3A_134 = arith.constant 0 : i32
        %dma_start3A_135 = tpu.memref_slice %arg2[%dma_start3A_133, %dma_start3A_134] : memref<10000x128xf32, #tpu.memory_space<hbm>> -> memref<10000x128xf32, #tpu.memory_space<hbm>>
        tpu.enqueue_indirect_dma source(%dma_start3A_135 : memref<10000x128xf32, #tpu.memory_space<hbm>>) target(%arg13 : memref<80x128xf32, #tpu.memory_space<vmem>>) offsets(%dma_start3A_132 : memref<80xi32, #tpu.memory_space<vmem>>) semaphore(%arg17 : memref<!tpu.dma_semaphore, #tpu.memory_space<semaphore_mem>>)
      } else {
      }
    }
    %scan3A_39 = arith.constant 41 : i32
    %dma_wait3A = arith.constant 0 : i32
    %dma_wait3A_40 = tpu.memref_slice %arg7[%dma_wait3A] : memref<10000xi32, #tpu.memory_space<vmem>> -> memref<80xi32, #tpu.memory_space<vmem>>
    %dma_wait3A_41 = arith.constant 0 : i32
    %dma_wait3A_42 = arith.constant 0 : i32
    %dma_wait3A_43 = tpu.memref_slice %arg2[%dma_wait3A_41, %dma_wait3A_42] : memref<10000x128xf32, #tpu.memory_space<hbm>> -> memref<10000x128xf32, #tpu.memory_space<hbm>>
    tpu.wait_indirect_dma semaphore(%arg15 : memref<!tpu.dma_semaphore, #tpu.memory_space<semaphore_mem>>) src(%dma_wait3A_43 : memref<10000x128xf32, #tpu.memory_space<hbm>>) dst(%arg11 : memref<80x128xf32, #tpu.memory_space<vmem>>)
    %dma_wait3A_44 = arith.constant 0 : i32
    %dma_wait3A_45 = tpu.memref_slice %arg4[%dma_wait3A_44] : memref<320000xi32, #tpu.memory_space<hbm>> -> memref<80xi32, #tpu.memory_space<hbm>>
    %dma_wait3A_46 = arith.constant 0 : i32
    %dma_wait3A_47 = tpu.memref_slice %arg4[%dma_wait3A_46] : memref<320000xi32, #tpu.memory_space<hbm>> -> memref<80xi32, #tpu.memory_space<hbm>>
    tpu.wait_dma2 semaphore(%arg18 : memref<!tpu.dma_semaphore, #tpu.memory_space<semaphore_mem>>) src(%dma_wait3A_47 : memref<80xi32, #tpu.memory_space<hbm>>) dst(%arg8 : memref<80xi32, #tpu.memory_space<vmem>>)
    "tpu.region"() ({
      %run_scoped3A = tpu.sem_alloc : memref<!tpu.dma_semaphore, #tpu.memory_space<semaphore_mem>>
      %dma_start3A_67 = arith.constant 0 : i32
      %dma_start3A_68 = arith.constant 0 : i32
      %dma_start3A_69 = tpu.memref_slice %arg14[%dma_start3A_67, %dma_start3A_68] : memref<10000x128xf32, #tpu.memory_space<vmem_shared>> -> memref<10000x128xf32, #tpu.memory_space<vmem_shared>>
      tpu.enqueue_indirect_dma source(%arg11 : memref<80x128xf32, #tpu.memory_space<vmem>>) target(%dma_start3A_69 : memref<10000x128xf32, #tpu.memory_space<vmem_shared>>) offsets(%arg8 : memref<80xi32, #tpu.memory_space<vmem>>) semaphore(%run_scoped3A : memref<!tpu.dma_semaphore, #tpu.memory_space<semaphore_mem>>) {add = true}
      %dma_wait3A_70 = arith.constant 0 : i32
      %dma_wait3A_71 = arith.constant 0 : i32
      %dma_wait3A_72 = tpu.memref_slice %arg14[%dma_wait3A_70, %dma_wait3A_71] : memref<10000x128xf32, #tpu.memory_space<vmem_shared>> -> memref<10000x128xf32, #tpu.memory_space<vmem_shared>>
      tpu.wait_indirect_dma semaphore(%run_scoped3A : memref<!tpu.dma_semaphore, #tpu.memory_space<semaphore_mem>>) src(%arg11 : memref<80x128xf32, #tpu.memory_space<vmem>>) dst(%dma_wait3A_72 : memref<10000x128xf32, #tpu.memory_space<vmem_shared>>)
      tpu.yield
    }) : () -> ()
    %dma_wait3A_48 = arith.constant 0 : i32
    %dma_wait3A_49 = tpu.memref_slice %arg7[%dma_wait3A_48] : memref<10000xi32, #tpu.memory_space<vmem>> -> memref<80xi32, #tpu.memory_space<vmem>>
    %dma_wait3A_50 = arith.constant 0 : i32
    %dma_wait3A_51 = arith.constant 0 : i32
    %dma_wait3A_52 = tpu.memref_slice %arg2[%dma_wait3A_50, %dma_wait3A_51] : memref<10000x128xf32, #tpu.memory_space<hbm>> -> memref<10000x128xf32, #tpu.memory_space<hbm>>
    tpu.wait_indirect_dma semaphore(%arg16 : memref<!tpu.dma_semaphore, #tpu.memory_space<semaphore_mem>>) src(%dma_wait3A_52 : memref<10000x128xf32, #tpu.memory_space<hbm>>) dst(%arg12 : memref<80x128xf32, #tpu.memory_space<vmem>>)
    %dma_wait3A_53 = arith.constant 0 : i32
    %dma_wait3A_54 = tpu.memref_slice %arg4[%dma_wait3A_53] : memref<320000xi32, #tpu.memory_space<hbm>> -> memref<80xi32, #tpu.memory_space<hbm>>
    %dma_wait3A_55 = arith.constant 0 : i32
    %dma_wait3A_56 = tpu.memref_slice %arg4[%dma_wait3A_55] : memref<320000xi32, #tpu.memory_space<hbm>> -> memref<80xi32, #tpu.memory_space<hbm>>
    tpu.wait_dma2 semaphore(%arg19 : memref<!tpu.dma_semaphore, #tpu.memory_space<semaphore_mem>>) src(%dma_wait3A_56 : memref<80xi32, #tpu.memory_space<hbm>>) dst(%arg9 : memref<80xi32, #tpu.memory_space<vmem>>)
    "tpu.region"() ({
      %run_scoped3A = tpu.sem_alloc : memref<!tpu.dma_semaphore, #tpu.memory_space<semaphore_mem>>
      %dma_start3A_67 = arith.constant 0 : i32
      %dma_start3A_68 = arith.constant 0 : i32
      %dma_start3A_69 = tpu.memref_slice %arg14[%dma_start3A_67, %dma_start3A_68] : memref<10000x128xf32, #tpu.memory_space<vmem_shared>> -> memref<10000x128xf32, #tpu.memory_space<vmem_shared>>
      tpu.enqueue_indirect_dma source(%arg12 : memref<80x128xf32, #tpu.memory_space<vmem>>) target(%dma_start3A_69 : memref<10000x128xf32, #tpu.memory_space<vmem_shared>>) offsets(%arg9 : memref<80xi32, #tpu.memory_space<vmem>>) semaphore(%run_scoped3A : memref<!tpu.dma_semaphore, #tpu.memory_space<semaphore_mem>>) {add = true}
      %dma_wait3A_70 = arith.constant 0 : i32
      %dma_wait3A_71 = arith.constant 0 : i32
      %dma_wait3A_72 = tpu.memref_slice %arg14[%dma_wait3A_70, %dma_wait3A_71] : memref<10000x128xf32, #tpu.memory_space<vmem_shared>> -> memref<10000x128xf32, #tpu.memory_space<vmem_shared>>
      tpu.wait_indirect_dma semaphore(%run_scoped3A : memref<!tpu.dma_semaphore, #tpu.memory_space<semaphore_mem>>) src(%arg12 : memref<80x128xf32, #tpu.memory_space<vmem>>) dst(%dma_wait3A_72 : memref<10000x128xf32, #tpu.memory_space<vmem_shared>>)
      tpu.yield
    }) : () -> ()
    %barrier3A_57 = arith.constant 0 : index
    tpu.barrier barrier_id(%barrier3A_57)
    %mul3A_58 = arith.constant 624 : i32
    %mul3A_59 = arith.muli %arg1, %mul3A_58 : i32
    %mul3A_60 = arith.constant 624 : i32
    %mul3A_61 = arith.muli %arg1, %mul3A_60 : i32
    "tpu.region"() ({
      %run_scoped3A = tpu.sem_alloc : memref<!tpu.dma_semaphore, #tpu.memory_space<semaphore_mem>>
      %dma_start3A_67 = arith.constant 0 : i32
      %dma_start3A_68 = arith.constant 0 : i32
      %dma_start3A_69 = tpu.memref_slice %arg6[%arg0, %dma_start3A_67, %dma_start3A_68] : memref<2x10000x128xf32, #tpu.memory_space<hbm>> -> memref<1x10000x128xf32, #tpu.memory_space<hbm>>
      %dma_start3A_70 = tpu.memref_squeeze %dma_start3A_69 : memref<1x10000x128xf32, #tpu.memory_space<hbm>> -> memref<10000x128xf32, #tpu.memory_space<hbm>>
      %dma_start3A_71 = arith.constant 0 : i32
      %dma_start3A_72 = tpu.memref_slice %dma_start3A_70[%mul3A_61, %dma_start3A_71] : memref<10000x128xf32, #tpu.memory_space<hbm>> -> memref<624x128xf32, #tpu.memory_space<hbm>>
      %dma_start3A_73 = arith.constant 0 : i32
      %dma_start3A_74 = tpu.memref_slice %arg14[%mul3A_59, %dma_start3A_73] : memref<10000x128xf32, #tpu.memory_space<vmem_shared>> -> memref<624x128xf32, #tpu.memory_space<vmem_shared>>
      tpu.enqueue_dma source(%dma_start3A_74 : memref<624x128xf32, #tpu.memory_space<vmem_shared>>) target(%dma_start3A_72 : memref<624x128xf32, #tpu.memory_space<hbm>>) target_semaphore(%run_scoped3A : memref<!tpu.dma_semaphore, #tpu.memory_space<semaphore_mem>>)
      %dma_wait3A_75 = arith.constant 0 : i32
      %dma_wait3A_76 = arith.constant 0 : i32
      %dma_wait3A_77 = tpu.memref_slice %arg6[%arg0, %dma_wait3A_75, %dma_wait3A_76] : memref<2x10000x128xf32, #tpu.memory_space<hbm>> -> memref<1x10000x128xf32, #tpu.memory_space<hbm>>
      %dma_wait3A_78 = tpu.memref_squeeze %dma_wait3A_77 : memref<1x10000x128xf32, #tpu.memory_space<hbm>> -> memref<10000x128xf32, #tpu.memory_space<hbm>>
      %dma_wait3A_79 = arith.constant 0 : i32
      %dma_wait3A_80 = tpu.memref_slice %dma_wait3A_78[%mul3A_61, %dma_wait3A_79] : memref<10000x128xf32, #tpu.memory_space<hbm>> -> memref<624x128xf32, #tpu.memory_space<hbm>>
      %dma_wait3A_81 = arith.constant 0 : i32
      %dma_wait3A_82 = tpu.memref_slice %arg14[%mul3A_59, %dma_wait3A_81] : memref<10000x128xf32, #tpu.memory_space<vmem_shared>> -> memref<624x128xf32, #tpu.memory_space<vmem_shared>>
      tpu.wait_dma2 semaphore(%run_scoped3A : memref<!tpu.dma_semaphore, #tpu.memory_space<semaphore_mem>>) src(%dma_wait3A_82 : memref<624x128xf32, #tpu.memory_space<vmem_shared>>) dst(%dma_wait3A_80 : memref<624x128xf32, #tpu.memory_space<hbm>>)
      tpu.yield
    }) : () -> ()
    %eq3A_62 = arith.constant 0 : i32
    %eq3A_63 = arith.cmpi eq, %arg1, %eq3A_62 : i32
    %convert_element_type3A_64 = arith.extui %eq3A_63 : i1 to i32
    %cond3A_65 = arith.constant 0 : i32
    %cond3A_66 = arith.cmpi ne, %convert_element_type3A_64, %cond3A_65 : i32
    scf.if %cond3A_66 {
      "tpu.region"() ({
        %run_scoped3A = tpu.sem_alloc : memref<!tpu.dma_semaphore, #tpu.memory_space<semaphore_mem>>
        %dma_start3A_67 = arith.constant 0 : i32
        %dma_start3A_68 = arith.constant 0 : i32
        %dma_start3A_69 = tpu.memref_slice %arg6[%arg0, %dma_start3A_67, %dma_start3A_68] : memref<2x10000x128xf32, #tpu.memory_space<hbm>> -> memref<1x10000x128xf32, #tpu.memory_space<hbm>>
        %dma_start3A_70 = tpu.memref_squeeze %dma_start3A_69 : memref<1x10000x128xf32, #tpu.memory_space<hbm>> -> memref<10000x128xf32, #tpu.memory_space<hbm>>
        %dma_start3A_71 = arith.constant 9984 : i32
        %dma_start3A_72 = arith.constant 0 : i32
        %dma_start3A_73 = tpu.memref_slice %dma_start3A_70[%dma_start3A_71, %dma_start3A_72] : memref<10000x128xf32, #tpu.memory_space<hbm>> -> memref<16x128xf32, #tpu.memory_space<hbm>>
        %dma_start3A_74 = arith.constant 9984 : i32
        %dma_start3A_75 = arith.constant 0 : i32
        %dma_start3A_76 = tpu.memref_slice %arg14[%dma_start3A_74, %dma_start3A_75] : memref<10000x128xf32, #tpu.memory_space<vmem_shared>> -> memref<16x128xf32, #tpu.memory_space<vmem_shared>>
        tpu.enqueue_dma source(%dma_start3A_76 : memref<16x128xf32, #tpu.memory_space<vmem_shared>>) target(%dma_start3A_73 : memref<16x128xf32, #tpu.memory_space<hbm>>) target_semaphore(%run_scoped3A : memref<!tpu.dma_semaphore, #tpu.memory_space<semaphore_mem>>)
        %dma_wait3A_77 = arith.constant 0 : i32
        %dma_wait3A_78 = arith.constant 0 : i32
        %dma_wait3A_79 = tpu.memref_slice %arg6[%arg0, %dma_wait3A_77, %dma_wait3A_78] : memref<2x10000x128xf32, #tpu.memory_space<hbm>> -> memref<1x10000x128xf32, #tpu.memory_space<hbm>>
        %dma_wait3A_80 = tpu.memref_squeeze %dma_wait3A_79 : memref<1x10000x128xf32, #tpu.memory_space<hbm>> -> memref<10000x128xf32, #tpu.memory_space<hbm>>
        %dma_wait3A_81 = arith.constant 9984 : i32
        %dma_wait3A_82 = arith.constant 0 : i32
        %dma_wait3A_83 = tpu.memref_slice %dma_wait3A_80[%dma_wait3A_81, %dma_wait3A_82] : memref<10000x128xf32, #tpu.memory_space<hbm>> -> memref<16x128xf32, #tpu.memory_space<hbm>>
        %dma_wait3A_84 = arith.constant 9984 : i32
        %dma_wait3A_85 = arith.constant 0 : i32
        %dma_wait3A_86 = tpu.memref_slice %arg14[%dma_wait3A_84, %dma_wait3A_85] : memref<10000x128xf32, #tpu.memory_space<vmem_shared>> -> memref<16x128xf32, #tpu.memory_space<vmem_shared>>
        tpu.wait_dma2 semaphore(%run_scoped3A : memref<!tpu.dma_semaphore, #tpu.memory_space<semaphore_mem>>) src(%dma_wait3A_86 : memref<16x128xf32, #tpu.memory_space<vmem_shared>>) dst(%dma_wait3A_83 : memref<16x128xf32, #tpu.memory_space<hbm>>)
        tpu.yield
      }) : () -> ()
    } else {
    }
    return
  }
}

#map = affine_map<(d0, d1) -> (0, 0)>
#map1 = affine_map<(d0, d1) -> (0)>
#map2 = affine_map<(d0, d1) -> (0, 0, 0)>
module attributes {stable_mosaic.version = 14 : i64} {
  func.func @_edge_body(%arg0: i32, %arg1: i32, %arg2: memref<10000x128xf32, #tpu.memory_space<hbm>>, %arg3: memref<320000xi32, #tpu.memory_space<hbm>>, %arg4: memref<320000xi32, #tpu.memory_space<hbm>>, %arg5: memref<10000x128xf32, #tpu.memory_space<hbm>>, %arg6: memref<2x10000x128xf32, #tpu.memory_space<hbm>>, %arg7: memref<10000xi32, #tpu.memory_space<vmem>>, %arg8: memref<80xi32, #tpu.memory_space<vmem>>, %arg9: memref<80xi32, #tpu.memory_space<vmem>>, %arg10: memref<80xi32, #tpu.memory_space<vmem>>, %arg11: memref<80x128xf32, #tpu.memory_space<vmem>>, %arg12: memref<80x128xf32, #tpu.memory_space<vmem>>, %arg13: memref<80x128xf32, #tpu.memory_space<vmem>>, %arg14: memref<10000x128xf32, #tpu.memory_space<vmem_shared>>, %arg15: memref<!tpu.dma_semaphore, #tpu.memory_space<semaphore_mem>>, %arg16: memref<!tpu.dma_semaphore, #tpu.memory_space<semaphore_mem>>, %arg17: memref<!tpu.dma_semaphore, #tpu.memory_space<semaphore_mem>>, %arg18: memref<!tpu.dma_semaphore, #tpu.memory_space<semaphore_mem>>, %arg19: memref<!tpu.dma_semaphore, #tpu.memory_space<semaphore_mem>>, %arg20: memref<!tpu.dma_semaphore, #tpu.memory_space<semaphore_mem>>) attributes {dimension_semantics = [#tpu.dimension_semantics<core_parallel>, #tpu.dimension_semantics<subcore_parallel>], iteration_bounds = array<i64: 2, 16>, scalar_prefetch = 0 : i64, scratch_operands = 14 : i64, tpu.core_type = #tpu.core_type<sc_vector_subcore>, window_params = [{transform_indices = #map}, {transform_indices = #map1}, {transform_indices = #map1}, {transform_indices = #map}, {transform_indices = #map2}]} {
    %mul3A = arith.constant 2 : i32
    %mul3A_0 = arith.muli %arg1, %mul3A : i32
    %add3A = arith.addi %mul3A_0, %arg0 : i32
    %mul3A_1 = arith.constant 10000 : i32
    %mul3A_2 = arith.muli %add3A, %mul3A_1 : i32
    "tpu.region"() ({
      %run_scoped3A = tpu.sem_alloc : memref<!tpu.dma_semaphore, #tpu.memory_space<semaphore_mem>>
      %dma_start3A_67 = tpu.memref_slice %arg3[%mul3A_2] : memref<320000xi32, #tpu.memory_space<hbm>> -> memref<10000xi32, #tpu.memory_space<hbm>>
      %dma_start3A_68 = tpu.memref_slice %arg3[%mul3A_2] : memref<320000xi32, #tpu.memory_space<hbm>> -> memref<10000xi32, #tpu.memory_space<hbm>>
      tpu.enqueue_dma source(%dma_start3A_68 : memref<10000xi32, #tpu.memory_space<hbm>>) target(%arg7 : memref<10000xi32, #tpu.memory_space<vmem>>) target_semaphore(%run_scoped3A : memref<!tpu.dma_semaphore, #tpu.memory_space<semaphore_mem>>)
      %dma_wait3A_69 = tpu.memref_slice %arg3[%mul3A_2] : memref<320000xi32, #tpu.memory_space<hbm>> -> memref<10000xi32, #tpu.memory_space<hbm>>
      %dma_wait3A_70 = tpu.memref_slice %arg3[%mul3A_2] : memref<320000xi32, #tpu.memory_space<hbm>> -> memref<10000xi32, #tpu.memory_space<hbm>>
      tpu.wait_dma2 semaphore(%run_scoped3A : memref<!tpu.dma_semaphore, #tpu.memory_space<semaphore_mem>>) src(%dma_wait3A_70 : memref<10000xi32, #tpu.memory_space<hbm>>) dst(%arg7 : memref<10000xi32, #tpu.memory_space<vmem>>)
      tpu.yield
    }) : () -> ()
    %add3A_3 = arith.constant 0 : i32
    %add3A_4 = arith.addi %mul3A_2, %add3A_3 : i32
    %dma_start3A = tpu.memref_slice %arg4[%add3A_4] : memref<320000xi32, #tpu.memory_space<hbm>> -> memref<80xi32, #tpu.memory_space<hbm>>
    %dma_start3A_5 = tpu.memref_slice %arg4[%add3A_4] : memref<320000xi32, #tpu.memory_space<hbm>> -> memref<80xi32, #tpu.memory_space<hbm>>
    tpu.enqueue_dma source(%dma_start3A_5 : memref<80xi32, #tpu.memory_space<hbm>>) target(%arg8 : memref<80xi32, #tpu.memory_space<vmem>>) target_semaphore(%arg18 : memref<!tpu.dma_semaphore, #tpu.memory_space<semaphore_mem>>)
    %dma_start3A_6 = arith.constant 0 : i32
    %dma_start3A_7 = tpu.memref_slice %arg7[%dma_start3A_6] : memref<10000xi32, #tpu.memory_space<vmem>> -> memref<80xi32, #tpu.memory_space<vmem>>
    %dma_start3A_8 = arith.constant 0 : i32
    %dma_start3A_9 = arith.constant 0 : i32
    %dma_start3A_10 = tpu.memref_slice %arg2[%dma_start3A_8, %dma_start3A_9] : memref<10000x128xf32, #tpu.memory_space<hbm>> -> memref<10000x128xf32, #tpu.memory_space<hbm>>
    tpu.enqueue_indirect_dma source(%dma_start3A_10 : memref<10000x128xf32, #tpu.memory_space<hbm>>) target(%arg11 : memref<80x128xf32, #tpu.memory_space<vmem>>) offsets(%dma_start3A_7 : memref<80xi32, #tpu.memory_space<vmem>>) semaphore(%arg15 : memref<!tpu.dma_semaphore, #tpu.memory_space<semaphore_mem>>)
    %add3A_11 = arith.constant 80 : i32
    %add3A_12 = arith.addi %mul3A_2, %add3A_11 : i32
    %dma_start3A_13 = tpu.memref_slice %arg4[%add3A_12] : memref<320000xi32, #tpu.memory_space<hbm>> -> memref<80xi32, #tpu.memory_space<hbm>>
    %dma_start3A_14 = tpu.memref_slice %arg4[%add3A_12] : memref<320000xi32, #tpu.memory_space<hbm>> -> memref<80xi32, #tpu.memory_space<hbm>>
    tpu.enqueue_dma source(%dma_start3A_14 : memref<80xi32, #tpu.memory_space<hbm>>) target(%arg9 : memref<80xi32, #tpu.memory_space<vmem>>) target_semaphore(%arg19 : memref<!tpu.dma_semaphore, #tpu.memory_space<semaphore_mem>>)
    %dma_start3A_15 = arith.constant 80 : i32
    %dma_start3A_16 = tpu.memref_slice %arg7[%dma_start3A_15] : memref<10000xi32, #tpu.memory_space<vmem>> -> memref<80xi32, #tpu.memory_space<vmem>>
    %dma_start3A_17 = arith.constant 0 : i32
    %dma_start3A_18 = arith.constant 0 : i32
    %dma_start3A_19 = tpu.memref_slice %arg2[%dma_start3A_17, %dma_start3A_18] : memref<10000x128xf32, #tpu.memory_space<hbm>> -> memref<10000x128xf32, #tpu.memory_space<hbm>>
    tpu.enqueue_indirect_dma source(%dma_start3A_19 : memref<10000x128xf32, #tpu.memory_space<hbm>>) target(%arg12 : memref<80x128xf32, #tpu.memory_space<vmem>>) offsets(%dma_start3A_16 : memref<80xi32, #tpu.memory_space<vmem>>) semaphore(%arg16 : memref<!tpu.dma_semaphore, #tpu.memory_space<semaphore_mem>>)
    %add3A_20 = arith.constant 160 : i32
    %add3A_21 = arith.addi %mul3A_2, %add3A_20 : i32
    %dma_start3A_22 = tpu.memref_slice %arg4[%add3A_21] : memref<320000xi32, #tpu.memory_space<hbm>> -> memref<80xi32, #tpu.memory_space<hbm>>
    %dma_start3A_23 = tpu.memref_slice %arg4[%add3A_21] : memref<320000xi32, #tpu.memory_space<hbm>> -> memref<80xi32, #tpu.memory_space<hbm>>
    tpu.enqueue_dma source(%dma_start3A_23 : memref<80xi32, #tpu.memory_space<hbm>>) target(%arg10 : memref<80xi32, #tpu.memory_space<vmem>>) target_semaphore(%arg20 : memref<!tpu.dma_semaphore, #tpu.memory_space<semaphore_mem>>)
    %dma_start3A_24 = arith.constant 160 : i32
    %dma_start3A_25 = tpu.memref_slice %arg7[%dma_start3A_24] : memref<10000xi32, #tpu.memory_space<vmem>> -> memref<80xi32, #tpu.memory_space<vmem>>
    %dma_start3A_26 = arith.constant 0 : i32
    %dma_start3A_27 = arith.constant 0 : i32
    %dma_start3A_28 = tpu.memref_slice %arg2[%dma_start3A_26, %dma_start3A_27] : memref<10000x128xf32, #tpu.memory_space<hbm>> -> memref<10000x128xf32, #tpu.memory_space<hbm>>
    tpu.enqueue_indirect_dma source(%dma_start3A_28 : memref<10000x128xf32, #tpu.memory_space<hbm>>) target(%arg13 : memref<80x128xf32, #tpu.memory_space<vmem>>) offsets(%dma_start3A_25 : memref<80xi32, #tpu.memory_space<vmem>>) semaphore(%arg17 : memref<!tpu.dma_semaphore, #tpu.memory_space<semaphore_mem>>)
    %eq3A = arith.constant 0 : i32
    %eq3A_29 = arith.cmpi eq, %arg0, %eq3A : i32
    %convert_element_type3A = arith.extui %eq3A_29 : i1 to i32
    %cond3A = arith.constant 0 : i32
    %cond3A_30 = arith.cmpi ne, %convert_element_type3A, %cond3A : i32
    scf.if %cond3A_30 {
      %mul3A_67 = arith.constant 624 : i32
      %mul3A_68 = arith.muli %arg1, %mul3A_67 : i32
      %mul3A_69 = arith.constant 624 : i32
      %mul3A_70 = arith.muli %arg1, %mul3A_69 : i32
      "tpu.region"() ({
        %run_scoped3A = tpu.sem_alloc : memref<!tpu.dma_semaphore, #tpu.memory_space<semaphore_mem>>
        %dma_start3A_76 = arith.constant 0 : i32
        %dma_start3A_77 = tpu.memref_slice %arg14[%mul3A_70, %dma_start3A_76] : memref<10000x128xf32, #tpu.memory_space<vmem_shared>> -> memref<624x128xf32, #tpu.memory_space<vmem_shared>>
        %dma_start3A_78 = arith.constant 0 : i32
        %dma_start3A_79 = tpu.memref_slice %arg2[%mul3A_68, %dma_start3A_78] : memref<10000x128xf32, #tpu.memory_space<hbm>> -> memref<624x128xf32, #tpu.memory_space<hbm>>
        tpu.enqueue_dma source(%dma_start3A_79 : memref<624x128xf32, #tpu.memory_space<hbm>>) target(%dma_start3A_77 : memref<624x128xf32, #tpu.memory_space<vmem_shared>>) target_semaphore(%run_scoped3A : memref<!tpu.dma_semaphore, #tpu.memory_space<semaphore_mem>>)
        %dma_wait3A_80 = arith.constant 0 : i32
        %dma_wait3A_81 = tpu.memref_slice %arg14[%mul3A_70, %dma_wait3A_80] : memref<10000x128xf32, #tpu.memory_space<vmem_shared>> -> memref<624x128xf32, #tpu.memory_space<vmem_shared>>
        %dma_wait3A_82 = arith.constant 0 : i32
        %dma_wait3A_83 = tpu.memref_slice %arg2[%mul3A_68, %dma_wait3A_82] : memref<10000x128xf32, #tpu.memory_space<hbm>> -> memref<624x128xf32, #tpu.memory_space<hbm>>
        tpu.wait_dma2 semaphore(%run_scoped3A : memref<!tpu.dma_semaphore, #tpu.memory_space<semaphore_mem>>) src(%dma_wait3A_83 : memref<624x128xf32, #tpu.memory_space<hbm>>) dst(%dma_wait3A_81 : memref<624x128xf32, #tpu.memory_space<vmem_shared>>)
        tpu.yield
      }) : () -> ()
      %eq3A_71 = arith.constant 0 : i32
      %eq3A_72 = arith.cmpi eq, %arg1, %eq3A_71 : i32
      %convert_element_type3A_73 = arith.extui %eq3A_72 : i1 to i32
      %cond3A_74 = arith.constant 0 : i32
      %cond3A_75 = arith.cmpi ne, %convert_element_type3A_73, %cond3A_74 : i32
      scf.if %cond3A_75 {
        "tpu.region"() ({
          %run_scoped3A = tpu.sem_alloc : memref<!tpu.dma_semaphore, #tpu.memory_space<semaphore_mem>>
          %dma_start3A_76 = arith.constant 9984 : i32
          %dma_start3A_77 = arith.constant 0 : i32
          %dma_start3A_78 = tpu.memref_slice %arg14[%dma_start3A_76, %dma_start3A_77] : memref<10000x128xf32, #tpu.memory_space<vmem_shared>> -> memref<16x128xf32, #tpu.memory_space<vmem_shared>>
          %dma_start3A_79 = arith.constant 9984 : i32
          %dma_start3A_80 = arith.constant 0 : i32
          %dma_start3A_81 = tpu.memref_slice %arg2[%dma_start3A_79, %dma_start3A_80] : memref<10000x128xf32, #tpu.memory_space<hbm>> -> memref<16x128xf32, #tpu.memory_space<hbm>>
          tpu.enqueue_dma source(%dma_start3A_81 : memref<16x128xf32, #tpu.memory_space<hbm>>) target(%dma_start3A_78 : memref<16x128xf32, #tpu.memory_space<vmem_shared>>) target_semaphore(%run_scoped3A : memref<!tpu.dma_semaphore, #tpu.memory_space<semaphore_mem>>)
          %dma_wait3A_82 = arith.constant 9984 : i32
          %dma_wait3A_83 = arith.constant 0 : i32
          %dma_wait3A_84 = tpu.memref_slice %arg14[%dma_wait3A_82, %dma_wait3A_83] : memref<10000x128xf32, #tpu.memory_space<vmem_shared>> -> memref<16x128xf32, #tpu.memory_space<vmem_shared>>
          %dma_wait3A_85 = arith.constant 9984 : i32
          %dma_wait3A_86 = arith.constant 0 : i32
          %dma_wait3A_87 = tpu.memref_slice %arg2[%dma_wait3A_85, %dma_wait3A_86] : memref<10000x128xf32, #tpu.memory_space<hbm>> -> memref<16x128xf32, #tpu.memory_space<hbm>>
          tpu.wait_dma2 semaphore(%run_scoped3A : memref<!tpu.dma_semaphore, #tpu.memory_space<semaphore_mem>>) src(%dma_wait3A_87 : memref<16x128xf32, #tpu.memory_space<hbm>>) dst(%dma_wait3A_84 : memref<16x128xf32, #tpu.memory_space<vmem_shared>>)
          tpu.yield
        }) : () -> ()
      } else {
      }
    } else {
    }
    %ne3A = arith.constant 0 : i32
    %ne3A_31 = arith.cmpi ne, %arg0, %ne3A : i32
    %convert_element_type3A_32 = arith.extui %ne3A_31 : i1 to i32
    %cond3A_33 = arith.constant 0 : i32
    %cond3A_34 = arith.cmpi ne, %convert_element_type3A_32, %cond3A_33 : i32
    scf.if %cond3A_34 {
      %mul3A_67 = arith.constant 624 : i32
      %mul3A_68 = arith.muli %arg1, %mul3A_67 : i32
      %mul3A_69 = arith.constant 624 : i32
      %mul3A_70 = arith.muli %arg1, %mul3A_69 : i32
      "tpu.region"() ({
        %run_scoped3A = tpu.sem_alloc : memref<!tpu.dma_semaphore, #tpu.memory_space<semaphore_mem>>
        %dma_start3A_76 = arith.constant 0 : i32
        %dma_start3A_77 = tpu.memref_slice %arg14[%mul3A_70, %dma_start3A_76] : memref<10000x128xf32, #tpu.memory_space<vmem_shared>> -> memref<624x128xf32, #tpu.memory_space<vmem_shared>>
        %dma_start3A_78 = arith.constant 0 : i32
        %dma_start3A_79 = tpu.memref_slice %arg5[%mul3A_68, %dma_start3A_78] : memref<10000x128xf32, #tpu.memory_space<hbm>> -> memref<624x128xf32, #tpu.memory_space<hbm>>
        tpu.enqueue_dma source(%dma_start3A_79 : memref<624x128xf32, #tpu.memory_space<hbm>>) target(%dma_start3A_77 : memref<624x128xf32, #tpu.memory_space<vmem_shared>>) target_semaphore(%run_scoped3A : memref<!tpu.dma_semaphore, #tpu.memory_space<semaphore_mem>>)
        %dma_wait3A_80 = arith.constant 0 : i32
        %dma_wait3A_81 = tpu.memref_slice %arg14[%mul3A_70, %dma_wait3A_80] : memref<10000x128xf32, #tpu.memory_space<vmem_shared>> -> memref<624x128xf32, #tpu.memory_space<vmem_shared>>
        %dma_wait3A_82 = arith.constant 0 : i32
        %dma_wait3A_83 = tpu.memref_slice %arg5[%mul3A_68, %dma_wait3A_82] : memref<10000x128xf32, #tpu.memory_space<hbm>> -> memref<624x128xf32, #tpu.memory_space<hbm>>
        tpu.wait_dma2 semaphore(%run_scoped3A : memref<!tpu.dma_semaphore, #tpu.memory_space<semaphore_mem>>) src(%dma_wait3A_83 : memref<624x128xf32, #tpu.memory_space<hbm>>) dst(%dma_wait3A_81 : memref<624x128xf32, #tpu.memory_space<vmem_shared>>)
        tpu.yield
      }) : () -> ()
      %eq3A_71 = arith.constant 0 : i32
      %eq3A_72 = arith.cmpi eq, %arg1, %eq3A_71 : i32
      %convert_element_type3A_73 = arith.extui %eq3A_72 : i1 to i32
      %cond3A_74 = arith.constant 0 : i32
      %cond3A_75 = arith.cmpi ne, %convert_element_type3A_73, %cond3A_74 : i32
      scf.if %cond3A_75 {
        "tpu.region"() ({
          %run_scoped3A = tpu.sem_alloc : memref<!tpu.dma_semaphore, #tpu.memory_space<semaphore_mem>>
          %dma_start3A_76 = arith.constant 9984 : i32
          %dma_start3A_77 = arith.constant 0 : i32
          %dma_start3A_78 = tpu.memref_slice %arg14[%dma_start3A_76, %dma_start3A_77] : memref<10000x128xf32, #tpu.memory_space<vmem_shared>> -> memref<16x128xf32, #tpu.memory_space<vmem_shared>>
          %dma_start3A_79 = arith.constant 9984 : i32
          %dma_start3A_80 = arith.constant 0 : i32
          %dma_start3A_81 = tpu.memref_slice %arg5[%dma_start3A_79, %dma_start3A_80] : memref<10000x128xf32, #tpu.memory_space<hbm>> -> memref<16x128xf32, #tpu.memory_space<hbm>>
          tpu.enqueue_dma source(%dma_start3A_81 : memref<16x128xf32, #tpu.memory_space<hbm>>) target(%dma_start3A_78 : memref<16x128xf32, #tpu.memory_space<vmem_shared>>) target_semaphore(%run_scoped3A : memref<!tpu.dma_semaphore, #tpu.memory_space<semaphore_mem>>)
          %dma_wait3A_82 = arith.constant 9984 : i32
          %dma_wait3A_83 = arith.constant 0 : i32
          %dma_wait3A_84 = tpu.memref_slice %arg14[%dma_wait3A_82, %dma_wait3A_83] : memref<10000x128xf32, #tpu.memory_space<vmem_shared>> -> memref<16x128xf32, #tpu.memory_space<vmem_shared>>
          %dma_wait3A_85 = arith.constant 9984 : i32
          %dma_wait3A_86 = arith.constant 0 : i32
          %dma_wait3A_87 = tpu.memref_slice %arg5[%dma_wait3A_85, %dma_wait3A_86] : memref<10000x128xf32, #tpu.memory_space<hbm>> -> memref<16x128xf32, #tpu.memory_space<hbm>>
          tpu.wait_dma2 semaphore(%run_scoped3A : memref<!tpu.dma_semaphore, #tpu.memory_space<semaphore_mem>>) src(%dma_wait3A_87 : memref<16x128xf32, #tpu.memory_space<hbm>>) dst(%dma_wait3A_84 : memref<16x128xf32, #tpu.memory_space<vmem_shared>>)
          tpu.yield
        }) : () -> ()
      } else {
      }
    } else {
    }
    %barrier3A = arith.constant 0 : index
    tpu.barrier barrier_id(%barrier3A)
    %scan3A = arith.constant 0 : i32
    %scan3A_35 = arith.constant 0 : i32
    %scan3A_36 = arith.constant 41 : i32
    %scan3A_37 = arith.addi %scan3A_35, %scan3A_36 : i32
    %scan3A_38 = arith.constant 1 : i32
    scf.for %scan3A_67 = %scan3A_35 to %scan3A_37 step %scan3A_38  : i32 {
      %mul3A_68 = arith.constant 3 : i32
      %mul3A_69 = arith.muli %scan3A_67, %mul3A_68 : i32
      %add3A_70 = arith.constant 0 : i32
      %add3A_71 = arith.addi %mul3A_69, %add3A_70 : i32
      %dma_wait3A_72 = arith.constant 0 : i32
      %dma_wait3A_73 = tpu.memref_slice %arg7[%dma_wait3A_72] : memref<10000xi32, #tpu.memory_space<vmem>> -> memref<80xi32, #tpu.memory_space<vmem>>
      %dma_wait3A_74 = arith.constant 0 : i32
      %dma_wait3A_75 = arith.constant 0 : i32
      %dma_wait3A_76 = tpu.memref_slice %arg2[%dma_wait3A_74, %dma_wait3A_75] : memref<10000x128xf32, #tpu.memory_space<hbm>> -> memref<10000x128xf32, #tpu.memory_space<hbm>>
      tpu.wait_indirect_dma semaphore(%arg15 : memref<!tpu.dma_semaphore, #tpu.memory_space<semaphore_mem>>) src(%dma_wait3A_76 : memref<10000x128xf32, #tpu.memory_space<hbm>>) dst(%arg11 : memref<80x128xf32, #tpu.memory_space<vmem>>)
      %dma_wait3A_77 = arith.constant 0 : i32
      %dma_wait3A_78 = tpu.memref_slice %arg4[%dma_wait3A_77] : memref<320000xi32, #tpu.memory_space<hbm>> -> memref<80xi32, #tpu.memory_space<hbm>>
      %dma_wait3A_79 = arith.constant 0 : i32
      %dma_wait3A_80 = tpu.memref_slice %arg4[%dma_wait3A_79] : memref<320000xi32, #tpu.memory_space<hbm>> -> memref<80xi32, #tpu.memory_space<hbm>>
      tpu.wait_dma2 semaphore(%arg18 : memref<!tpu.dma_semaphore, #tpu.memory_space<semaphore_mem>>) src(%dma_wait3A_80 : memref<80xi32, #tpu.memory_space<hbm>>) dst(%arg8 : memref<80xi32, #tpu.memory_space<vmem>>)
      "tpu.region"() ({
        %run_scoped3A = tpu.sem_alloc : memref<!tpu.dma_semaphore, #tpu.memory_space<semaphore_mem>>
        %dma_start3A_127 = arith.constant 0 : i32
        %dma_start3A_128 = arith.constant 0 : i32
        %dma_start3A_129 = tpu.memref_slice %arg14[%dma_start3A_127, %dma_start3A_128] : memref<10000x128xf32, #tpu.memory_space<vmem_shared>> -> memref<10000x128xf32, #tpu.memory_space<vmem_shared>>
        tpu.enqueue_indirect_dma source(%arg11 : memref<80x128xf32, #tpu.memory_space<vmem>>) target(%dma_start3A_129 : memref<10000x128xf32, #tpu.memory_space<vmem_shared>>) offsets(%arg8 : memref<80xi32, #tpu.memory_space<vmem>>) semaphore(%run_scoped3A : memref<!tpu.dma_semaphore, #tpu.memory_space<semaphore_mem>>) {add = true}
        %dma_wait3A_130 = arith.constant 0 : i32
        %dma_wait3A_131 = arith.constant 0 : i32
        %dma_wait3A_132 = tpu.memref_slice %arg14[%dma_wait3A_130, %dma_wait3A_131] : memref<10000x128xf32, #tpu.memory_space<vmem_shared>> -> memref<10000x128xf32, #tpu.memory_space<vmem_shared>>
        tpu.wait_indirect_dma semaphore(%run_scoped3A : memref<!tpu.dma_semaphore, #tpu.memory_space<semaphore_mem>>) src(%arg11 : memref<80x128xf32, #tpu.memory_space<vmem>>) dst(%dma_wait3A_132 : memref<10000x128xf32, #tpu.memory_space<vmem_shared>>)
        tpu.yield
      }) : () -> ()
      %add3A_81 = arith.constant 3 : i32
      %add3A_82 = arith.addi %add3A_71, %add3A_81 : i32
      %lt3A = arith.constant 125 : i32
      %lt3A_83 = arith.cmpi slt, %add3A_82, %lt3A : i32
      %convert_element_type3A_84 = arith.extui %lt3A_83 : i1 to i32
      %cond3A_85 = arith.constant 0 : i32
      %cond3A_86 = arith.cmpi ne, %convert_element_type3A_84, %cond3A_85 : i32
      scf.if %cond3A_86 {
        %mul3A_127 = arith.constant 80 : i32
        %mul3A_128 = arith.muli %add3A_82, %mul3A_127 : i32
        %add3A_129 = arith.addi %mul3A_2, %mul3A_128 : i32
        %dma_start3A_130 = tpu.memref_slice %arg4[%add3A_129] : memref<320000xi32, #tpu.memory_space<hbm>> -> memref<80xi32, #tpu.memory_space<hbm>>
        %dma_start3A_131 = tpu.memref_slice %arg4[%add3A_129] : memref<320000xi32, #tpu.memory_space<hbm>> -> memref<80xi32, #tpu.memory_space<hbm>>
        tpu.enqueue_dma source(%dma_start3A_131 : memref<80xi32, #tpu.memory_space<hbm>>) target(%arg8 : memref<80xi32, #tpu.memory_space<vmem>>) target_semaphore(%arg18 : memref<!tpu.dma_semaphore, #tpu.memory_space<semaphore_mem>>)
        %dma_start3A_132 = tpu.memref_slice %arg7[%mul3A_128] : memref<10000xi32, #tpu.memory_space<vmem>> -> memref<80xi32, #tpu.memory_space<vmem>>
        %dma_start3A_133 = arith.constant 0 : i32
        %dma_start3A_134 = arith.constant 0 : i32
        %dma_start3A_135 = tpu.memref_slice %arg2[%dma_start3A_133, %dma_start3A_134] : memref<10000x128xf32, #tpu.memory_space<hbm>> -> memref<10000x128xf32, #tpu.memory_space<hbm>>
        tpu.enqueue_indirect_dma source(%dma_start3A_135 : memref<10000x128xf32, #tpu.memory_space<hbm>>) target(%arg11 : memref<80x128xf32, #tpu.memory_space<vmem>>) offsets(%dma_start3A_132 : memref<80xi32, #tpu.memory_space<vmem>>) semaphore(%arg15 : memref<!tpu.dma_semaphore, #tpu.memory_space<semaphore_mem>>)
      } else {
      }
      %mul3A_87 = arith.constant 3 : i32
      %mul3A_88 = arith.muli %scan3A_67, %mul3A_87 : i32
      %add3A_89 = arith.constant 1 : i32
      %add3A_90 = arith.addi %mul3A_88, %add3A_89 : i32
      %dma_wait3A_91 = arith.constant 0 : i32
      %dma_wait3A_92 = tpu.memref_slice %arg7[%dma_wait3A_91] : memref<10000xi32, #tpu.memory_space<vmem>> -> memref<80xi32, #tpu.memory_space<vmem>>
      %dma_wait3A_93 = arith.constant 0 : i32
      %dma_wait3A_94 = arith.constant 0 : i32
      %dma_wait3A_95 = tpu.memref_slice %arg2[%dma_wait3A_93, %dma_wait3A_94] : memref<10000x128xf32, #tpu.memory_space<hbm>> -> memref<10000x128xf32, #tpu.memory_space<hbm>>
      tpu.wait_indirect_dma semaphore(%arg16 : memref<!tpu.dma_semaphore, #tpu.memory_space<semaphore_mem>>) src(%dma_wait3A_95 : memref<10000x128xf32, #tpu.memory_space<hbm>>) dst(%arg12 : memref<80x128xf32, #tpu.memory_space<vmem>>)
      %dma_wait3A_96 = arith.constant 0 : i32
      %dma_wait3A_97 = tpu.memref_slice %arg4[%dma_wait3A_96] : memref<320000xi32, #tpu.memory_space<hbm>> -> memref<80xi32, #tpu.memory_space<hbm>>
      %dma_wait3A_98 = arith.constant 0 : i32
      %dma_wait3A_99 = tpu.memref_slice %arg4[%dma_wait3A_98] : memref<320000xi32, #tpu.memory_space<hbm>> -> memref<80xi32, #tpu.memory_space<hbm>>
      tpu.wait_dma2 semaphore(%arg19 : memref<!tpu.dma_semaphore, #tpu.memory_space<semaphore_mem>>) src(%dma_wait3A_99 : memref<80xi32, #tpu.memory_space<hbm>>) dst(%arg9 : memref<80xi32, #tpu.memory_space<vmem>>)
      "tpu.region"() ({
        %run_scoped3A = tpu.sem_alloc : memref<!tpu.dma_semaphore, #tpu.memory_space<semaphore_mem>>
        %dma_start3A_127 = arith.constant 0 : i32
        %dma_start3A_128 = arith.constant 0 : i32
        %dma_start3A_129 = tpu.memref_slice %arg14[%dma_start3A_127, %dma_start3A_128] : memref<10000x128xf32, #tpu.memory_space<vmem_shared>> -> memref<10000x128xf32, #tpu.memory_space<vmem_shared>>
        tpu.enqueue_indirect_dma source(%arg12 : memref<80x128xf32, #tpu.memory_space<vmem>>) target(%dma_start3A_129 : memref<10000x128xf32, #tpu.memory_space<vmem_shared>>) offsets(%arg9 : memref<80xi32, #tpu.memory_space<vmem>>) semaphore(%run_scoped3A : memref<!tpu.dma_semaphore, #tpu.memory_space<semaphore_mem>>) {add = true}
        %dma_wait3A_130 = arith.constant 0 : i32
        %dma_wait3A_131 = arith.constant 0 : i32
        %dma_wait3A_132 = tpu.memref_slice %arg14[%dma_wait3A_130, %dma_wait3A_131] : memref<10000x128xf32, #tpu.memory_space<vmem_shared>> -> memref<10000x128xf32, #tpu.memory_space<vmem_shared>>
        tpu.wait_indirect_dma semaphore(%run_scoped3A : memref<!tpu.dma_semaphore, #tpu.memory_space<semaphore_mem>>) src(%arg12 : memref<80x128xf32, #tpu.memory_space<vmem>>) dst(%dma_wait3A_132 : memref<10000x128xf32, #tpu.memory_space<vmem_shared>>)
        tpu.yield
      }) : () -> ()
      %add3A_100 = arith.constant 3 : i32
      %add3A_101 = arith.addi %add3A_90, %add3A_100 : i32
      %lt3A_102 = arith.constant 125 : i32
      %lt3A_103 = arith.cmpi slt, %add3A_101, %lt3A_102 : i32
      %convert_element_type3A_104 = arith.extui %lt3A_103 : i1 to i32
      %cond3A_105 = arith.constant 0 : i32
      %cond3A_106 = arith.cmpi ne, %convert_element_type3A_104, %cond3A_105 : i32
      scf.if %cond3A_106 {
        %mul3A_127 = arith.constant 80 : i32
        %mul3A_128 = arith.muli %add3A_101, %mul3A_127 : i32
        %add3A_129 = arith.addi %mul3A_2, %mul3A_128 : i32
        %dma_start3A_130 = tpu.memref_slice %arg4[%add3A_129] : memref<320000xi32, #tpu.memory_space<hbm>> -> memref<80xi32, #tpu.memory_space<hbm>>
        %dma_start3A_131 = tpu.memref_slice %arg4[%add3A_129] : memref<320000xi32, #tpu.memory_space<hbm>> -> memref<80xi32, #tpu.memory_space<hbm>>
        tpu.enqueue_dma source(%dma_start3A_131 : memref<80xi32, #tpu.memory_space<hbm>>) target(%arg9 : memref<80xi32, #tpu.memory_space<vmem>>) target_semaphore(%arg19 : memref<!tpu.dma_semaphore, #tpu.memory_space<semaphore_mem>>)
        %dma_start3A_132 = tpu.memref_slice %arg7[%mul3A_128] : memref<10000xi32, #tpu.memory_space<vmem>> -> memref<80xi32, #tpu.memory_space<vmem>>
        %dma_start3A_133 = arith.constant 0 : i32
        %dma_start3A_134 = arith.constant 0 : i32
        %dma_start3A_135 = tpu.memref_slice %arg2[%dma_start3A_133, %dma_start3A_134] : memref<10000x128xf32, #tpu.memory_space<hbm>> -> memref<10000x128xf32, #tpu.memory_space<hbm>>
        tpu.enqueue_indirect_dma source(%dma_start3A_135 : memref<10000x128xf32, #tpu.memory_space<hbm>>) target(%arg12 : memref<80x128xf32, #tpu.memory_space<vmem>>) offsets(%dma_start3A_132 : memref<80xi32, #tpu.memory_space<vmem>>) semaphore(%arg16 : memref<!tpu.dma_semaphore, #tpu.memory_space<semaphore_mem>>)
      } else {
      }
      %mul3A_107 = arith.constant 3 : i32
      %mul3A_108 = arith.muli %scan3A_67, %mul3A_107 : i32
      %add3A_109 = arith.constant 2 : i32
      %add3A_110 = arith.addi %mul3A_108, %add3A_109 : i32
      %dma_wait3A_111 = arith.constant 0 : i32
      %dma_wait3A_112 = tpu.memref_slice %arg7[%dma_wait3A_111] : memref<10000xi32, #tpu.memory_space<vmem>> -> memref<80xi32, #tpu.memory_space<vmem>>
      %dma_wait3A_113 = arith.constant 0 : i32
      %dma_wait3A_114 = arith.constant 0 : i32
      %dma_wait3A_115 = tpu.memref_slice %arg2[%dma_wait3A_113, %dma_wait3A_114] : memref<10000x128xf32, #tpu.memory_space<hbm>> -> memref<10000x128xf32, #tpu.memory_space<hbm>>
      tpu.wait_indirect_dma semaphore(%arg17 : memref<!tpu.dma_semaphore, #tpu.memory_space<semaphore_mem>>) src(%dma_wait3A_115 : memref<10000x128xf32, #tpu.memory_space<hbm>>) dst(%arg13 : memref<80x128xf32, #tpu.memory_space<vmem>>)
      %dma_wait3A_116 = arith.constant 0 : i32
      %dma_wait3A_117 = tpu.memref_slice %arg4[%dma_wait3A_116] : memref<320000xi32, #tpu.memory_space<hbm>> -> memref<80xi32, #tpu.memory_space<hbm>>
      %dma_wait3A_118 = arith.constant 0 : i32
      %dma_wait3A_119 = tpu.memref_slice %arg4[%dma_wait3A_118] : memref<320000xi32, #tpu.memory_space<hbm>> -> memref<80xi32, #tpu.memory_space<hbm>>
      tpu.wait_dma2 semaphore(%arg20 : memref<!tpu.dma_semaphore, #tpu.memory_space<semaphore_mem>>) src(%dma_wait3A_119 : memref<80xi32, #tpu.memory_space<hbm>>) dst(%arg10 : memref<80xi32, #tpu.memory_space<vmem>>)
      "tpu.region"() ({
        %run_scoped3A = tpu.sem_alloc : memref<!tpu.dma_semaphore, #tpu.memory_space<semaphore_mem>>
        %dma_start3A_127 = arith.constant 0 : i32
        %dma_start3A_128 = arith.constant 0 : i32
        %dma_start3A_129 = tpu.memref_slice %arg14[%dma_start3A_127, %dma_start3A_128] : memref<10000x128xf32, #tpu.memory_space<vmem_shared>> -> memref<10000x128xf32, #tpu.memory_space<vmem_shared>>
        tpu.enqueue_indirect_dma source(%arg13 : memref<80x128xf32, #tpu.memory_space<vmem>>) target(%dma_start3A_129 : memref<10000x128xf32, #tpu.memory_space<vmem_shared>>) offsets(%arg10 : memref<80xi32, #tpu.memory_space<vmem>>) semaphore(%run_scoped3A : memref<!tpu.dma_semaphore, #tpu.memory_space<semaphore_mem>>) {add = true}
        %dma_wait3A_130 = arith.constant 0 : i32
        %dma_wait3A_131 = arith.constant 0 : i32
        %dma_wait3A_132 = tpu.memref_slice %arg14[%dma_wait3A_130, %dma_wait3A_131] : memref<10000x128xf32, #tpu.memory_space<vmem_shared>> -> memref<10000x128xf32, #tpu.memory_space<vmem_shared>>
        tpu.wait_indirect_dma semaphore(%run_scoped3A : memref<!tpu.dma_semaphore, #tpu.memory_space<semaphore_mem>>) src(%arg13 : memref<80x128xf32, #tpu.memory_space<vmem>>) dst(%dma_wait3A_132 : memref<10000x128xf32, #tpu.memory_space<vmem_shared>>)
        tpu.yield
      }) : () -> ()
      %add3A_120 = arith.constant 3 : i32
      %add3A_121 = arith.addi %add3A_110, %add3A_120 : i32
      %lt3A_122 = arith.constant 125 : i32
      %lt3A_123 = arith.cmpi slt, %add3A_121, %lt3A_122 : i32
      %convert_element_type3A_124 = arith.extui %lt3A_123 : i1 to i32
      %cond3A_125 = arith.constant 0 : i32
      %cond3A_126 = arith.cmpi ne, %convert_element_type3A_124, %cond3A_125 : i32
      scf.if %cond3A_126 {
        %mul3A_127 = arith.constant 80 : i32
        %mul3A_128 = arith.muli %add3A_121, %mul3A_127 : i32
        %add3A_129 = arith.addi %mul3A_2, %mul3A_128 : i32
        %dma_start3A_130 = tpu.memref_slice %arg4[%add3A_129] : memref<320000xi32, #tpu.memory_space<hbm>> -> memref<80xi32, #tpu.memory_space<hbm>>
        %dma_start3A_131 = tpu.memref_slice %arg4[%add3A_129] : memref<320000xi32, #tpu.memory_space<hbm>> -> memref<80xi32, #tpu.memory_space<hbm>>
        tpu.enqueue_dma source(%dma_start3A_131 : memref<80xi32, #tpu.memory_space<hbm>>) target(%arg10 : memref<80xi32, #tpu.memory_space<vmem>>) target_semaphore(%arg20 : memref<!tpu.dma_semaphore, #tpu.memory_space<semaphore_mem>>)
        %dma_start3A_132 = tpu.memref_slice %arg7[%mul3A_128] : memref<10000xi32, #tpu.memory_space<vmem>> -> memref<80xi32, #tpu.memory_space<vmem>>
        %dma_start3A_133 = arith.constant 0 : i32
        %dma_start3A_134 = arith.constant 0 : i32
        %dma_start3A_135 = tpu.memref_slice %arg2[%dma_start3A_133, %dma_start3A_134] : memref<10000x128xf32, #tpu.memory_space<hbm>> -> memref<10000x128xf32, #tpu.memory_space<hbm>>
        tpu.enqueue_indirect_dma source(%dma_start3A_135 : memref<10000x128xf32, #tpu.memory_space<hbm>>) target(%arg13 : memref<80x128xf32, #tpu.memory_space<vmem>>) offsets(%dma_start3A_132 : memref<80xi32, #tpu.memory_space<vmem>>) semaphore(%arg17 : memref<!tpu.dma_semaphore, #tpu.memory_space<semaphore_mem>>)
      } else {
      }
    }
    %scan3A_39 = arith.constant 41 : i32
    %dma_wait3A = arith.constant 0 : i32
    %dma_wait3A_40 = tpu.memref_slice %arg7[%dma_wait3A] : memref<10000xi32, #tpu.memory_space<vmem>> -> memref<80xi32, #tpu.memory_space<vmem>>
    %dma_wait3A_41 = arith.constant 0 : i32
    %dma_wait3A_42 = arith.constant 0 : i32
    %dma_wait3A_43 = tpu.memref_slice %arg2[%dma_wait3A_41, %dma_wait3A_42] : memref<10000x128xf32, #tpu.memory_space<hbm>> -> memref<10000x128xf32, #tpu.memory_space<hbm>>
    tpu.wait_indirect_dma semaphore(%arg15 : memref<!tpu.dma_semaphore, #tpu.memory_space<semaphore_mem>>) src(%dma_wait3A_43 : memref<10000x128xf32, #tpu.memory_space<hbm>>) dst(%arg11 : memref<80x128xf32, #tpu.memory_space<vmem>>)
    %dma_wait3A_44 = arith.constant 0 : i32
    %dma_wait3A_45 = tpu.memref_slice %arg4[%dma_wait3A_44] : memref<320000xi32, #tpu.memory_space<hbm>> -> memref<80xi32, #tpu.memory_space<hbm>>
    %dma_wait3A_46 = arith.constant 0 : i32
    %dma_wait3A_47 = tpu.memref_slice %arg4[%dma_wait3A_46] : memref<320000xi32, #tpu.memory_space<hbm>> -> memref<80xi32, #tpu.memory_space<hbm>>
    tpu.wait_dma2 semaphore(%arg18 : memref<!tpu.dma_semaphore, #tpu.memory_space<semaphore_mem>>) src(%dma_wait3A_47 : memref<80xi32, #tpu.memory_space<hbm>>) dst(%arg8 : memref<80xi32, #tpu.memory_space<vmem>>)
    "tpu.region"() ({
      %run_scoped3A = tpu.sem_alloc : memref<!tpu.dma_semaphore, #tpu.memory_space<semaphore_mem>>
      %dma_start3A_67 = arith.constant 0 : i32
      %dma_start3A_68 = arith.constant 0 : i32
      %dma_start3A_69 = tpu.memref_slice %arg14[%dma_start3A_67, %dma_start3A_68] : memref<10000x128xf32, #tpu.memory_space<vmem_shared>> -> memref<10000x128xf32, #tpu.memory_space<vmem_shared>>
      tpu.enqueue_indirect_dma source(%arg11 : memref<80x128xf32, #tpu.memory_space<vmem>>) target(%dma_start3A_69 : memref<10000x128xf32, #tpu.memory_space<vmem_shared>>) offsets(%arg8 : memref<80xi32, #tpu.memory_space<vmem>>) semaphore(%run_scoped3A : memref<!tpu.dma_semaphore, #tpu.memory_space<semaphore_mem>>) {add = true}
      %dma_wait3A_70 = arith.constant 0 : i32
      %dma_wait3A_71 = arith.constant 0 : i32
      %dma_wait3A_72 = tpu.memref_slice %arg14[%dma_wait3A_70, %dma_wait3A_71] : memref<10000x128xf32, #tpu.memory_space<vmem_shared>> -> memref<10000x128xf32, #tpu.memory_space<vmem_shared>>
      tpu.wait_indirect_dma semaphore(%run_scoped3A : memref<!tpu.dma_semaphore, #tpu.memory_space<semaphore_mem>>) src(%arg11 : memref<80x128xf32, #tpu.memory_space<vmem>>) dst(%dma_wait3A_72 : memref<10000x128xf32, #tpu.memory_space<vmem_shared>>)
      tpu.yield
    }) : () -> ()
    %dma_wait3A_48 = arith.constant 0 : i32
    %dma_wait3A_49 = tpu.memref_slice %arg7[%dma_wait3A_48] : memref<10000xi32, #tpu.memory_space<vmem>> -> memref<80xi32, #tpu.memory_space<vmem>>
    %dma_wait3A_50 = arith.constant 0 : i32
    %dma_wait3A_51 = arith.constant 0 : i32
    %dma_wait3A_52 = tpu.memref_slice %arg2[%dma_wait3A_50, %dma_wait3A_51] : memref<10000x128xf32, #tpu.memory_space<hbm>> -> memref<10000x128xf32, #tpu.memory_space<hbm>>
    tpu.wait_indirect_dma semaphore(%arg16 : memref<!tpu.dma_semaphore, #tpu.memory_space<semaphore_mem>>) src(%dma_wait3A_52 : memref<10000x128xf32, #tpu.memory_space<hbm>>) dst(%arg12 : memref<80x128xf32, #tpu.memory_space<vmem>>)
    %dma_wait3A_53 = arith.constant 0 : i32
    %dma_wait3A_54 = tpu.memref_slice %arg4[%dma_wait3A_53] : memref<320000xi32, #tpu.memory_space<hbm>> -> memref<80xi32, #tpu.memory_space<hbm>>
    %dma_wait3A_55 = arith.constant 0 : i32
    %dma_wait3A_56 = tpu.memref_slice %arg4[%dma_wait3A_55] : memref<320000xi32, #tpu.memory_space<hbm>> -> memref<80xi32, #tpu.memory_space<hbm>>
    tpu.wait_dma2 semaphore(%arg19 : memref<!tpu.dma_semaphore, #tpu.memory_space<semaphore_mem>>) src(%dma_wait3A_56 : memref<80xi32, #tpu.memory_space<hbm>>) dst(%arg9 : memref<80xi32, #tpu.memory_space<vmem>>)
    "tpu.region"() ({
      %run_scoped3A = tpu.sem_alloc : memref<!tpu.dma_semaphore, #tpu.memory_space<semaphore_mem>>
      %dma_start3A_67 = arith.constant 0 : i32
      %dma_start3A_68 = arith.constant 0 : i32
      %dma_start3A_69 = tpu.memref_slice %arg14[%dma_start3A_67, %dma_start3A_68] : memref<10000x128xf32, #tpu.memory_space<vmem_shared>> -> memref<10000x128xf32, #tpu.memory_space<vmem_shared>>
      tpu.enqueue_indirect_dma source(%arg12 : memref<80x128xf32, #tpu.memory_space<vmem>>) target(%dma_start3A_69 : memref<10000x128xf32, #tpu.memory_space<vmem_shared>>) offsets(%arg9 : memref<80xi32, #tpu.memory_space<vmem>>) semaphore(%run_scoped3A : memref<!tpu.dma_semaphore, #tpu.memory_space<semaphore_mem>>) {add = true}
      %dma_wait3A_70 = arith.constant 0 : i32
      %dma_wait3A_71 = arith.constant 0 : i32
      %dma_wait3A_72 = tpu.memref_slice %arg14[%dma_wait3A_70, %dma_wait3A_71] : memref<10000x128xf32, #tpu.memory_space<vmem_shared>> -> memref<10000x128xf32, #tpu.memory_space<vmem_shared>>
      tpu.wait_indirect_dma semaphore(%run_scoped3A : memref<!tpu.dma_semaphore, #tpu.memory_space<semaphore_mem>>) src(%arg12 : memref<80x128xf32, #tpu.memory_space<vmem>>) dst(%dma_wait3A_72 : memref<10000x128xf32, #tpu.memory_space<vmem_shared>>)
      tpu.yield
    }) : () -> ()
    %barrier3A_57 = arith.constant 0 : index
    tpu.barrier barrier_id(%barrier3A_57)
    %mul3A_58 = arith.constant 624 : i32
    %mul3A_59 = arith.muli %arg1, %mul3A_58 : i32
    %mul3A_60 = arith.constant 624 : i32
    %mul3A_61 = arith.muli %arg1, %mul3A_60 : i32
    "tpu.region"() ({
      %run_scoped3A = tpu.sem_alloc : memref<!tpu.dma_semaphore, #tpu.memory_space<semaphore_mem>>
      %dma_start3A_67 = arith.constant 0 : i32
      %dma_start3A_68 = arith.constant 0 : i32
      %dma_start3A_69 = tpu.memref_slice %arg6[%arg0, %dma_start3A_67, %dma_start3A_68] : memref<2x10000x128xf32, #tpu.memory_space<hbm>> -> memref<1x10000x128xf32, #tpu.memory_space<hbm>>
      %dma_start3A_70 = tpu.memref_squeeze %dma_start3A_69 : memref<1x10000x128xf32, #tpu.memory_space<hbm>> -> memref<10000x128xf32, #tpu.memory_space<hbm>>
      %dma_start3A_71 = arith.constant 0 : i32
      %dma_start3A_72 = tpu.memref_slice %dma_start3A_70[%mul3A_61, %dma_start3A_71] : memref<10000x128xf32, #tpu.memory_space<hbm>> -> memref<624x128xf32, #tpu.memory_space<hbm>>
      %dma_start3A_73 = arith.constant 0 : i32
      %dma_start3A_74 = tpu.memref_slice %arg14[%mul3A_59, %dma_start3A_73] : memref<10000x128xf32, #tpu.memory_space<vmem_shared>> -> memref<624x128xf32, #tpu.memory_space<vmem_shared>>
      tpu.enqueue_dma source(%dma_start3A_74 : memref<624x128xf32, #tpu.memory_space<vmem_shared>>) target(%dma_start3A_72 : memref<624x128xf32, #tpu.memory_space<hbm>>) target_semaphore(%run_scoped3A : memref<!tpu.dma_semaphore, #tpu.memory_space<semaphore_mem>>)
      %dma_wait3A_75 = arith.constant 0 : i32
      %dma_wait3A_76 = arith.constant 0 : i32
      %dma_wait3A_77 = tpu.memref_slice %arg6[%arg0, %dma_wait3A_75, %dma_wait3A_76] : memref<2x10000x128xf32, #tpu.memory_space<hbm>> -> memref<1x10000x128xf32, #tpu.memory_space<hbm>>
      %dma_wait3A_78 = tpu.memref_squeeze %dma_wait3A_77 : memref<1x10000x128xf32, #tpu.memory_space<hbm>> -> memref<10000x128xf32, #tpu.memory_space<hbm>>
      %dma_wait3A_79 = arith.constant 0 : i32
      %dma_wait3A_80 = tpu.memref_slice %dma_wait3A_78[%mul3A_61, %dma_wait3A_79] : memref<10000x128xf32, #tpu.memory_space<hbm>> -> memref<624x128xf32, #tpu.memory_space<hbm>>
      %dma_wait3A_81 = arith.constant 0 : i32
      %dma_wait3A_82 = tpu.memref_slice %arg14[%mul3A_59, %dma_wait3A_81] : memref<10000x128xf32, #tpu.memory_space<vmem_shared>> -> memref<624x128xf32, #tpu.memory_space<vmem_shared>>
      tpu.wait_dma2 semaphore(%run_scoped3A : memref<!tpu.dma_semaphore, #tpu.memory_space<semaphore_mem>>) src(%dma_wait3A_82 : memref<624x128xf32, #tpu.memory_space<vmem_shared>>) dst(%dma_wait3A_80 : memref<624x128xf32, #tpu.memory_space<hbm>>)
      tpu.yield
    }) : () -> ()
    %eq3A_62 = arith.constant 0 : i32
    %eq3A_63 = arith.cmpi eq, %arg1, %eq3A_62 : i32
    %convert_element_type3A_64 = arith.extui %eq3A_63 : i1 to i32
    %cond3A_65 = arith.constant 0 : i32
    %cond3A_66 = arith.cmpi ne, %convert_element_type3A_64, %cond3A_65 : i32
    scf.if %cond3A_66 {
      "tpu.region"() ({
        %run_scoped3A = tpu.sem_alloc : memref<!tpu.dma_semaphore, #tpu.memory_space<semaphore_mem>>
        %dma_start3A_67 = arith.constant 0 : i32
        %dma_start3A_68 = arith.constant 0 : i32
        %dma_start3A_69 = tpu.memref_slice %arg6[%arg0, %dma_start3A_67, %dma_start3A_68] : memref<2x10000x128xf32, #tpu.memory_space<hbm>> -> memref<1x10000x128xf32, #tpu.memory_space<hbm>>
        %dma_start3A_70 = tpu.memref_squeeze %dma_start3A_69 : memref<1x10000x128xf32, #tpu.memory_space<hbm>> -> memref<10000x128xf32, #tpu.memory_space<hbm>>
        %dma_start3A_71 = arith.constant 9984 : i32
        %dma_start3A_72 = arith.constant 0 : i32
        %dma_start3A_73 = tpu.memref_slice %dma_start3A_70[%dma_start3A_71, %dma_start3A_72] : memref<10000x128xf32, #tpu.memory_space<hbm>> -> memref<16x128xf32, #tpu.memory_space<hbm>>
        %dma_start3A_74 = arith.constant 9984 : i32
        %dma_start3A_75 = arith.constant 0 : i32
        %dma_start3A_76 = tpu.memref_slice %arg14[%dma_start3A_74, %dma_start3A_75] : memref<10000x128xf32, #tpu.memory_space<vmem_shared>> -> memref<16x128xf32, #tpu.memory_space<vmem_shared>>
        tpu.enqueue_dma source(%dma_start3A_76 : memref<16x128xf32, #tpu.memory_space<vmem_shared>>) target(%dma_start3A_73 : memref<16x128xf32, #tpu.memory_space<hbm>>) target_semaphore(%run_scoped3A : memref<!tpu.dma_semaphore, #tpu.memory_space<semaphore_mem>>)
        %dma_wait3A_77 = arith.constant 0 : i32
        %dma_wait3A_78 = arith.constant 0 : i32
        %dma_wait3A_79 = tpu.memref_slice %arg6[%arg0, %dma_wait3A_77, %dma_wait3A_78] : memref<2x10000x128xf32, #tpu.memory_space<hbm>> -> memref<1x10000x128xf32, #tpu.memory_space<hbm>>
        %dma_wait3A_80 = tpu.memref_squeeze %dma_wait3A_79 : memref<1x10000x128xf32, #tpu.memory_space<hbm>> -> memref<10000x128xf32, #tpu.memory_space<hbm>>
        %dma_wait3A_81 = arith.constant 9984 : i32
        %dma_wait3A_82 = arith.constant 0 : i32
        %dma_wait3A_83 = tpu.memref_slice %dma_wait3A_80[%dma_wait3A_81, %dma_wait3A_82] : memref<10000x128xf32, #tpu.memory_space<hbm>> -> memref<16x128xf32, #tpu.memory_space<hbm>>
        %dma_wait3A_84 = arith.constant 9984 : i32
        %dma_wait3A_85 = arith.constant 0 : i32
        %dma_wait3A_86 = tpu.memref_slice %arg14[%dma_wait3A_84, %dma_wait3A_85] : memref<10000x128xf32, #tpu.memory_space<vmem_shared>> -> memref<16x128xf32, #tpu.memory_space<vmem_shared>>
        tpu.wait_dma2 semaphore(%run_scoped3A : memref<!tpu.dma_semaphore, #tpu.memory_space<semaphore_mem>>) src(%dma_wait3A_86 : memref<16x128xf32, #tpu.memory_space<vmem_shared>>) dst(%dma_wait3A_83 : memref<16x128xf32, #tpu.memory_space<hbm>>)
        tpu.yield
      }) : () -> ()
    } else {
    }
    return
  }
}

#map = affine_map<(d0, d1) -> (0)>
#map1 = affine_map<(d0, d1) -> (0, 0)>
#map2 = affine_map<(d0, d1) -> (0, 0, 0)>
module attributes {stable_mosaic.version = 14 : i64} {
  func.func @_deg_body(%arg0: i32, %arg1: i32, %arg2: memref<320000xi32, #tpu.memory_space<hbm>>, %arg3: memref<80x128xf32, #tpu.memory_space<hbm>>, %arg4: memref<10000x128xf32, #tpu.memory_space<hbm>>, %arg5: memref<2x10000x128xf32, #tpu.memory_space<hbm>>, %arg6: memref<80xi32, #tpu.memory_space<vmem>>, %arg7: memref<80xi32, #tpu.memory_space<vmem>>, %arg8: memref<80xi32, #tpu.memory_space<vmem>>, %arg9: memref<80xi32, #tpu.memory_space<vmem>>, %arg10: memref<80xi32, #tpu.memory_space<vmem>>, %arg11: memref<80x128xf32, #tpu.memory_space<vmem>>, %arg12: memref<10000x128xf32, #tpu.memory_space<vmem_shared>>, %arg13: memref<!tpu.dma_semaphore, #tpu.memory_space<semaphore_mem>>, %arg14: memref<!tpu.dma_semaphore, #tpu.memory_space<semaphore_mem>>, %arg15: memref<!tpu.dma_semaphore, #tpu.memory_space<semaphore_mem>>, %arg16: memref<!tpu.dma_semaphore, #tpu.memory_space<semaphore_mem>>, %arg17: memref<!tpu.dma_semaphore, #tpu.memory_space<semaphore_mem>>) attributes {dimension_semantics = [#tpu.dimension_semantics<core_parallel>, #tpu.dimension_semantics<subcore_parallel>], iteration_bounds = array<i64: 2, 16>, scalar_prefetch = 0 : i64, scratch_operands = 12 : i64, tpu.core_type = #tpu.core_type<sc_vector_subcore>, window_params = [{transform_indices = #map}, {transform_indices = #map1}, {transform_indices = #map1}, {transform_indices = #map2}]} {
    %mul3A = arith.constant 2 : i32
    %mul3A_0 = arith.muli %arg1, %mul3A : i32
    %add3A = arith.addi %mul3A_0, %arg0 : i32
    %mul3A_1 = arith.constant 10000 : i32
    %mul3A_2 = arith.muli %add3A, %mul3A_1 : i32
    "tpu.region"() ({
      %run_scoped3A = tpu.sem_alloc : memref<!tpu.dma_semaphore, #tpu.memory_space<semaphore_mem>>
      tpu.enqueue_dma source(%arg3 : memref<80x128xf32, #tpu.memory_space<hbm>>) target(%arg11 : memref<80x128xf32, #tpu.memory_space<vmem>>) target_semaphore(%run_scoped3A : memref<!tpu.dma_semaphore, #tpu.memory_space<semaphore_mem>>)
      tpu.wait_dma2 semaphore(%run_scoped3A : memref<!tpu.dma_semaphore, #tpu.memory_space<semaphore_mem>>) src(%arg3 : memref<80x128xf32, #tpu.memory_space<hbm>>) dst(%arg11 : memref<80x128xf32, #tpu.memory_space<vmem>>)
      tpu.yield
    }) : () -> ()
    %add3A_3 = arith.constant 0 : i32
    %add3A_4 = arith.addi %mul3A_2, %add3A_3 : i32
    %dma_start3A = tpu.memref_slice %arg2[%add3A_4] : memref<320000xi32, #tpu.memory_space<hbm>> -> memref<80xi32, #tpu.memory_space<hbm>>
    %dma_start3A_5 = tpu.memref_slice %arg2[%add3A_4] : memref<320000xi32, #tpu.memory_space<hbm>> -> memref<80xi32, #tpu.memory_space<hbm>>
    tpu.enqueue_dma source(%dma_start3A_5 : memref<80xi32, #tpu.memory_space<hbm>>) target(%arg6 : memref<80xi32, #tpu.memory_space<vmem>>) target_semaphore(%arg13 : memref<!tpu.dma_semaphore, #tpu.memory_space<semaphore_mem>>)
    %add3A_6 = arith.constant 80 : i32
    %add3A_7 = arith.addi %mul3A_2, %add3A_6 : i32
    %dma_start3A_8 = tpu.memref_slice %arg2[%add3A_7] : memref<320000xi32, #tpu.memory_space<hbm>> -> memref<80xi32, #tpu.memory_space<hbm>>
    %dma_start3A_9 = tpu.memref_slice %arg2[%add3A_7] : memref<320000xi32, #tpu.memory_space<hbm>> -> memref<80xi32, #tpu.memory_space<hbm>>
    tpu.enqueue_dma source(%dma_start3A_9 : memref<80xi32, #tpu.memory_space<hbm>>) target(%arg7 : memref<80xi32, #tpu.memory_space<vmem>>) target_semaphore(%arg14 : memref<!tpu.dma_semaphore, #tpu.memory_space<semaphore_mem>>)
    %add3A_10 = arith.constant 160 : i32
    %add3A_11 = arith.addi %mul3A_2, %add3A_10 : i32
    %dma_start3A_12 = tpu.memref_slice %arg2[%add3A_11] : memref<320000xi32, #tpu.memory_space<hbm>> -> memref<80xi32, #tpu.memory_space<hbm>>
    %dma_start3A_13 = tpu.memref_slice %arg2[%add3A_11] : memref<320000xi32, #tpu.memory_space<hbm>> -> memref<80xi32, #tpu.memory_space<hbm>>
    tpu.enqueue_dma source(%dma_start3A_13 : memref<80xi32, #tpu.memory_space<hbm>>) target(%arg8 : memref<80xi32, #tpu.memory_space<vmem>>) target_semaphore(%arg15 : memref<!tpu.dma_semaphore, #tpu.memory_space<semaphore_mem>>)
    %add3A_14 = arith.constant 240 : i32
    %add3A_15 = arith.addi %mul3A_2, %add3A_14 : i32
    %dma_start3A_16 = tpu.memref_slice %arg2[%add3A_15] : memref<320000xi32, #tpu.memory_space<hbm>> -> memref<80xi32, #tpu.memory_space<hbm>>
    %dma_start3A_17 = tpu.memref_slice %arg2[%add3A_15] : memref<320000xi32, #tpu.memory_space<hbm>> -> memref<80xi32, #tpu.memory_space<hbm>>
    tpu.enqueue_dma source(%dma_start3A_17 : memref<80xi32, #tpu.memory_space<hbm>>) target(%arg9 : memref<80xi32, #tpu.memory_space<vmem>>) target_semaphore(%arg16 : memref<!tpu.dma_semaphore, #tpu.memory_space<semaphore_mem>>)
    %add3A_18 = arith.constant 320 : i32
    %add3A_19 = arith.addi %mul3A_2, %add3A_18 : i32
    %dma_start3A_20 = tpu.memref_slice %arg2[%add3A_19] : memref<320000xi32, #tpu.memory_space<hbm>> -> memref<80xi32, #tpu.memory_space<hbm>>
    %dma_start3A_21 = tpu.memref_slice %arg2[%add3A_19] : memref<320000xi32, #tpu.memory_space<hbm>> -> memref<80xi32, #tpu.memory_space<hbm>>
    tpu.enqueue_dma source(%dma_start3A_21 : memref<80xi32, #tpu.memory_space<hbm>>) target(%arg10 : memref<80xi32, #tpu.memory_space<vmem>>) target_semaphore(%arg17 : memref<!tpu.dma_semaphore, #tpu.memory_space<semaphore_mem>>)
    %mul3A_22 = arith.constant 624 : i32
    %mul3A_23 = arith.muli %arg1, %mul3A_22 : i32
    %mul3A_24 = arith.constant 624 : i32
    %mul3A_25 = arith.muli %arg1, %mul3A_24 : i32
    "tpu.region"() ({
      %run_scoped3A = tpu.sem_alloc : memref<!tpu.dma_semaphore, #tpu.memory_space<semaphore_mem>>
      %dma_start3A_43 = arith.constant 0 : i32
      %dma_start3A_44 = tpu.memref_slice %arg12[%mul3A_25, %dma_start3A_43] : memref<10000x128xf32, #tpu.memory_space<vmem_shared>> -> memref<624x128xf32, #tpu.memory_space<vmem_shared>>
      %dma_start3A_45 = arith.constant 0 : i32
      %dma_start3A_46 = tpu.memref_slice %arg4[%mul3A_23, %dma_start3A_45] : memref<10000x128xf32, #tpu.memory_space<hbm>> -> memref<624x128xf32, #tpu.memory_space<hbm>>
      tpu.enqueue_dma source(%dma_start3A_46 : memref<624x128xf32, #tpu.memory_space<hbm>>) target(%dma_start3A_44 : memref<624x128xf32, #tpu.memory_space<vmem_shared>>) target_semaphore(%run_scoped3A : memref<!tpu.dma_semaphore, #tpu.memory_space<semaphore_mem>>)
      %dma_wait3A = arith.constant 0 : i32
      %dma_wait3A_47 = tpu.memref_slice %arg12[%mul3A_25, %dma_wait3A] : memref<10000x128xf32, #tpu.memory_space<vmem_shared>> -> memref<624x128xf32, #tpu.memory_space<vmem_shared>>
      %dma_wait3A_48 = arith.constant 0 : i32
      %dma_wait3A_49 = tpu.memref_slice %arg4[%mul3A_23, %dma_wait3A_48] : memref<10000x128xf32, #tpu.memory_space<hbm>> -> memref<624x128xf32, #tpu.memory_space<hbm>>
      tpu.wait_dma2 semaphore(%run_scoped3A : memref<!tpu.dma_semaphore, #tpu.memory_space<semaphore_mem>>) src(%dma_wait3A_49 : memref<624x128xf32, #tpu.memory_space<hbm>>) dst(%dma_wait3A_47 : memref<624x128xf32, #tpu.memory_space<vmem_shared>>)
      tpu.yield
    }) : () -> ()
    %eq3A = arith.constant 0 : i32
    %eq3A_26 = arith.cmpi eq, %arg1, %eq3A : i32
    %convert_element_type3A = arith.extui %eq3A_26 : i1 to i32
    %cond3A = arith.constant 0 : i32
    %cond3A_27 = arith.cmpi ne, %convert_element_type3A, %cond3A : i32
    scf.if %cond3A_27 {
      "tpu.region"() ({
        %run_scoped3A = tpu.sem_alloc : memref<!tpu.dma_semaphore, #tpu.memory_space<semaphore_mem>>
        %dma_start3A_43 = arith.constant 9984 : i32
        %dma_start3A_44 = arith.constant 0 : i32
        %dma_start3A_45 = tpu.memref_slice %arg12[%dma_start3A_43, %dma_start3A_44] : memref<10000x128xf32, #tpu.memory_space<vmem_shared>> -> memref<16x128xf32, #tpu.memory_space<vmem_shared>>
        %dma_start3A_46 = arith.constant 9984 : i32
        %dma_start3A_47 = arith.constant 0 : i32
        %dma_start3A_48 = tpu.memref_slice %arg4[%dma_start3A_46, %dma_start3A_47] : memref<10000x128xf32, #tpu.memory_space<hbm>> -> memref<16x128xf32, #tpu.memory_space<hbm>>
        tpu.enqueue_dma source(%dma_start3A_48 : memref<16x128xf32, #tpu.memory_space<hbm>>) target(%dma_start3A_45 : memref<16x128xf32, #tpu.memory_space<vmem_shared>>) target_semaphore(%run_scoped3A : memref<!tpu.dma_semaphore, #tpu.memory_space<semaphore_mem>>)
        %dma_wait3A = arith.constant 9984 : i32
        %dma_wait3A_49 = arith.constant 0 : i32
        %dma_wait3A_50 = tpu.memref_slice %arg12[%dma_wait3A, %dma_wait3A_49] : memref<10000x128xf32, #tpu.memory_space<vmem_shared>> -> memref<16x128xf32, #tpu.memory_space<vmem_shared>>
        %dma_wait3A_51 = arith.constant 9984 : i32
        %dma_wait3A_52 = arith.constant 0 : i32
        %dma_wait3A_53 = tpu.memref_slice %arg4[%dma_wait3A_51, %dma_wait3A_52] : memref<10000x128xf32, #tpu.memory_space<hbm>> -> memref<16x128xf32, #tpu.memory_space<hbm>>
        tpu.wait_dma2 semaphore(%run_scoped3A : memref<!tpu.dma_semaphore, #tpu.memory_space<semaphore_mem>>) src(%dma_wait3A_53 : memref<16x128xf32, #tpu.memory_space<hbm>>) dst(%dma_wait3A_50 : memref<16x128xf32, #tpu.memory_space<vmem_shared>>)
        tpu.yield
      }) : () -> ()
    } else {
    }
    %barrier3A = arith.constant 0 : index
    tpu.barrier barrier_id(%barrier3A)
    %scan3A = arith.constant 0 : i32
    %scan3A_28 = arith.constant 0 : i32
    %scan3A_29 = arith.constant 25 : i32
    %scan3A_30 = arith.addi %scan3A_28, %scan3A_29 : i32
    %scan3A_31 = arith.constant 1 : i32
    scf.for %scan3A_43 = %scan3A_28 to %scan3A_30 step %scan3A_31  : i32 {
      %mul3A_44 = arith.constant 5 : i32
      %mul3A_45 = arith.muli %scan3A_43, %mul3A_44 : i32
      %add3A_46 = arith.constant 0 : i32
      %add3A_47 = arith.addi %mul3A_45, %add3A_46 : i32
      %dma_wait3A = arith.constant 0 : i32
      %dma_wait3A_48 = tpu.memref_slice %arg2[%dma_wait3A] : memref<320000xi32, #tpu.memory_space<hbm>> -> memref<80xi32, #tpu.memory_space<hbm>>
      %dma_wait3A_49 = arith.constant 0 : i32
      %dma_wait3A_50 = tpu.memref_slice %arg2[%dma_wait3A_49] : memref<320000xi32, #tpu.memory_space<hbm>> -> memref<80xi32, #tpu.memory_space<hbm>>
      tpu.wait_dma2 semaphore(%arg13 : memref<!tpu.dma_semaphore, #tpu.memory_space<semaphore_mem>>) src(%dma_wait3A_50 : memref<80xi32, #tpu.memory_space<hbm>>) dst(%arg6 : memref<80xi32, #tpu.memory_space<vmem>>)
      "tpu.region"() ({
        %run_scoped3A = tpu.sem_alloc : memref<!tpu.dma_semaphore, #tpu.memory_space<semaphore_mem>>
        %dma_start3A_117 = arith.constant 0 : i32
        %dma_start3A_118 = arith.constant 0 : i32
        %dma_start3A_119 = tpu.memref_slice %arg12[%dma_start3A_117, %dma_start3A_118] : memref<10000x128xf32, #tpu.memory_space<vmem_shared>> -> memref<10000x128xf32, #tpu.memory_space<vmem_shared>>
        tpu.enqueue_indirect_dma source(%arg11 : memref<80x128xf32, #tpu.memory_space<vmem>>) target(%dma_start3A_119 : memref<10000x128xf32, #tpu.memory_space<vmem_shared>>) offsets(%arg6 : memref<80xi32, #tpu.memory_space<vmem>>) semaphore(%run_scoped3A : memref<!tpu.dma_semaphore, #tpu.memory_space<semaphore_mem>>) {add = true}
        %dma_wait3A_120 = arith.constant 0 : i32
        %dma_wait3A_121 = arith.constant 0 : i32
        %dma_wait3A_122 = tpu.memref_slice %arg12[%dma_wait3A_120, %dma_wait3A_121] : memref<10000x128xf32, #tpu.memory_space<vmem_shared>> -> memref<10000x128xf32, #tpu.memory_space<vmem_shared>>
        tpu.wait_indirect_dma semaphore(%run_scoped3A : memref<!tpu.dma_semaphore, #tpu.memory_space<semaphore_mem>>) src(%arg11 : memref<80x128xf32, #tpu.memory_space<vmem>>) dst(%dma_wait3A_122 : memref<10000x128xf32, #tpu.memory_space<vmem_shared>>)
        tpu.yield
      }) : () -> ()
      %add3A_51 = arith.constant 5 : i32
      %add3A_52 = arith.addi %add3A_47, %add3A_51 : i32
      %lt3A = arith.constant 125 : i32
      %lt3A_53 = arith.cmpi slt, %add3A_52, %lt3A : i32
      %convert_element_type3A_54 = arith.extui %lt3A_53 : i1 to i32
      %cond3A_55 = arith.constant 0 : i32
      %cond3A_56 = arith.cmpi ne, %convert_element_type3A_54, %cond3A_55 : i32
      scf.if %cond3A_56 {
        %mul3A_117 = arith.constant 80 : i32
        %mul3A_118 = arith.muli %add3A_52, %mul3A_117 : i32
        %add3A_119 = arith.addi %mul3A_2, %mul3A_118 : i32
        %dma_start3A_120 = tpu.memref_slice %arg2[%add3A_119] : memref<320000xi32, #tpu.memory_space<hbm>> -> memref<80xi32, #tpu.memory_space<hbm>>
        %dma_start3A_121 = tpu.memref_slice %arg2[%add3A_119] : memref<320000xi32, #tpu.memory_space<hbm>> -> memref<80xi32, #tpu.memory_space<hbm>>
        tpu.enqueue_dma source(%dma_start3A_121 : memref<80xi32, #tpu.memory_space<hbm>>) target(%arg6 : memref<80xi32, #tpu.memory_space<vmem>>) target_semaphore(%arg13 : memref<!tpu.dma_semaphore, #tpu.memory_space<semaphore_mem>>)
      } else {
      }
      %mul3A_57 = arith.constant 5 : i32
      %mul3A_58 = arith.muli %scan3A_43, %mul3A_57 : i32
      %add3A_59 = arith.constant 1 : i32
      %add3A_60 = arith.addi %mul3A_58, %add3A_59 : i32
      %dma_wait3A_61 = arith.constant 0 : i32
      %dma_wait3A_62 = tpu.memref_slice %arg2[%dma_wait3A_61] : memref<320000xi32, #tpu.memory_space<hbm>> -> memref<80xi32, #tpu.memory_space<hbm>>
      %dma_wait3A_63 = arith.constant 0 : i32
      %dma_wait3A_64 = tpu.memref_slice %arg2[%dma_wait3A_63] : memref<320000xi32, #tpu.memory_space<hbm>> -> memref<80xi32, #tpu.memory_space<hbm>>
      tpu.wait_dma2 semaphore(%arg14 : memref<!tpu.dma_semaphore, #tpu.memory_space<semaphore_mem>>) src(%dma_wait3A_64 : memref<80xi32, #tpu.memory_space<hbm>>) dst(%arg7 : memref<80xi32, #tpu.memory_space<vmem>>)
      "tpu.region"() ({
        %run_scoped3A = tpu.sem_alloc : memref<!tpu.dma_semaphore, #tpu.memory_space<semaphore_mem>>
        %dma_start3A_117 = arith.constant 0 : i32
        %dma_start3A_118 = arith.constant 0 : i32
        %dma_start3A_119 = tpu.memref_slice %arg12[%dma_start3A_117, %dma_start3A_118] : memref<10000x128xf32, #tpu.memory_space<vmem_shared>> -> memref<10000x128xf32, #tpu.memory_space<vmem_shared>>
        tpu.enqueue_indirect_dma source(%arg11 : memref<80x128xf32, #tpu.memory_space<vmem>>) target(%dma_start3A_119 : memref<10000x128xf32, #tpu.memory_space<vmem_shared>>) offsets(%arg7 : memref<80xi32, #tpu.memory_space<vmem>>) semaphore(%run_scoped3A : memref<!tpu.dma_semaphore, #tpu.memory_space<semaphore_mem>>) {add = true}
        %dma_wait3A_120 = arith.constant 0 : i32
        %dma_wait3A_121 = arith.constant 0 : i32
        %dma_wait3A_122 = tpu.memref_slice %arg12[%dma_wait3A_120, %dma_wait3A_121] : memref<10000x128xf32, #tpu.memory_space<vmem_shared>> -> memref<10000x128xf32, #tpu.memory_space<vmem_shared>>
        tpu.wait_indirect_dma semaphore(%run_scoped3A : memref<!tpu.dma_semaphore, #tpu.memory_space<semaphore_mem>>) src(%arg11 : memref<80x128xf32, #tpu.memory_space<vmem>>) dst(%dma_wait3A_122 : memref<10000x128xf32, #tpu.memory_space<vmem_shared>>)
        tpu.yield
      }) : () -> ()
      %add3A_65 = arith.constant 5 : i32
      %add3A_66 = arith.addi %add3A_60, %add3A_65 : i32
      %lt3A_67 = arith.constant 125 : i32
      %lt3A_68 = arith.cmpi slt, %add3A_66, %lt3A_67 : i32
      %convert_element_type3A_69 = arith.extui %lt3A_68 : i1 to i32
      %cond3A_70 = arith.constant 0 : i32
      %cond3A_71 = arith.cmpi ne, %convert_element_type3A_69, %cond3A_70 : i32
      scf.if %cond3A_71 {
        %mul3A_117 = arith.constant 80 : i32
        %mul3A_118 = arith.muli %add3A_66, %mul3A_117 : i32
        %add3A_119 = arith.addi %mul3A_2, %mul3A_118 : i32
        %dma_start3A_120 = tpu.memref_slice %arg2[%add3A_119] : memref<320000xi32, #tpu.memory_space<hbm>> -> memref<80xi32, #tpu.memory_space<hbm>>
        %dma_start3A_121 = tpu.memref_slice %arg2[%add3A_119] : memref<320000xi32, #tpu.memory_space<hbm>> -> memref<80xi32, #tpu.memory_space<hbm>>
        tpu.enqueue_dma source(%dma_start3A_121 : memref<80xi32, #tpu.memory_space<hbm>>) target(%arg7 : memref<80xi32, #tpu.memory_space<vmem>>) target_semaphore(%arg14 : memref<!tpu.dma_semaphore, #tpu.memory_space<semaphore_mem>>)
      } else {
      }
      %mul3A_72 = arith.constant 5 : i32
      %mul3A_73 = arith.muli %scan3A_43, %mul3A_72 : i32
      %add3A_74 = arith.constant 2 : i32
      %add3A_75 = arith.addi %mul3A_73, %add3A_74 : i32
      %dma_wait3A_76 = arith.constant 0 : i32
      %dma_wait3A_77 = tpu.memref_slice %arg2[%dma_wait3A_76] : memref<320000xi32, #tpu.memory_space<hbm>> -> memref<80xi32, #tpu.memory_space<hbm>>
      %dma_wait3A_78 = arith.constant 0 : i32
      %dma_wait3A_79 = tpu.memref_slice %arg2[%dma_wait3A_78] : memref<320000xi32, #tpu.memory_space<hbm>> -> memref<80xi32, #tpu.memory_space<hbm>>
      tpu.wait_dma2 semaphore(%arg15 : memref<!tpu.dma_semaphore, #tpu.memory_space<semaphore_mem>>) src(%dma_wait3A_79 : memref<80xi32, #tpu.memory_space<hbm>>) dst(%arg8 : memref<80xi32, #tpu.memory_space<vmem>>)
      "tpu.region"() ({
        %run_scoped3A = tpu.sem_alloc : memref<!tpu.dma_semaphore, #tpu.memory_space<semaphore_mem>>
        %dma_start3A_117 = arith.constant 0 : i32
        %dma_start3A_118 = arith.constant 0 : i32
        %dma_start3A_119 = tpu.memref_slice %arg12[%dma_start3A_117, %dma_start3A_118] : memref<10000x128xf32, #tpu.memory_space<vmem_shared>> -> memref<10000x128xf32, #tpu.memory_space<vmem_shared>>
        tpu.enqueue_indirect_dma source(%arg11 : memref<80x128xf32, #tpu.memory_space<vmem>>) target(%dma_start3A_119 : memref<10000x128xf32, #tpu.memory_space<vmem_shared>>) offsets(%arg8 : memref<80xi32, #tpu.memory_space<vmem>>) semaphore(%run_scoped3A : memref<!tpu.dma_semaphore, #tpu.memory_space<semaphore_mem>>) {add = true}
        %dma_wait3A_120 = arith.constant 0 : i32
        %dma_wait3A_121 = arith.constant 0 : i32
        %dma_wait3A_122 = tpu.memref_slice %arg12[%dma_wait3A_120, %dma_wait3A_121] : memref<10000x128xf32, #tpu.memory_space<vmem_shared>> -> memref<10000x128xf32, #tpu.memory_space<vmem_shared>>
        tpu.wait_indirect_dma semaphore(%run_scoped3A : memref<!tpu.dma_semaphore, #tpu.memory_space<semaphore_mem>>) src(%arg11 : memref<80x128xf32, #tpu.memory_space<vmem>>) dst(%dma_wait3A_122 : memref<10000x128xf32, #tpu.memory_space<vmem_shared>>)
        tpu.yield
      }) : () -> ()
      %add3A_80 = arith.constant 5 : i32
      %add3A_81 = arith.addi %add3A_75, %add3A_80 : i32
      %lt3A_82 = arith.constant 125 : i32
      %lt3A_83 = arith.cmpi slt, %add3A_81, %lt3A_82 : i32
      %convert_element_type3A_84 = arith.extui %lt3A_83 : i1 to i32
      %cond3A_85 = arith.constant 0 : i32
      %cond3A_86 = arith.cmpi ne, %convert_element_type3A_84, %cond3A_85 : i32
      scf.if %cond3A_86 {
        %mul3A_117 = arith.constant 80 : i32
        %mul3A_118 = arith.muli %add3A_81, %mul3A_117 : i32
        %add3A_119 = arith.addi %mul3A_2, %mul3A_118 : i32
        %dma_start3A_120 = tpu.memref_slice %arg2[%add3A_119] : memref<320000xi32, #tpu.memory_space<hbm>> -> memref<80xi32, #tpu.memory_space<hbm>>
        %dma_start3A_121 = tpu.memref_slice %arg2[%add3A_119] : memref<320000xi32, #tpu.memory_space<hbm>> -> memref<80xi32, #tpu.memory_space<hbm>>
        tpu.enqueue_dma source(%dma_start3A_121 : memref<80xi32, #tpu.memory_space<hbm>>) target(%arg8 : memref<80xi32, #tpu.memory_space<vmem>>) target_semaphore(%arg15 : memref<!tpu.dma_semaphore, #tpu.memory_space<semaphore_mem>>)
      } else {
      }
      %mul3A_87 = arith.constant 5 : i32
      %mul3A_88 = arith.muli %scan3A_43, %mul3A_87 : i32
      %add3A_89 = arith.constant 3 : i32
      %add3A_90 = arith.addi %mul3A_88, %add3A_89 : i32
      %dma_wait3A_91 = arith.constant 0 : i32
      %dma_wait3A_92 = tpu.memref_slice %arg2[%dma_wait3A_91] : memref<320000xi32, #tpu.memory_space<hbm>> -> memref<80xi32, #tpu.memory_space<hbm>>
      %dma_wait3A_93 = arith.constant 0 : i32
      %dma_wait3A_94 = tpu.memref_slice %arg2[%dma_wait3A_93] : memref<320000xi32, #tpu.memory_space<hbm>> -> memref<80xi32, #tpu.memory_space<hbm>>
      tpu.wait_dma2 semaphore(%arg16 : memref<!tpu.dma_semaphore, #tpu.memory_space<semaphore_mem>>) src(%dma_wait3A_94 : memref<80xi32, #tpu.memory_space<hbm>>) dst(%arg9 : memref<80xi32, #tpu.memory_space<vmem>>)
      "tpu.region"() ({
        %run_scoped3A = tpu.sem_alloc : memref<!tpu.dma_semaphore, #tpu.memory_space<semaphore_mem>>
        %dma_start3A_117 = arith.constant 0 : i32
        %dma_start3A_118 = arith.constant 0 : i32
        %dma_start3A_119 = tpu.memref_slice %arg12[%dma_start3A_117, %dma_start3A_118] : memref<10000x128xf32, #tpu.memory_space<vmem_shared>> -> memref<10000x128xf32, #tpu.memory_space<vmem_shared>>
        tpu.enqueue_indirect_dma source(%arg11 : memref<80x128xf32, #tpu.memory_space<vmem>>) target(%dma_start3A_119 : memref<10000x128xf32, #tpu.memory_space<vmem_shared>>) offsets(%arg9 : memref<80xi32, #tpu.memory_space<vmem>>) semaphore(%run_scoped3A : memref<!tpu.dma_semaphore, #tpu.memory_space<semaphore_mem>>) {add = true}
        %dma_wait3A_120 = arith.constant 0 : i32
        %dma_wait3A_121 = arith.constant 0 : i32
        %dma_wait3A_122 = tpu.memref_slice %arg12[%dma_wait3A_120, %dma_wait3A_121] : memref<10000x128xf32, #tpu.memory_space<vmem_shared>> -> memref<10000x128xf32, #tpu.memory_space<vmem_shared>>
        tpu.wait_indirect_dma semaphore(%run_scoped3A : memref<!tpu.dma_semaphore, #tpu.memory_space<semaphore_mem>>) src(%arg11 : memref<80x128xf32, #tpu.memory_space<vmem>>) dst(%dma_wait3A_122 : memref<10000x128xf32, #tpu.memory_space<vmem_shared>>)
        tpu.yield
      }) : () -> ()
      %add3A_95 = arith.constant 5 : i32
      %add3A_96 = arith.addi %add3A_90, %add3A_95 : i32
      %lt3A_97 = arith.constant 125 : i32
      %lt3A_98 = arith.cmpi slt, %add3A_96, %lt3A_97 : i32
      %convert_element_type3A_99 = arith.extui %lt3A_98 : i1 to i32
      %cond3A_100 = arith.constant 0 : i32
      %cond3A_101 = arith.cmpi ne, %convert_element_type3A_99, %cond3A_100 : i32
      scf.if %cond3A_101 {
        %mul3A_117 = arith.constant 80 : i32
        %mul3A_118 = arith.muli %add3A_96, %mul3A_117 : i32
        %add3A_119 = arith.addi %mul3A_2, %mul3A_118 : i32
        %dma_start3A_120 = tpu.memref_slice %arg2[%add3A_119] : memref<320000xi32, #tpu.memory_space<hbm>> -> memref<80xi32, #tpu.memory_space<hbm>>
        %dma_start3A_121 = tpu.memref_slice %arg2[%add3A_119] : memref<320000xi32, #tpu.memory_space<hbm>> -> memref<80xi32, #tpu.memory_space<hbm>>
        tpu.enqueue_dma source(%dma_start3A_121 : memref<80xi32, #tpu.memory_space<hbm>>) target(%arg9 : memref<80xi32, #tpu.memory_space<vmem>>) target_semaphore(%arg16 : memref<!tpu.dma_semaphore, #tpu.memory_space<semaphore_mem>>)
      } else {
      }
      %mul3A_102 = arith.constant 5 : i32
      %mul3A_103 = arith.muli %scan3A_43, %mul3A_102 : i32
      %add3A_104 = arith.constant 4 : i32
      %add3A_105 = arith.addi %mul3A_103, %add3A_104 : i32
      %dma_wait3A_106 = arith.constant 0 : i32
      %dma_wait3A_107 = tpu.memref_slice %arg2[%dma_wait3A_106] : memref<320000xi32, #tpu.memory_space<hbm>> -> memref<80xi32, #tpu.memory_space<hbm>>
      %dma_wait3A_108 = arith.constant 0 : i32
      %dma_wait3A_109 = tpu.memref_slice %arg2[%dma_wait3A_108] : memref<320000xi32, #tpu.memory_space<hbm>> -> memref<80xi32, #tpu.memory_space<hbm>>
      tpu.wait_dma2 semaphore(%arg17 : memref<!tpu.dma_semaphore, #tpu.memory_space<semaphore_mem>>) src(%dma_wait3A_109 : memref<80xi32, #tpu.memory_space<hbm>>) dst(%arg10 : memref<80xi32, #tpu.memory_space<vmem>>)
      "tpu.region"() ({
        %run_scoped3A = tpu.sem_alloc : memref<!tpu.dma_semaphore, #tpu.memory_space<semaphore_mem>>
        %dma_start3A_117 = arith.constant 0 : i32
        %dma_start3A_118 = arith.constant 0 : i32
        %dma_start3A_119 = tpu.memref_slice %arg12[%dma_start3A_117, %dma_start3A_118] : memref<10000x128xf32, #tpu.memory_space<vmem_shared>> -> memref<10000x128xf32, #tpu.memory_space<vmem_shared>>
        tpu.enqueue_indirect_dma source(%arg11 : memref<80x128xf32, #tpu.memory_space<vmem>>) target(%dma_start3A_119 : memref<10000x128xf32, #tpu.memory_space<vmem_shared>>) offsets(%arg10 : memref<80xi32, #tpu.memory_space<vmem>>) semaphore(%run_scoped3A : memref<!tpu.dma_semaphore, #tpu.memory_space<semaphore_mem>>) {add = true}
        %dma_wait3A_120 = arith.constant 0 : i32
        %dma_wait3A_121 = arith.constant 0 : i32
        %dma_wait3A_122 = tpu.memref_slice %arg12[%dma_wait3A_120, %dma_wait3A_121] : memref<10000x128xf32, #tpu.memory_space<vmem_shared>> -> memref<10000x128xf32, #tpu.memory_space<vmem_shared>>
        tpu.wait_indirect_dma semaphore(%run_scoped3A : memref<!tpu.dma_semaphore, #tpu.memory_space<semaphore_mem>>) src(%arg11 : memref<80x128xf32, #tpu.memory_space<vmem>>) dst(%dma_wait3A_122 : memref<10000x128xf32, #tpu.memory_space<vmem_shared>>)
        tpu.yield
      }) : () -> ()
      %add3A_110 = arith.constant 5 : i32
      %add3A_111 = arith.addi %add3A_105, %add3A_110 : i32
      %lt3A_112 = arith.constant 125 : i32
      %lt3A_113 = arith.cmpi slt, %add3A_111, %lt3A_112 : i32
      %convert_element_type3A_114 = arith.extui %lt3A_113 : i1 to i32
      %cond3A_115 = arith.constant 0 : i32
      %cond3A_116 = arith.cmpi ne, %convert_element_type3A_114, %cond3A_115 : i32
      scf.if %cond3A_116 {
        %mul3A_117 = arith.constant 80 : i32
        %mul3A_118 = arith.muli %add3A_111, %mul3A_117 : i32
        %add3A_119 = arith.addi %mul3A_2, %mul3A_118 : i32
        %dma_start3A_120 = tpu.memref_slice %arg2[%add3A_119] : memref<320000xi32, #tpu.memory_space<hbm>> -> memref<80xi32, #tpu.memory_space<hbm>>
        %dma_start3A_121 = tpu.memref_slice %arg2[%add3A_119] : memref<320000xi32, #tpu.memory_space<hbm>> -> memref<80xi32, #tpu.memory_space<hbm>>
        tpu.enqueue_dma source(%dma_start3A_121 : memref<80xi32, #tpu.memory_space<hbm>>) target(%arg10 : memref<80xi32, #tpu.memory_space<vmem>>) target_semaphore(%arg17 : memref<!tpu.dma_semaphore, #tpu.memory_space<semaphore_mem>>)
      } else {
      }
    }
    %scan3A_32 = arith.constant 25 : i32
    %barrier3A_33 = arith.constant 0 : index
    tpu.barrier barrier_id(%barrier3A_33)
    %mul3A_34 = arith.constant 624 : i32
    %mul3A_35 = arith.muli %arg1, %mul3A_34 : i32
    %mul3A_36 = arith.constant 624 : i32
    %mul3A_37 = arith.muli %arg1, %mul3A_36 : i32
    "tpu.region"() ({
      %run_scoped3A = tpu.sem_alloc : memref<!tpu.dma_semaphore, #tpu.memory_space<semaphore_mem>>
      %dma_start3A_43 = arith.constant 0 : i32
      %dma_start3A_44 = arith.constant 0 : i32
      %dma_start3A_45 = tpu.memref_slice %arg5[%arg0, %dma_start3A_43, %dma_start3A_44] : memref<2x10000x128xf32, #tpu.memory_space<hbm>> -> memref<1x10000x128xf32, #tpu.memory_space<hbm>>
      %dma_start3A_46 = tpu.memref_squeeze %dma_start3A_45 : memref<1x10000x128xf32, #tpu.memory_space<hbm>> -> memref<10000x128xf32, #tpu.memory_space<hbm>>
      %dma_start3A_47 = arith.constant 0 : i32
      %dma_start3A_48 = tpu.memref_slice %dma_start3A_46[%mul3A_37, %dma_start3A_47] : memref<10000x128xf32, #tpu.memory_space<hbm>> -> memref<624x128xf32, #tpu.memory_space<hbm>>
      %dma_start3A_49 = arith.constant 0 : i32
      %dma_start3A_50 = tpu.memref_slice %arg12[%mul3A_35, %dma_start3A_49] : memref<10000x128xf32, #tpu.memory_space<vmem_shared>> -> memref<624x128xf32, #tpu.memory_space<vmem_shared>>
      tpu.enqueue_dma source(%dma_start3A_50 : memref<624x128xf32, #tpu.memory_space<vmem_shared>>) target(%dma_start3A_48 : memref<624x128xf32, #tpu.memory_space<hbm>>) target_semaphore(%run_scoped3A : memref<!tpu.dma_semaphore, #tpu.memory_space<semaphore_mem>>)
      %dma_wait3A = arith.constant 0 : i32
      %dma_wait3A_51 = arith.constant 0 : i32
      %dma_wait3A_52 = tpu.memref_slice %arg5[%arg0, %dma_wait3A, %dma_wait3A_51] : memref<2x10000x128xf32, #tpu.memory_space<hbm>> -> memref<1x10000x128xf32, #tpu.memory_space<hbm>>
      %dma_wait3A_53 = tpu.memref_squeeze %dma_wait3A_52 : memref<1x10000x128xf32, #tpu.memory_space<hbm>> -> memref<10000x128xf32, #tpu.memory_space<hbm>>
      %dma_wait3A_54 = arith.constant 0 : i32
      %dma_wait3A_55 = tpu.memref_slice %dma_wait3A_53[%mul3A_37, %dma_wait3A_54] : memref<10000x128xf32, #tpu.memory_space<hbm>> -> memref<624x128xf32, #tpu.memory_space<hbm>>
      %dma_wait3A_56 = arith.constant 0 : i32
      %dma_wait3A_57 = tpu.memref_slice %arg12[%mul3A_35, %dma_wait3A_56] : memref<10000x128xf32, #tpu.memory_space<vmem_shared>> -> memref<624x128xf32, #tpu.memory_space<vmem_shared>>
      tpu.wait_dma2 semaphore(%run_scoped3A : memref<!tpu.dma_semaphore, #tpu.memory_space<semaphore_mem>>) src(%dma_wait3A_57 : memref<624x128xf32, #tpu.memory_space<vmem_shared>>) dst(%dma_wait3A_55 : memref<624x128xf32, #tpu.memory_space<hbm>>)
      tpu.yield
    }) : () -> ()
    %eq3A_38 = arith.constant 0 : i32
    %eq3A_39 = arith.cmpi eq, %arg1, %eq3A_38 : i32
    %convert_element_type3A_40 = arith.extui %eq3A_39 : i1 to i32
    %cond3A_41 = arith.constant 0 : i32
    %cond3A_42 = arith.cmpi ne, %convert_element_type3A_40, %cond3A_41 : i32
    scf.if %cond3A_42 {
      "tpu.region"() ({
        %run_scoped3A = tpu.sem_alloc : memref<!tpu.dma_semaphore, #tpu.memory_space<semaphore_mem>>
        %dma_start3A_43 = arith.constant 0 : i32
        %dma_start3A_44 = arith.constant 0 : i32
        %dma_start3A_45 = tpu.memref_slice %arg5[%arg0, %dma_start3A_43, %dma_start3A_44] : memref<2x10000x128xf32, #tpu.memory_space<hbm>> -> memref<1x10000x128xf32, #tpu.memory_space<hbm>>
        %dma_start3A_46 = tpu.memref_squeeze %dma_start3A_45 : memref<1x10000x128xf32, #tpu.memory_space<hbm>> -> memref<10000x128xf32, #tpu.memory_space<hbm>>
        %dma_start3A_47 = arith.constant 9984 : i32
        %dma_start3A_48 = arith.constant 0 : i32
        %dma_start3A_49 = tpu.memref_slice %dma_start3A_46[%dma_start3A_47, %dma_start3A_48] : memref<10000x128xf32, #tpu.memory_space<hbm>> -> memref<16x128xf32, #tpu.memory_space<hbm>>
        %dma_start3A_50 = arith.constant 9984 : i32
        %dma_start3A_51 = arith.constant 0 : i32
        %dma_start3A_52 = tpu.memref_slice %arg12[%dma_start3A_50, %dma_start3A_51] : memref<10000x128xf32, #tpu.memory_space<vmem_shared>> -> memref<16x128xf32, #tpu.memory_space<vmem_shared>>
        tpu.enqueue_dma source(%dma_start3A_52 : memref<16x128xf32, #tpu.memory_space<vmem_shared>>) target(%dma_start3A_49 : memref<16x128xf32, #tpu.memory_space<hbm>>) target_semaphore(%run_scoped3A : memref<!tpu.dma_semaphore, #tpu.memory_space<semaphore_mem>>)
        %dma_wait3A = arith.constant 0 : i32
        %dma_wait3A_53 = arith.constant 0 : i32
        %dma_wait3A_54 = tpu.memref_slice %arg5[%arg0, %dma_wait3A, %dma_wait3A_53] : memref<2x10000x128xf32, #tpu.memory_space<hbm>> -> memref<1x10000x128xf32, #tpu.memory_space<hbm>>
        %dma_wait3A_55 = tpu.memref_squeeze %dma_wait3A_54 : memref<1x10000x128xf32, #tpu.memory_space<hbm>> -> memref<10000x128xf32, #tpu.memory_space<hbm>>
        %dma_wait3A_56 = arith.constant 9984 : i32
        %dma_wait3A_57 = arith.constant 0 : i32
        %dma_wait3A_58 = tpu.memref_slice %dma_wait3A_55[%dma_wait3A_56, %dma_wait3A_57] : memref<10000x128xf32, #tpu.memory_space<hbm>> -> memref<16x128xf32, #tpu.memory_space<hbm>>
        %dma_wait3A_59 = arith.constant 9984 : i32
        %dma_wait3A_60 = arith.constant 0 : i32
        %dma_wait3A_61 = tpu.memref_slice %arg12[%dma_wait3A_59, %dma_wait3A_60] : memref<10000x128xf32, #tpu.memory_space<vmem_shared>> -> memref<16x128xf32, #tpu.memory_space<vmem_shared>>
        tpu.wait_dma2 semaphore(%run_scoped3A : memref<!tpu.dma_semaphore, #tpu.memory_space<semaphore_mem>>) src(%dma_wait3A_61 : memref<16x128xf32, #tpu.memory_space<vmem_shared>>) dst(%dma_wait3A_58 : memref<16x128xf32, #tpu.memory_space<hbm>>)
        tpu.yield
      }) : () -> ()
    } else {
    }
    return
  }
}

#map = affine_map<(d0, d1) -> (0, 0)>
#map1 = affine_map<(d0, d1) -> (0)>
#map2 = affine_map<(d0, d1) -> (0, 0, 0)>
module attributes {stable_mosaic.version = 14 : i64} {
  func.func @_edge_body(%arg0: i32, %arg1: i32, %arg2: memref<10000x128xf32, #tpu.memory_space<hbm>>, %arg3: memref<320000xi32, #tpu.memory_space<hbm>>, %arg4: memref<320000xi32, #tpu.memory_space<hbm>>, %arg5: memref<10000x128xf32, #tpu.memory_space<hbm>>, %arg6: memref<2x10000x128xf32, #tpu.memory_space<hbm>>, %arg7: memref<10000xi32, #tpu.memory_space<vmem>>, %arg8: memref<80xi32, #tpu.memory_space<vmem>>, %arg9: memref<80xi32, #tpu.memory_space<vmem>>, %arg10: memref<80xi32, #tpu.memory_space<vmem>>, %arg11: memref<80x128xf32, #tpu.memory_space<vmem>>, %arg12: memref<80x128xf32, #tpu.memory_space<vmem>>, %arg13: memref<80x128xf32, #tpu.memory_space<vmem>>, %arg14: memref<10000x128xf32, #tpu.memory_space<vmem_shared>>, %arg15: memref<!tpu.dma_semaphore, #tpu.memory_space<semaphore_mem>>, %arg16: memref<!tpu.dma_semaphore, #tpu.memory_space<semaphore_mem>>, %arg17: memref<!tpu.dma_semaphore, #tpu.memory_space<semaphore_mem>>, %arg18: memref<!tpu.dma_semaphore, #tpu.memory_space<semaphore_mem>>, %arg19: memref<!tpu.dma_semaphore, #tpu.memory_space<semaphore_mem>>, %arg20: memref<!tpu.dma_semaphore, #tpu.memory_space<semaphore_mem>>) attributes {dimension_semantics = [#tpu.dimension_semantics<core_parallel>, #tpu.dimension_semantics<subcore_parallel>], iteration_bounds = array<i64: 2, 16>, scalar_prefetch = 0 : i64, scratch_operands = 14 : i64, tpu.core_type = #tpu.core_type<sc_vector_subcore>, window_params = [{transform_indices = #map}, {transform_indices = #map1}, {transform_indices = #map1}, {transform_indices = #map}, {transform_indices = #map2}]} {
    %mul3A = arith.constant 2 : i32
    %mul3A_0 = arith.muli %arg1, %mul3A : i32
    %add3A = arith.addi %mul3A_0, %arg0 : i32
    %mul3A_1 = arith.constant 10000 : i32
    %mul3A_2 = arith.muli %add3A, %mul3A_1 : i32
    "tpu.region"() ({
      %run_scoped3A = tpu.sem_alloc : memref<!tpu.dma_semaphore, #tpu.memory_space<semaphore_mem>>
      %dma_start3A_67 = tpu.memref_slice %arg3[%mul3A_2] : memref<320000xi32, #tpu.memory_space<hbm>> -> memref<10000xi32, #tpu.memory_space<hbm>>
      %dma_start3A_68 = tpu.memref_slice %arg3[%mul3A_2] : memref<320000xi32, #tpu.memory_space<hbm>> -> memref<10000xi32, #tpu.memory_space<hbm>>
      tpu.enqueue_dma source(%dma_start3A_68 : memref<10000xi32, #tpu.memory_space<hbm>>) target(%arg7 : memref<10000xi32, #tpu.memory_space<vmem>>) target_semaphore(%run_scoped3A : memref<!tpu.dma_semaphore, #tpu.memory_space<semaphore_mem>>)
      %dma_wait3A_69 = tpu.memref_slice %arg3[%mul3A_2] : memref<320000xi32, #tpu.memory_space<hbm>> -> memref<10000xi32, #tpu.memory_space<hbm>>
      %dma_wait3A_70 = tpu.memref_slice %arg3[%mul3A_2] : memref<320000xi32, #tpu.memory_space<hbm>> -> memref<10000xi32, #tpu.memory_space<hbm>>
      tpu.wait_dma2 semaphore(%run_scoped3A : memref<!tpu.dma_semaphore, #tpu.memory_space<semaphore_mem>>) src(%dma_wait3A_70 : memref<10000xi32, #tpu.memory_space<hbm>>) dst(%arg7 : memref<10000xi32, #tpu.memory_space<vmem>>)
      tpu.yield
    }) : () -> ()
    %add3A_3 = arith.constant 0 : i32
    %add3A_4 = arith.addi %mul3A_2, %add3A_3 : i32
    %dma_start3A = tpu.memref_slice %arg4[%add3A_4] : memref<320000xi32, #tpu.memory_space<hbm>> -> memref<80xi32, #tpu.memory_space<hbm>>
    %dma_start3A_5 = tpu.memref_slice %arg4[%add3A_4] : memref<320000xi32, #tpu.memory_space<hbm>> -> memref<80xi32, #tpu.memory_space<hbm>>
    tpu.enqueue_dma source(%dma_start3A_5 : memref<80xi32, #tpu.memory_space<hbm>>) target(%arg8 : memref<80xi32, #tpu.memory_space<vmem>>) target_semaphore(%arg18 : memref<!tpu.dma_semaphore, #tpu.memory_space<semaphore_mem>>)
    %dma_start3A_6 = arith.constant 0 : i32
    %dma_start3A_7 = tpu.memref_slice %arg7[%dma_start3A_6] : memref<10000xi32, #tpu.memory_space<vmem>> -> memref<80xi32, #tpu.memory_space<vmem>>
    %dma_start3A_8 = arith.constant 0 : i32
    %dma_start3A_9 = arith.constant 0 : i32
    %dma_start3A_10 = tpu.memref_slice %arg2[%dma_start3A_8, %dma_start3A_9] : memref<10000x128xf32, #tpu.memory_space<hbm>> -> memref<10000x128xf32, #tpu.memory_space<hbm>>
    tpu.enqueue_indirect_dma source(%dma_start3A_10 : memref<10000x128xf32, #tpu.memory_space<hbm>>) target(%arg11 : memref<80x128xf32, #tpu.memory_space<vmem>>) offsets(%dma_start3A_7 : memref<80xi32, #tpu.memory_space<vmem>>) semaphore(%arg15 : memref<!tpu.dma_semaphore, #tpu.memory_space<semaphore_mem>>)
    %add3A_11 = arith.constant 80 : i32
    %add3A_12 = arith.addi %mul3A_2, %add3A_11 : i32
    %dma_start3A_13 = tpu.memref_slice %arg4[%add3A_12] : memref<320000xi32, #tpu.memory_space<hbm>> -> memref<80xi32, #tpu.memory_space<hbm>>
    %dma_start3A_14 = tpu.memref_slice %arg4[%add3A_12] : memref<320000xi32, #tpu.memory_space<hbm>> -> memref<80xi32, #tpu.memory_space<hbm>>
    tpu.enqueue_dma source(%dma_start3A_14 : memref<80xi32, #tpu.memory_space<hbm>>) target(%arg9 : memref<80xi32, #tpu.memory_space<vmem>>) target_semaphore(%arg19 : memref<!tpu.dma_semaphore, #tpu.memory_space<semaphore_mem>>)
    %dma_start3A_15 = arith.constant 80 : i32
    %dma_start3A_16 = tpu.memref_slice %arg7[%dma_start3A_15] : memref<10000xi32, #tpu.memory_space<vmem>> -> memref<80xi32, #tpu.memory_space<vmem>>
    %dma_start3A_17 = arith.constant 0 : i32
    %dma_start3A_18 = arith.constant 0 : i32
    %dma_start3A_19 = tpu.memref_slice %arg2[%dma_start3A_17, %dma_start3A_18] : memref<10000x128xf32, #tpu.memory_space<hbm>> -> memref<10000x128xf32, #tpu.memory_space<hbm>>
    tpu.enqueue_indirect_dma source(%dma_start3A_19 : memref<10000x128xf32, #tpu.memory_space<hbm>>) target(%arg12 : memref<80x128xf32, #tpu.memory_space<vmem>>) offsets(%dma_start3A_16 : memref<80xi32, #tpu.memory_space<vmem>>) semaphore(%arg16 : memref<!tpu.dma_semaphore, #tpu.memory_space<semaphore_mem>>)
    %add3A_20 = arith.constant 160 : i32
    %add3A_21 = arith.addi %mul3A_2, %add3A_20 : i32
    %dma_start3A_22 = tpu.memref_slice %arg4[%add3A_21] : memref<320000xi32, #tpu.memory_space<hbm>> -> memref<80xi32, #tpu.memory_space<hbm>>
    %dma_start3A_23 = tpu.memref_slice %arg4[%add3A_21] : memref<320000xi32, #tpu.memory_space<hbm>> -> memref<80xi32, #tpu.memory_space<hbm>>
    tpu.enqueue_dma source(%dma_start3A_23 : memref<80xi32, #tpu.memory_space<hbm>>) target(%arg10 : memref<80xi32, #tpu.memory_space<vmem>>) target_semaphore(%arg20 : memref<!tpu.dma_semaphore, #tpu.memory_space<semaphore_mem>>)
    %dma_start3A_24 = arith.constant 160 : i32
    %dma_start3A_25 = tpu.memref_slice %arg7[%dma_start3A_24] : memref<10000xi32, #tpu.memory_space<vmem>> -> memref<80xi32, #tpu.memory_space<vmem>>
    %dma_start3A_26 = arith.constant 0 : i32
    %dma_start3A_27 = arith.constant 0 : i32
    %dma_start3A_28 = tpu.memref_slice %arg2[%dma_start3A_26, %dma_start3A_27] : memref<10000x128xf32, #tpu.memory_space<hbm>> -> memref<10000x128xf32, #tpu.memory_space<hbm>>
    tpu.enqueue_indirect_dma source(%dma_start3A_28 : memref<10000x128xf32, #tpu.memory_space<hbm>>) target(%arg13 : memref<80x128xf32, #tpu.memory_space<vmem>>) offsets(%dma_start3A_25 : memref<80xi32, #tpu.memory_space<vmem>>) semaphore(%arg17 : memref<!tpu.dma_semaphore, #tpu.memory_space<semaphore_mem>>)
    %eq3A = arith.constant 0 : i32
    %eq3A_29 = arith.cmpi eq, %arg0, %eq3A : i32
    %convert_element_type3A = arith.extui %eq3A_29 : i1 to i32
    %cond3A = arith.constant 0 : i32
    %cond3A_30 = arith.cmpi ne, %convert_element_type3A, %cond3A : i32
    scf.if %cond3A_30 {
      %mul3A_67 = arith.constant 624 : i32
      %mul3A_68 = arith.muli %arg1, %mul3A_67 : i32
      %mul3A_69 = arith.constant 624 : i32
      %mul3A_70 = arith.muli %arg1, %mul3A_69 : i32
      "tpu.region"() ({
        %run_scoped3A = tpu.sem_alloc : memref<!tpu.dma_semaphore, #tpu.memory_space<semaphore_mem>>
        %dma_start3A_76 = arith.constant 0 : i32
        %dma_start3A_77 = tpu.memref_slice %arg14[%mul3A_70, %dma_start3A_76] : memref<10000x128xf32, #tpu.memory_space<vmem_shared>> -> memref<624x128xf32, #tpu.memory_space<vmem_shared>>
        %dma_start3A_78 = arith.constant 0 : i32
        %dma_start3A_79 = tpu.memref_slice %arg2[%mul3A_68, %dma_start3A_78] : memref<10000x128xf32, #tpu.memory_space<hbm>> -> memref<624x128xf32, #tpu.memory_space<hbm>>
        tpu.enqueue_dma source(%dma_start3A_79 : memref<624x128xf32, #tpu.memory_space<hbm>>) target(%dma_start3A_77 : memref<624x128xf32, #tpu.memory_space<vmem_shared>>) target_semaphore(%run_scoped3A : memref<!tpu.dma_semaphore, #tpu.memory_space<semaphore_mem>>)
        %dma_wait3A_80 = arith.constant 0 : i32
        %dma_wait3A_81 = tpu.memref_slice %arg14[%mul3A_70, %dma_wait3A_80] : memref<10000x128xf32, #tpu.memory_space<vmem_shared>> -> memref<624x128xf32, #tpu.memory_space<vmem_shared>>
        %dma_wait3A_82 = arith.constant 0 : i32
        %dma_wait3A_83 = tpu.memref_slice %arg2[%mul3A_68, %dma_wait3A_82] : memref<10000x128xf32, #tpu.memory_space<hbm>> -> memref<624x128xf32, #tpu.memory_space<hbm>>
        tpu.wait_dma2 semaphore(%run_scoped3A : memref<!tpu.dma_semaphore, #tpu.memory_space<semaphore_mem>>) src(%dma_wait3A_83 : memref<624x128xf32, #tpu.memory_space<hbm>>) dst(%dma_wait3A_81 : memref<624x128xf32, #tpu.memory_space<vmem_shared>>)
        tpu.yield
      }) : () -> ()
      %eq3A_71 = arith.constant 0 : i32
      %eq3A_72 = arith.cmpi eq, %arg1, %eq3A_71 : i32
      %convert_element_type3A_73 = arith.extui %eq3A_72 : i1 to i32
      %cond3A_74 = arith.constant 0 : i32
      %cond3A_75 = arith.cmpi ne, %convert_element_type3A_73, %cond3A_74 : i32
      scf.if %cond3A_75 {
        "tpu.region"() ({
          %run_scoped3A = tpu.sem_alloc : memref<!tpu.dma_semaphore, #tpu.memory_space<semaphore_mem>>
          %dma_start3A_76 = arith.constant 9984 : i32
          %dma_start3A_77 = arith.constant 0 : i32
          %dma_start3A_78 = tpu.memref_slice %arg14[%dma_start3A_76, %dma_start3A_77] : memref<10000x128xf32, #tpu.memory_space<vmem_shared>> -> memref<16x128xf32, #tpu.memory_space<vmem_shared>>
          %dma_start3A_79 = arith.constant 9984 : i32
          %dma_start3A_80 = arith.constant 0 : i32
          %dma_start3A_81 = tpu.memref_slice %arg2[%dma_start3A_79, %dma_start3A_80] : memref<10000x128xf32, #tpu.memory_space<hbm>> -> memref<16x128xf32, #tpu.memory_space<hbm>>
          tpu.enqueue_dma source(%dma_start3A_81 : memref<16x128xf32, #tpu.memory_space<hbm>>) target(%dma_start3A_78 : memref<16x128xf32, #tpu.memory_space<vmem_shared>>) target_semaphore(%run_scoped3A : memref<!tpu.dma_semaphore, #tpu.memory_space<semaphore_mem>>)
          %dma_wait3A_82 = arith.constant 9984 : i32
          %dma_wait3A_83 = arith.constant 0 : i32
          %dma_wait3A_84 = tpu.memref_slice %arg14[%dma_wait3A_82, %dma_wait3A_83] : memref<10000x128xf32, #tpu.memory_space<vmem_shared>> -> memref<16x128xf32, #tpu.memory_space<vmem_shared>>
          %dma_wait3A_85 = arith.constant 9984 : i32
          %dma_wait3A_86 = arith.constant 0 : i32
          %dma_wait3A_87 = tpu.memref_slice %arg2[%dma_wait3A_85, %dma_wait3A_86] : memref<10000x128xf32, #tpu.memory_space<hbm>> -> memref<16x128xf32, #tpu.memory_space<hbm>>
          tpu.wait_dma2 semaphore(%run_scoped3A : memref<!tpu.dma_semaphore, #tpu.memory_space<semaphore_mem>>) src(%dma_wait3A_87 : memref<16x128xf32, #tpu.memory_space<hbm>>) dst(%dma_wait3A_84 : memref<16x128xf32, #tpu.memory_space<vmem_shared>>)
          tpu.yield
        }) : () -> ()
      } else {
      }
    } else {
    }
    %ne3A = arith.constant 0 : i32
    %ne3A_31 = arith.cmpi ne, %arg0, %ne3A : i32
    %convert_element_type3A_32 = arith.extui %ne3A_31 : i1 to i32
    %cond3A_33 = arith.constant 0 : i32
    %cond3A_34 = arith.cmpi ne, %convert_element_type3A_32, %cond3A_33 : i32
    scf.if %cond3A_34 {
      %mul3A_67 = arith.constant 624 : i32
      %mul3A_68 = arith.muli %arg1, %mul3A_67 : i32
      %mul3A_69 = arith.constant 624 : i32
      %mul3A_70 = arith.muli %arg1, %mul3A_69 : i32
      "tpu.region"() ({
        %run_scoped3A = tpu.sem_alloc : memref<!tpu.dma_semaphore, #tpu.memory_space<semaphore_mem>>
        %dma_start3A_76 = arith.constant 0 : i32
        %dma_start3A_77 = tpu.memref_slice %arg14[%mul3A_70, %dma_start3A_76] : memref<10000x128xf32, #tpu.memory_space<vmem_shared>> -> memref<624x128xf32, #tpu.memory_space<vmem_shared>>
        %dma_start3A_78 = arith.constant 0 : i32
        %dma_start3A_79 = tpu.memref_slice %arg5[%mul3A_68, %dma_start3A_78] : memref<10000x128xf32, #tpu.memory_space<hbm>> -> memref<624x128xf32, #tpu.memory_space<hbm>>
        tpu.enqueue_dma source(%dma_start3A_79 : memref<624x128xf32, #tpu.memory_space<hbm>>) target(%dma_start3A_77 : memref<624x128xf32, #tpu.memory_space<vmem_shared>>) target_semaphore(%run_scoped3A : memref<!tpu.dma_semaphore, #tpu.memory_space<semaphore_mem>>)
        %dma_wait3A_80 = arith.constant 0 : i32
        %dma_wait3A_81 = tpu.memref_slice %arg14[%mul3A_70, %dma_wait3A_80] : memref<10000x128xf32, #tpu.memory_space<vmem_shared>> -> memref<624x128xf32, #tpu.memory_space<vmem_shared>>
        %dma_wait3A_82 = arith.constant 0 : i32
        %dma_wait3A_83 = tpu.memref_slice %arg5[%mul3A_68, %dma_wait3A_82] : memref<10000x128xf32, #tpu.memory_space<hbm>> -> memref<624x128xf32, #tpu.memory_space<hbm>>
        tpu.wait_dma2 semaphore(%run_scoped3A : memref<!tpu.dma_semaphore, #tpu.memory_space<semaphore_mem>>) src(%dma_wait3A_83 : memref<624x128xf32, #tpu.memory_space<hbm>>) dst(%dma_wait3A_81 : memref<624x128xf32, #tpu.memory_space<vmem_shared>>)
        tpu.yield
      }) : () -> ()
      %eq3A_71 = arith.constant 0 : i32
      %eq3A_72 = arith.cmpi eq, %arg1, %eq3A_71 : i32
      %convert_element_type3A_73 = arith.extui %eq3A_72 : i1 to i32
      %cond3A_74 = arith.constant 0 : i32
      %cond3A_75 = arith.cmpi ne, %convert_element_type3A_73, %cond3A_74 : i32
      scf.if %cond3A_75 {
        "tpu.region"() ({
          %run_scoped3A = tpu.sem_alloc : memref<!tpu.dma_semaphore, #tpu.memory_space<semaphore_mem>>
          %dma_start3A_76 = arith.constant 9984 : i32
          %dma_start3A_77 = arith.constant 0 : i32
          %dma_start3A_78 = tpu.memref_slice %arg14[%dma_start3A_76, %dma_start3A_77] : memref<10000x128xf32, #tpu.memory_space<vmem_shared>> -> memref<16x128xf32, #tpu.memory_space<vmem_shared>>
          %dma_start3A_79 = arith.constant 9984 : i32
          %dma_start3A_80 = arith.constant 0 : i32
          %dma_start3A_81 = tpu.memref_slice %arg5[%dma_start3A_79, %dma_start3A_80] : memref<10000x128xf32, #tpu.memory_space<hbm>> -> memref<16x128xf32, #tpu.memory_space<hbm>>
          tpu.enqueue_dma source(%dma_start3A_81 : memref<16x128xf32, #tpu.memory_space<hbm>>) target(%dma_start3A_78 : memref<16x128xf32, #tpu.memory_space<vmem_shared>>) target_semaphore(%run_scoped3A : memref<!tpu.dma_semaphore, #tpu.memory_space<semaphore_mem>>)
          %dma_wait3A_82 = arith.constant 9984 : i32
          %dma_wait3A_83 = arith.constant 0 : i32
          %dma_wait3A_84 = tpu.memref_slice %arg14[%dma_wait3A_82, %dma_wait3A_83] : memref<10000x128xf32, #tpu.memory_space<vmem_shared>> -> memref<16x128xf32, #tpu.memory_space<vmem_shared>>
          %dma_wait3A_85 = arith.constant 9984 : i32
          %dma_wait3A_86 = arith.constant 0 : i32
          %dma_wait3A_87 = tpu.memref_slice %arg5[%dma_wait3A_85, %dma_wait3A_86] : memref<10000x128xf32, #tpu.memory_space<hbm>> -> memref<16x128xf32, #tpu.memory_space<hbm>>
          tpu.wait_dma2 semaphore(%run_scoped3A : memref<!tpu.dma_semaphore, #tpu.memory_space<semaphore_mem>>) src(%dma_wait3A_87 : memref<16x128xf32, #tpu.memory_space<hbm>>) dst(%dma_wait3A_84 : memref<16x128xf32, #tpu.memory_space<vmem_shared>>)
          tpu.yield
        }) : () -> ()
      } else {
      }
    } else {
    }
    %barrier3A = arith.constant 0 : index
    tpu.barrier barrier_id(%barrier3A)
    %scan3A = arith.constant 0 : i32
    %scan3A_35 = arith.constant 0 : i32
    %scan3A_36 = arith.constant 41 : i32
    %scan3A_37 = arith.addi %scan3A_35, %scan3A_36 : i32
    %scan3A_38 = arith.constant 1 : i32
    scf.for %scan3A_67 = %scan3A_35 to %scan3A_37 step %scan3A_38  : i32 {
      %mul3A_68 = arith.constant 3 : i32
      %mul3A_69 = arith.muli %scan3A_67, %mul3A_68 : i32
      %add3A_70 = arith.constant 0 : i32
      %add3A_71 = arith.addi %mul3A_69, %add3A_70 : i32
      %dma_wait3A_72 = arith.constant 0 : i32
      %dma_wait3A_73 = tpu.memref_slice %arg7[%dma_wait3A_72] : memref<10000xi32, #tpu.memory_space<vmem>> -> memref<80xi32, #tpu.memory_space<vmem>>
      %dma_wait3A_74 = arith.constant 0 : i32
      %dma_wait3A_75 = arith.constant 0 : i32
      %dma_wait3A_76 = tpu.memref_slice %arg2[%dma_wait3A_74, %dma_wait3A_75] : memref<10000x128xf32, #tpu.memory_space<hbm>> -> memref<10000x128xf32, #tpu.memory_space<hbm>>
      tpu.wait_indirect_dma semaphore(%arg15 : memref<!tpu.dma_semaphore, #tpu.memory_space<semaphore_mem>>) src(%dma_wait3A_76 : memref<10000x128xf32, #tpu.memory_space<hbm>>) dst(%arg11 : memref<80x128xf32, #tpu.memory_space<vmem>>)
      %dma_wait3A_77 = arith.constant 0 : i32
      %dma_wait3A_78 = tpu.memref_slice %arg4[%dma_wait3A_77] : memref<320000xi32, #tpu.memory_space<hbm>> -> memref<80xi32, #tpu.memory_space<hbm>>
      %dma_wait3A_79 = arith.constant 0 : i32
      %dma_wait3A_80 = tpu.memref_slice %arg4[%dma_wait3A_79] : memref<320000xi32, #tpu.memory_space<hbm>> -> memref<80xi32, #tpu.memory_space<hbm>>
      tpu.wait_dma2 semaphore(%arg18 : memref<!tpu.dma_semaphore, #tpu.memory_space<semaphore_mem>>) src(%dma_wait3A_80 : memref<80xi32, #tpu.memory_space<hbm>>) dst(%arg8 : memref<80xi32, #tpu.memory_space<vmem>>)
      "tpu.region"() ({
        %run_scoped3A = tpu.sem_alloc : memref<!tpu.dma_semaphore, #tpu.memory_space<semaphore_mem>>
        %dma_start3A_127 = arith.constant 0 : i32
        %dma_start3A_128 = arith.constant 0 : i32
        %dma_start3A_129 = tpu.memref_slice %arg14[%dma_start3A_127, %dma_start3A_128] : memref<10000x128xf32, #tpu.memory_space<vmem_shared>> -> memref<10000x128xf32, #tpu.memory_space<vmem_shared>>
        tpu.enqueue_indirect_dma source(%arg11 : memref<80x128xf32, #tpu.memory_space<vmem>>) target(%dma_start3A_129 : memref<10000x128xf32, #tpu.memory_space<vmem_shared>>) offsets(%arg8 : memref<80xi32, #tpu.memory_space<vmem>>) semaphore(%run_scoped3A : memref<!tpu.dma_semaphore, #tpu.memory_space<semaphore_mem>>) {add = true}
        %dma_wait3A_130 = arith.constant 0 : i32
        %dma_wait3A_131 = arith.constant 0 : i32
        %dma_wait3A_132 = tpu.memref_slice %arg14[%dma_wait3A_130, %dma_wait3A_131] : memref<10000x128xf32, #tpu.memory_space<vmem_shared>> -> memref<10000x128xf32, #tpu.memory_space<vmem_shared>>
        tpu.wait_indirect_dma semaphore(%run_scoped3A : memref<!tpu.dma_semaphore, #tpu.memory_space<semaphore_mem>>) src(%arg11 : memref<80x128xf32, #tpu.memory_space<vmem>>) dst(%dma_wait3A_132 : memref<10000x128xf32, #tpu.memory_space<vmem_shared>>)
        tpu.yield
      }) : () -> ()
      %add3A_81 = arith.constant 3 : i32
      %add3A_82 = arith.addi %add3A_71, %add3A_81 : i32
      %lt3A = arith.constant 125 : i32
      %lt3A_83 = arith.cmpi slt, %add3A_82, %lt3A : i32
      %convert_element_type3A_84 = arith.extui %lt3A_83 : i1 to i32
      %cond3A_85 = arith.constant 0 : i32
      %cond3A_86 = arith.cmpi ne, %convert_element_type3A_84, %cond3A_85 : i32
      scf.if %cond3A_86 {
        %mul3A_127 = arith.constant 80 : i32
        %mul3A_128 = arith.muli %add3A_82, %mul3A_127 : i32
        %add3A_129 = arith.addi %mul3A_2, %mul3A_128 : i32
        %dma_start3A_130 = tpu.memref_slice %arg4[%add3A_129] : memref<320000xi32, #tpu.memory_space<hbm>> -> memref<80xi32, #tpu.memory_space<hbm>>
        %dma_start3A_131 = tpu.memref_slice %arg4[%add3A_129] : memref<320000xi32, #tpu.memory_space<hbm>> -> memref<80xi32, #tpu.memory_space<hbm>>
        tpu.enqueue_dma source(%dma_start3A_131 : memref<80xi32, #tpu.memory_space<hbm>>) target(%arg8 : memref<80xi32, #tpu.memory_space<vmem>>) target_semaphore(%arg18 : memref<!tpu.dma_semaphore, #tpu.memory_space<semaphore_mem>>)
        %dma_start3A_132 = tpu.memref_slice %arg7[%mul3A_128] : memref<10000xi32, #tpu.memory_space<vmem>> -> memref<80xi32, #tpu.memory_space<vmem>>
        %dma_start3A_133 = arith.constant 0 : i32
        %dma_start3A_134 = arith.constant 0 : i32
        %dma_start3A_135 = tpu.memref_slice %arg2[%dma_start3A_133, %dma_start3A_134] : memref<10000x128xf32, #tpu.memory_space<hbm>> -> memref<10000x128xf32, #tpu.memory_space<hbm>>
        tpu.enqueue_indirect_dma source(%dma_start3A_135 : memref<10000x128xf32, #tpu.memory_space<hbm>>) target(%arg11 : memref<80x128xf32, #tpu.memory_space<vmem>>) offsets(%dma_start3A_132 : memref<80xi32, #tpu.memory_space<vmem>>) semaphore(%arg15 : memref<!tpu.dma_semaphore, #tpu.memory_space<semaphore_mem>>)
      } else {
      }
      %mul3A_87 = arith.constant 3 : i32
      %mul3A_88 = arith.muli %scan3A_67, %mul3A_87 : i32
      %add3A_89 = arith.constant 1 : i32
      %add3A_90 = arith.addi %mul3A_88, %add3A_89 : i32
      %dma_wait3A_91 = arith.constant 0 : i32
      %dma_wait3A_92 = tpu.memref_slice %arg7[%dma_wait3A_91] : memref<10000xi32, #tpu.memory_space<vmem>> -> memref<80xi32, #tpu.memory_space<vmem>>
      %dma_wait3A_93 = arith.constant 0 : i32
      %dma_wait3A_94 = arith.constant 0 : i32
      %dma_wait3A_95 = tpu.memref_slice %arg2[%dma_wait3A_93, %dma_wait3A_94] : memref<10000x128xf32, #tpu.memory_space<hbm>> -> memref<10000x128xf32, #tpu.memory_space<hbm>>
      tpu.wait_indirect_dma semaphore(%arg16 : memref<!tpu.dma_semaphore, #tpu.memory_space<semaphore_mem>>) src(%dma_wait3A_95 : memref<10000x128xf32, #tpu.memory_space<hbm>>) dst(%arg12 : memref<80x128xf32, #tpu.memory_space<vmem>>)
      %dma_wait3A_96 = arith.constant 0 : i32
      %dma_wait3A_97 = tpu.memref_slice %arg4[%dma_wait3A_96] : memref<320000xi32, #tpu.memory_space<hbm>> -> memref<80xi32, #tpu.memory_space<hbm>>
      %dma_wait3A_98 = arith.constant 0 : i32
      %dma_wait3A_99 = tpu.memref_slice %arg4[%dma_wait3A_98] : memref<320000xi32, #tpu.memory_space<hbm>> -> memref<80xi32, #tpu.memory_space<hbm>>
      tpu.wait_dma2 semaphore(%arg19 : memref<!tpu.dma_semaphore, #tpu.memory_space<semaphore_mem>>) src(%dma_wait3A_99 : memref<80xi32, #tpu.memory_space<hbm>>) dst(%arg9 : memref<80xi32, #tpu.memory_space<vmem>>)
      "tpu.region"() ({
        %run_scoped3A = tpu.sem_alloc : memref<!tpu.dma_semaphore, #tpu.memory_space<semaphore_mem>>
        %dma_start3A_127 = arith.constant 0 : i32
        %dma_start3A_128 = arith.constant 0 : i32
        %dma_start3A_129 = tpu.memref_slice %arg14[%dma_start3A_127, %dma_start3A_128] : memref<10000x128xf32, #tpu.memory_space<vmem_shared>> -> memref<10000x128xf32, #tpu.memory_space<vmem_shared>>
        tpu.enqueue_indirect_dma source(%arg12 : memref<80x128xf32, #tpu.memory_space<vmem>>) target(%dma_start3A_129 : memref<10000x128xf32, #tpu.memory_space<vmem_shared>>) offsets(%arg9 : memref<80xi32, #tpu.memory_space<vmem>>) semaphore(%run_scoped3A : memref<!tpu.dma_semaphore, #tpu.memory_space<semaphore_mem>>) {add = true}
        %dma_wait3A_130 = arith.constant 0 : i32
        %dma_wait3A_131 = arith.constant 0 : i32
        %dma_wait3A_132 = tpu.memref_slice %arg14[%dma_wait3A_130, %dma_wait3A_131] : memref<10000x128xf32, #tpu.memory_space<vmem_shared>> -> memref<10000x128xf32, #tpu.memory_space<vmem_shared>>
        tpu.wait_indirect_dma semaphore(%run_scoped3A : memref<!tpu.dma_semaphore, #tpu.memory_space<semaphore_mem>>) src(%arg12 : memref<80x128xf32, #tpu.memory_space<vmem>>) dst(%dma_wait3A_132 : memref<10000x128xf32, #tpu.memory_space<vmem_shared>>)
        tpu.yield
      }) : () -> ()
      %add3A_100 = arith.constant 3 : i32
      %add3A_101 = arith.addi %add3A_90, %add3A_100 : i32
      %lt3A_102 = arith.constant 125 : i32
      %lt3A_103 = arith.cmpi slt, %add3A_101, %lt3A_102 : i32
      %convert_element_type3A_104 = arith.extui %lt3A_103 : i1 to i32
      %cond3A_105 = arith.constant 0 : i32
      %cond3A_106 = arith.cmpi ne, %convert_element_type3A_104, %cond3A_105 : i32
      scf.if %cond3A_106 {
        %mul3A_127 = arith.constant 80 : i32
        %mul3A_128 = arith.muli %add3A_101, %mul3A_127 : i32
        %add3A_129 = arith.addi %mul3A_2, %mul3A_128 : i32
        %dma_start3A_130 = tpu.memref_slice %arg4[%add3A_129] : memref<320000xi32, #tpu.memory_space<hbm>> -> memref<80xi32, #tpu.memory_space<hbm>>
        %dma_start3A_131 = tpu.memref_slice %arg4[%add3A_129] : memref<320000xi32, #tpu.memory_space<hbm>> -> memref<80xi32, #tpu.memory_space<hbm>>
        tpu.enqueue_dma source(%dma_start3A_131 : memref<80xi32, #tpu.memory_space<hbm>>) target(%arg9 : memref<80xi32, #tpu.memory_space<vmem>>) target_semaphore(%arg19 : memref<!tpu.dma_semaphore, #tpu.memory_space<semaphore_mem>>)
        %dma_start3A_132 = tpu.memref_slice %arg7[%mul3A_128] : memref<10000xi32, #tpu.memory_space<vmem>> -> memref<80xi32, #tpu.memory_space<vmem>>
        %dma_start3A_133 = arith.constant 0 : i32
        %dma_start3A_134 = arith.constant 0 : i32
        %dma_start3A_135 = tpu.memref_slice %arg2[%dma_start3A_133, %dma_start3A_134] : memref<10000x128xf32, #tpu.memory_space<hbm>> -> memref<10000x128xf32, #tpu.memory_space<hbm>>
        tpu.enqueue_indirect_dma source(%dma_start3A_135 : memref<10000x128xf32, #tpu.memory_space<hbm>>) target(%arg12 : memref<80x128xf32, #tpu.memory_space<vmem>>) offsets(%dma_start3A_132 : memref<80xi32, #tpu.memory_space<vmem>>) semaphore(%arg16 : memref<!tpu.dma_semaphore, #tpu.memory_space<semaphore_mem>>)
      } else {
      }
      %mul3A_107 = arith.constant 3 : i32
      %mul3A_108 = arith.muli %scan3A_67, %mul3A_107 : i32
      %add3A_109 = arith.constant 2 : i32
      %add3A_110 = arith.addi %mul3A_108, %add3A_109 : i32
      %dma_wait3A_111 = arith.constant 0 : i32
      %dma_wait3A_112 = tpu.memref_slice %arg7[%dma_wait3A_111] : memref<10000xi32, #tpu.memory_space<vmem>> -> memref<80xi32, #tpu.memory_space<vmem>>
      %dma_wait3A_113 = arith.constant 0 : i32
      %dma_wait3A_114 = arith.constant 0 : i32
      %dma_wait3A_115 = tpu.memref_slice %arg2[%dma_wait3A_113, %dma_wait3A_114] : memref<10000x128xf32, #tpu.memory_space<hbm>> -> memref<10000x128xf32, #tpu.memory_space<hbm>>
      tpu.wait_indirect_dma semaphore(%arg17 : memref<!tpu.dma_semaphore, #tpu.memory_space<semaphore_mem>>) src(%dma_wait3A_115 : memref<10000x128xf32, #tpu.memory_space<hbm>>) dst(%arg13 : memref<80x128xf32, #tpu.memory_space<vmem>>)
      %dma_wait3A_116 = arith.constant 0 : i32
      %dma_wait3A_117 = tpu.memref_slice %arg4[%dma_wait3A_116] : memref<320000xi32, #tpu.memory_space<hbm>> -> memref<80xi32, #tpu.memory_space<hbm>>
      %dma_wait3A_118 = arith.constant 0 : i32
      %dma_wait3A_119 = tpu.memref_slice %arg4[%dma_wait3A_118] : memref<320000xi32, #tpu.memory_space<hbm>> -> memref<80xi32, #tpu.memory_space<hbm>>
      tpu.wait_dma2 semaphore(%arg20 : memref<!tpu.dma_semaphore, #tpu.memory_space<semaphore_mem>>) src(%dma_wait3A_119 : memref<80xi32, #tpu.memory_space<hbm>>) dst(%arg10 : memref<80xi32, #tpu.memory_space<vmem>>)
      "tpu.region"() ({
        %run_scoped3A = tpu.sem_alloc : memref<!tpu.dma_semaphore, #tpu.memory_space<semaphore_mem>>
        %dma_start3A_127 = arith.constant 0 : i32
        %dma_start3A_128 = arith.constant 0 : i32
        %dma_start3A_129 = tpu.memref_slice %arg14[%dma_start3A_127, %dma_start3A_128] : memref<10000x128xf32, #tpu.memory_space<vmem_shared>> -> memref<10000x128xf32, #tpu.memory_space<vmem_shared>>
        tpu.enqueue_indirect_dma source(%arg13 : memref<80x128xf32, #tpu.memory_space<vmem>>) target(%dma_start3A_129 : memref<10000x128xf32, #tpu.memory_space<vmem_shared>>) offsets(%arg10 : memref<80xi32, #tpu.memory_space<vmem>>) semaphore(%run_scoped3A : memref<!tpu.dma_semaphore, #tpu.memory_space<semaphore_mem>>) {add = true}
        %dma_wait3A_130 = arith.constant 0 : i32
        %dma_wait3A_131 = arith.constant 0 : i32
        %dma_wait3A_132 = tpu.memref_slice %arg14[%dma_wait3A_130, %dma_wait3A_131] : memref<10000x128xf32, #tpu.memory_space<vmem_shared>> -> memref<10000x128xf32, #tpu.memory_space<vmem_shared>>
        tpu.wait_indirect_dma semaphore(%run_scoped3A : memref<!tpu.dma_semaphore, #tpu.memory_space<semaphore_mem>>) src(%arg13 : memref<80x128xf32, #tpu.memory_space<vmem>>) dst(%dma_wait3A_132 : memref<10000x128xf32, #tpu.memory_space<vmem_shared>>)
        tpu.yield
      }) : () -> ()
      %add3A_120 = arith.constant 3 : i32
      %add3A_121 = arith.addi %add3A_110, %add3A_120 : i32
      %lt3A_122 = arith.constant 125 : i32
      %lt3A_123 = arith.cmpi slt, %add3A_121, %lt3A_122 : i32
      %convert_element_type3A_124 = arith.extui %lt3A_123 : i1 to i32
      %cond3A_125 = arith.constant 0 : i32
      %cond3A_126 = arith.cmpi ne, %convert_element_type3A_124, %cond3A_125 : i32
      scf.if %cond3A_126 {
        %mul3A_127 = arith.constant 80 : i32
        %mul3A_128 = arith.muli %add3A_121, %mul3A_127 : i32
        %add3A_129 = arith.addi %mul3A_2, %mul3A_128 : i32
        %dma_start3A_130 = tpu.memref_slice %arg4[%add3A_129] : memref<320000xi32, #tpu.memory_space<hbm>> -> memref<80xi32, #tpu.memory_space<hbm>>
        %dma_start3A_131 = tpu.memref_slice %arg4[%add3A_129] : memref<320000xi32, #tpu.memory_space<hbm>> -> memref<80xi32, #tpu.memory_space<hbm>>
        tpu.enqueue_dma source(%dma_start3A_131 : memref<80xi32, #tpu.memory_space<hbm>>) target(%arg10 : memref<80xi32, #tpu.memory_space<vmem>>) target_semaphore(%arg20 : memref<!tpu.dma_semaphore, #tpu.memory_space<semaphore_mem>>)
        %dma_start3A_132 = tpu.memref_slice %arg7[%mul3A_128] : memref<10000xi32, #tpu.memory_space<vmem>> -> memref<80xi32, #tpu.memory_space<vmem>>
        %dma_start3A_133 = arith.constant 0 : i32
        %dma_start3A_134 = arith.constant 0 : i32
        %dma_start3A_135 = tpu.memref_slice %arg2[%dma_start3A_133, %dma_start3A_134] : memref<10000x128xf32, #tpu.memory_space<hbm>> -> memref<10000x128xf32, #tpu.memory_space<hbm>>
        tpu.enqueue_indirect_dma source(%dma_start3A_135 : memref<10000x128xf32, #tpu.memory_space<hbm>>) target(%arg13 : memref<80x128xf32, #tpu.memory_space<vmem>>) offsets(%dma_start3A_132 : memref<80xi32, #tpu.memory_space<vmem>>) semaphore(%arg17 : memref<!tpu.dma_semaphore, #tpu.memory_space<semaphore_mem>>)
      } else {
      }
    }
    %scan3A_39 = arith.constant 41 : i32
    %dma_wait3A = arith.constant 0 : i32
    %dma_wait3A_40 = tpu.memref_slice %arg7[%dma_wait3A] : memref<10000xi32, #tpu.memory_space<vmem>> -> memref<80xi32, #tpu.memory_space<vmem>>
    %dma_wait3A_41 = arith.constant 0 : i32
    %dma_wait3A_42 = arith.constant 0 : i32
    %dma_wait3A_43 = tpu.memref_slice %arg2[%dma_wait3A_41, %dma_wait3A_42] : memref<10000x128xf32, #tpu.memory_space<hbm>> -> memref<10000x128xf32, #tpu.memory_space<hbm>>
    tpu.wait_indirect_dma semaphore(%arg15 : memref<!tpu.dma_semaphore, #tpu.memory_space<semaphore_mem>>) src(%dma_wait3A_43 : memref<10000x128xf32, #tpu.memory_space<hbm>>) dst(%arg11 : memref<80x128xf32, #tpu.memory_space<vmem>>)
    %dma_wait3A_44 = arith.constant 0 : i32
    %dma_wait3A_45 = tpu.memref_slice %arg4[%dma_wait3A_44] : memref<320000xi32, #tpu.memory_space<hbm>> -> memref<80xi32, #tpu.memory_space<hbm>>
    %dma_wait3A_46 = arith.constant 0 : i32
    %dma_wait3A_47 = tpu.memref_slice %arg4[%dma_wait3A_46] : memref<320000xi32, #tpu.memory_space<hbm>> -> memref<80xi32, #tpu.memory_space<hbm>>
    tpu.wait_dma2 semaphore(%arg18 : memref<!tpu.dma_semaphore, #tpu.memory_space<semaphore_mem>>) src(%dma_wait3A_47 : memref<80xi32, #tpu.memory_space<hbm>>) dst(%arg8 : memref<80xi32, #tpu.memory_space<vmem>>)
    "tpu.region"() ({
      %run_scoped3A = tpu.sem_alloc : memref<!tpu.dma_semaphore, #tpu.memory_space<semaphore_mem>>
      %dma_start3A_67 = arith.constant 0 : i32
      %dma_start3A_68 = arith.constant 0 : i32
      %dma_start3A_69 = tpu.memref_slice %arg14[%dma_start3A_67, %dma_start3A_68] : memref<10000x128xf32, #tpu.memory_space<vmem_shared>> -> memref<10000x128xf32, #tpu.memory_space<vmem_shared>>
      tpu.enqueue_indirect_dma source(%arg11 : memref<80x128xf32, #tpu.memory_space<vmem>>) target(%dma_start3A_69 : memref<10000x128xf32, #tpu.memory_space<vmem_shared>>) offsets(%arg8 : memref<80xi32, #tpu.memory_space<vmem>>) semaphore(%run_scoped3A : memref<!tpu.dma_semaphore, #tpu.memory_space<semaphore_mem>>) {add = true}
      %dma_wait3A_70 = arith.constant 0 : i32
      %dma_wait3A_71 = arith.constant 0 : i32
      %dma_wait3A_72 = tpu.memref_slice %arg14[%dma_wait3A_70, %dma_wait3A_71] : memref<10000x128xf32, #tpu.memory_space<vmem_shared>> -> memref<10000x128xf32, #tpu.memory_space<vmem_shared>>
      tpu.wait_indirect_dma semaphore(%run_scoped3A : memref<!tpu.dma_semaphore, #tpu.memory_space<semaphore_mem>>) src(%arg11 : memref<80x128xf32, #tpu.memory_space<vmem>>) dst(%dma_wait3A_72 : memref<10000x128xf32, #tpu.memory_space<vmem_shared>>)
      tpu.yield
    }) : () -> ()
    %dma_wait3A_48 = arith.constant 0 : i32
    %dma_wait3A_49 = tpu.memref_slice %arg7[%dma_wait3A_48] : memref<10000xi32, #tpu.memory_space<vmem>> -> memref<80xi32, #tpu.memory_space<vmem>>
    %dma_wait3A_50 = arith.constant 0 : i32
    %dma_wait3A_51 = arith.constant 0 : i32
    %dma_wait3A_52 = tpu.memref_slice %arg2[%dma_wait3A_50, %dma_wait3A_51] : memref<10000x128xf32, #tpu.memory_space<hbm>> -> memref<10000x128xf32, #tpu.memory_space<hbm>>
    tpu.wait_indirect_dma semaphore(%arg16 : memref<!tpu.dma_semaphore, #tpu.memory_space<semaphore_mem>>) src(%dma_wait3A_52 : memref<10000x128xf32, #tpu.memory_space<hbm>>) dst(%arg12 : memref<80x128xf32, #tpu.memory_space<vmem>>)
    %dma_wait3A_53 = arith.constant 0 : i32
    %dma_wait3A_54 = tpu.memref_slice %arg4[%dma_wait3A_53] : memref<320000xi32, #tpu.memory_space<hbm>> -> memref<80xi32, #tpu.memory_space<hbm>>
    %dma_wait3A_55 = arith.constant 0 : i32
    %dma_wait3A_56 = tpu.memref_slice %arg4[%dma_wait3A_55] : memref<320000xi32, #tpu.memory_space<hbm>> -> memref<80xi32, #tpu.memory_space<hbm>>
    tpu.wait_dma2 semaphore(%arg19 : memref<!tpu.dma_semaphore, #tpu.memory_space<semaphore_mem>>) src(%dma_wait3A_56 : memref<80xi32, #tpu.memory_space<hbm>>) dst(%arg9 : memref<80xi32, #tpu.memory_space<vmem>>)
    "tpu.region"() ({
      %run_scoped3A = tpu.sem_alloc : memref<!tpu.dma_semaphore, #tpu.memory_space<semaphore_mem>>
      %dma_start3A_67 = arith.constant 0 : i32
      %dma_start3A_68 = arith.constant 0 : i32
      %dma_start3A_69 = tpu.memref_slice %arg14[%dma_start3A_67, %dma_start3A_68] : memref<10000x128xf32, #tpu.memory_space<vmem_shared>> -> memref<10000x128xf32, #tpu.memory_space<vmem_shared>>
      tpu.enqueue_indirect_dma source(%arg12 : memref<80x128xf32, #tpu.memory_space<vmem>>) target(%dma_start3A_69 : memref<10000x128xf32, #tpu.memory_space<vmem_shared>>) offsets(%arg9 : memref<80xi32, #tpu.memory_space<vmem>>) semaphore(%run_scoped3A : memref<!tpu.dma_semaphore, #tpu.memory_space<semaphore_mem>>) {add = true}
      %dma_wait3A_70 = arith.constant 0 : i32
      %dma_wait3A_71 = arith.constant 0 : i32
      %dma_wait3A_72 = tpu.memref_slice %arg14[%dma_wait3A_70, %dma_wait3A_71] : memref<10000x128xf32, #tpu.memory_space<vmem_shared>> -> memref<10000x128xf32, #tpu.memory_space<vmem_shared>>
      tpu.wait_indirect_dma semaphore(%run_scoped3A : memref<!tpu.dma_semaphore, #tpu.memory_space<semaphore_mem>>) src(%arg12 : memref<80x128xf32, #tpu.memory_space<vmem>>) dst(%dma_wait3A_72 : memref<10000x128xf32, #tpu.memory_space<vmem_shared>>)
      tpu.yield
    }) : () -> ()
    %barrier3A_57 = arith.constant 0 : index
    tpu.barrier barrier_id(%barrier3A_57)
    %mul3A_58 = arith.constant 624 : i32
    %mul3A_59 = arith.muli %arg1, %mul3A_58 : i32
    %mul3A_60 = arith.constant 624 : i32
    %mul3A_61 = arith.muli %arg1, %mul3A_60 : i32
    "tpu.region"() ({
      %run_scoped3A = tpu.sem_alloc : memref<!tpu.dma_semaphore, #tpu.memory_space<semaphore_mem>>
      %dma_start3A_67 = arith.constant 0 : i32
      %dma_start3A_68 = arith.constant 0 : i32
      %dma_start3A_69 = tpu.memref_slice %arg6[%arg0, %dma_start3A_67, %dma_start3A_68] : memref<2x10000x128xf32, #tpu.memory_space<hbm>> -> memref<1x10000x128xf32, #tpu.memory_space<hbm>>
      %dma_start3A_70 = tpu.memref_squeeze %dma_start3A_69 : memref<1x10000x128xf32, #tpu.memory_space<hbm>> -> memref<10000x128xf32, #tpu.memory_space<hbm>>
      %dma_start3A_71 = arith.constant 0 : i32
      %dma_start3A_72 = tpu.memref_slice %dma_start3A_70[%mul3A_61, %dma_start3A_71] : memref<10000x128xf32, #tpu.memory_space<hbm>> -> memref<624x128xf32, #tpu.memory_space<hbm>>
      %dma_start3A_73 = arith.constant 0 : i32
      %dma_start3A_74 = tpu.memref_slice %arg14[%mul3A_59, %dma_start3A_73] : memref<10000x128xf32, #tpu.memory_space<vmem_shared>> -> memref<624x128xf32, #tpu.memory_space<vmem_shared>>
      tpu.enqueue_dma source(%dma_start3A_74 : memref<624x128xf32, #tpu.memory_space<vmem_shared>>) target(%dma_start3A_72 : memref<624x128xf32, #tpu.memory_space<hbm>>) target_semaphore(%run_scoped3A : memref<!tpu.dma_semaphore, #tpu.memory_space<semaphore_mem>>)
      %dma_wait3A_75 = arith.constant 0 : i32
      %dma_wait3A_76 = arith.constant 0 : i32
      %dma_wait3A_77 = tpu.memref_slice %arg6[%arg0, %dma_wait3A_75, %dma_wait3A_76] : memref<2x10000x128xf32, #tpu.memory_space<hbm>> -> memref<1x10000x128xf32, #tpu.memory_space<hbm>>
      %dma_wait3A_78 = tpu.memref_squeeze %dma_wait3A_77 : memref<1x10000x128xf32, #tpu.memory_space<hbm>> -> memref<10000x128xf32, #tpu.memory_space<hbm>>
      %dma_wait3A_79 = arith.constant 0 : i32
      %dma_wait3A_80 = tpu.memref_slice %dma_wait3A_78[%mul3A_61, %dma_wait3A_79] : memref<10000x128xf32, #tpu.memory_space<hbm>> -> memref<624x128xf32, #tpu.memory_space<hbm>>
      %dma_wait3A_81 = arith.constant 0 : i32
      %dma_wait3A_82 = tpu.memref_slice %arg14[%mul3A_59, %dma_wait3A_81] : memref<10000x128xf32, #tpu.memory_space<vmem_shared>> -> memref<624x128xf32, #tpu.memory_space<vmem_shared>>
      tpu.wait_dma2 semaphore(%run_scoped3A : memref<!tpu.dma_semaphore, #tpu.memory_space<semaphore_mem>>) src(%dma_wait3A_82 : memref<624x128xf32, #tpu.memory_space<vmem_shared>>) dst(%dma_wait3A_80 : memref<624x128xf32, #tpu.memory_space<hbm>>)
      tpu.yield
    }) : () -> ()
    %eq3A_62 = arith.constant 0 : i32
    %eq3A_63 = arith.cmpi eq, %arg1, %eq3A_62 : i32
    %convert_element_type3A_64 = arith.extui %eq3A_63 : i1 to i32
    %cond3A_65 = arith.constant 0 : i32
    %cond3A_66 = arith.cmpi ne, %convert_element_type3A_64, %cond3A_65 : i32
    scf.if %cond3A_66 {
      "tpu.region"() ({
        %run_scoped3A = tpu.sem_alloc : memref<!tpu.dma_semaphore, #tpu.memory_space<semaphore_mem>>
        %dma_start3A_67 = arith.constant 0 : i32
        %dma_start3A_68 = arith.constant 0 : i32
        %dma_start3A_69 = tpu.memref_slice %arg6[%arg0, %dma_start3A_67, %dma_start3A_68] : memref<2x10000x128xf32, #tpu.memory_space<hbm>> -> memref<1x10000x128xf32, #tpu.memory_space<hbm>>
        %dma_start3A_70 = tpu.memref_squeeze %dma_start3A_69 : memref<1x10000x128xf32, #tpu.memory_space<hbm>> -> memref<10000x128xf32, #tpu.memory_space<hbm>>
        %dma_start3A_71 = arith.constant 9984 : i32
        %dma_start3A_72 = arith.constant 0 : i32
        %dma_start3A_73 = tpu.memref_slice %dma_start3A_70[%dma_start3A_71, %dma_start3A_72] : memref<10000x128xf32, #tpu.memory_space<hbm>> -> memref<16x128xf32, #tpu.memory_space<hbm>>
        %dma_start3A_74 = arith.constant 9984 : i32
        %dma_start3A_75 = arith.constant 0 : i32
        %dma_start3A_76 = tpu.memref_slice %arg14[%dma_start3A_74, %dma_start3A_75] : memref<10000x128xf32, #tpu.memory_space<vmem_shared>> -> memref<16x128xf32, #tpu.memory_space<vmem_shared>>
        tpu.enqueue_dma source(%dma_start3A_76 : memref<16x128xf32, #tpu.memory_space<vmem_shared>>) target(%dma_start3A_73 : memref<16x128xf32, #tpu.memory_space<hbm>>) target_semaphore(%run_scoped3A : memref<!tpu.dma_semaphore, #tpu.memory_space<semaphore_mem>>)
        %dma_wait3A_77 = arith.constant 0 : i32
        %dma_wait3A_78 = arith.constant 0 : i32
        %dma_wait3A_79 = tpu.memref_slice %arg6[%arg0, %dma_wait3A_77, %dma_wait3A_78] : memref<2x10000x128xf32, #tpu.memory_space<hbm>> -> memref<1x10000x128xf32, #tpu.memory_space<hbm>>
        %dma_wait3A_80 = tpu.memref_squeeze %dma_wait3A_79 : memref<1x10000x128xf32, #tpu.memory_space<hbm>> -> memref<10000x128xf32, #tpu.memory_space<hbm>>
        %dma_wait3A_81 = arith.constant 9984 : i32
        %dma_wait3A_82 = arith.constant 0 : i32
        %dma_wait3A_83 = tpu.memref_slice %dma_wait3A_80[%dma_wait3A_81, %dma_wait3A_82] : memref<10000x128xf32, #tpu.memory_space<hbm>> -> memref<16x128xf32, #tpu.memory_space<hbm>>
        %dma_wait3A_84 = arith.constant 9984 : i32
        %dma_wait3A_85 = arith.constant 0 : i32
        %dma_wait3A_86 = tpu.memref_slice %arg14[%dma_wait3A_84, %dma_wait3A_85] : memref<10000x128xf32, #tpu.memory_space<vmem_shared>> -> memref<16x128xf32, #tpu.memory_space<vmem_shared>>
        tpu.wait_dma2 semaphore(%run_scoped3A : memref<!tpu.dma_semaphore, #tpu.memory_space<semaphore_mem>>) src(%dma_wait3A_86 : memref<16x128xf32, #tpu.memory_space<vmem_shared>>) dst(%dma_wait3A_83 : memref<16x128xf32, #tpu.memory_space<hbm>>)
        tpu.yield
      }) : () -> ()
    } else {
    }
    return
  }
}

#map = affine_map<(d0, d1) -> (0, 0)>
#map1 = affine_map<(d0, d1) -> (0)>
#map2 = affine_map<(d0, d1) -> (0, 0, 0)>
module attributes {stable_mosaic.version = 14 : i64} {
  func.func @_edge_body(%arg0: i32, %arg1: i32, %arg2: memref<10000x128xf32, #tpu.memory_space<hbm>>, %arg3: memref<320000xi32, #tpu.memory_space<hbm>>, %arg4: memref<320000xi32, #tpu.memory_space<hbm>>, %arg5: memref<10000x128xf32, #tpu.memory_space<hbm>>, %arg6: memref<2x10000x128xf32, #tpu.memory_space<hbm>>, %arg7: memref<10000xi32, #tpu.memory_space<vmem>>, %arg8: memref<80xi32, #tpu.memory_space<vmem>>, %arg9: memref<80xi32, #tpu.memory_space<vmem>>, %arg10: memref<80xi32, #tpu.memory_space<vmem>>, %arg11: memref<80x128xf32, #tpu.memory_space<vmem>>, %arg12: memref<80x128xf32, #tpu.memory_space<vmem>>, %arg13: memref<80x128xf32, #tpu.memory_space<vmem>>, %arg14: memref<10000x128xf32, #tpu.memory_space<vmem_shared>>, %arg15: memref<!tpu.dma_semaphore, #tpu.memory_space<semaphore_mem>>, %arg16: memref<!tpu.dma_semaphore, #tpu.memory_space<semaphore_mem>>, %arg17: memref<!tpu.dma_semaphore, #tpu.memory_space<semaphore_mem>>, %arg18: memref<!tpu.dma_semaphore, #tpu.memory_space<semaphore_mem>>, %arg19: memref<!tpu.dma_semaphore, #tpu.memory_space<semaphore_mem>>, %arg20: memref<!tpu.dma_semaphore, #tpu.memory_space<semaphore_mem>>) attributes {dimension_semantics = [#tpu.dimension_semantics<core_parallel>, #tpu.dimension_semantics<subcore_parallel>], iteration_bounds = array<i64: 2, 16>, scalar_prefetch = 0 : i64, scratch_operands = 14 : i64, tpu.core_type = #tpu.core_type<sc_vector_subcore>, window_params = [{transform_indices = #map}, {transform_indices = #map1}, {transform_indices = #map1}, {transform_indices = #map}, {transform_indices = #map2}]} {
    %mul3A = arith.constant 2 : i32
    %mul3A_0 = arith.muli %arg1, %mul3A : i32
    %add3A = arith.addi %mul3A_0, %arg0 : i32
    %mul3A_1 = arith.constant 10000 : i32
    %mul3A_2 = arith.muli %add3A, %mul3A_1 : i32
    "tpu.region"() ({
      %run_scoped3A = tpu.sem_alloc : memref<!tpu.dma_semaphore, #tpu.memory_space<semaphore_mem>>
      %dma_start3A_67 = tpu.memref_slice %arg3[%mul3A_2] : memref<320000xi32, #tpu.memory_space<hbm>> -> memref<10000xi32, #tpu.memory_space<hbm>>
      %dma_start3A_68 = tpu.memref_slice %arg3[%mul3A_2] : memref<320000xi32, #tpu.memory_space<hbm>> -> memref<10000xi32, #tpu.memory_space<hbm>>
      tpu.enqueue_dma source(%dma_start3A_68 : memref<10000xi32, #tpu.memory_space<hbm>>) target(%arg7 : memref<10000xi32, #tpu.memory_space<vmem>>) target_semaphore(%run_scoped3A : memref<!tpu.dma_semaphore, #tpu.memory_space<semaphore_mem>>)
      %dma_wait3A_69 = tpu.memref_slice %arg3[%mul3A_2] : memref<320000xi32, #tpu.memory_space<hbm>> -> memref<10000xi32, #tpu.memory_space<hbm>>
      %dma_wait3A_70 = tpu.memref_slice %arg3[%mul3A_2] : memref<320000xi32, #tpu.memory_space<hbm>> -> memref<10000xi32, #tpu.memory_space<hbm>>
      tpu.wait_dma2 semaphore(%run_scoped3A : memref<!tpu.dma_semaphore, #tpu.memory_space<semaphore_mem>>) src(%dma_wait3A_70 : memref<10000xi32, #tpu.memory_space<hbm>>) dst(%arg7 : memref<10000xi32, #tpu.memory_space<vmem>>)
      tpu.yield
    }) : () -> ()
    %add3A_3 = arith.constant 0 : i32
    %add3A_4 = arith.addi %mul3A_2, %add3A_3 : i32
    %dma_start3A = tpu.memref_slice %arg4[%add3A_4] : memref<320000xi32, #tpu.memory_space<hbm>> -> memref<80xi32, #tpu.memory_space<hbm>>
    %dma_start3A_5 = tpu.memref_slice %arg4[%add3A_4] : memref<320000xi32, #tpu.memory_space<hbm>> -> memref<80xi32, #tpu.memory_space<hbm>>
    tpu.enqueue_dma source(%dma_start3A_5 : memref<80xi32, #tpu.memory_space<hbm>>) target(%arg8 : memref<80xi32, #tpu.memory_space<vmem>>) target_semaphore(%arg18 : memref<!tpu.dma_semaphore, #tpu.memory_space<semaphore_mem>>)
    %dma_start3A_6 = arith.constant 0 : i32
    %dma_start3A_7 = tpu.memref_slice %arg7[%dma_start3A_6] : memref<10000xi32, #tpu.memory_space<vmem>> -> memref<80xi32, #tpu.memory_space<vmem>>
    %dma_start3A_8 = arith.constant 0 : i32
    %dma_start3A_9 = arith.constant 0 : i32
    %dma_start3A_10 = tpu.memref_slice %arg2[%dma_start3A_8, %dma_start3A_9] : memref<10000x128xf32, #tpu.memory_space<hbm>> -> memref<10000x128xf32, #tpu.memory_space<hbm>>
    tpu.enqueue_indirect_dma source(%dma_start3A_10 : memref<10000x128xf32, #tpu.memory_space<hbm>>) target(%arg11 : memref<80x128xf32, #tpu.memory_space<vmem>>) offsets(%dma_start3A_7 : memref<80xi32, #tpu.memory_space<vmem>>) semaphore(%arg15 : memref<!tpu.dma_semaphore, #tpu.memory_space<semaphore_mem>>)
    %add3A_11 = arith.constant 80 : i32
    %add3A_12 = arith.addi %mul3A_2, %add3A_11 : i32
    %dma_start3A_13 = tpu.memref_slice %arg4[%add3A_12] : memref<320000xi32, #tpu.memory_space<hbm>> -> memref<80xi32, #tpu.memory_space<hbm>>
    %dma_start3A_14 = tpu.memref_slice %arg4[%add3A_12] : memref<320000xi32, #tpu.memory_space<hbm>> -> memref<80xi32, #tpu.memory_space<hbm>>
    tpu.enqueue_dma source(%dma_start3A_14 : memref<80xi32, #tpu.memory_space<hbm>>) target(%arg9 : memref<80xi32, #tpu.memory_space<vmem>>) target_semaphore(%arg19 : memref<!tpu.dma_semaphore, #tpu.memory_space<semaphore_mem>>)
    %dma_start3A_15 = arith.constant 80 : i32
    %dma_start3A_16 = tpu.memref_slice %arg7[%dma_start3A_15] : memref<10000xi32, #tpu.memory_space<vmem>> -> memref<80xi32, #tpu.memory_space<vmem>>
    %dma_start3A_17 = arith.constant 0 : i32
    %dma_start3A_18 = arith.constant 0 : i32
    %dma_start3A_19 = tpu.memref_slice %arg2[%dma_start3A_17, %dma_start3A_18] : memref<10000x128xf32, #tpu.memory_space<hbm>> -> memref<10000x128xf32, #tpu.memory_space<hbm>>
    tpu.enqueue_indirect_dma source(%dma_start3A_19 : memref<10000x128xf32, #tpu.memory_space<hbm>>) target(%arg12 : memref<80x128xf32, #tpu.memory_space<vmem>>) offsets(%dma_start3A_16 : memref<80xi32, #tpu.memory_space<vmem>>) semaphore(%arg16 : memref<!tpu.dma_semaphore, #tpu.memory_space<semaphore_mem>>)
    %add3A_20 = arith.constant 160 : i32
    %add3A_21 = arith.addi %mul3A_2, %add3A_20 : i32
    %dma_start3A_22 = tpu.memref_slice %arg4[%add3A_21] : memref<320000xi32, #tpu.memory_space<hbm>> -> memref<80xi32, #tpu.memory_space<hbm>>
    %dma_start3A_23 = tpu.memref_slice %arg4[%add3A_21] : memref<320000xi32, #tpu.memory_space<hbm>> -> memref<80xi32, #tpu.memory_space<hbm>>
    tpu.enqueue_dma source(%dma_start3A_23 : memref<80xi32, #tpu.memory_space<hbm>>) target(%arg10 : memref<80xi32, #tpu.memory_space<vmem>>) target_semaphore(%arg20 : memref<!tpu.dma_semaphore, #tpu.memory_space<semaphore_mem>>)
    %dma_start3A_24 = arith.constant 160 : i32
    %dma_start3A_25 = tpu.memref_slice %arg7[%dma_start3A_24] : memref<10000xi32, #tpu.memory_space<vmem>> -> memref<80xi32, #tpu.memory_space<vmem>>
    %dma_start3A_26 = arith.constant 0 : i32
    %dma_start3A_27 = arith.constant 0 : i32
    %dma_start3A_28 = tpu.memref_slice %arg2[%dma_start3A_26, %dma_start3A_27] : memref<10000x128xf32, #tpu.memory_space<hbm>> -> memref<10000x128xf32, #tpu.memory_space<hbm>>
    tpu.enqueue_indirect_dma source(%dma_start3A_28 : memref<10000x128xf32, #tpu.memory_space<hbm>>) target(%arg13 : memref<80x128xf32, #tpu.memory_space<vmem>>) offsets(%dma_start3A_25 : memref<80xi32, #tpu.memory_space<vmem>>) semaphore(%arg17 : memref<!tpu.dma_semaphore, #tpu.memory_space<semaphore_mem>>)
    %eq3A = arith.constant 0 : i32
    %eq3A_29 = arith.cmpi eq, %arg0, %eq3A : i32
    %convert_element_type3A = arith.extui %eq3A_29 : i1 to i32
    %cond3A = arith.constant 0 : i32
    %cond3A_30 = arith.cmpi ne, %convert_element_type3A, %cond3A : i32
    scf.if %cond3A_30 {
      %mul3A_67 = arith.constant 624 : i32
      %mul3A_68 = arith.muli %arg1, %mul3A_67 : i32
      %mul3A_69 = arith.constant 624 : i32
      %mul3A_70 = arith.muli %arg1, %mul3A_69 : i32
      "tpu.region"() ({
        %run_scoped3A = tpu.sem_alloc : memref<!tpu.dma_semaphore, #tpu.memory_space<semaphore_mem>>
        %dma_start3A_76 = arith.constant 0 : i32
        %dma_start3A_77 = tpu.memref_slice %arg14[%mul3A_70, %dma_start3A_76] : memref<10000x128xf32, #tpu.memory_space<vmem_shared>> -> memref<624x128xf32, #tpu.memory_space<vmem_shared>>
        %dma_start3A_78 = arith.constant 0 : i32
        %dma_start3A_79 = tpu.memref_slice %arg2[%mul3A_68, %dma_start3A_78] : memref<10000x128xf32, #tpu.memory_space<hbm>> -> memref<624x128xf32, #tpu.memory_space<hbm>>
        tpu.enqueue_dma source(%dma_start3A_79 : memref<624x128xf32, #tpu.memory_space<hbm>>) target(%dma_start3A_77 : memref<624x128xf32, #tpu.memory_space<vmem_shared>>) target_semaphore(%run_scoped3A : memref<!tpu.dma_semaphore, #tpu.memory_space<semaphore_mem>>)
        %dma_wait3A_80 = arith.constant 0 : i32
        %dma_wait3A_81 = tpu.memref_slice %arg14[%mul3A_70, %dma_wait3A_80] : memref<10000x128xf32, #tpu.memory_space<vmem_shared>> -> memref<624x128xf32, #tpu.memory_space<vmem_shared>>
        %dma_wait3A_82 = arith.constant 0 : i32
        %dma_wait3A_83 = tpu.memref_slice %arg2[%mul3A_68, %dma_wait3A_82] : memref<10000x128xf32, #tpu.memory_space<hbm>> -> memref<624x128xf32, #tpu.memory_space<hbm>>
        tpu.wait_dma2 semaphore(%run_scoped3A : memref<!tpu.dma_semaphore, #tpu.memory_space<semaphore_mem>>) src(%dma_wait3A_83 : memref<624x128xf32, #tpu.memory_space<hbm>>) dst(%dma_wait3A_81 : memref<624x128xf32, #tpu.memory_space<vmem_shared>>)
        tpu.yield
      }) : () -> ()
      %eq3A_71 = arith.constant 0 : i32
      %eq3A_72 = arith.cmpi eq, %arg1, %eq3A_71 : i32
      %convert_element_type3A_73 = arith.extui %eq3A_72 : i1 to i32
      %cond3A_74 = arith.constant 0 : i32
      %cond3A_75 = arith.cmpi ne, %convert_element_type3A_73, %cond3A_74 : i32
      scf.if %cond3A_75 {
        "tpu.region"() ({
          %run_scoped3A = tpu.sem_alloc : memref<!tpu.dma_semaphore, #tpu.memory_space<semaphore_mem>>
          %dma_start3A_76 = arith.constant 9984 : i32
          %dma_start3A_77 = arith.constant 0 : i32
          %dma_start3A_78 = tpu.memref_slice %arg14[%dma_start3A_76, %dma_start3A_77] : memref<10000x128xf32, #tpu.memory_space<vmem_shared>> -> memref<16x128xf32, #tpu.memory_space<vmem_shared>>
          %dma_start3A_79 = arith.constant 9984 : i32
          %dma_start3A_80 = arith.constant 0 : i32
          %dma_start3A_81 = tpu.memref_slice %arg2[%dma_start3A_79, %dma_start3A_80] : memref<10000x128xf32, #tpu.memory_space<hbm>> -> memref<16x128xf32, #tpu.memory_space<hbm>>
          tpu.enqueue_dma source(%dma_start3A_81 : memref<16x128xf32, #tpu.memory_space<hbm>>) target(%dma_start3A_78 : memref<16x128xf32, #tpu.memory_space<vmem_shared>>) target_semaphore(%run_scoped3A : memref<!tpu.dma_semaphore, #tpu.memory_space<semaphore_mem>>)
          %dma_wait3A_82 = arith.constant 9984 : i32
          %dma_wait3A_83 = arith.constant 0 : i32
          %dma_wait3A_84 = tpu.memref_slice %arg14[%dma_wait3A_82, %dma_wait3A_83] : memref<10000x128xf32, #tpu.memory_space<vmem_shared>> -> memref<16x128xf32, #tpu.memory_space<vmem_shared>>
          %dma_wait3A_85 = arith.constant 9984 : i32
          %dma_wait3A_86 = arith.constant 0 : i32
          %dma_wait3A_87 = tpu.memref_slice %arg2[%dma_wait3A_85, %dma_wait3A_86] : memref<10000x128xf32, #tpu.memory_space<hbm>> -> memref<16x128xf32, #tpu.memory_space<hbm>>
          tpu.wait_dma2 semaphore(%run_scoped3A : memref<!tpu.dma_semaphore, #tpu.memory_space<semaphore_mem>>) src(%dma_wait3A_87 : memref<16x128xf32, #tpu.memory_space<hbm>>) dst(%dma_wait3A_84 : memref<16x128xf32, #tpu.memory_space<vmem_shared>>)
          tpu.yield
        }) : () -> ()
      } else {
      }
    } else {
    }
    %ne3A = arith.constant 0 : i32
    %ne3A_31 = arith.cmpi ne, %arg0, %ne3A : i32
    %convert_element_type3A_32 = arith.extui %ne3A_31 : i1 to i32
    %cond3A_33 = arith.constant 0 : i32
    %cond3A_34 = arith.cmpi ne, %convert_element_type3A_32, %cond3A_33 : i32
    scf.if %cond3A_34 {
      %mul3A_67 = arith.constant 624 : i32
      %mul3A_68 = arith.muli %arg1, %mul3A_67 : i32
      %mul3A_69 = arith.constant 624 : i32
      %mul3A_70 = arith.muli %arg1, %mul3A_69 : i32
      "tpu.region"() ({
        %run_scoped3A = tpu.sem_alloc : memref<!tpu.dma_semaphore, #tpu.memory_space<semaphore_mem>>
        %dma_start3A_76 = arith.constant 0 : i32
        %dma_start3A_77 = tpu.memref_slice %arg14[%mul3A_70, %dma_start3A_76] : memref<10000x128xf32, #tpu.memory_space<vmem_shared>> -> memref<624x128xf32, #tpu.memory_space<vmem_shared>>
        %dma_start3A_78 = arith.constant 0 : i32
        %dma_start3A_79 = tpu.memref_slice %arg5[%mul3A_68, %dma_start3A_78] : memref<10000x128xf32, #tpu.memory_space<hbm>> -> memref<624x128xf32, #tpu.memory_space<hbm>>
        tpu.enqueue_dma source(%dma_start3A_79 : memref<624x128xf32, #tpu.memory_space<hbm>>) target(%dma_start3A_77 : memref<624x128xf32, #tpu.memory_space<vmem_shared>>) target_semaphore(%run_scoped3A : memref<!tpu.dma_semaphore, #tpu.memory_space<semaphore_mem>>)
        %dma_wait3A_80 = arith.constant 0 : i32
        %dma_wait3A_81 = tpu.memref_slice %arg14[%mul3A_70, %dma_wait3A_80] : memref<10000x128xf32, #tpu.memory_space<vmem_shared>> -> memref<624x128xf32, #tpu.memory_space<vmem_shared>>
        %dma_wait3A_82 = arith.constant 0 : i32
        %dma_wait3A_83 = tpu.memref_slice %arg5[%mul3A_68, %dma_wait3A_82] : memref<10000x128xf32, #tpu.memory_space<hbm>> -> memref<624x128xf32, #tpu.memory_space<hbm>>
        tpu.wait_dma2 semaphore(%run_scoped3A : memref<!tpu.dma_semaphore, #tpu.memory_space<semaphore_mem>>) src(%dma_wait3A_83 : memref<624x128xf32, #tpu.memory_space<hbm>>) dst(%dma_wait3A_81 : memref<624x128xf32, #tpu.memory_space<vmem_shared>>)
        tpu.yield
      }) : () -> ()
      %eq3A_71 = arith.constant 0 : i32
      %eq3A_72 = arith.cmpi eq, %arg1, %eq3A_71 : i32
      %convert_element_type3A_73 = arith.extui %eq3A_72 : i1 to i32
      %cond3A_74 = arith.constant 0 : i32
      %cond3A_75 = arith.cmpi ne, %convert_element_type3A_73, %cond3A_74 : i32
      scf.if %cond3A_75 {
        "tpu.region"() ({
          %run_scoped3A = tpu.sem_alloc : memref<!tpu.dma_semaphore, #tpu.memory_space<semaphore_mem>>
          %dma_start3A_76 = arith.constant 9984 : i32
          %dma_start3A_77 = arith.constant 0 : i32
          %dma_start3A_78 = tpu.memref_slice %arg14[%dma_start3A_76, %dma_start3A_77] : memref<10000x128xf32, #tpu.memory_space<vmem_shared>> -> memref<16x128xf32, #tpu.memory_space<vmem_shared>>
          %dma_start3A_79 = arith.constant 9984 : i32
          %dma_start3A_80 = arith.constant 0 : i32
          %dma_start3A_81 = tpu.memref_slice %arg5[%dma_start3A_79, %dma_start3A_80] : memref<10000x128xf32, #tpu.memory_space<hbm>> -> memref<16x128xf32, #tpu.memory_space<hbm>>
          tpu.enqueue_dma source(%dma_start3A_81 : memref<16x128xf32, #tpu.memory_space<hbm>>) target(%dma_start3A_78 : memref<16x128xf32, #tpu.memory_space<vmem_shared>>) target_semaphore(%run_scoped3A : memref<!tpu.dma_semaphore, #tpu.memory_space<semaphore_mem>>)
          %dma_wait3A_82 = arith.constant 9984 : i32
          %dma_wait3A_83 = arith.constant 0 : i32
          %dma_wait3A_84 = tpu.memref_slice %arg14[%dma_wait3A_82, %dma_wait3A_83] : memref<10000x128xf32, #tpu.memory_space<vmem_shared>> -> memref<16x128xf32, #tpu.memory_space<vmem_shared>>
          %dma_wait3A_85 = arith.constant 9984 : i32
          %dma_wait3A_86 = arith.constant 0 : i32
          %dma_wait3A_87 = tpu.memref_slice %arg5[%dma_wait3A_85, %dma_wait3A_86] : memref<10000x128xf32, #tpu.memory_space<hbm>> -> memref<16x128xf32, #tpu.memory_space<hbm>>
          tpu.wait_dma2 semaphore(%run_scoped3A : memref<!tpu.dma_semaphore, #tpu.memory_space<semaphore_mem>>) src(%dma_wait3A_87 : memref<16x128xf32, #tpu.memory_space<hbm>>) dst(%dma_wait3A_84 : memref<16x128xf32, #tpu.memory_space<vmem_shared>>)
          tpu.yield
        }) : () -> ()
      } else {
      }
    } else {
    }
    %barrier3A = arith.constant 0 : index
    tpu.barrier barrier_id(%barrier3A)
    %scan3A = arith.constant 0 : i32
    %scan3A_35 = arith.constant 0 : i32
    %scan3A_36 = arith.constant 41 : i32
    %scan3A_37 = arith.addi %scan3A_35, %scan3A_36 : i32
    %scan3A_38 = arith.constant 1 : i32
    scf.for %scan3A_67 = %scan3A_35 to %scan3A_37 step %scan3A_38  : i32 {
      %mul3A_68 = arith.constant 3 : i32
      %mul3A_69 = arith.muli %scan3A_67, %mul3A_68 : i32
      %add3A_70 = arith.constant 0 : i32
      %add3A_71 = arith.addi %mul3A_69, %add3A_70 : i32
      %dma_wait3A_72 = arith.constant 0 : i32
      %dma_wait3A_73 = tpu.memref_slice %arg7[%dma_wait3A_72] : memref<10000xi32, #tpu.memory_space<vmem>> -> memref<80xi32, #tpu.memory_space<vmem>>
      %dma_wait3A_74 = arith.constant 0 : i32
      %dma_wait3A_75 = arith.constant 0 : i32
      %dma_wait3A_76 = tpu.memref_slice %arg2[%dma_wait3A_74, %dma_wait3A_75] : memref<10000x128xf32, #tpu.memory_space<hbm>> -> memref<10000x128xf32, #tpu.memory_space<hbm>>
      tpu.wait_indirect_dma semaphore(%arg15 : memref<!tpu.dma_semaphore, #tpu.memory_space<semaphore_mem>>) src(%dma_wait3A_76 : memref<10000x128xf32, #tpu.memory_space<hbm>>) dst(%arg11 : memref<80x128xf32, #tpu.memory_space<vmem>>)
      %dma_wait3A_77 = arith.constant 0 : i32
      %dma_wait3A_78 = tpu.memref_slice %arg4[%dma_wait3A_77] : memref<320000xi32, #tpu.memory_space<hbm>> -> memref<80xi32, #tpu.memory_space<hbm>>
      %dma_wait3A_79 = arith.constant 0 : i32
      %dma_wait3A_80 = tpu.memref_slice %arg4[%dma_wait3A_79] : memref<320000xi32, #tpu.memory_space<hbm>> -> memref<80xi32, #tpu.memory_space<hbm>>
      tpu.wait_dma2 semaphore(%arg18 : memref<!tpu.dma_semaphore, #tpu.memory_space<semaphore_mem>>) src(%dma_wait3A_80 : memref<80xi32, #tpu.memory_space<hbm>>) dst(%arg8 : memref<80xi32, #tpu.memory_space<vmem>>)
      "tpu.region"() ({
        %run_scoped3A = tpu.sem_alloc : memref<!tpu.dma_semaphore, #tpu.memory_space<semaphore_mem>>
        %dma_start3A_127 = arith.constant 0 : i32
        %dma_start3A_128 = arith.constant 0 : i32
        %dma_start3A_129 = tpu.memref_slice %arg14[%dma_start3A_127, %dma_start3A_128] : memref<10000x128xf32, #tpu.memory_space<vmem_shared>> -> memref<10000x128xf32, #tpu.memory_space<vmem_shared>>
        tpu.enqueue_indirect_dma source(%arg11 : memref<80x128xf32, #tpu.memory_space<vmem>>) target(%dma_start3A_129 : memref<10000x128xf32, #tpu.memory_space<vmem_shared>>) offsets(%arg8 : memref<80xi32, #tpu.memory_space<vmem>>) semaphore(%run_scoped3A : memref<!tpu.dma_semaphore, #tpu.memory_space<semaphore_mem>>) {add = true}
        %dma_wait3A_130 = arith.constant 0 : i32
        %dma_wait3A_131 = arith.constant 0 : i32
        %dma_wait3A_132 = tpu.memref_slice %arg14[%dma_wait3A_130, %dma_wait3A_131] : memref<10000x128xf32, #tpu.memory_space<vmem_shared>> -> memref<10000x128xf32, #tpu.memory_space<vmem_shared>>
        tpu.wait_indirect_dma semaphore(%run_scoped3A : memref<!tpu.dma_semaphore, #tpu.memory_space<semaphore_mem>>) src(%arg11 : memref<80x128xf32, #tpu.memory_space<vmem>>) dst(%dma_wait3A_132 : memref<10000x128xf32, #tpu.memory_space<vmem_shared>>)
        tpu.yield
      }) : () -> ()
      %add3A_81 = arith.constant 3 : i32
      %add3A_82 = arith.addi %add3A_71, %add3A_81 : i32
      %lt3A = arith.constant 125 : i32
      %lt3A_83 = arith.cmpi slt, %add3A_82, %lt3A : i32
      %convert_element_type3A_84 = arith.extui %lt3A_83 : i1 to i32
      %cond3A_85 = arith.constant 0 : i32
      %cond3A_86 = arith.cmpi ne, %convert_element_type3A_84, %cond3A_85 : i32
      scf.if %cond3A_86 {
        %mul3A_127 = arith.constant 80 : i32
        %mul3A_128 = arith.muli %add3A_82, %mul3A_127 : i32
        %add3A_129 = arith.addi %mul3A_2, %mul3A_128 : i32
        %dma_start3A_130 = tpu.memref_slice %arg4[%add3A_129] : memref<320000xi32, #tpu.memory_space<hbm>> -> memref<80xi32, #tpu.memory_space<hbm>>
        %dma_start3A_131 = tpu.memref_slice %arg4[%add3A_129] : memref<320000xi32, #tpu.memory_space<hbm>> -> memref<80xi32, #tpu.memory_space<hbm>>
        tpu.enqueue_dma source(%dma_start3A_131 : memref<80xi32, #tpu.memory_space<hbm>>) target(%arg8 : memref<80xi32, #tpu.memory_space<vmem>>) target_semaphore(%arg18 : memref<!tpu.dma_semaphore, #tpu.memory_space<semaphore_mem>>)
        %dma_start3A_132 = tpu.memref_slice %arg7[%mul3A_128] : memref<10000xi32, #tpu.memory_space<vmem>> -> memref<80xi32, #tpu.memory_space<vmem>>
        %dma_start3A_133 = arith.constant 0 : i32
        %dma_start3A_134 = arith.constant 0 : i32
        %dma_start3A_135 = tpu.memref_slice %arg2[%dma_start3A_133, %dma_start3A_134] : memref<10000x128xf32, #tpu.memory_space<hbm>> -> memref<10000x128xf32, #tpu.memory_space<hbm>>
        tpu.enqueue_indirect_dma source(%dma_start3A_135 : memref<10000x128xf32, #tpu.memory_space<hbm>>) target(%arg11 : memref<80x128xf32, #tpu.memory_space<vmem>>) offsets(%dma_start3A_132 : memref<80xi32, #tpu.memory_space<vmem>>) semaphore(%arg15 : memref<!tpu.dma_semaphore, #tpu.memory_space<semaphore_mem>>)
      } else {
      }
      %mul3A_87 = arith.constant 3 : i32
      %mul3A_88 = arith.muli %scan3A_67, %mul3A_87 : i32
      %add3A_89 = arith.constant 1 : i32
      %add3A_90 = arith.addi %mul3A_88, %add3A_89 : i32
      %dma_wait3A_91 = arith.constant 0 : i32
      %dma_wait3A_92 = tpu.memref_slice %arg7[%dma_wait3A_91] : memref<10000xi32, #tpu.memory_space<vmem>> -> memref<80xi32, #tpu.memory_space<vmem>>
      %dma_wait3A_93 = arith.constant 0 : i32
      %dma_wait3A_94 = arith.constant 0 : i32
      %dma_wait3A_95 = tpu.memref_slice %arg2[%dma_wait3A_93, %dma_wait3A_94] : memref<10000x128xf32, #tpu.memory_space<hbm>> -> memref<10000x128xf32, #tpu.memory_space<hbm>>
      tpu.wait_indirect_dma semaphore(%arg16 : memref<!tpu.dma_semaphore, #tpu.memory_space<semaphore_mem>>) src(%dma_wait3A_95 : memref<10000x128xf32, #tpu.memory_space<hbm>>) dst(%arg12 : memref<80x128xf32, #tpu.memory_space<vmem>>)
      %dma_wait3A_96 = arith.constant 0 : i32
      %dma_wait3A_97 = tpu.memref_slice %arg4[%dma_wait3A_96] : memref<320000xi32, #tpu.memory_space<hbm>> -> memref<80xi32, #tpu.memory_space<hbm>>
      %dma_wait3A_98 = arith.constant 0 : i32
      %dma_wait3A_99 = tpu.memref_slice %arg4[%dma_wait3A_98] : memref<320000xi32, #tpu.memory_space<hbm>> -> memref<80xi32, #tpu.memory_space<hbm>>
      tpu.wait_dma2 semaphore(%arg19 : memref<!tpu.dma_semaphore, #tpu.memory_space<semaphore_mem>>) src(%dma_wait3A_99 : memref<80xi32, #tpu.memory_space<hbm>>) dst(%arg9 : memref<80xi32, #tpu.memory_space<vmem>>)
      "tpu.region"() ({
        %run_scoped3A = tpu.sem_alloc : memref<!tpu.dma_semaphore, #tpu.memory_space<semaphore_mem>>
        %dma_start3A_127 = arith.constant 0 : i32
        %dma_start3A_128 = arith.constant 0 : i32
        %dma_start3A_129 = tpu.memref_slice %arg14[%dma_start3A_127, %dma_start3A_128] : memref<10000x128xf32, #tpu.memory_space<vmem_shared>> -> memref<10000x128xf32, #tpu.memory_space<vmem_shared>>
        tpu.enqueue_indirect_dma source(%arg12 : memref<80x128xf32, #tpu.memory_space<vmem>>) target(%dma_start3A_129 : memref<10000x128xf32, #tpu.memory_space<vmem_shared>>) offsets(%arg9 : memref<80xi32, #tpu.memory_space<vmem>>) semaphore(%run_scoped3A : memref<!tpu.dma_semaphore, #tpu.memory_space<semaphore_mem>>) {add = true}
        %dma_wait3A_130 = arith.constant 0 : i32
        %dma_wait3A_131 = arith.constant 0 : i32
        %dma_wait3A_132 = tpu.memref_slice %arg14[%dma_wait3A_130, %dma_wait3A_131] : memref<10000x128xf32, #tpu.memory_space<vmem_shared>> -> memref<10000x128xf32, #tpu.memory_space<vmem_shared>>
        tpu.wait_indirect_dma semaphore(%run_scoped3A : memref<!tpu.dma_semaphore, #tpu.memory_space<semaphore_mem>>) src(%arg12 : memref<80x128xf32, #tpu.memory_space<vmem>>) dst(%dma_wait3A_132 : memref<10000x128xf32, #tpu.memory_space<vmem_shared>>)
        tpu.yield
      }) : () -> ()
      %add3A_100 = arith.constant 3 : i32
      %add3A_101 = arith.addi %add3A_90, %add3A_100 : i32
      %lt3A_102 = arith.constant 125 : i32
      %lt3A_103 = arith.cmpi slt, %add3A_101, %lt3A_102 : i32
      %convert_element_type3A_104 = arith.extui %lt3A_103 : i1 to i32
      %cond3A_105 = arith.constant 0 : i32
      %cond3A_106 = arith.cmpi ne, %convert_element_type3A_104, %cond3A_105 : i32
      scf.if %cond3A_106 {
        %mul3A_127 = arith.constant 80 : i32
        %mul3A_128 = arith.muli %add3A_101, %mul3A_127 : i32
        %add3A_129 = arith.addi %mul3A_2, %mul3A_128 : i32
        %dma_start3A_130 = tpu.memref_slice %arg4[%add3A_129] : memref<320000xi32, #tpu.memory_space<hbm>> -> memref<80xi32, #tpu.memory_space<hbm>>
        %dma_start3A_131 = tpu.memref_slice %arg4[%add3A_129] : memref<320000xi32, #tpu.memory_space<hbm>> -> memref<80xi32, #tpu.memory_space<hbm>>
        tpu.enqueue_dma source(%dma_start3A_131 : memref<80xi32, #tpu.memory_space<hbm>>) target(%arg9 : memref<80xi32, #tpu.memory_space<vmem>>) target_semaphore(%arg19 : memref<!tpu.dma_semaphore, #tpu.memory_space<semaphore_mem>>)
        %dma_start3A_132 = tpu.memref_slice %arg7[%mul3A_128] : memref<10000xi32, #tpu.memory_space<vmem>> -> memref<80xi32, #tpu.memory_space<vmem>>
        %dma_start3A_133 = arith.constant 0 : i32
        %dma_start3A_134 = arith.constant 0 : i32
        %dma_start3A_135 = tpu.memref_slice %arg2[%dma_start3A_133, %dma_start3A_134] : memref<10000x128xf32, #tpu.memory_space<hbm>> -> memref<10000x128xf32, #tpu.memory_space<hbm>>
        tpu.enqueue_indirect_dma source(%dma_start3A_135 : memref<10000x128xf32, #tpu.memory_space<hbm>>) target(%arg12 : memref<80x128xf32, #tpu.memory_space<vmem>>) offsets(%dma_start3A_132 : memref<80xi32, #tpu.memory_space<vmem>>) semaphore(%arg16 : memref<!tpu.dma_semaphore, #tpu.memory_space<semaphore_mem>>)
      } else {
      }
      %mul3A_107 = arith.constant 3 : i32
      %mul3A_108 = arith.muli %scan3A_67, %mul3A_107 : i32
      %add3A_109 = arith.constant 2 : i32
      %add3A_110 = arith.addi %mul3A_108, %add3A_109 : i32
      %dma_wait3A_111 = arith.constant 0 : i32
      %dma_wait3A_112 = tpu.memref_slice %arg7[%dma_wait3A_111] : memref<10000xi32, #tpu.memory_space<vmem>> -> memref<80xi32, #tpu.memory_space<vmem>>
      %dma_wait3A_113 = arith.constant 0 : i32
      %dma_wait3A_114 = arith.constant 0 : i32
      %dma_wait3A_115 = tpu.memref_slice %arg2[%dma_wait3A_113, %dma_wait3A_114] : memref<10000x128xf32, #tpu.memory_space<hbm>> -> memref<10000x128xf32, #tpu.memory_space<hbm>>
      tpu.wait_indirect_dma semaphore(%arg17 : memref<!tpu.dma_semaphore, #tpu.memory_space<semaphore_mem>>) src(%dma_wait3A_115 : memref<10000x128xf32, #tpu.memory_space<hbm>>) dst(%arg13 : memref<80x128xf32, #tpu.memory_space<vmem>>)
      %dma_wait3A_116 = arith.constant 0 : i32
      %dma_wait3A_117 = tpu.memref_slice %arg4[%dma_wait3A_116] : memref<320000xi32, #tpu.memory_space<hbm>> -> memref<80xi32, #tpu.memory_space<hbm>>
      %dma_wait3A_118 = arith.constant 0 : i32
      %dma_wait3A_119 = tpu.memref_slice %arg4[%dma_wait3A_118] : memref<320000xi32, #tpu.memory_space<hbm>> -> memref<80xi32, #tpu.memory_space<hbm>>
      tpu.wait_dma2 semaphore(%arg20 : memref<!tpu.dma_semaphore, #tpu.memory_space<semaphore_mem>>) src(%dma_wait3A_119 : memref<80xi32, #tpu.memory_space<hbm>>) dst(%arg10 : memref<80xi32, #tpu.memory_space<vmem>>)
      "tpu.region"() ({
        %run_scoped3A = tpu.sem_alloc : memref<!tpu.dma_semaphore, #tpu.memory_space<semaphore_mem>>
        %dma_start3A_127 = arith.constant 0 : i32
        %dma_start3A_128 = arith.constant 0 : i32
        %dma_start3A_129 = tpu.memref_slice %arg14[%dma_start3A_127, %dma_start3A_128] : memref<10000x128xf32, #tpu.memory_space<vmem_shared>> -> memref<10000x128xf32, #tpu.memory_space<vmem_shared>>
        tpu.enqueue_indirect_dma source(%arg13 : memref<80x128xf32, #tpu.memory_space<vmem>>) target(%dma_start3A_129 : memref<10000x128xf32, #tpu.memory_space<vmem_shared>>) offsets(%arg10 : memref<80xi32, #tpu.memory_space<vmem>>) semaphore(%run_scoped3A : memref<!tpu.dma_semaphore, #tpu.memory_space<semaphore_mem>>) {add = true}
        %dma_wait3A_130 = arith.constant 0 : i32
        %dma_wait3A_131 = arith.constant 0 : i32
        %dma_wait3A_132 = tpu.memref_slice %arg14[%dma_wait3A_130, %dma_wait3A_131] : memref<10000x128xf32, #tpu.memory_space<vmem_shared>> -> memref<10000x128xf32, #tpu.memory_space<vmem_shared>>
        tpu.wait_indirect_dma semaphore(%run_scoped3A : memref<!tpu.dma_semaphore, #tpu.memory_space<semaphore_mem>>) src(%arg13 : memref<80x128xf32, #tpu.memory_space<vmem>>) dst(%dma_wait3A_132 : memref<10000x128xf32, #tpu.memory_space<vmem_shared>>)
        tpu.yield
      }) : () -> ()
      %add3A_120 = arith.constant 3 : i32
      %add3A_121 = arith.addi %add3A_110, %add3A_120 : i32
      %lt3A_122 = arith.constant 125 : i32
      %lt3A_123 = arith.cmpi slt, %add3A_121, %lt3A_122 : i32
      %convert_element_type3A_124 = arith.extui %lt3A_123 : i1 to i32
      %cond3A_125 = arith.constant 0 : i32
      %cond3A_126 = arith.cmpi ne, %convert_element_type3A_124, %cond3A_125 : i32
      scf.if %cond3A_126 {
        %mul3A_127 = arith.constant 80 : i32
        %mul3A_128 = arith.muli %add3A_121, %mul3A_127 : i32
        %add3A_129 = arith.addi %mul3A_2, %mul3A_128 : i32
        %dma_start3A_130 = tpu.memref_slice %arg4[%add3A_129] : memref<320000xi32, #tpu.memory_space<hbm>> -> memref<80xi32, #tpu.memory_space<hbm>>
        %dma_start3A_131 = tpu.memref_slice %arg4[%add3A_129] : memref<320000xi32, #tpu.memory_space<hbm>> -> memref<80xi32, #tpu.memory_space<hbm>>
        tpu.enqueue_dma source(%dma_start3A_131 : memref<80xi32, #tpu.memory_space<hbm>>) target(%arg10 : memref<80xi32, #tpu.memory_space<vmem>>) target_semaphore(%arg20 : memref<!tpu.dma_semaphore, #tpu.memory_space<semaphore_mem>>)
        %dma_start3A_132 = tpu.memref_slice %arg7[%mul3A_128] : memref<10000xi32, #tpu.memory_space<vmem>> -> memref<80xi32, #tpu.memory_space<vmem>>
        %dma_start3A_133 = arith.constant 0 : i32
        %dma_start3A_134 = arith.constant 0 : i32
        %dma_start3A_135 = tpu.memref_slice %arg2[%dma_start3A_133, %dma_start3A_134] : memref<10000x128xf32, #tpu.memory_space<hbm>> -> memref<10000x128xf32, #tpu.memory_space<hbm>>
        tpu.enqueue_indirect_dma source(%dma_start3A_135 : memref<10000x128xf32, #tpu.memory_space<hbm>>) target(%arg13 : memref<80x128xf32, #tpu.memory_space<vmem>>) offsets(%dma_start3A_132 : memref<80xi32, #tpu.memory_space<vmem>>) semaphore(%arg17 : memref<!tpu.dma_semaphore, #tpu.memory_space<semaphore_mem>>)
      } else {
      }
    }
    %scan3A_39 = arith.constant 41 : i32
    %dma_wait3A = arith.constant 0 : i32
    %dma_wait3A_40 = tpu.memref_slice %arg7[%dma_wait3A] : memref<10000xi32, #tpu.memory_space<vmem>> -> memref<80xi32, #tpu.memory_space<vmem>>
    %dma_wait3A_41 = arith.constant 0 : i32
    %dma_wait3A_42 = arith.constant 0 : i32
    %dma_wait3A_43 = tpu.memref_slice %arg2[%dma_wait3A_41, %dma_wait3A_42] : memref<10000x128xf32, #tpu.memory_space<hbm>> -> memref<10000x128xf32, #tpu.memory_space<hbm>>
    tpu.wait_indirect_dma semaphore(%arg15 : memref<!tpu.dma_semaphore, #tpu.memory_space<semaphore_mem>>) src(%dma_wait3A_43 : memref<10000x128xf32, #tpu.memory_space<hbm>>) dst(%arg11 : memref<80x128xf32, #tpu.memory_space<vmem>>)
    %dma_wait3A_44 = arith.constant 0 : i32
    %dma_wait3A_45 = tpu.memref_slice %arg4[%dma_wait3A_44] : memref<320000xi32, #tpu.memory_space<hbm>> -> memref<80xi32, #tpu.memory_space<hbm>>
    %dma_wait3A_46 = arith.constant 0 : i32
    %dma_wait3A_47 = tpu.memref_slice %arg4[%dma_wait3A_46] : memref<320000xi32, #tpu.memory_space<hbm>> -> memref<80xi32, #tpu.memory_space<hbm>>
    tpu.wait_dma2 semaphore(%arg18 : memref<!tpu.dma_semaphore, #tpu.memory_space<semaphore_mem>>) src(%dma_wait3A_47 : memref<80xi32, #tpu.memory_space<hbm>>) dst(%arg8 : memref<80xi32, #tpu.memory_space<vmem>>)
    "tpu.region"() ({
      %run_scoped3A = tpu.sem_alloc : memref<!tpu.dma_semaphore, #tpu.memory_space<semaphore_mem>>
      %dma_start3A_67 = arith.constant 0 : i32
      %dma_start3A_68 = arith.constant 0 : i32
      %dma_start3A_69 = tpu.memref_slice %arg14[%dma_start3A_67, %dma_start3A_68] : memref<10000x128xf32, #tpu.memory_space<vmem_shared>> -> memref<10000x128xf32, #tpu.memory_space<vmem_shared>>
      tpu.enqueue_indirect_dma source(%arg11 : memref<80x128xf32, #tpu.memory_space<vmem>>) target(%dma_start3A_69 : memref<10000x128xf32, #tpu.memory_space<vmem_shared>>) offsets(%arg8 : memref<80xi32, #tpu.memory_space<vmem>>) semaphore(%run_scoped3A : memref<!tpu.dma_semaphore, #tpu.memory_space<semaphore_mem>>) {add = true}
      %dma_wait3A_70 = arith.constant 0 : i32
      %dma_wait3A_71 = arith.constant 0 : i32
      %dma_wait3A_72 = tpu.memref_slice %arg14[%dma_wait3A_70, %dma_wait3A_71] : memref<10000x128xf32, #tpu.memory_space<vmem_shared>> -> memref<10000x128xf32, #tpu.memory_space<vmem_shared>>
      tpu.wait_indirect_dma semaphore(%run_scoped3A : memref<!tpu.dma_semaphore, #tpu.memory_space<semaphore_mem>>) src(%arg11 : memref<80x128xf32, #tpu.memory_space<vmem>>) dst(%dma_wait3A_72 : memref<10000x128xf32, #tpu.memory_space<vmem_shared>>)
      tpu.yield
    }) : () -> ()
    %dma_wait3A_48 = arith.constant 0 : i32
    %dma_wait3A_49 = tpu.memref_slice %arg7[%dma_wait3A_48] : memref<10000xi32, #tpu.memory_space<vmem>> -> memref<80xi32, #tpu.memory_space<vmem>>
    %dma_wait3A_50 = arith.constant 0 : i32
    %dma_wait3A_51 = arith.constant 0 : i32
    %dma_wait3A_52 = tpu.memref_slice %arg2[%dma_wait3A_50, %dma_wait3A_51] : memref<10000x128xf32, #tpu.memory_space<hbm>> -> memref<10000x128xf32, #tpu.memory_space<hbm>>
    tpu.wait_indirect_dma semaphore(%arg16 : memref<!tpu.dma_semaphore, #tpu.memory_space<semaphore_mem>>) src(%dma_wait3A_52 : memref<10000x128xf32, #tpu.memory_space<hbm>>) dst(%arg12 : memref<80x128xf32, #tpu.memory_space<vmem>>)
    %dma_wait3A_53 = arith.constant 0 : i32
    %dma_wait3A_54 = tpu.memref_slice %arg4[%dma_wait3A_53] : memref<320000xi32, #tpu.memory_space<hbm>> -> memref<80xi32, #tpu.memory_space<hbm>>
    %dma_wait3A_55 = arith.constant 0 : i32
    %dma_wait3A_56 = tpu.memref_slice %arg4[%dma_wait3A_55] : memref<320000xi32, #tpu.memory_space<hbm>> -> memref<80xi32, #tpu.memory_space<hbm>>
    tpu.wait_dma2 semaphore(%arg19 : memref<!tpu.dma_semaphore, #tpu.memory_space<semaphore_mem>>) src(%dma_wait3A_56 : memref<80xi32, #tpu.memory_space<hbm>>) dst(%arg9 : memref<80xi32, #tpu.memory_space<vmem>>)
    "tpu.region"() ({
      %run_scoped3A = tpu.sem_alloc : memref<!tpu.dma_semaphore, #tpu.memory_space<semaphore_mem>>
      %dma_start3A_67 = arith.constant 0 : i32
      %dma_start3A_68 = arith.constant 0 : i32
      %dma_start3A_69 = tpu.memref_slice %arg14[%dma_start3A_67, %dma_start3A_68] : memref<10000x128xf32, #tpu.memory_space<vmem_shared>> -> memref<10000x128xf32, #tpu.memory_space<vmem_shared>>
      tpu.enqueue_indirect_dma source(%arg12 : memref<80x128xf32, #tpu.memory_space<vmem>>) target(%dma_start3A_69 : memref<10000x128xf32, #tpu.memory_space<vmem_shared>>) offsets(%arg9 : memref<80xi32, #tpu.memory_space<vmem>>) semaphore(%run_scoped3A : memref<!tpu.dma_semaphore, #tpu.memory_space<semaphore_mem>>) {add = true}
      %dma_wait3A_70 = arith.constant 0 : i32
      %dma_wait3A_71 = arith.constant 0 : i32
      %dma_wait3A_72 = tpu.memref_slice %arg14[%dma_wait3A_70, %dma_wait3A_71] : memref<10000x128xf32, #tpu.memory_space<vmem_shared>> -> memref<10000x128xf32, #tpu.memory_space<vmem_shared>>
      tpu.wait_indirect_dma semaphore(%run_scoped3A : memref<!tpu.dma_semaphore, #tpu.memory_space<semaphore_mem>>) src(%arg12 : memref<80x128xf32, #tpu.memory_space<vmem>>) dst(%dma_wait3A_72 : memref<10000x128xf32, #tpu.memory_space<vmem_shared>>)
      tpu.yield
    }) : () -> ()
    %barrier3A_57 = arith.constant 0 : index
    tpu.barrier barrier_id(%barrier3A_57)
    %mul3A_58 = arith.constant 624 : i32
    %mul3A_59 = arith.muli %arg1, %mul3A_58 : i32
    %mul3A_60 = arith.constant 624 : i32
    %mul3A_61 = arith.muli %arg1, %mul3A_60 : i32
    "tpu.region"() ({
      %run_scoped3A = tpu.sem_alloc : memref<!tpu.dma_semaphore, #tpu.memory_space<semaphore_mem>>
      %dma_start3A_67 = arith.constant 0 : i32
      %dma_start3A_68 = arith.constant 0 : i32
      %dma_start3A_69 = tpu.memref_slice %arg6[%arg0, %dma_start3A_67, %dma_start3A_68] : memref<2x10000x128xf32, #tpu.memory_space<hbm>> -> memref<1x10000x128xf32, #tpu.memory_space<hbm>>
      %dma_start3A_70 = tpu.memref_squeeze %dma_start3A_69 : memref<1x10000x128xf32, #tpu.memory_space<hbm>> -> memref<10000x128xf32, #tpu.memory_space<hbm>>
      %dma_start3A_71 = arith.constant 0 : i32
      %dma_start3A_72 = tpu.memref_slice %dma_start3A_70[%mul3A_61, %dma_start3A_71] : memref<10000x128xf32, #tpu.memory_space<hbm>> -> memref<624x128xf32, #tpu.memory_space<hbm>>
      %dma_start3A_73 = arith.constant 0 : i32
      %dma_start3A_74 = tpu.memref_slice %arg14[%mul3A_59, %dma_start3A_73] : memref<10000x128xf32, #tpu.memory_space<vmem_shared>> -> memref<624x128xf32, #tpu.memory_space<vmem_shared>>
      tpu.enqueue_dma source(%dma_start3A_74 : memref<624x128xf32, #tpu.memory_space<vmem_shared>>) target(%dma_start3A_72 : memref<624x128xf32, #tpu.memory_space<hbm>>) target_semaphore(%run_scoped3A : memref<!tpu.dma_semaphore, #tpu.memory_space<semaphore_mem>>)
      %dma_wait3A_75 = arith.constant 0 : i32
      %dma_wait3A_76 = arith.constant 0 : i32
      %dma_wait3A_77 = tpu.memref_slice %arg6[%arg0, %dma_wait3A_75, %dma_wait3A_76] : memref<2x10000x128xf32, #tpu.memory_space<hbm>> -> memref<1x10000x128xf32, #tpu.memory_space<hbm>>
      %dma_wait3A_78 = tpu.memref_squeeze %dma_wait3A_77 : memref<1x10000x128xf32, #tpu.memory_space<hbm>> -> memref<10000x128xf32, #tpu.memory_space<hbm>>
      %dma_wait3A_79 = arith.constant 0 : i32
      %dma_wait3A_80 = tpu.memref_slice %dma_wait3A_78[%mul3A_61, %dma_wait3A_79] : memref<10000x128xf32, #tpu.memory_space<hbm>> -> memref<624x128xf32, #tpu.memory_space<hbm>>
      %dma_wait3A_81 = arith.constant 0 : i32
      %dma_wait3A_82 = tpu.memref_slice %arg14[%mul3A_59, %dma_wait3A_81] : memref<10000x128xf32, #tpu.memory_space<vmem_shared>> -> memref<624x128xf32, #tpu.memory_space<vmem_shared>>
      tpu.wait_dma2 semaphore(%run_scoped3A : memref<!tpu.dma_semaphore, #tpu.memory_space<semaphore_mem>>) src(%dma_wait3A_82 : memref<624x128xf32, #tpu.memory_space<vmem_shared>>) dst(%dma_wait3A_80 : memref<624x128xf32, #tpu.memory_space<hbm>>)
      tpu.yield
    }) : () -> ()
    %eq3A_62 = arith.constant 0 : i32
    %eq3A_63 = arith.cmpi eq, %arg1, %eq3A_62 : i32
    %convert_element_type3A_64 = arith.extui %eq3A_63 : i1 to i32
    %cond3A_65 = arith.constant 0 : i32
    %cond3A_66 = arith.cmpi ne, %convert_element_type3A_64, %cond3A_65 : i32
    scf.if %cond3A_66 {
      "tpu.region"() ({
        %run_scoped3A = tpu.sem_alloc : memref<!tpu.dma_semaphore, #tpu.memory_space<semaphore_mem>>
        %dma_start3A_67 = arith.constant 0 : i32
        %dma_start3A_68 = arith.constant 0 : i32
        %dma_start3A_69 = tpu.memref_slice %arg6[%arg0, %dma_start3A_67, %dma_start3A_68] : memref<2x10000x128xf32, #tpu.memory_space<hbm>> -> memref<1x10000x128xf32, #tpu.memory_space<hbm>>
        %dma_start3A_70 = tpu.memref_squeeze %dma_start3A_69 : memref<1x10000x128xf32, #tpu.memory_space<hbm>> -> memref<10000x128xf32, #tpu.memory_space<hbm>>
        %dma_start3A_71 = arith.constant 9984 : i32
        %dma_start3A_72 = arith.constant 0 : i32
        %dma_start3A_73 = tpu.memref_slice %dma_start3A_70[%dma_start3A_71, %dma_start3A_72] : memref<10000x128xf32, #tpu.memory_space<hbm>> -> memref<16x128xf32, #tpu.memory_space<hbm>>
        %dma_start3A_74 = arith.constant 9984 : i32
        %dma_start3A_75 = arith.constant 0 : i32
        %dma_start3A_76 = tpu.memref_slice %arg14[%dma_start3A_74, %dma_start3A_75] : memref<10000x128xf32, #tpu.memory_space<vmem_shared>> -> memref<16x128xf32, #tpu.memory_space<vmem_shared>>
        tpu.enqueue_dma source(%dma_start3A_76 : memref<16x128xf32, #tpu.memory_space<vmem_shared>>) target(%dma_start3A_73 : memref<16x128xf32, #tpu.memory_space<hbm>>) target_semaphore(%run_scoped3A : memref<!tpu.dma_semaphore, #tpu.memory_space<semaphore_mem>>)
        %dma_wait3A_77 = arith.constant 0 : i32
        %dma_wait3A_78 = arith.constant 0 : i32
        %dma_wait3A_79 = tpu.memref_slice %arg6[%arg0, %dma_wait3A_77, %dma_wait3A_78] : memref<2x10000x128xf32, #tpu.memory_space<hbm>> -> memref<1x10000x128xf32, #tpu.memory_space<hbm>>
        %dma_wait3A_80 = tpu.memref_squeeze %dma_wait3A_79 : memref<1x10000x128xf32, #tpu.memory_space<hbm>> -> memref<10000x128xf32, #tpu.memory_space<hbm>>
        %dma_wait3A_81 = arith.constant 9984 : i32
        %dma_wait3A_82 = arith.constant 0 : i32
        %dma_wait3A_83 = tpu.memref_slice %dma_wait3A_80[%dma_wait3A_81, %dma_wait3A_82] : memref<10000x128xf32, #tpu.memory_space<hbm>> -> memref<16x128xf32, #tpu.memory_space<hbm>>
        %dma_wait3A_84 = arith.constant 9984 : i32
        %dma_wait3A_85 = arith.constant 0 : i32
        %dma_wait3A_86 = tpu.memref_slice %arg14[%dma_wait3A_84, %dma_wait3A_85] : memref<10000x128xf32, #tpu.memory_space<vmem_shared>> -> memref<16x128xf32, #tpu.memory_space<vmem_shared>>
        tpu.wait_dma2 semaphore(%run_scoped3A : memref<!tpu.dma_semaphore, #tpu.memory_space<semaphore_mem>>) src(%dma_wait3A_86 : memref<16x128xf32, #tpu.memory_space<vmem_shared>>) dst(%dma_wait3A_83 : memref<16x128xf32, #tpu.memory_space<hbm>>)
        tpu.yield
      }) : () -> ()
    } else {
    }
    return
  }
}

module attributes {stable_mosaic.version = 14 : i64} {
  func.func @_tc_mm_body(%arg0: memref<10000x128xf32, #tpu.memory_space<vmem>>, %arg1: memref<128x128xf32, #tpu.memory_space<vmem>>, %arg2: memref<10000x128xf32, #tpu.memory_space<vmem>>) attributes {dimension_semantics = [], scalar_prefetch = 0 : i64, scratch_operands = 0 : i64, tpu.core_type = #tpu.core_type<tc>} {
    %get3A = arith.constant 0 : index
    %get3A_0 = arith.constant 0 : index
    %get3A_1 = vector.load %arg0[%get3A, %get3A_0] : memref<10000x128xf32, #tpu.memory_space<vmem>>, vector<10000x128xf32>
    %get3A_2 = arith.constant 0 : index
    %get3A_3 = arith.constant 0 : index
    %get3A_4 = vector.load %arg1[%get3A_2, %get3A_3] : memref<128x128xf32, #tpu.memory_space<vmem>>, vector<128x128xf32>
    %dot_general3A = arith.constant dense<0.000000e+00> : vector<10000x128xf32>
    %dot_general3A_5 = tpu.matmul %get3A_1, %get3A_4, %dot_general3A {dimension_numbers = #tpu.dot_dimension_numbers<[1], [0], [0], [1], [0, 0, 1, 1], [], []>, transpose_lhs_hint = false} : vector<10000x128xf32>, vector<128x128xf32>, vector<10000x128xf32> -> vector<10000x128xf32>
    %swap3A = arith.constant 0 : index
    %swap3A_6 = arith.constant 0 : index
    %swap3A_7 = vector.load %arg2[%swap3A, %swap3A_6] : memref<10000x128xf32, #tpu.memory_space<vmem>>, vector<10000x128xf32>
    tpu.vector_store %arg2[%swap3A, %swap3A_6], %dot_general3A_5 {strides = array<i32>} : memref<10000x128xf32, #tpu.memory_space<vmem>>, vector<10000x128xf32>,
    return
  }
}

module attributes {stable_mosaic.version = 14 : i64} {
  func.func @_tc_first_body(%arg0: memref<2x10000x128xf32, #tpu.memory_space<vmem>>, %arg1: memref<10000x128xf32, #tpu.memory_space<vmem>>, %arg2: memref<10000x1xf32, #tpu.memory_space<vmem>>, %arg3: memref<10000x128xf32, #tpu.memory_space<vmem>>) attributes {dimension_semantics = [], scalar_prefetch = 0 : i64, scratch_operands = 0 : i64, tpu.core_type = #tpu.core_type<tc>} {
    %get3A = arith.constant 0 : index
    %get3A_0 = arith.constant 0 : index
    %get3A_1 = arith.constant 0 : index
    %get3A_2 = vector.load %arg0[%get3A, %get3A_0, %get3A_1] : memref<2x10000x128xf32, #tpu.memory_space<vmem>>, vector<2x10000x128xf32>
    %slice3A = vector.extract_strided_slice %get3A_2 {offsets = [0, 0, 0], sizes = [1, 10000, 128], strides = [1, 1, 1]} : vector<2x10000x128xf32> to vector<1x10000x128xf32>
    %squeeze3A = vector.shape_cast %slice3A : vector<1x10000x128xf32> to vector<10000x128xf32>
    %slice3A_3 = vector.extract_strided_slice %squeeze3A {offsets = [0, 0], sizes = [10000, 1], strides = [1, 1]} : vector<10000x128xf32> to vector<10000x1xf32>
    %slice3A_4 = vector.extract_strided_slice %get3A_2 {offsets = [1, 0, 0], sizes = [1, 10000, 128], strides = [1, 1, 1]} : vector<2x10000x128xf32> to vector<1x10000x128xf32>
    %squeeze3A_5 = vector.shape_cast %slice3A_4 : vector<1x10000x128xf32> to vector<10000x128xf32>
    %slice3A_6 = vector.extract_strided_slice %squeeze3A_5 {offsets = [0, 0], sizes = [10000, 1], strides = [1, 1]} : vector<10000x128xf32> to vector<10000x1xf32>
    %add3A = arith.addf %slice3A_3, %slice3A_6 : vector<10000x1xf32>
    %add3A_7 = arith.constant 1.000000e+00 : f32
    %add3A_8 = vector.broadcast %add3A_7 : f32 to vector<10000x1xf32>
    %add3A_9 = arith.addf %add3A, %add3A_8 : vector<10000x1xf32>
    %rsqrt3A = math.rsqrt %add3A_9 : vector<10000x1xf32>
    %swap3A = arith.constant 0 : index
    %swap3A_10 = arith.constant 0 : index
    %swap3A_11 = vector.load %arg2[%swap3A, %swap3A_10] : memref<10000x1xf32, #tpu.memory_space<vmem>>, vector<10000x1xf32>
    tpu.vector_store %arg2[%swap3A, %swap3A_10], %rsqrt3A {strides = array<i32>} : memref<10000x1xf32, #tpu.memory_space<vmem>>, vector<10000x1xf32>,
    %get3A_12 = arith.constant 0 : index
    %get3A_13 = arith.constant 0 : index
    %get3A_14 = vector.load %arg1[%get3A_12, %get3A_13] : memref<10000x128xf32, #tpu.memory_space<vmem>>, vector<10000x128xf32>
    %mul3A = vector.broadcast %rsqrt3A : vector<10000x1xf32> to vector<10000x128xf32>
    %mul3A_15 = arith.mulf %mul3A, %get3A_14 : vector<10000x128xf32>
    %swap3A_16 = arith.constant 0 : index
    %swap3A_17 = arith.constant 0 : index
    %swap3A_18 = vector.load %arg3[%swap3A_16, %swap3A_17] : memref<10000x128xf32, #tpu.memory_space<vmem>>, vector<10000x128xf32>
    tpu.vector_store %arg3[%swap3A_16, %swap3A_17], %mul3A_15 {strides = array<i32>} : memref<10000x128xf32, #tpu.memory_space<vmem>>, vector<10000x128xf32>,
    return
  }
}

module attributes {stable_mosaic.version = 14 : i64} {
  func.func @_tc_mid_body(%arg0: memref<2x10000x128xf32, #tpu.memory_space<vmem>>, %arg1: memref<10000x1xf32, #tpu.memory_space<vmem>>, %arg2: memref<1x128xf32, #tpu.memory_space<vmem>>, %arg3: memref<1x128xf32, #tpu.memory_space<vmem>>, %arg4: memref<1x128xf32, #tpu.memory_space<vmem>>, %arg5: memref<128x128xf32, #tpu.memory_space<vmem>>, %arg6: memref<10000x128xf32, #tpu.memory_space<vmem>>) attributes {dimension_semantics = [], scalar_prefetch = 0 : i64, scratch_operands = 0 : i64, tpu.core_type = #tpu.core_type<tc>} {
    %get3A = arith.constant 0 : index
    %get3A_0 = arith.constant 0 : index
    %get3A_1 = arith.constant 0 : index
    %get3A_2 = vector.load %arg0[%get3A, %get3A_0, %get3A_1] : memref<2x10000x128xf32, #tpu.memory_space<vmem>>, vector<2x10000x128xf32>
    %get3A_3 = arith.constant 0 : index
    %get3A_4 = arith.constant 0 : index
    %get3A_5 = vector.load %arg1[%get3A_3, %get3A_4] : memref<10000x1xf32, #tpu.memory_space<vmem>>, vector<10000x1xf32>
    %slice3A = vector.extract_strided_slice %get3A_2 {offsets = [0, 0, 0], sizes = [1, 10000, 128], strides = [1, 1, 1]} : vector<2x10000x128xf32> to vector<1x10000x128xf32>
    %squeeze3A = vector.shape_cast %slice3A : vector<1x10000x128xf32> to vector<10000x128xf32>
    %slice3A_6 = vector.extract_strided_slice %get3A_2 {offsets = [1, 0, 0], sizes = [1, 10000, 128], strides = [1, 1, 1]} : vector<2x10000x128xf32> to vector<1x10000x128xf32>
    %squeeze3A_7 = vector.shape_cast %slice3A_6 : vector<1x10000x128xf32> to vector<10000x128xf32>
    %add3A = arith.addf %squeeze3A, %squeeze3A_7 : vector<10000x128xf32>
    %mul3A = vector.broadcast %get3A_5 : vector<10000x1xf32> to vector<10000x128xf32>
    %mul3A_8 = arith.mulf %mul3A, %add3A : vector<10000x128xf32>
    %get3A_9 = arith.constant 0 : index
    %get3A_10 = arith.constant 0 : index
    %get3A_11 = vector.load %arg2[%get3A_9, %get3A_10] : memref<1x128xf32, #tpu.memory_space<vmem>>, vector<1x128xf32>
    %add3A_12 = vector.broadcast %get3A_11 : vector<1x128xf32> to vector<10000x128xf32>
    %add3A_13 = arith.addf %mul3A_8, %add3A_12 : vector<10000x128xf32>
    %reduce_sum3A = arith.constant dense<0.000000e+00> : vector<128xf32>
    %reduce_sum3A_14 = vector.multi_reduction <add>, %add3A_13, %reduce_sum3A [0] : vector<10000x128xf32> to vector<128xf32>
    %broadcast_in_dim3A = vector.shape_cast %reduce_sum3A_14 : vector<128xf32> to vector<1x128xf32>
    %div3A = arith.constant 1.000000e+04 : f32
    %div3A_15 = vector.broadcast %div3A : f32 to vector<1x128xf32>
    %div3A_16 = arith.divf %broadcast_in_dim3A, %div3A_15 : vector<1x128xf32>
    %sub3A = vector.broadcast %div3A_16 : vector<1x128xf32> to vector<10000x128xf32>
    %sub3A_17 = arith.subf %add3A_13, %sub3A : vector<10000x128xf32>
    %sub3A_18 = vector.broadcast %div3A_16 : vector<1x128xf32> to vector<10000x128xf32>
    %sub3A_19 = arith.subf %add3A_13, %sub3A_18 : vector<10000x128xf32>
    %mul3A_20 = arith.mulf %sub3A_17, %sub3A_19 : vector<10000x128xf32>
    %reduce_sum3A_21 = arith.constant dense<0.000000e+00> : vector<128xf32>
    %reduce_sum3A_22 = vector.multi_reduction <add>, %mul3A_20, %reduce_sum3A_21 [0] : vector<10000x128xf32> to vector<128xf32>
    %broadcast_in_dim3A_23 = vector.shape_cast %reduce_sum3A_22 : vector<128xf32> to vector<1x128xf32>
    %div3A_24 = arith.constant 1.000000e+04 : f32
    %div3A_25 = vector.broadcast %div3A_24 : f32 to vector<1x128xf32>
    %div3A_26 = arith.divf %broadcast_in_dim3A_23, %div3A_25 : vector<1x128xf32>
    %sub3A_27 = vector.broadcast %div3A_16 : vector<1x128xf32> to vector<10000x128xf32>
    %sub3A_28 = arith.subf %add3A_13, %sub3A_27 : vector<10000x128xf32>
    %add3A_29 = arith.constant 9.99999974E-6 : f32
    %add3A_30 = vector.broadcast %add3A_29 : f32 to vector<1x128xf32>
    %add3A_31 = arith.addf %div3A_26, %add3A_30 : vector<1x128xf32>
    %rsqrt3A = math.rsqrt %add3A_31 : vector<1x128xf32>
    %mul3A_32 = vector.broadcast %rsqrt3A : vector<1x128xf32> to vector<10000x128xf32>
    %mul3A_33 = arith.mulf %sub3A_28, %mul3A_32 : vector<10000x128xf32>
    %get3A_34 = arith.constant 0 : index
    %get3A_35 = arith.constant 0 : index
    %get3A_36 = vector.load %arg3[%get3A_34, %get3A_35] : memref<1x128xf32, #tpu.memory_space<vmem>>, vector<1x128xf32>
    %mul3A_37 = vector.broadcast %get3A_36 : vector<1x128xf32> to vector<10000x128xf32>
    %mul3A_38 = arith.mulf %mul3A_33, %mul3A_37 : vector<10000x128xf32>
    %get3A_39 = arith.constant 0 : index
    %get3A_40 = arith.constant 0 : index
    %get3A_41 = vector.load %arg4[%get3A_39, %get3A_40] : memref<1x128xf32, #tpu.memory_space<vmem>>, vector<1x128xf32>
    %add3A_42 = vector.broadcast %get3A_41 : vector<1x128xf32> to vector<10000x128xf32>
    %add3A_43 = arith.addf %mul3A_38, %add3A_42 : vector<10000x128xf32>
    %max3A = arith.constant 0.000000e+00 : f32
    %max3A_44 = vector.broadcast %max3A : f32 to vector<10000x128xf32>
    %max3A_45 = arith.maximumf %add3A_43, %max3A_44 : vector<10000x128xf32>
    %get3A_46 = arith.constant 0 : index
    %get3A_47 = arith.constant 0 : index
    %get3A_48 = vector.load %arg5[%get3A_46, %get3A_47] : memref<128x128xf32, #tpu.memory_space<vmem>>, vector<128x128xf32>
    %dot_general3A = arith.constant dense<0.000000e+00> : vector<10000x128xf32>
    %dot_general3A_49 = tpu.matmul %max3A_45, %get3A_48, %dot_general3A {dimension_numbers = #tpu.dot_dimension_numbers<[1], [0], [0], [1], [0, 0, 1, 1], [], []>, transpose_lhs_hint = false} : vector<10000x128xf32>, vector<128x128xf32>, vector<10000x128xf32> -> vector<10000x128xf32>
    %mul3A_50 = vector.broadcast %get3A_5 : vector<10000x1xf32> to vector<10000x128xf32>
    %mul3A_51 = arith.mulf %mul3A_50, %dot_general3A_49 : vector<10000x128xf32>
    %swap3A = arith.constant 0 : index
    %swap3A_52 = arith.constant 0 : index
    %swap3A_53 = vector.load %arg6[%swap3A, %swap3A_52] : memref<10000x128xf32, #tpu.memory_space<vmem>>, vector<10000x128xf32>
    tpu.vector_store %arg6[%swap3A, %swap3A_52], %mul3A_51 {strides = array<i32>} : memref<10000x128xf32, #tpu.memory_space<vmem>>, vector<10000x128xf32>,
    return
  }
}

module attributes {stable_mosaic.version = 14 : i64} {
  func.func @_tc_final_body(%arg0: memref<2x10000x128xf32, #tpu.memory_space<vmem>>, %arg1: memref<10000x1xf32, #tpu.memory_space<vmem>>, %arg2: memref<1x128xf32, #tpu.memory_space<vmem>>, %arg3: memref<10000x128xf32, #tpu.memory_space<vmem>>) attributes {dimension_semantics = [], scalar_prefetch = 0 : i64, scratch_operands = 0 : i64, tpu.core_type = #tpu.core_type<tc>} {
    %get3A = arith.constant 0 : index
    %get3A_0 = arith.constant 0 : index
    %get3A_1 = arith.constant 0 : index
    %get3A_2 = vector.load %arg0[%get3A, %get3A_0, %get3A_1] : memref<2x10000x128xf32, #tpu.memory_space<vmem>>, vector<2x10000x128xf32>
    %get3A_3 = arith.constant 0 : index
    %get3A_4 = arith.constant 0 : index
    %get3A_5 = vector.load %arg1[%get3A_3, %get3A_4] : memref<10000x1xf32, #tpu.memory_space<vmem>>, vector<10000x1xf32>
    %slice3A = vector.extract_strided_slice %get3A_2 {offsets = [0, 0, 0], sizes = [1, 10000, 128], strides = [1, 1, 1]} : vector<2x10000x128xf32> to vector<1x10000x128xf32>
    %squeeze3A = vector.shape_cast %slice3A : vector<1x10000x128xf32> to vector<10000x128xf32>
    %slice3A_6 = vector.extract_strided_slice %get3A_2 {offsets = [1, 0, 0], sizes = [1, 10000, 128], strides = [1, 1, 1]} : vector<2x10000x128xf32> to vector<1x10000x128xf32>
    %squeeze3A_7 = vector.shape_cast %slice3A_6 : vector<1x10000x128xf32> to vector<10000x128xf32>
    %add3A = arith.addf %squeeze3A, %squeeze3A_7 : vector<10000x128xf32>
    %mul3A = vector.broadcast %get3A_5 : vector<10000x1xf32> to vector<10000x128xf32>
    %mul3A_8 = arith.mulf %mul3A, %add3A : vector<10000x128xf32>
    %get3A_9 = arith.constant 0 : index
    %get3A_10 = arith.constant 0 : index
    %get3A_11 = vector.load %arg2[%get3A_9, %get3A_10] : memref<1x128xf32, #tpu.memory_space<vmem>>, vector<1x128xf32>
    %add3A_12 = vector.broadcast %get3A_11 : vector<1x128xf32> to vector<10000x128xf32>
    %add3A_13 = arith.addf %mul3A_8, %add3A_12 : vector<10000x128xf32>
    %swap3A = arith.constant 0 : index
    %swap3A_14 = arith.constant 0 : index
    %swap3A_15 = vector.load %arg3[%swap3A, %swap3A_14] : memref<10000x128xf32, #tpu.memory_space<vmem>>, vector<10000x128xf32>
    tpu.vector_store %arg3[%swap3A, %swap3A_14], %add3A_13 {strides = array<i32>} : memref<10000x128xf32, #tpu.memory_space<vmem>>, vector<10000x128xf32>,
    return
  }
}

</mosaic_0001>

<sc_bundles>
// kernel: kernel.13.cloned.1.call-start
scs
__scs_entry_jumppad:
0x0: {  	(pc) =	sbr.rel $0x88, $3  }
0x1: {  	(tag) =	ssettag $0x0;
	lr =	simm.s32 $0x1  }
0x2: {  	[smem:$0x3F91] =	sst lr;
	_ =	strace $0xD0000000  }
0x3: {  	_ = 	snop  }
0x4: {  	_ = 	snop  }
0x5: {  	_ = 	snop  }
0x6: {  	_ = 	snop  }
0x7: {  	_ = 	snop  }
__scs_overlays_trampoline_lowered:
0x8: {  	[smem:$0x3FA0] =	sst s0  }
0x9: {  	[smem:$0x3FA1] =	sst s1  }
0xa: {  	[smem:$0x3FA2] =	sst s2  }
0xb: {  	[smem:$0x3FA3] =	sst s3  }
0xc: {  	[smem:$0x3FA4] =	sst s4  }
0xd: {  	[smem:$0x3FA5] =	sst s5  }
0xe: {  	[smem:$0x3FA6] =	sst s6  }
0xf: {  	[smem:$0x3FA7] =	sst s7  }
0x10: {  	[smem:$0x3FA8] =	sst s8  }
0x11: {  	[smem:$0x3FA9] =	sst s9;
	s0 =	simm.s32 @!p0 $0x0  }
0x12: {  	s1 =	sld [smem:$0x3F8F];
	s0 =	simm.s32 @p0 $0x1  }
0x13: {  	[smem:$0x3FAA] =	sst s0;
	s0 =	simm.s32 @!p1 $0x0  }
0x14: {  	s2 =	sld [smem:$0x3F8E];
	s0 =	simm.s32 @p1 $0x1  }
0x15: {  	[smem:$0x3FAB] =	sst s0;
	s0 =	simm.s32 @!p2 $0x0  }
0x16: {  	s3 =	sld [smem:$0x3FDB];
	s0 =	simm.s32 @p2 $0x1  }
0x17: {  	s4 =	simm.s32 $0x1BF5;
	[smem:$0x3FAD] =	sst s0  }
0x18: {  	s0 =	sld [smem:$0x3F90];
	_ =	swait.ge [sflag:s4], $0x0  }
0x19: {  	s7 =	sld [smem:$0x3F91]  }
0x1a: {  	s8 =	sadd.s32 $0xFFFFE003, lr  }
0x1b: {  	s9 =	sadd.s32 $0xFFFFFEF7, lr;
	s5 =	simm.s32 $0xFFFFFFFF;
	p2 =	slt.u32 s8, $0xFFFFF086  }
0x1c: {  	p1 =	slt.u32 s9, $0xF7A;
	s5 =	simm.s32 @!p2 $0x0  }
0x1d: {  	s5 =	simm.s32 @p1 $0x1;
	p0 =	seq.s32 s7, s2  }
0x1e: {  	s7 =	smul.u32 @!p0 $0xF7A, s2;
	p2 =	seq.s32 @!p0 s5, $0x0  }
0x1f: {  	s9 =	smul.u32 $0xF7A, s1;
	s8 =	simm.s32 @!p0 $0x1BF5;
	p2 =	por !p2, p0  }
0x20: {  	[sflag:s8] =	ssyncset.s32 @!p0 $0xFFFFF086;
	s6 =	sadd.s32 @!p0 s3, s7;
	s7 =	simm.s32 @!p0 $0x108  }
0x21: {  	s3 =	sadd.s32 s3, s9;
	s6 =	sadd.s32 @!p0 $0x88, s6;
	s7 =	simm.s32 @p2 $0x1082  }
0x22: {  	[simem:s7], [sflag:s8] =	dma.local @!p0 [hbm:s6], $0xF7A  }
0x23: {  	s9 =	sor.u32 $0xD0000000, s2;
	s6 =	simm.s32 $0x108;
	_ =	swait.ge @!p0 [sflag:s8], $0x0  }
0x24: {  	s3 =	sadd.s32 $0x88, s3;
	s6 =	simm.s32 @!p1 $0x1082;
	[sflag:s4] =	ssyncset.s32 $0xFFFFF086  }
0x25: {  	[simem:s6], [sflag:s4] =	dma.local [hbm:s3], $0xF7A  }
0x26: {  	[smem:$0x3F91] =	sst s1;
	(tag) =	ssettag s2;
	_ =	strace s9  }
0x27: {  	s1 =	sld [smem:$0x3FA1]  }
0x28: {  	s2 =	sld [smem:$0x3FA2]  }
0x29: {  	s4 =	sld [smem:$0x3FA4]  }
0x2a: {  	p0 =	seq.s32 s5, $0x0;
	s5 =	sld [smem:$0x3FA5]  }
0x2b: {  	s6 =	sld [smem:$0x3FA6]  }
0x2c: {  	s7 =	sld [smem:$0x3FA7]  }
0x2d: {  	s3 =	simm.s32 $0x108;
	s8 =	sld [smem:$0x3FA8]  }
0x2e: {  	s3 =	simm.s32 @!p0 $0x1082;
	s9 =	sld [smem:$0x3FA9]  }
0x2f: {  	lr =	sadd.s32 s0, s3;
	s0 =	sld [smem:$0x3FA0]  }
0x30: {  	s3 =	sld [smem:$0x3FA3]  }
0x31: {  	[smem:$0x3FAC] =	sst s10  }
0x32: {  	s10 =	sld [smem:$0x3FAA];
	_ =	sdelay $0x3  }
0x33: {  	p0 =	seq.s32 s10, $0x1;
	s10 =	sld [smem:$0x3FAC];
	_ =	sdelay $0x3  }
0x34: {  	[smem:$0x3FAC] =	sst s10  }
0x35: {  	s10 =	sld [smem:$0x3FAB];
	_ =	sdelay $0x3  }
0x36: {  	p1 =	seq.s32 s10, $0x1;
	s10 =	sld [smem:$0x3FAC];
	_ =	sdelay $0x3  }
0x37: {  	[smem:$0x3FAC] =	sst s10  }
0x38: {  	s10 =	sld [smem:$0x3FAD]  }
0x39: {  	_ = 	snop;
	(pc) =	sbr.ind lr, $3  }
0x3a: {  	_ = 	snop  }
0x3b: {  	_ = 	snop  }
0x3c: {  	p2 =	seq.s32 s10, $0x1;
	s10 =	sld [smem:$0x3FAC]  }
0x3d: {  	_ =	shalt  }
0x3e: {  	_ =	shalt  }
0x3f: {  	_ =	shalt  }
0x40: {  	_ =	shalt  }
0x41: {  	_ =	shalt  }
0x42: {  	_ =	shalt  }
0x43: {  	_ =	shalt  }
0x44: {  	_ =	shalt  }
0x45: {  	_ =	shalt  }
0x46: {  	_ =	shalt  }
0x47: {  	_ =	shalt  }
0x48: {  	_ =	shalt  }
0x49: {  	_ =	shalt  }
0x4a: {  	_ =	shalt  }
0x4b: {  	_ =	shalt  }
0x4c: {  	_ =	shalt  }
0x4d: {  	_ =	shalt  }
0x4e: {  	_ =	shalt  }
0x4f: {  	_ =	shalt  }
0x50: {  	_ =	shalt  }
0x51: {  	_ =	shalt  }
0x52: {  	_ =	shalt  }
0x53: {  	_ =	shalt  }
0x54: {  	_ =	shalt  }
0x55: {  	_ =	shalt  }
0x56: {  	_ =	shalt  }
0x57: {  	_ =	shalt  }
0x58: {  	_ =	shalt  }
0x59: {  	_ =	shalt  }
0x5a: {  	_ =	shalt  }
0x5b: {  	_ =	shalt  }
0x5c: {  	_ =	shalt  }
0x5d: {  	_ =	shalt  }
0x5e: {  	_ =	shalt  }
0x5f: {  	_ =	shalt  }
0x60: {  	_ =	shalt  }
0x61: {  	_ =	shalt  }
0x62: {  	_ =	shalt  }
0x63: {  	_ =	shalt  }
0x64: {  	_ =	shalt  }
0x65: {  	_ =	shalt  }
0x66: {  	_ =	shalt  }
0x67: {  	_ =	shalt  }
0x68: {  	_ =	shalt  }
0x69: {  	_ =	shalt  }
0x6a: {  	_ =	shalt  }
0x6b: {  	_ =	shalt  }
0x6c: {  	_ =	shalt  }
0x6d: {  	_ =	shalt  }
0x6e: {  	_ =	shalt  }
0x6f: {  	_ =	shalt  }
0x70: {  	_ =	shalt  }
0x71: {  	_ =	shalt  }
0x72: {  	_ =	shalt  }
0x73: {  	_ =	shalt  }
0x74: {  	_ =	shalt  }
0x75: {  	_ =	shalt  }
0x76: {  	_ =	shalt  }
0x77: {  	_ =	shalt  }
0x78: {  	_ =	shalt  }
0x79: {  	_ =	shalt  }
0x7a: {  	_ =	shalt  }
0x7b: {  	_ =	shalt  }
0x7c: {  	_ =	shalt  }
0x7d: {  	_ =	shalt  }
0x7e: {  	_ =	shalt  }
0x7f: {  	_ =	shalt  }
0x80: {  	_ =	shalt  }
0x81: {  	_ =	shalt  }
0x82: {  	_ =	shalt  }
0x83: {  	_ =	shalt  }
0x84: {  	_ =	shalt  }
0x85: {  	_ =	shalt  }
0x86: {  	_ =	shalt  }
0x87: {  	_ =	shalt  }
.Lfunc_end0:
.L_simem_size_0:
called_computation_lowered:
.L_overlay_start_0:
0x88: {  	s2 =	sld [smem:$0x3FD9]  }
0x89: {  	s3 =	sld [smem:$0x3FFE];
	_ =	sdelay $0x1  }
0x8a: {  	s1 =	srdreg.scid  }
0x8b: {  	s0 =	sand.u32 $0x1, s1  }
0x8c: {  	s17 =	sshll.u32 s0, $0xA;
	s2 =	sadd.s32 s3, s2  }
0x8d: {  	s2 =	sadd.s32 s2, s17  }
0x8e: {  	[smem:$0x3FB8] =	sst s2  }
0x8f: {  	_ = 	snop  }
0x90: {  	s2 =	sld [smem:$0x3FD0];
	(tm) =	ssettm $0x1  }
0x91: {  	s18 =	sld [smem:$0x3FFB];
	_ =	sdelay $0x3  }
0x92: {  	_ =	strace s18  }
0x93: {  	s3 =	sld [smem:$0x3FFC];
	_ =	sdelay $0x3  }
0x94: {  	_ =	strace s3  }
0x95: {  	s3 =	sld [smem:$0x3FFD];
	_ =	sdelay $0x3  }
0x96: {  	_ =	strace s3  }
0x97: {  	_ =	strace $0x8FFFFFFF  }
0x98: {  	s19 =	sld [smem:$0x3FDB];
	_ =	sdelay $0x1  }
0x99: {  	s4 =	simm.s32 $_scs_section_size  }
0x9a: {  	s5 =	simm.s32 $_size__tile_overlayer_lowered;
	s6 =	simm.s32 $_tile_overlayer_lowered  }
0x9b: {  	s22 =	simm.s32 $0x1BFF;
	s21 =	sshll.u32 s6, $0x1;
	s3 =	sadd.s32 s4, s19  }
0x9c: {  	s7 =	simm.s32 $0x0;
	s20 =	sshll.u32 s5, $0x1;
	s5 =	sadd.s32 s21, s3  }
0x9d: {  	[timem:s7], [sflag:s22] =	dma.local [hbm:s5], s20  }
0x9e: {  	_ =	swait.ge [sflag:s22], s20  }
0x9f: {  	s4 =	ssub.s32 $0x0, s20;
	[sflag:s22] =	ssyncset.done $0x0  }
0xa0: {  	[sflag:s22] =	ssyncadd.s32 s4;
	_ =	sdelay $0x1  }
0xa1: {  	s23 =	simm.s32 $0x1B8B  }
0xa2: {  	_ =	swait.ge [sflag:s23], $0x1  }
0xa3: {  	[sflag:s23] =	ssyncset.done $0x0  }
0xa4: {  	s25 =	simm.s32 $0x1B8E;
	s24 =	sld [smem:$0x3FFE];
	[sflag:s23] =	ssyncadd.s32 $0xFFFFFFFF  }
0xa5: {  	s26 =	simm.s32 $execute0_lowered;
	[smem:$0x3FD2] =	sst s25  }
0xa6: {  	s5 =	sshll.u32 s26, $0x1;
	_ =	strace $0x80000046;
	[dreg:$0x1] =	wrdreg $0xFFFFFFFF  }
0xa7: {  	s28 =	simm.s32 $_size_execute0_lowered;
	s3 =	sadd.s32 s3, s5;
	[dreg:$0x0] =	wrdreg $0x0  }
0xa8: {  	s5 =	sshll.u32 s28, $0x1;
	[dreg:$0x2] =	wrdreg s3  }
0xa9: {  	[dreg:$0x3] =	wrdreg s5  }
0xaa: {  	[dreg:$0x4] =	wrdreg $0xC0  }
0xab: {  	_ =	task [dreg:s7], $0x5FFFF  }
0xac: {  	[dreg:$0x1] =	wrdreg $0xFFFFFFFF  }
0xad: {  	[dreg:$0x0] =	wrdreg $0x60  }
0xae: {  	[dreg:$0x2] =	wrdreg s24  }
0xaf: {  	[dreg:$0x3] =	wrdreg s2  }
0xb0: {  	[dreg:$0x4] =	wrdreg $0x2A800  }
0xb1: {  	[dreg:$0x5] =	wrdreg $0x9  }
0xb2: {  	_ =	task.clear_ibuf [dreg:s7], $0x6FFFF;
	_ =	strace $0x90000046  }
0xb3: {  	s29 =	simm.s32 $0x9;
	_ =	strace $0x80000048  }
0xb4: {  	_ =	swait.ge [sflag:s29], $0x1  }
0xb5: {  	[sflag:s29] =	ssyncadd.s32 $0xFFFFFFFF  }
0xb6: {  	_ =	strace $0x90000048  }
0xb7: {  	_ =	sfence  }
0xb8: {  	s30 =	sld [smem:$0x0];
	_ =	sdelay $0x2  }
0xb9: {  	s31 =	sshll.u32 s1, $0xD;
	s1 =	sshrl.u32 s1, $0x2  }
0xba: {  	s3 =	sand.u32 $0x4000, s31;
	s1 =	sadd.s32 s1, s30  }
0xbb: {  	s0 =	sor.u32 s3, s0;
	s1 =	sshll.u32 s1, $0x11  }
0xbc: {  	s0 =	sor.u32 s1, s0  }
0xbd: {  	s0 =	sadd.s32 $0x8F2B, s0  }
0xbe: {  	[sflag:s0] =	ssyncadd.remote.s32 $0x1  }
0xbf: {  	_ =	sfence.sel $0xFFFF  }
0xc0: {  	[dreg:$0x0] =	wrdreg $0xFFFFFFFF;
	(pc) =	sbr.abs _section_cstart, $3  }
0xc1: {  	[dreg:$0x1] =	wrdreg $0xFFFFFFFF  }
0xc2: {  	_ =	task.clear_ibuf [dreg:s7], $0x2FFFF;
	_ =	strace $0x9FFFFFFF  }
0xc3: {  	(tm) =	ssettm $0x7FFFFFFF  }
tec
execute0_lowered:
.L_overlay_start_1:
0x0: {  	(tag) =	ssettag $0x1  }
0x1: {  	s0 =	rddreg [dreg:$0x0]  }
0x2: {  	s2 =	rddreg [dreg:$0x1]  }
0x3: {  	s1 =	rddreg [dreg:$0x2]  }
0x4: {  	s4 =	srdreg.scid;
	s10 =	stileid.u32  }
0x5: {  	s3 =	simm.s32 $0x0;
	s29 =	simm.s32 $0x200;
	s30 =	simm.s32 $0x1  }
0x6: {  	s31 =	simm.s32 $0x50;
	s5 =	sand.u32 $0x1, s4;
	s9 =	smul.u32 $0x4E000, s10  }
0x7: {  	s7 =	sshll.u32 s10, $0x1;
	[smem:$0x7FF] =	sst s3;
	s13 =	smul.u32 $0x4E20, s10  }
0x8: {  	s4 =	sadd.s32 $0xE000, s0;
	s8 =	sadd.s32 $0x17E00, s0;
	s16 =	smul.u32 $0x2700, s10  }
0x9: {  	s19 =	sadd.s32 $0x138000, s1;
	p0 =	sne.s32 s10, $0x0;
	s6 =	smul.u32 $0x27100, s5  }
0xa: {  	s7 =	sor.u32 s5, s7;
	_ =	strace $0x80000047;
	[dreg:$0x4] =	wrdreg s8  }
0xb: {  	s8 =	ssub.s32 $0x2, s5;
	s5 =	smul.u32 $0x2710, s5;
	[dreg:$0xd] =	wrdreg s19  }
0xc: {  	s7 =	smul.u32 $0x2710, s7;
	s11 =	sshrl.u32 s8, $0x1;
	s9 =	sshrl.u32 s9, $0x2  }
0xd: {  	[dreg:$0x9] =	wrdreg s16;
	s18 =	sadd.s32 s2, s16;
	s2 =	sadd.s32 $0x27000, s2  }
0xe: {  	s0 =	sadd.s32 s6, s0;
	s8 =	ssub.s32 s8, s11;
	[dreg:$0xc] =	wrdreg s18  }
0xf: {  	s17 =	sadd.s32 s9, s1;
	s5 =	sadd.s32 s5, s13;
	[dreg:$0xe] =	wrdreg s2  }
0x10: {  	s2 =	simm.s32 $0x5;
	s7 =	sshrl.u32 s7, $0x3;
	[dreg:$0xb] =	wrdreg s17  }
0x11: {  	s16 =	sadd.s32 $0x18400, s0;
	s21 =	smax.u32 s8, $0x1;
	s22 =	sadd.s32 $0x280, s5  }
0x12: {  	s23 =	sadd.s32 $0x230, s5;
	s24 =	sadd.s32 $0x1E0, s5;
	s28 =	sadd.s32 $0x190, s5  }
0x13: {  	s12 =	sadd.s32 s4, s7;
	s7 =	sadd.s32 $0x2D0, s5;
	[dreg:$0xf] =	wrdreg s21  }
0x14: {  	s0 =	sshrl.u32 s22, $0x3;
	s25 =	sshrl.u32 s23, $0x3;
	s26 =	sshrl.u32 s24, $0x3  }
0x15: {  	[dreg:$0x10] =	wrdreg s28;
	s23 =	simm.s32 $0x280;
	s24 =	simm.s32 $0x6  }
0x16: {  	s11 =	sadd.s32 $0xA, s12;
	s14 =	sadd.s32 $0x14, s12;
	[dreg:$0x5] =	wrdreg s12  }
.Ltmp0:
0x17: {  	s15 =	sadd.s32 $0x1E, s12;
	[dreg:$0x6] =	wrdreg s11;
	(pc) =	sbr.rel .LBB2_1-.Ltmp0, $4  }
0x18: {  	s6 =	sadd.s32 $0x28, s12;
	s20 =	sshrl.u32 s7, $0x3;
	[dreg:$0x7] =	wrdreg s14  }
0x19: {  	s19 =	sadd.s32 s0, s4;
	s21 =	sadd.s32 s26, s4;
	[dreg:$0x8] =	wrdreg s15  }
0x1a: {  	s26 =	simm.s32 $0x100;
	s0 =	simm.s32 $0x3;
	[dreg:$0xa] =	wrdreg s6  }
0x1b: {  	s18 =	sadd.s32 s20, s4;
	s20 =	sadd.s32 s25, s4;
	s25 =	simm.s32 $0x0  }
.LBB2_4:
0x1c: {  	[bflag:$0x0] =	sbarrier.arrive $0xFFFF  }
0x1d: {  	s6 =	rddreg [dreg:$0x9]  }
0x1e: {  	s6 =	sadd.s32 s6, s16  }
0x1f: {  	[hbm:s6], [sflag:s28] =	dma.local [spmem:s5], $0x2700  }
0x20: {  	_ =	swait.ge [sflag:s24], $0x2700  }
0x21: {  	[sflag:s24] =	ssyncset.done $0x0  }
0x22: {  	s5 =	sadd.s32 @!p0 $0x27000, s16;
	[sflag:s24] =	ssyncadd.s32 $0xFFFFD900  }
0x23: {  	[hbm:s5], [sflag:s28] =	dma.local @!p0 [spmem:s7], $0x100  }
0x24: {  	s5 =	simm.s32 @!p0 $0x6  }
0x25: {  	_ =	swait.ge @!p0 [sflag:s5], $0x100  }
0x26: {  	s25 =	sadd.s32 $0x1, s25;
	s28 =	rddreg [dreg:$0xf]  }
0x27: {  	p1 =	sne.s32 s25, s28  }
.Ltmp1:
0x28: {  	_ = 	snop;
	(pc) =	sbr.rel @!p1 .LBB2_5-.Ltmp1, $3  }
0x29: {  	_ =	sdelay $0x1  }
0x2a: {  	[sflag:s5] =	ssyncset.done @!p0 $0x0  }
0x2b: {  	[sflag:s5] =	ssyncadd.s32 @!p0 $0xFFFFFF00  }
.LBB2_1:
0x2c: {  	s5 =	rddreg [dreg:$0x4]  }
0x2d: {  	[tilespmem:s23], [sflag:$0x6] =	stream.linear.gather [hbm4b:s5+s3], $0x2800, $0x38;
	[tilespmem:$0x16300] =	vst v63  }
0x2e: {  	_ =	swait.ge [sflag:s24], $0x2800  }
0x2f: {  	s9 =	rddreg [dreg:$0x5]  }
0x30: {  	[sflag:s24] =	ssyncset.done $0x0;
	s10 =	rddreg [dreg:$0x6]  }
0x31: {  	s11 =	rddreg [dreg:$0x7];
	[sflag:s24] =	ssyncadd.s32 $0xFFFFD800  }
0x32: {  	[tilespmem:s3], [sflag:$0x1] =	stream.linear.gather [hbm4b:s9+s3], $0x50, $0x38;
	[tilespmem:$0x16300] =	vst v63  }
0x33: {  	s6 =	simm.s32 $0x80;
	s12 =	rddreg [dreg:$0x8]  }
0x34: {  	[tilespmem:s6], [sflag:$0x2] =	stream.linear.gather [hbm4b:s10+s3], $0x50, $0x38;
	[tilespmem:$0x16300] =	vst v63  }
0x35: {  	s15 =	stileid.u32;
	s14 =	rddreg [dreg:$0xa]  }
0x36: {  	[tilespmem:s26], [sflag:$0x3] =	stream.linear.gather [hbm4b:s11+s3], $0x50, $0x38;
	[tilespmem:$0x16300] =	vst v63  }
0x37: {  	s13 =	simm.s32 $0x180;
	s5 =	sshll.u32 s15, $0x6;
	s17 =	rddreg [dreg:$0xb]  }
0x38: {  	[tilespmem:s13], [sflag:$0x4] =	stream.linear.gather [hbm4b:s12+s3], $0x50, $0x38;
	[tilespmem:$0x16300] =	vst v63  }
0x39: {  	s28 =	sor.u32 $0x1C06, s5;
	s22 =	rddreg [dreg:$0xc];
	s5 =	sshrl.u32 s17, $0x3  }
0x3a: {  	[tilespmem:s29], [sflag:$0x5] =	stream.linear.gather [hbm4b:s14+s3], $0x50, $0x38;
	[tilespmem:$0x16300] =	vst v63  }
0x3b: {  	[spmem:s5], [sflag:s28] =	dma.local [hbm:s22], $0x2700  }
0x3c: {  	_ =	swait.ge [sflag:s24], $0x2700  }
0x3d: {  	s9 =	simm.s32 @!p0 $0x6;
	[sflag:s24] =	ssyncset.done $0x0;
	s6 =	rddreg [dreg:$0xd]  }
0x3e: {  	[sflag:s24] =	ssyncadd.s32 $0xFFFFD900;
	s7 =	sshrl.u32 @!p0 s6, $0x3;
	s6 =	rddreg [dreg:$0xe]  }
0x3f: {  	[spmem:s7], [sflag:s28] =	dma.local @!p0 [hbm:s6], $0x100  }
0x40: {  	_ =	swait.ge @!p0 [sflag:s9], $0x100  }
0x41: {  	[sflag:s9] =	ssyncset.done @!p0 $0x0  }
0x42: {  	[sflag:s9] =	ssyncadd.s32 @!p0 $0xFFFFFF00  }
0x43: {  	[bflag:$0x0] =	sbarrier.arrive $0xFFFF  }
0x44: {  	s9 =	simm.s32 $0x0;
	s22 =	rddreg [dreg:$0x10]  }
.LBB2_2:
0x45: {  	_ =	swait.ge [sflag:s30], $0x50  }
0x46: {  	[sflag:s30] =	ssyncset.done $0x0  }
0x47: {  	[sflag:s30] =	ssyncadd.s32 $0xFFFFFFB0  }
0x48: {  	[spmem:s1] =	stream.indirect.scatter.add.f32 [tilespmem:s23], [sflag:$0x6], $0x80, s3, s31, $0xb8;
	[tilespmem:$0x16300] =	vst v63  }
0x49: {  	_ =	swait.ge [sflag:s24], $0x2800  }
0x4a: {  	p1 =	seq.s32 s9, $0x4B0;
	[sflag:s24] =	ssyncset.done $0x0  }
0x4b: {  	s11 =	simm.s32 @p1 $0x2;
	[sflag:s24] =	ssyncadd.s32 $0xFFFFD800  }
0x4c: {  	_ =	swait.ge @p1 [sflag:s11], $0x50  }
0x4d: {  	s12 =	simm.s32 @p1 $0x80;
	[sflag:s11] =	ssyncset.done @p1 $0x0  }
0x4e: {  	s13 =	simm.s32 @p1 $0x280;
	[sflag:s11] =	ssyncadd.s32 @p1 $0xFFFFFFB0;
	s11 =	simm.s32 @p1 $0x50  }
0x4f: {  	[spmem:s1] =	stream.indirect.scatter.add.f32 @p1 [tilespmem:s13], [sflag:$0x6], $0x80, s12, s11, $0xb8;
	[tilespmem:$0x16300] =	vst v63  }
0x50: {  	s12 =	simm.s32 @p1 $0x6  }
0x51: {  	_ =	swait.ge @p1 [sflag:s12], $0x2800  }
0x52: {  	s14 =	sshrl.u32 @!p1 s22, $0x3;
	[sflag:s12] =	ssyncset.done @p1 $0x0  }
0x53: {  	s10 =	simm.s32 @!p1 $0x0;
	s14 =	sadd.s32 @!p1 s4, s14;
	[sflag:s12] =	ssyncadd.s32 @p1 $0xFFFFD800  }
0x54: {  	[tilespmem:s10], [sflag:$0x1] =	stream.linear.gather @!p1 [hbm4b:s14+s10], $0x50, $0x38;
	[tilespmem:$0x16300] =	vst v63  }
0x55: {  	s14 =	simm.s32 @!p1 $0x2  }
0x56: {  	_ =	swait.ge @!p1 [sflag:s14], $0x50  }
0x57: {  	s15 =	simm.s32 @!p1 $0x80;
	s17 =	simm.s32 @!p1 $0x280;
	[sflag:s14] =	ssyncset.done @!p1 $0x0  }
0x58: {  	s6 =	simm.s32 @!p1 $0x6;
	[sflag:s14] =	ssyncadd.s32 @!p1 $0xFFFFFFB0;
	s14 =	simm.s32 @!p1 $0x50  }
0x59: {  	[spmem:s1] =	stream.indirect.scatter.add.f32 @!p1 [tilespmem:s17], [sflag:$0x6], $0x80, s15, s14, $0xb8;
	[tilespmem:$0x16300] =	vst v63  }
0x5a: {  	_ =	swait.ge @!p1 [sflag:s6], $0x2800  }
0x5b: {  	[sflag:s6] =	ssyncset.done @!p1 $0x0  }
0x5c: {  	s8 =	sadd.s32 @!p1 s9, s21;
	[sflag:s6] =	ssyncadd.s32 @!p1 $0xFFFFD800  }
0x5d: {  	[tilespmem:s15], [sflag:$0x2] =	stream.linear.gather @!p1 [hbm4b:s8+s10], $0x50, $0x38;
	[tilespmem:$0x16300] =	vst v63  }
0x5e: {  	_ =	swait.ge [sflag:s0], $0x50  }
0x5f: {  	[sflag:s0] =	ssyncset.done $0x0  }
0x60: {  	[sflag:s0] =	ssyncadd.s32 $0xFFFFFFB0  }
0x61: {  	[spmem:s1] =	stream.indirect.scatter.add.f32 [tilespmem:s23], [sflag:$0x6], $0x80, s26, s31, $0xb8;
	[tilespmem:$0x16300] =	vst v63  }
0x62: {  	_ =	swait.ge [sflag:s24], $0x2800  }
0x63: {  	[sflag:s24] =	ssyncset.done $0x0  }
0x64: {  	s8 =	simm.s32 @p1 $0x4;
	[sflag:s24] =	ssyncadd.s32 $0xFFFFD800  }
0x65: {  	_ =	swait.ge @p1 [sflag:s8], $0x50  }
0x66: {  	[sflag:s8] =	ssyncset.done @p1 $0x0  }
0x67: {  	[sflag:s8] =	ssyncadd.s32 @p1 $0xFFFFFFB0;
	s8 =	simm.s32 @p1 $0x180  }
0x68: {  	[spmem:s1] =	stream.indirect.scatter.add.f32 @p1 [tilespmem:s13], [sflag:$0x6], $0x80, s8, s11, $0xb8;
	[tilespmem:$0x16300] =	vst v63  }
0x69: {  	_ =	swait.ge @p1 [sflag:s12], $0x2800  }
0x6a: {  	[sflag:s12] =	ssyncset.done @p1 $0x0  }
0x6b: {  	s8 =	sadd.s32 @!p1 s9, s20;
	s11 =	simm.s32 @!p1 $0x100;
	[sflag:s12] =	ssyncadd.s32 @p1 $0xFFFFD800  }
0x6c: {  	[tilespmem:s11], [sflag:$0x3] =	stream.linear.gather @!p1 [hbm4b:s8+s10], $0x50, $0x38;
	[tilespmem:$0x16300] =	vst v63  }
0x6d: {  	s8 =	simm.s32 @!p1 $0x4  }
0x6e: {  	_ =	swait.ge @!p1 [sflag:s8], $0x50  }
0x6f: {  	[sflag:s8] =	ssyncset.done @!p1 $0x0  }
0x70: {  	[sflag:s8] =	ssyncadd.s32 @!p1 $0xFFFFFFB0;
	s8 =	simm.s32 @!p1 $0x180  }
0x71: {  	[spmem:s1] =	stream.indirect.scatter.add.f32 @!p1 [tilespmem:s17], [sflag:$0x6], $0x80, s8, s14, $0xb8;
	[tilespmem:$0x16300] =	vst v63  }
0x72: {  	_ =	swait.ge @!p1 [sflag:s6], $0x2800  }
0x73: {  	[sflag:s6] =	ssyncset.done @!p1 $0x0  }
0x74: {  	[sflag:s6] =	ssyncadd.s32 @!p1 $0xFFFFD800;
	s6 =	sadd.s32 @!p1 s9, s19  }
0x75: {  	[tilespmem:s8], [sflag:$0x4] =	stream.linear.gather @!p1 [hbm4b:s6+s10], $0x50, $0x38;
	[tilespmem:$0x16300] =	vst v63  }
0x76: {  	_ =	swait.ge [sflag:s2], $0x50  }
0x77: {  	[sflag:s2] =	ssyncset.done $0x0  }
.Ltmp2:
0x78: {  	[sflag:s2] =	ssyncadd.s32 $0xFFFFFFB0;
	(pc) =	sbr.rel @p1 .LBB2_4-.Ltmp2, $4  }
0x79: {  	[spmem:s1] =	stream.indirect.scatter.add.f32 [tilespmem:s23], [sflag:$0x6], $0x80, s29, s31, $0xb8;
	[tilespmem:$0x16300] =	vst v63  }
0x7a: {  	_ =	swait.ge [sflag:s24], $0x2800  }
0x7b: {  	[sflag:s24] =	ssyncset.done $0x0  }
0x7c: {  	[sflag:s24] =	ssyncadd.s32 $0xFFFFD800  }
.Ltmp3:
0x7d: {  	(pc) =	sbr.rel .LBB2_2-.Ltmp3, $3  }
0x7e: {  	_ =	sdelay $0x1  }
0x7f: {  	s6 =	sadd.s32 s9, s18;
	s9 =	sadd.s32 $0x32, s9;
	s22 =	sadd.s32 $0x190, s22  }
0x80: {  	[tilespmem:s29], [sflag:$0x5] =	stream.linear.gather [hbm4b:s6+s3], $0x50, $0x38;
	[tilespmem:$0x16300] =	vst v63  }
.LBB2_5:
0x81: {  	_ =	sfence.sel $0x180000  }
0x82: {  	[bflag:$0x0] =	sbarrier.arrive $0xFFFF  }
0x83: {  	_ =	strace $0x90000047  }
0x84: {  	[bflag:$0x2] =	sbarrier.arrive $0xFFFF  }
0x85: {  	s0 =	rddreg [dreg:$0x3]  }
0x86: {  	s0 =	sadd.s32 @!p0 $0x100000, s0  }
0x87: {  	[sflag:s0] =	ssyncadd.tile.s32 @!p0 $0x1;
	_ =	shalt  }
.Lfunc_end2:
_tile_overlayer_lowered:
.L_overlay_start_2:
0x88: {  	(tag) =	ssettag $0x2  }
0x89: {  	s0 =	rddreg [dreg:$0x0];
	s2 =	stileid.u32  }
0x8a: {  	s1 =	rddreg [dreg:$0x1];
	p0 =	sne.s32 s2, $0x0  }
0x8b: {  	s3 =	rddreg [dreg:$0x2];
	[bflag:$0x3] =	sbarrier.arrive $0xFFFF;
	s2 =	simm.s32 @!p0 $0x1C06  }
0x8c: {  	[timem:s3], [sflag:s2] =	dma.local @!p0 [hbm:s0], s1  }
0x8d: {  	s0 =	simm.s32 @!p0 $0x6  }
0x8e: {  	_ =	swait.ge @!p0 [sflag:s0], s1  }
0x8f: {  	s1 =	ssub.s32 @!p0 $0x0, s1;
	[sflag:s0] =	ssyncset.done @!p0 $0x0  }
0x90: {  	[sflag:s0] =	ssyncadd.s32 @!p0 s1  }
0x91: {  	[bflag:$0x3] =	sbarrier.arrive $0xFFFF  }
0x92: {  	_ =	shalt  }

// kernel: kernel.16.cloned.1.call-start
scs
__scs_entry_jumppad:
0x0: {  	(pc) =	sbr.rel $0x88, $3  }
0x1: {  	(tag) =	ssettag $0x0;
	lr =	simm.s32 $0x1  }
0x2: {  	[smem:$0x3F91] =	sst lr;
	_ =	strace $0xD0000000  }
0x3: {  	_ = 	snop  }
0x4: {  	_ = 	snop  }
0x5: {  	_ = 	snop  }
0x6: {  	_ = 	snop  }
0x7: {  	_ = 	snop  }
__scs_overlays_trampoline_lowered:
0x8: {  	[smem:$0x3FA0] =	sst s0  }
0x9: {  	[smem:$0x3FA1] =	sst s1  }
0xa: {  	[smem:$0x3FA2] =	sst s2  }
0xb: {  	[smem:$0x3FA3] =	sst s3  }
0xc: {  	[smem:$0x3FA4] =	sst s4  }
0xd: {  	[smem:$0x3FA5] =	sst s5  }
0xe: {  	[smem:$0x3FA6] =	sst s6  }
0xf: {  	[smem:$0x3FA7] =	sst s7  }
0x10: {  	[smem:$0x3FA8] =	sst s8  }
0x11: {  	[smem:$0x3FA9] =	sst s9;
	s0 =	simm.s32 @!p0 $0x0  }
0x12: {  	s1 =	sld [smem:$0x3F8F];
	s0 =	simm.s32 @p0 $0x1  }
0x13: {  	[smem:$0x3FAA] =	sst s0;
	s0 =	simm.s32 @!p1 $0x0  }
0x14: {  	s2 =	sld [smem:$0x3F8E];
	s0 =	simm.s32 @p1 $0x1  }
0x15: {  	[smem:$0x3FAB] =	sst s0;
	s0 =	simm.s32 @!p2 $0x0  }
0x16: {  	s3 =	sld [smem:$0x3FDB];
	s0 =	simm.s32 @p2 $0x1  }
0x17: {  	s4 =	simm.s32 $0x1BF5;
	[smem:$0x3FAD] =	sst s0  }
0x18: {  	s0 =	sld [smem:$0x3F90];
	_ =	swait.ge [sflag:s4], $0x0  }
0x19: {  	s7 =	sld [smem:$0x3F91]  }
0x1a: {  	s8 =	sadd.s32 $0xFFFFE003, lr  }
0x1b: {  	s9 =	sadd.s32 $0xFFFFFEF7, lr;
	s5 =	simm.s32 $0xFFFFFFFF;
	p2 =	slt.u32 s8, $0xFFFFF086  }
0x1c: {  	p1 =	slt.u32 s9, $0xF7A;
	s5 =	simm.s32 @!p2 $0x0  }
0x1d: {  	s5 =	simm.s32 @p1 $0x1;
	p0 =	seq.s32 s7, s2  }
0x1e: {  	s7 =	smul.u32 @!p0 $0xF7A, s2;
	p2 =	seq.s32 @!p0 s5, $0x0  }
0x1f: {  	s9 =	smul.u32 $0xF7A, s1;
	s8 =	simm.s32 @!p0 $0x1BF5;
	p2 =	por !p2, p0  }
0x20: {  	[sflag:s8] =	ssyncset.s32 @!p0 $0xFFFFF086;
	s6 =	sadd.s32 @!p0 s3, s7;
	s7 =	simm.s32 @!p0 $0x108  }
0x21: {  	s3 =	sadd.s32 s3, s9;
	s6 =	sadd.s32 @!p0 $0x88, s6;
	s7 =	simm.s32 @p2 $0x1082  }
0x22: {  	[simem:s7], [sflag:s8] =	dma.local @!p0 [hbm:s6], $0xF7A  }
0x23: {  	s9 =	sor.u32 $0xD0000000, s2;
	s6 =	simm.s32 $0x108;
	_ =	swait.ge @!p0 [sflag:s8], $0x0  }
0x24: {  	s3 =	sadd.s32 $0x88, s3;
	s6 =	simm.s32 @!p1 $0x1082;
	[sflag:s4] =	ssyncset.s32 $0xFFFFF086  }
0x25: {  	[simem:s6], [sflag:s4] =	dma.local [hbm:s3], $0xF7A  }
0x26: {  	[smem:$0x3F91] =	sst s1;
	(tag) =	ssettag s2;
	_ =	strace s9  }
0x27: {  	s1 =	sld [smem:$0x3FA1]  }
0x28: {  	s2 =	sld [smem:$0x3FA2]  }
0x29: {  	s4 =	sld [smem:$0x3FA4]  }
0x2a: {  	p0 =	seq.s32 s5, $0x0;
	s5 =	sld [smem:$0x3FA5]  }
0x2b: {  	s6 =	sld [smem:$0x3FA6]  }
0x2c: {  	s7 =	sld [smem:$0x3FA7]  }
0x2d: {  	s3 =	simm.s32 $0x108;
	s8 =	sld [smem:$0x3FA8]  }
0x2e: {  	s3 =	simm.s32 @!p0 $0x1082;
	s9 =	sld [smem:$0x3FA9]  }
0x2f: {  	lr =	sadd.s32 s0, s3;
	s0 =	sld [smem:$0x3FA0]  }
0x30: {  	s3 =	sld [smem:$0x3FA3]  }
0x31: {  	[smem:$0x3FAC] =	sst s10  }
0x32: {  	s10 =	sld [smem:$0x3FAA];
	_ =	sdelay $0x3  }
0x33: {  	p0 =	seq.s32 s10, $0x1;
	s10 =	sld [smem:$0x3FAC];
	_ =	sdelay $0x3  }
0x34: {  	[smem:$0x3FAC] =	sst s10  }
0x35: {  	s10 =	sld [smem:$0x3FAB];
	_ =	sdelay $0x3  }
0x36: {  	p1 =	seq.s32 s10, $0x1;
	s10 =	sld [smem:$0x3FAC];
	_ =	sdelay $0x3  }
0x37: {  	[smem:$0x3FAC] =	sst s10  }
0x38: {  	s10 =	sld [smem:$0x3FAD]  }
0x39: {  	_ = 	snop;
	(pc) =	sbr.ind lr, $3  }
0x3a: {  	_ = 	snop  }
0x3b: {  	_ = 	snop  }
0x3c: {  	p2 =	seq.s32 s10, $0x1;
	s10 =	sld [smem:$0x3FAC]  }
0x3d: {  	_ =	shalt  }
0x3e: {  	_ =	shalt  }
0x3f: {  	_ =	shalt  }
0x40: {  	_ =	shalt  }
0x41: {  	_ =	shalt  }
0x42: {  	_ =	shalt  }
0x43: {  	_ =	shalt  }
0x44: {  	_ =	shalt  }
0x45: {  	_ =	shalt  }
0x46: {  	_ =	shalt  }
0x47: {  	_ =	shalt  }
0x48: {  	_ =	shalt  }
0x49: {  	_ =	shalt  }
0x4a: {  	_ =	shalt  }
0x4b: {  	_ =	shalt  }
0x4c: {  	_ =	shalt  }
0x4d: {  	_ =	shalt  }
0x4e: {  	_ =	shalt  }
0x4f: {  	_ =	shalt  }
0x50: {  	_ =	shalt  }
0x51: {  	_ =	shalt  }
0x52: {  	_ =	shalt  }
0x53: {  	_ =	shalt  }
0x54: {  	_ =	shalt  }
0x55: {  	_ =	shalt  }
0x56: {  	_ =	shalt  }
0x57: {  	_ =	shalt  }
0x58: {  	_ =	shalt  }
0x59: {  	_ =	shalt  }
0x5a: {  	_ =	shalt  }
0x5b: {  	_ =	shalt  }
0x5c: {  	_ =	shalt  }
0x5d: {  	_ =	shalt  }
0x5e: {  	_ =	shalt  }
0x5f: {  	_ =	shalt  }
0x60: {  	_ =	shalt  }
0x61: {  	_ =	shalt  }
0x62: {  	_ =	shalt  }
0x63: {  	_ =	shalt  }
0x64: {  	_ =	shalt  }
0x65: {  	_ =	shalt  }
0x66: {  	_ =	shalt  }
0x67: {  	_ =	shalt  }
0x68: {  	_ =	shalt  }
0x69: {  	_ =	shalt  }
0x6a: {  	_ =	shalt  }
0x6b: {  	_ =	shalt  }
0x6c: {  	_ =	shalt  }
0x6d: {  	_ =	shalt  }
0x6e: {  	_ =	shalt  }
0x6f: {  	_ =	shalt  }
0x70: {  	_ =	shalt  }
0x71: {  	_ =	shalt  }
0x72: {  	_ =	shalt  }
0x73: {  	_ =	shalt  }
0x74: {  	_ =	shalt  }
0x75: {  	_ =	shalt  }
0x76: {  	_ =	shalt  }
0x77: {  	_ =	shalt  }
0x78: {  	_ =	shalt  }
0x79: {  	_ =	shalt  }
0x7a: {  	_ =	shalt  }
0x7b: {  	_ =	shalt  }
0x7c: {  	_ =	shalt  }
0x7d: {  	_ =	shalt  }
0x7e: {  	_ =	shalt  }
0x7f: {  	_ =	shalt  }
0x80: {  	_ =	shalt  }
0x81: {  	_ =	shalt  }
0x82: {  	_ =	shalt  }
0x83: {  	_ =	shalt  }
0x84: {  	_ =	shalt  }
0x85: {  	_ =	shalt  }
0x86: {  	_ =	shalt  }
0x87: {  	_ =	shalt  }
.Lfunc_end0:
.L_simem_size_0:
called_computation.1_lowered:
.L_overlay_start_0:
0x88: {  	s2 =	sld [smem:$0x3FD9]  }
0x89: {  	s3 =	sld [smem:$0x3FFE];
	_ =	sdelay $0x1  }
0x8a: {  	s1 =	srdreg.scid  }
0x8b: {  	s0 =	sand.u32 $0x1, s1  }
0x8c: {  	s17 =	sshll.u32 s0, $0xA;
	s2 =	sadd.s32 s3, s2  }
0x8d: {  	s2 =	sadd.s32 s2, s17  }
0x8e: {  	[smem:$0x3FB8] =	sst s2  }
0x8f: {  	_ = 	snop  }
0x90: {  	s2 =	sld [smem:$0x3FD0];
	(tm) =	ssettm $0x1  }
0x91: {  	s18 =	sld [smem:$0x3FFB];
	_ =	sdelay $0x3  }
0x92: {  	_ =	strace s18  }
0x93: {  	s3 =	sld [smem:$0x3FFC];
	_ =	sdelay $0x3  }
0x94: {  	_ =	strace s3  }
0x95: {  	s3 =	sld [smem:$0x3FFD];
	_ =	sdelay $0x3  }
0x96: {  	_ =	strace s3  }
0x97: {  	_ =	strace $0x8FFFFFFF  }
0x98: {  	s19 =	sld [smem:$0x3FDB];
	_ =	sdelay $0x1  }
0x99: {  	s4 =	simm.s32 $_scs_section_size  }
0x9a: {  	s5 =	simm.s32 $_size__tile_overlayer_lowered;
	s6 =	simm.s32 $_tile_overlayer_lowered  }
0x9b: {  	s22 =	simm.s32 $0x1BFF;
	s21 =	sshll.u32 s6, $0x1;
	s3 =	sadd.s32 s4, s19  }
0x9c: {  	s7 =	simm.s32 $0x0;
	s20 =	sshll.u32 s5, $0x1;
	s5 =	sadd.s32 s21, s3  }
0x9d: {  	[timem:s7], [sflag:s22] =	dma.local [hbm:s5], s20  }
0x9e: {  	_ =	swait.ge [sflag:s22], s20  }
0x9f: {  	s4 =	ssub.s32 $0x0, s20;
	[sflag:s22] =	ssyncset.done $0x0  }
0xa0: {  	[sflag:s22] =	ssyncadd.s32 s4;
	_ =	sdelay $0x1  }
0xa1: {  	s23 =	simm.s32 $0x1B8B  }
0xa2: {  	_ =	swait.ge [sflag:s23], $0x1  }
0xa3: {  	[sflag:s23] =	ssyncset.done $0x0  }
0xa4: {  	s25 =	simm.s32 $0x1B8E;
	s24 =	sld [smem:$0x3FFE];
	[sflag:s23] =	ssyncadd.s32 $0xFFFFFFFF  }
0xa5: {  	s26 =	simm.s32 $execute0_lowered;
	[smem:$0x3FD2] =	sst s25  }
0xa6: {  	s5 =	sshll.u32 s26, $0x1;
	_ =	strace $0x80000049;
	[dreg:$0x1] =	wrdreg $0xFFFFFFFF  }
0xa7: {  	s28 =	simm.s32 $_size_execute0_lowered;
	s3 =	sadd.s32 s3, s5;
	[dreg:$0x0] =	wrdreg $0x0  }
0xa8: {  	s5 =	sshll.u32 s28, $0x1;
	[dreg:$0x2] =	wrdreg s3  }
0xa9: {  	[dreg:$0x3] =	wrdreg s5  }
0xaa: {  	[dreg:$0x4] =	wrdreg $0xC0  }
0xab: {  	_ =	task [dreg:s7], $0x5FFFF  }
0xac: {  	[dreg:$0x1] =	wrdreg $0xFFFFFFFF  }
0xad: {  	[dreg:$0x0] =	wrdreg $0x60  }
0xae: {  	[dreg:$0x2] =	wrdreg s24  }
0xaf: {  	[dreg:$0x3] =	wrdreg s2  }
0xb0: {  	[dreg:$0x4] =	wrdreg $0xA1000  }
0xb1: {  	[dreg:$0x5] =	wrdreg $0x9  }
0xb2: {  	_ =	task.clear_ibuf [dreg:s7], $0x6FFFF;
	_ =	strace $0x90000049  }
0xb3: {  	s29 =	simm.s32 $0x9;
	_ =	strace $0x8000004B  }
0xb4: {  	_ =	swait.ge [sflag:s29], $0x1  }
0xb5: {  	[sflag:s29] =	ssyncadd.s32 $0xFFFFFFFF  }
0xb6: {  	_ =	strace $0x9000004B  }
0xb7: {  	_ =	sfence  }
0xb8: {  	s30 =	sld [smem:$0x0];
	_ =	sdelay $0x2  }
0xb9: {  	s31 =	sshll.u32 s1, $0xD;
	s1 =	sshrl.u32 s1, $0x2  }
0xba: {  	s3 =	sand.u32 $0x4000, s31;
	s1 =	sadd.s32 s1, s30  }
0xbb: {  	s0 =	sor.u32 s3, s0;
	s1 =	sshll.u32 s1, $0x11  }
0xbc: {  	s0 =	sor.u32 s1, s0  }
0xbd: {  	s0 =	sadd.s32 $0x8F2B, s0  }
0xbe: {  	[sflag:s0] =	ssyncadd.remote.s32 $0x1  }
0xbf: {  	_ =	sfence.sel $0xFFFF  }
0xc0: {  	[dreg:$0x0] =	wrdreg $0xFFFFFFFF;
	(pc) =	sbr.abs _section_cstart, $3  }
0xc1: {  	[dreg:$0x1] =	wrdreg $0xFFFFFFFF  }
0xc2: {  	_ =	task.clear_ibuf [dreg:s7], $0x2FFFF;
	_ =	strace $0x9FFFFFFF  }
0xc3: {  	(tm) =	ssettm $0x7FFFFFFF  }
tec
execute0_lowered:
.L_overlay_start_1:
0x0: {  	(tag) =	ssettag $0x1  }
0x1: {  	s0 =	rddreg [dreg:$0x0]  }
0x2: {  	s11 =	rddreg [dreg:$0x1]  }
0x3: {  	s1 =	srdreg.scid;
	s12 =	stileid.u32  }
0x4: {  	s3 =	rddreg [dreg:$0x2];
	s4 =	simm.s32 $0x0;
	s28 =	simm.s32 $0x2800  }
0x5: {  	s29 =	simm.s32 $0x5100;
	s30 =	simm.s32 $0x2880;
	s31 =	simm.s32 $0x3  }
0x6: {  	s1 =	sand.u32 $0x1, s1;
	s2 =	sshll.u32 s12, $0x1;
	s14 =	smul.u32 $0x4E000, s12  }
0x7: {  	[smem:$0x7FF] =	sst s4;
	s5 =	sadd.s32 $0x17E00, s0;
	s16 =	smul.u32 $0x2700, s12  }
0x8: {  	s6 =	sadd.s32 $0xE000, s0;
	s18 =	smul.u32 $0x4E20, s12;
	s20 =	sadd.s32 $0x138000, s3  }
0x9: {  	p2 =	seq.s32 s12, $0x0;
	p0 =	sne.s32 s12, $0x0;
	s2 =	sor.u32 s1, s2  }
0xa: {  	_ =	strace $0x8000004A;
	s7 =	smul.u32 $0x27100, s1;
	s8 =	ssub.s32 $0x2, s1  }
0xb: {  	s19 =	smul.u32 $0x2710, s1;
	[dreg:$0xb] =	wrdreg s20;
	p1 =	sne.s32 s1, $0x0  }
0xc: {  	s1 =	simm.s32 $0x7900;
	s2 =	smul.u32 $0x2710, s2;
	s10 =	sshrl.u32 s8, $0x1  }
0xd: {  	s17 =	sshrl.u32 s14, $0x2;
	s11 =	sadd.s32 s11, s16;
	[dreg:$0x6] =	wrdreg s16  }
0xe: {  	s26 =	ssub.s32 s8, s10;
	[dreg:$0xa] =	wrdreg s11;
	s10 =	sadd.s32 s5, s16  }
0xf: {  	s22 =	sadd.s32 s19, s18;
	s2 =	sshrl.u32 s2, $0x3;
	[dreg:$0xc] =	wrdreg s10  }
0x10: {  	s21 =	smax.u32 s26, $0x1;
	s24 =	sadd.s32 $0x190, s22;
	s25 =	sadd.s32 $0x140, s22  }
0x11: {  	s22 =	sadd.s32 $0xF0, s22;
	s10 =	simm.s32 $0x0;
	s9 =	sadd.s32 s2, s0  }
0x12: {  	s0 =	sadd.s32 s7, s0;
	s15 =	sadd.s32 s6, s2;
	[dreg:$0xd] =	wrdreg s21  }
0x13: {  	s7 =	sshrl.u32 s25, $0x3;
	s25 =	simm.s32 $0x50;
	s9 =	sadd.s32 $0x4200, s9  }
0x14: {  	s2 =	sadd.s32 $0xA, s15;
	s13 =	sadd.s32 $0x14, s15;
	[dreg:$0x5] =	wrdreg s15  }
0x15: {  	s16 =	sadd.s32 $0x3F000, s0;
	s23 =	sadd.s32 $0x4CE, s15;
	[dreg:$0x4] =	wrdreg s9  }
0x16: {  	s26 =	sadd.s32 $0x4D8, s15;
	s21 =	sadd.s32 s7, s6;
	[dreg:$0x7] =	wrdreg s2  }
0x17: {  	s0 =	simm.s32 $0x1;
	s15 =	simm.s32 $0x2;
	[dreg:$0x8] =	wrdreg s13  }
0x18: {  	s7 =	simm.s32 $0x6;
	s2 =	sadd.s32 s17, s3;
	[dreg:$0xe] =	wrdreg s23  }
0x19: {  	[dreg:$0xf] =	wrdreg s26;
	s23 =	simm.s32 $0x7;
	s26 =	simm.s32 $0x2900  }
0x1a: {  	s13 =	simm.s32 $0x4;
	[dreg:$0x9] =	wrdreg s2;
	s2 =	sshrl.u32 s24, $0x3  }
0x1b: {  	s24 =	simm.s32 $0x2780;
	s20 =	sadd.s32 s2, s6;
	s2 =	simm.s32 $0x5  }
.LBB2_1:
0x1c: {  	s8 =	rddreg [dreg:$0x4]  }
0x1d: {  	[tilespmem:s4], [sflag:$0x7] =	stream.linear.gather [hbm4b:s8+s4], $0x2710, $0x38;
	[tilespmem:$0x1D980] =	vst v63  }
0x1e: {  	_ =	swait.ge [sflag:s23], $0x2710  }
0x1f: {  	[sflag:s23] =	ssyncset.done $0x0  }
0x20: {  	s11 =	rddreg [dreg:$0x5];
	[sflag:s23] =	ssyncadd.s32 $0xFFFFD8F0  }
0x21: {  	[tilespmem:s24], [sflag:$0x4] =	stream.linear.gather [hbm4b:s11+s4], $0x50, $0x38;
	[tilespmem:$0x1D980] =	vst v63  }
0x22: {  	_ = 	snop  }
0x23: {  	[tilespmem:s26], [sflag:$0x1] =	stream.indirect.gather [hbm4b:s5+s25], $0x80, s4, s25, $0xb8;
	[tilespmem:$0x1D980] =	vst v63  }
0x24: {  	s12 =	rddreg [dreg:$0x7]  }
0x25: {  	[tilespmem:s28], [sflag:$0x5] =	stream.linear.gather [hbm4b:s12+s4], $0x50, $0x38;
	[tilespmem:$0x1D980] =	vst v63  }
0x26: {  	s18 =	stileid.u32  }
0x27: {  	[tilespmem:s29], [sflag:$0x2] =	stream.indirect.gather [hbm4b:s5+s25], $0x80, s25, s25, $0xb8;
	[tilespmem:$0x1D980] =	vst v63  }
.Ltmp0:
0x28: {  	s14 =	rddreg [dreg:$0x8];
	(pc) =	sbr.rel @p1 .LBB2_3-.Ltmp0, $4  }
0x29: {  	s19 =	rddreg [dreg:$0x9];
	s11 =	sshll.u32 s18, $0x6  }
0x2a: {  	[tilespmem:s30], [sflag:$0x6] =	stream.linear.gather [hbm4b:s14+s4], $0x50, $0x38;
	[tilespmem:$0x1D980] =	vst v63  }
0x2b: {  	s17 =	simm.s32 $0xA0;
	s9 =	sor.u32 $0x1C07, s11;
	s12 =	sshrl.u32 s19, $0x3  }
0x2c: {  	[tilespmem:s1], [sflag:$0x3] =	stream.indirect.gather [hbm4b:s5+s25], $0x80, s17, s25, $0xb8;
	[tilespmem:$0x1D980] =	vst v63  }
0x2d: {  	s9 =	sor.u32 $0x1C07, s11;
	s8 =	rddreg [dreg:$0xc]  }
0x2e: {  	[spmem:s12], [sflag:s9] =	dma.local [hbm:s8], $0x2700  }
.Ltmp1:
0x2f: {  	_ = 	snop;
	(pc) =	sbr.rel @!p2 .LBB2_5-.Ltmp1, $4  }
.Ltmp2:
0x30: {  	_ = 	snop;
	(pc) =	sbr.rel @p2 .LBB2_4-.Ltmp2, $4  }
0x31: {  	_ =	swait.ge [sflag:s23], $0x2700  }
0x32: {  	[sflag:s23] =	ssyncset.done $0x0  }
0x33: {  	s8 =	smov.u32 s5;
	[sflag:s23] =	ssyncadd.s32 $0xFFFFD900  }
0x34: {  	_ = 	snop  }
.LBB2_3:
0x35: {  	s8 =	rddreg [dreg:$0xa]  }
0x36: {  	[spmem:s12], [sflag:s9] =	dma.local [hbm:s8], $0x2700  }
.Ltmp3:
0x37: {  	_ = 	snop;
	(pc) =	sbr.rel @p0 .LBB2_5-.Ltmp3, $4  }
0x38: {  	_ =	swait.ge [sflag:s23], $0x2700  }
0x39: {  	[sflag:s23] =	ssyncset.done $0x0  }
0x3a: {  	[sflag:s23] =	ssyncadd.s32 $0xFFFFD900  }
0x3b: {  	s8 =	rddreg [dreg:$0x1]  }
.LBB2_4:
0x3c: {  	s14 =	rddreg [dreg:$0xb]  }
0x3d: {  	s8 =	sadd.s32 $0x27000, s8;
	s17 =	sshrl.u32 s14, $0x3  }
0x3e: {  	[spmem:s17], [sflag:s9] =	dma.local [hbm:s8], $0x100  }
0x3f: {  	_ =	swait.ge [sflag:s23], $0x100  }
0x40: {  	[sflag:s23] =	ssyncset.done $0x0  }
0x41: {  	[sflag:s23] =	ssyncadd.s32 $0xFFFFFF00  }
.LBB2_5:
0x42: {  	[bflag:$0x0] =	sbarrier.arrive $0xFFFF  }
0x43: {  	_ =	swait.ge [sflag:s0], $0x2800  }
0x44: {  	[sflag:s0] =	ssyncset.done $0x0  }
0x45: {  	[sflag:s0] =	ssyncadd.s32 $0xFFFFD800  }
0x46: {  	_ =	swait.ge [sflag:s13], $0x50  }
0x47: {  	[sflag:s13] =	ssyncset.done $0x0  }
0x48: {  	[sflag:s13] =	ssyncadd.s32 $0xFFFFFFB0  }
0x49: {  	[spmem:s3] =	stream.indirect.scatter.add.f32 [tilespmem:s26], [sflag:$0x7], $0x80, s24, s25, $0xb8;
	[tilespmem:$0x1D980] =	vst v63  }
0x4a: {  	_ =	swait.ge [sflag:s23], $0x2800  }
0x4b: {  	s8 =	sshrl.u32 s22, $0x3;
	[sflag:s23] =	ssyncset.done $0x0  }
0x4c: {  	s8 =	sadd.s32 s6, s8;
	[sflag:s23] =	ssyncadd.s32 $0xFFFFD800  }
0x4d: {  	[tilespmem:s24], [sflag:$0x4] =	stream.linear.gather [hbm4b:s8+s4], $0x50, $0x38;
	[tilespmem:$0x1D980] =	vst v63  }
0x4e: {  	s18 =	simm.s32 $0xF0  }
0x4f: {  	[tilespmem:s26], [sflag:$0x1] =	stream.indirect.gather [hbm4b:s5+s25], $0x80, s18, s25, $0xb8;
	[tilespmem:$0x1D980] =	vst v63  }
0x50: {  	_ =	swait.ge [sflag:s15], $0x2800  }
0x51: {  	[sflag:s15] =	ssyncset.done $0x0  }
0x52: {  	[sflag:s15] =	ssyncadd.s32 $0xFFFFD800  }
0x53: {  	_ =	swait.ge [sflag:s2], $0x50  }
0x54: {  	[sflag:s2] =	ssyncset.done $0x0  }
0x55: {  	[sflag:s2] =	ssyncadd.s32 $0xFFFFFFB0  }
0x56: {  	[spmem:s3] =	stream.indirect.scatter.add.f32 [tilespmem:s29], [sflag:$0x7], $0x80, s28, s25, $0xb8;
	[tilespmem:$0x1D980] =	vst v63  }
0x57: {  	_ =	swait.ge [sflag:s23], $0x2800  }
0x58: {  	[sflag:s23] =	ssyncset.done $0x0  }
0x59: {  	[sflag:s23] =	ssyncadd.s32 $0xFFFFD800  }
0x5a: {  	[tilespmem:s28], [sflag:$0x5] =	stream.linear.gather [hbm4b:s21+s4], $0x50, $0x38;
	[tilespmem:$0x1D980] =	vst v63  }
0x5b: {  	s19 =	simm.s32 $0x140  }
0x5c: {  	[tilespmem:s29], [sflag:$0x2] =	stream.indirect.gather [hbm4b:s5+s25], $0x80, s19, s25, $0xb8;
	[tilespmem:$0x1D980] =	vst v63  }
0x5d: {  	_ =	swait.ge [sflag:s31], $0x2800  }
0x5e: {  	[sflag:s31] =	ssyncset.done $0x0  }
0x5f: {  	[sflag:s31] =	ssyncadd.s32 $0xFFFFD800  }
0x60: {  	_ =	swait.ge [sflag:s7], $0x50  }
0x61: {  	[sflag:s7] =	ssyncset.done $0x0  }
0x62: {  	[sflag:s7] =	ssyncadd.s32 $0xFFFFFFB0  }
0x63: {  	[spmem:s3] =	stream.indirect.scatter.add.f32 [tilespmem:s1], [sflag:$0x7], $0x80, s30, s25, $0xb8;
	[tilespmem:$0x1D980] =	vst v63  }
0x64: {  	s17 =	simm.s32 $0x3C0;
	_ =	swait.ge [sflag:s23], $0x2800  }
0x65: {  	s9 =	sadd.s32 $0x1E, s21;
	s8 =	simm.s32 $0x190;
	[sflag:s23] =	ssyncset.done $0x0  }
0x66: {  	s18 =	sadd.s32 $0xF0, s22;
	s19 =	sadd.s32 $0x1E, s20;
	[sflag:s23] =	ssyncadd.s32 $0xFFFFD800  }
0x67: {  	[tilespmem:s30], [sflag:$0x6] =	stream.linear.gather [hbm4b:s20+s4], $0x50, $0x38;
	[tilespmem:$0x1D980] =	vst v63  }
.LBB2_6:
0x68: {  	[tilespmem:s1], [sflag:$0x3] =	stream.indirect.gather [hbm4b:s5+s25], $0x80, s8, s25, $0xb8;
	[tilespmem:$0x1D980] =	vst v63  }
0x69: {  	s8 =	smov.u32 s17  }
0x6a: {  	p3 =	sne.s32 s17, $0x9240;
	s17 =	sadd.s32 $0x3C0, s17;
	_ =	swait.ge [sflag:s0], $0x2800  }
0x6b: {  	[sflag:s0] =	ssyncset.done $0x0  }
0x6c: {  	[sflag:s0] =	ssyncadd.s32 $0xFFFFD800  }
0x6d: {  	_ =	swait.ge [sflag:s13], $0x50  }
0x6e: {  	[sflag:s13] =	ssyncset.done $0x0  }
0x6f: {  	[sflag:s13] =	ssyncadd.s32 $0xFFFFFFB0  }
0x70: {  	[spmem:s3] =	stream.indirect.scatter.add.f32 [tilespmem:s26], [sflag:$0x7], $0x80, s24, s25, $0xb8;
	[tilespmem:$0x1D980] =	vst v63  }
0x71: {  	_ =	swait.ge [sflag:s23], $0x2800  }
0x72: {  	s14 =	sshrl.u32 s18, $0x3;
	[sflag:s23] =	ssyncset.done $0x0  }
0x73: {  	s14 =	sadd.s32 s6, s14;
	s8 =	sshra.s32 s8, $0x2;
	[sflag:s23] =	ssyncadd.s32 $0xFFFFD800  }
0x74: {  	[tilespmem:s24], [sflag:$0x4] =	stream.linear.gather [hbm4b:s14+s4], $0x50, $0x38;
	[tilespmem:$0x1D980] =	vst v63  }
0x75: {  	s14 =	sadd.s32 $0xF0, s8  }
0x76: {  	[tilespmem:s26], [sflag:$0x1] =	stream.indirect.gather [hbm4b:s5+s25], $0x80, s14, s25, $0xb8;
	[tilespmem:$0x1D980] =	vst v63  }
0x77: {  	_ =	swait.ge [sflag:s15], $0x2800  }
0x78: {  	[sflag:s15] =	ssyncset.done $0x0  }
0x79: {  	[sflag:s15] =	ssyncadd.s32 $0xFFFFD800  }
0x7a: {  	_ =	swait.ge [sflag:s2], $0x50  }
0x7b: {  	[sflag:s2] =	ssyncset.done $0x0  }
0x7c: {  	[sflag:s2] =	ssyncadd.s32 $0xFFFFFFB0  }
0x7d: {  	[spmem:s3] =	stream.indirect.scatter.add.f32 [tilespmem:s29], [sflag:$0x7], $0x80, s28, s25, $0xb8;
	[tilespmem:$0x1D980] =	vst v63  }
0x7e: {  	_ =	swait.ge [sflag:s23], $0x2800  }
0x7f: {  	[sflag:s23] =	ssyncset.done $0x0  }
0x80: {  	[sflag:s23] =	ssyncadd.s32 $0xFFFFD800  }
0x81: {  	[tilespmem:s28], [sflag:$0x5] =	stream.linear.gather [hbm4b:s9+s4], $0x50, $0x38;
	[tilespmem:$0x1D980] =	vst v63  }
0x82: {  	s14 =	sadd.s32 $0x140, s8  }
0x83: {  	[tilespmem:s29], [sflag:$0x2] =	stream.indirect.gather [hbm4b:s5+s25], $0x80, s14, s25, $0xb8;
	[tilespmem:$0x1D980] =	vst v63  }
0x84: {  	_ =	swait.ge [sflag:s31], $0x2800  }
0x85: {  	[sflag:s31] =	ssyncset.done $0x0  }
0x86: {  	[sflag:s31] =	ssyncadd.s32 $0xFFFFD800  }
0x87: {  	_ =	swait.ge [sflag:s7], $0x50  }
0x88: {  	[sflag:s7] =	ssyncset.done $0x0  }
0x89: {  	[sflag:s7] =	ssyncadd.s32 $0xFFFFFFB0  }
0x8a: {  	[spmem:s3] =	stream.indirect.scatter.add.f32 [tilespmem:s1], [sflag:$0x7], $0x80, s30, s25, $0xb8;
	[tilespmem:$0x1D980] =	vst v63  }
.Ltmp4:
0x8b: {  	_ =	swait.ge [sflag:s23], $0x2800;
	(pc) =	sbr.rel @p3 .LBB2_6-.Ltmp4, $4  }
0x8c: {  	[sflag:s23] =	ssyncset.done $0x0  }
0x8d: {  	s18 =	sadd.s32 $0xF0, s18;
	[sflag:s23] =	ssyncadd.s32 $0xFFFFD800  }
0x8e: {  	[tilespmem:s30], [sflag:$0x6] =	stream.linear.gather [hbm4b:s19+s4], $0x50, $0x38;
	[tilespmem:$0x1D980] =	vst v63  }
0x8f: {  	s8 =	sadd.s32 $0x190, s8;
	s9 =	sadd.s32 $0x1E, s9;
	s19 =	sadd.s32 $0x1E, s19  }
0x90: {  	[tilespmem:s1], [sflag:$0x3] =	stream.indirect.gather [hbm4b:s5+s25], $0x80, s8, s25, $0xb8;
	[tilespmem:$0x1D980] =	vst v63  }
0x91: {  	_ =	swait.ge [sflag:s0], $0x2800  }
0x92: {  	[sflag:s0] =	ssyncset.done $0x0  }
0x93: {  	[sflag:s0] =	ssyncadd.s32 $0xFFFFD800  }
0x94: {  	_ =	swait.ge [sflag:s13], $0x50  }
0x95: {  	[sflag:s13] =	ssyncset.done $0x0  }
0x96: {  	[sflag:s13] =	ssyncadd.s32 $0xFFFFFFB0  }
0x97: {  	[spmem:s3] =	stream.indirect.scatter.add.f32 [tilespmem:s26], [sflag:$0x7], $0x80, s24, s25, $0xb8;
	[tilespmem:$0x1D980] =	vst v63  }
0x98: {  	_ =	swait.ge [sflag:s23], $0x2800  }
0x99: {  	[sflag:s23] =	ssyncset.done $0x0  }
0x9a: {  	s19 =	rddreg [dreg:$0xe];
	[sflag:s23] =	ssyncadd.s32 $0xFFFFD800  }
0x9b: {  	[tilespmem:s24], [sflag:$0x4] =	stream.linear.gather [hbm4b:s19+s4], $0x50, $0x38;
	[tilespmem:$0x1D980] =	vst v63  }
0x9c: {  	s9 =	simm.s32 $0x2670  }
0x9d: {  	[tilespmem:s26], [sflag:$0x1] =	stream.indirect.gather [hbm4b:s5+s25], $0x80, s9, s25, $0xb8;
	[tilespmem:$0x1D980] =	vst v63  }
0x9e: {  	_ =	swait.ge [sflag:s15], $0x2800  }
0x9f: {  	[sflag:s15] =	ssyncset.done $0x0  }
0xa0: {  	[sflag:s15] =	ssyncadd.s32 $0xFFFFD800  }
0xa1: {  	_ =	swait.ge [sflag:s2], $0x50  }
0xa2: {  	[sflag:s2] =	ssyncset.done $0x0  }
0xa3: {  	[sflag:s2] =	ssyncadd.s32 $0xFFFFFFB0  }
0xa4: {  	[spmem:s3] =	stream.indirect.scatter.add.f32 [tilespmem:s29], [sflag:$0x7], $0x80, s28, s25, $0xb8;
	[tilespmem:$0x1D980] =	vst v63  }
0xa5: {  	_ =	swait.ge [sflag:s23], $0x2800  }
0xa6: {  	[sflag:s23] =	ssyncset.done $0x0  }
0xa7: {  	s14 =	rddreg [dreg:$0xf];
	[sflag:s23] =	ssyncadd.s32 $0xFFFFD800  }
0xa8: {  	[tilespmem:s28], [sflag:$0x5] =	stream.linear.gather [hbm4b:s14+s4], $0x50, $0x38;
	[tilespmem:$0x1D980] =	vst v63  }
0xa9: {  	s17 =	simm.s32 $0x26C0  }
0xaa: {  	[tilespmem:s29], [sflag:$0x2] =	stream.indirect.gather [hbm4b:s5+s25], $0x80, s17, s25, $0xb8;
	[tilespmem:$0x1D980] =	vst v63  }
0xab: {  	_ =	swait.ge [sflag:s31], $0x2800  }
0xac: {  	[sflag:s31] =	ssyncset.done $0x0  }
0xad: {  	[sflag:s31] =	ssyncadd.s32 $0xFFFFD800  }
0xae: {  	_ =	swait.ge [sflag:s7], $0x50  }
0xaf: {  	[sflag:s7] =	ssyncset.done $0x0  }
0xb0: {  	[sflag:s7] =	ssyncadd.s32 $0xFFFFFFB0  }
0xb1: {  	[spmem:s3] =	stream.indirect.scatter.add.f32 [tilespmem:s1], [sflag:$0x7], $0x80, s30, s25, $0xb8;
	[tilespmem:$0x1D980] =	vst v63  }
0xb2: {  	_ =	swait.ge [sflag:s23], $0x2800  }
0xb3: {  	[sflag:s23] =	ssyncset.done $0x0  }
0xb4: {  	[sflag:s23] =	ssyncadd.s32 $0xFFFFD800  }
0xb5: {  	_ =	swait.ge [sflag:s0], $0x2800  }
0xb6: {  	[sflag:s0] =	ssyncset.done $0x0  }
0xb7: {  	[sflag:s0] =	ssyncadd.s32 $0xFFFFD800  }
0xb8: {  	_ =	swait.ge [sflag:s13], $0x50  }
0xb9: {  	[sflag:s13] =	ssyncset.done $0x0  }
0xba: {  	[sflag:s13] =	ssyncadd.s32 $0xFFFFFFB0  }
0xbb: {  	[spmem:s3] =	stream.indirect.scatter.add.f32 [tilespmem:s26], [sflag:$0x7], $0x80, s24, s25, $0xb8;
	[tilespmem:$0x1D980] =	vst v63  }
0xbc: {  	_ =	swait.ge [sflag:s23], $0x2800  }
0xbd: {  	[sflag:s23] =	ssyncset.done $0x0  }
0xbe: {  	[sflag:s23] =	ssyncadd.s32 $0xFFFFD800  }
0xbf: {  	_ =	swait.ge [sflag:s15], $0x2800  }
0xc0: {  	[sflag:s15] =	ssyncset.done $0x0  }
0xc1: {  	[sflag:s15] =	ssyncadd.s32 $0xFFFFD800  }
0xc2: {  	_ =	swait.ge [sflag:s2], $0x50  }
0xc3: {  	[sflag:s2] =	ssyncset.done $0x0  }
0xc4: {  	[sflag:s2] =	ssyncadd.s32 $0xFFFFFFB0  }
0xc5: {  	[spmem:s3] =	stream.indirect.scatter.add.f32 [tilespmem:s29], [sflag:$0x7], $0x80, s28, s25, $0xb8;
	[tilespmem:$0x1D980] =	vst v63  }
0xc6: {  	_ =	swait.ge [sflag:s23], $0x2800  }
0xc7: {  	[sflag:s23] =	ssyncset.done $0x0  }
0xc8: {  	[sflag:s23] =	ssyncadd.s32 $0xFFFFD800  }
0xc9: {  	[bflag:$0x0] =	sbarrier.arrive $0xFFFF  }
0xca: {  	s18 =	rddreg [dreg:$0x6]  }
0xcb: {  	s9 =	sor.u32 $0x1C07, s11;
	s8 =	sadd.s32 s18, s16  }
0xcc: {  	[hbm:s8], [sflag:s9] =	dma.local [spmem:s12], $0x2700  }
0xcd: {  	_ =	swait.ge [sflag:s23], $0x2700  }
0xce: {  	[sflag:s23] =	ssyncset.done $0x0;
	s11 =	rddreg [dreg:$0xb]  }
0xcf: {  	s8 =	sadd.s32 @!p0 $0x27000, s16;
	[sflag:s23] =	ssyncadd.s32 $0xFFFFD900;
	s11 =	sshrl.u32 @!p0 s11, $0x3  }
0xd0: {  	[hbm:s8], [sflag:s9] =	dma.local @!p0 [spmem:s11], $0x100  }
0xd1: {  	s8 =	simm.s32 @!p0 $0x7  }
0xd2: {  	_ =	swait.ge @!p0 [sflag:s8], $0x100  }
0xd3: {  	s10 =	sadd.s32 $0x1, s10;
	s19 =	rddreg [dreg:$0xd]  }
0xd4: {  	p3 =	sne.s32 s10, s19  }
.Ltmp5:
0xd5: {  	_ = 	snop;
	(pc) =	sbr.rel @p3 .LBB2_1-.Ltmp5, $3  }
0xd6: {  	_ =	sdelay $0x1  }
0xd7: {  	[sflag:s8] =	ssyncset.done @!p0 $0x0  }
0xd8: {  	[sflag:s8] =	ssyncadd.s32 @!p0 $0xFFFFFF00  }
0xd9: {  	_ =	sfence.sel $0x180000  }
0xda: {  	[bflag:$0x0] =	sbarrier.arrive $0xFFFF  }
0xdb: {  	_ =	strace $0x9000004A  }
0xdc: {  	[bflag:$0x2] =	sbarrier.arrive $0xFFFF  }
0xdd: {  	s0 =	rddreg [dreg:$0x3]  }
0xde: {  	s0 =	sadd.s32 @!p0 $0x100000, s0  }
0xdf: {  	[sflag:s0] =	ssyncadd.tile.s32 @!p0 $0x1;
	_ =	shalt  }
.Lfunc_end2:
_tile_overlayer_lowered:
.L_overlay_start_2:
0xe0: {  	(tag) =	ssettag $0x2  }
0xe1: {  	s0 =	rddreg [dreg:$0x0];
	s2 =	stileid.u32  }
0xe2: {  	s1 =	rddreg [dreg:$0x1];
	p0 =	sne.s32 s2, $0x0  }
0xe3: {  	s3 =	rddreg [dreg:$0x2];
	[bflag:$0x3] =	sbarrier.arrive $0xFFFF;
	s2 =	simm.s32 @!p0 $0x1C07  }
0xe4: {  	[timem:s3], [sflag:s2] =	dma.local @!p0 [hbm:s0], s1  }
0xe5: {  	s0 =	simm.s32 @!p0 $0x7  }
0xe6: {  	_ =	swait.ge @!p0 [sflag:s0], s1  }
0xe7: {  	s1 =	ssub.s32 @!p0 $0x0, s1;
	[sflag:s0] =	ssyncset.done @!p0 $0x0  }
0xe8: {  	[sflag:s0] =	ssyncadd.s32 @!p0 s1  }
0xe9: {  	[bflag:$0x3] =	sbarrier.arrive $0xFFFF  }
0xea: {  	_ =	shalt  }

// kernel: kernel.19.cloned.1.call-start
scs
__scs_entry_jumppad:
0x0: {  	(pc) =	sbr.rel $0x88, $3  }
0x1: {  	(tag) =	ssettag $0x0;
	lr =	simm.s32 $0x1  }
0x2: {  	[smem:$0x3F91] =	sst lr;
	_ =	strace $0xD0000000  }
0x3: {  	_ = 	snop  }
0x4: {  	_ = 	snop  }
0x5: {  	_ = 	snop  }
0x6: {  	_ = 	snop  }
0x7: {  	_ = 	snop  }
__scs_overlays_trampoline_lowered:
0x8: {  	[smem:$0x3FA0] =	sst s0  }
0x9: {  	[smem:$0x3FA1] =	sst s1  }
0xa: {  	[smem:$0x3FA2] =	sst s2  }
0xb: {  	[smem:$0x3FA3] =	sst s3  }
0xc: {  	[smem:$0x3FA4] =	sst s4  }
0xd: {  	[smem:$0x3FA5] =	sst s5  }
0xe: {  	[smem:$0x3FA6] =	sst s6  }
0xf: {  	[smem:$0x3FA7] =	sst s7  }
0x10: {  	[smem:$0x3FA8] =	sst s8  }
0x11: {  	[smem:$0x3FA9] =	sst s9;
	s0 =	simm.s32 @!p0 $0x0  }
0x12: {  	s1 =	sld [smem:$0x3F8F];
	s0 =	simm.s32 @p0 $0x1  }
0x13: {  	[smem:$0x3FAA] =	sst s0;
	s0 =	simm.s32 @!p1 $0x0  }
0x14: {  	s2 =	sld [smem:$0x3F8E];
	s0 =	simm.s32 @p1 $0x1  }
0x15: {  	[smem:$0x3FAB] =	sst s0;
	s0 =	simm.s32 @!p2 $0x0  }
0x16: {  	s3 =	sld [smem:$0x3FDB];
	s0 =	simm.s32 @p2 $0x1  }
0x17: {  	s4 =	simm.s32 $0x1BF5;
	[smem:$0x3FAD] =	sst s0  }
0x18: {  	s0 =	sld [smem:$0x3F90];
	_ =	swait.ge [sflag:s4], $0x0  }
0x19: {  	s7 =	sld [smem:$0x3F91]  }
0x1a: {  	s8 =	sadd.s32 $0xFFFFE003, lr  }
0x1b: {  	s9 =	sadd.s32 $0xFFFFFEF7, lr;
	s5 =	simm.s32 $0xFFFFFFFF;
	p2 =	slt.u32 s8, $0xFFFFF086  }
0x1c: {  	p1 =	slt.u32 s9, $0xF7A;
	s5 =	simm.s32 @!p2 $0x0  }
0x1d: {  	s5 =	simm.s32 @p1 $0x1;
	p0 =	seq.s32 s7, s2  }
0x1e: {  	s7 =	smul.u32 @!p0 $0xF7A, s2;
	p2 =	seq.s32 @!p0 s5, $0x0  }
0x1f: {  	s9 =	smul.u32 $0xF7A, s1;
	s8 =	simm.s32 @!p0 $0x1BF5;
	p2 =	por !p2, p0  }
0x20: {  	[sflag:s8] =	ssyncset.s32 @!p0 $0xFFFFF086;
	s6 =	sadd.s32 @!p0 s3, s7;
	s7 =	simm.s32 @!p0 $0x108  }
0x21: {  	s3 =	sadd.s32 s3, s9;
	s6 =	sadd.s32 @!p0 $0x88, s6;
	s7 =	simm.s32 @p2 $0x1082  }
0x22: {  	[simem:s7], [sflag:s8] =	dma.local @!p0 [hbm:s6], $0xF7A  }
0x23: {  	s9 =	sor.u32 $0xD0000000, s2;
	s6 =	simm.s32 $0x108;
	_ =	swait.ge @!p0 [sflag:s8], $0x0  }
0x24: {  	s3 =	sadd.s32 $0x88, s3;
	s6 =	simm.s32 @!p1 $0x1082;
	[sflag:s4] =	ssyncset.s32 $0xFFFFF086  }
0x25: {  	[simem:s6], [sflag:s4] =	dma.local [hbm:s3], $0xF7A  }
0x26: {  	[smem:$0x3F91] =	sst s1;
	(tag) =	ssettag s2;
	_ =	strace s9  }
0x27: {  	s1 =	sld [smem:$0x3FA1]  }
0x28: {  	s2 =	sld [smem:$0x3FA2]  }
0x29: {  	s4 =	sld [smem:$0x3FA4]  }
0x2a: {  	p0 =	seq.s32 s5, $0x0;
	s5 =	sld [smem:$0x3FA5]  }
0x2b: {  	s6 =	sld [smem:$0x3FA6]  }
0x2c: {  	s7 =	sld [smem:$0x3FA7]  }
0x2d: {  	s3 =	simm.s32 $0x108;
	s8 =	sld [smem:$0x3FA8]  }
0x2e: {  	s3 =	simm.s32 @!p0 $0x1082;
	s9 =	sld [smem:$0x3FA9]  }
0x2f: {  	lr =	sadd.s32 s0, s3;
	s0 =	sld [smem:$0x3FA0]  }
0x30: {  	s3 =	sld [smem:$0x3FA3]  }
0x31: {  	[smem:$0x3FAC] =	sst s10  }
0x32: {  	s10 =	sld [smem:$0x3FAA];
	_ =	sdelay $0x3  }
0x33: {  	p0 =	seq.s32 s10, $0x1;
	s10 =	sld [smem:$0x3FAC];
	_ =	sdelay $0x3  }
0x34: {  	[smem:$0x3FAC] =	sst s10  }
0x35: {  	s10 =	sld [smem:$0x3FAB];
	_ =	sdelay $0x3  }
0x36: {  	p1 =	seq.s32 s10, $0x1;
	s10 =	sld [smem:$0x3FAC];
	_ =	sdelay $0x3  }
0x37: {  	[smem:$0x3FAC] =	sst s10  }
0x38: {  	s10 =	sld [smem:$0x3FAD]  }
0x39: {  	_ = 	snop;
	(pc) =	sbr.ind lr, $3  }
0x3a: {  	_ = 	snop  }
0x3b: {  	_ = 	snop  }
0x3c: {  	p2 =	seq.s32 s10, $0x1;
	s10 =	sld [smem:$0x3FAC]  }
0x3d: {  	_ =	shalt  }
0x3e: {  	_ =	shalt  }
0x3f: {  	_ =	shalt  }
0x40: {  	_ =	shalt  }
0x41: {  	_ =	shalt  }
0x42: {  	_ =	shalt  }
0x43: {  	_ =	shalt  }
0x44: {  	_ =	shalt  }
0x45: {  	_ =	shalt  }
0x46: {  	_ =	shalt  }
0x47: {  	_ =	shalt  }
0x48: {  	_ =	shalt  }
0x49: {  	_ =	shalt  }
0x4a: {  	_ =	shalt  }
0x4b: {  	_ =	shalt  }
0x4c: {  	_ =	shalt  }
0x4d: {  	_ =	shalt  }
0x4e: {  	_ =	shalt  }
0x4f: {  	_ =	shalt  }
0x50: {  	_ =	shalt  }
0x51: {  	_ =	shalt  }
0x52: {  	_ =	shalt  }
0x53: {  	_ =	shalt  }
0x54: {  	_ =	shalt  }
0x55: {  	_ =	shalt  }
0x56: {  	_ =	shalt  }
0x57: {  	_ =	shalt  }
0x58: {  	_ =	shalt  }
0x59: {  	_ =	shalt  }
0x5a: {  	_ =	shalt  }
0x5b: {  	_ =	shalt  }
0x5c: {  	_ =	shalt  }
0x5d: {  	_ =	shalt  }
0x5e: {  	_ =	shalt  }
0x5f: {  	_ =	shalt  }
0x60: {  	_ =	shalt  }
0x61: {  	_ =	shalt  }
0x62: {  	_ =	shalt  }
0x63: {  	_ =	shalt  }
0x64: {  	_ =	shalt  }
0x65: {  	_ =	shalt  }
0x66: {  	_ =	shalt  }
0x67: {  	_ =	shalt  }
0x68: {  	_ =	shalt  }
0x69: {  	_ =	shalt  }
0x6a: {  	_ =	shalt  }
0x6b: {  	_ =	shalt  }
0x6c: {  	_ =	shalt  }
0x6d: {  	_ =	shalt  }
0x6e: {  	_ =	shalt  }
0x6f: {  	_ =	shalt  }
0x70: {  	_ =	shalt  }
0x71: {  	_ =	shalt  }
0x72: {  	_ =	shalt  }
0x73: {  	_ =	shalt  }
0x74: {  	_ =	shalt  }
0x75: {  	_ =	shalt  }
0x76: {  	_ =	shalt  }
0x77: {  	_ =	shalt  }
0x78: {  	_ =	shalt  }
0x79: {  	_ =	shalt  }
0x7a: {  	_ =	shalt  }
0x7b: {  	_ =	shalt  }
0x7c: {  	_ =	shalt  }
0x7d: {  	_ =	shalt  }
0x7e: {  	_ =	shalt  }
0x7f: {  	_ =	shalt  }
0x80: {  	_ =	shalt  }
0x81: {  	_ =	shalt  }
0x82: {  	_ =	shalt  }
0x83: {  	_ =	shalt  }
0x84: {  	_ =	shalt  }
0x85: {  	_ =	shalt  }
0x86: {  	_ =	shalt  }
0x87: {  	_ =	shalt  }
.Lfunc_end0:
.L_simem_size_0:
called_computation.2_lowered:
.L_overlay_start_0:
0x88: {  	s2 =	sld [smem:$0x3FD9]  }
0x89: {  	s3 =	sld [smem:$0x3FFE];
	_ =	sdelay $0x1  }
0x8a: {  	s1 =	srdreg.scid  }
0x8b: {  	s0 =	sand.u32 $0x1, s1  }
0x8c: {  	s17 =	sshll.u32 s0, $0xA;
	s2 =	sadd.s32 s3, s2  }
0x8d: {  	s2 =	sadd.s32 s2, s17  }
0x8e: {  	[smem:$0x3FB8] =	sst s2  }
0x8f: {  	_ = 	snop  }
0x90: {  	s2 =	sld [smem:$0x3FD0];
	(tm) =	ssettm $0x1  }
0x91: {  	s18 =	sld [smem:$0x3FFB];
	_ =	sdelay $0x3  }
0x92: {  	_ =	strace s18  }
0x93: {  	s3 =	sld [smem:$0x3FFC];
	_ =	sdelay $0x3  }
0x94: {  	_ =	strace s3  }
0x95: {  	s3 =	sld [smem:$0x3FFD];
	_ =	sdelay $0x3  }
0x96: {  	_ =	strace s3  }
0x97: {  	_ =	strace $0x8FFFFFFF  }
0x98: {  	s19 =	sld [smem:$0x3FDB];
	_ =	sdelay $0x1  }
0x99: {  	s4 =	simm.s32 $_scs_section_size  }
0x9a: {  	s5 =	simm.s32 $_size__tile_overlayer_lowered;
	s6 =	simm.s32 $_tile_overlayer_lowered  }
0x9b: {  	s22 =	simm.s32 $0x1BFF;
	s21 =	sshll.u32 s6, $0x1;
	s3 =	sadd.s32 s4, s19  }
0x9c: {  	s7 =	simm.s32 $0x0;
	s20 =	sshll.u32 s5, $0x1;
	s5 =	sadd.s32 s21, s3  }
0x9d: {  	[timem:s7], [sflag:s22] =	dma.local [hbm:s5], s20  }
0x9e: {  	_ =	swait.ge [sflag:s22], s20  }
0x9f: {  	s4 =	ssub.s32 $0x0, s20;
	[sflag:s22] =	ssyncset.done $0x0  }
0xa0: {  	[sflag:s22] =	ssyncadd.s32 s4;
	_ =	sdelay $0x1  }
0xa1: {  	s23 =	simm.s32 $0x1B8B  }
0xa2: {  	_ =	swait.ge [sflag:s23], $0x1  }
0xa3: {  	[sflag:s23] =	ssyncset.done $0x0  }
0xa4: {  	s25 =	simm.s32 $0x1B8E;
	s24 =	sld [smem:$0x3FFE];
	[sflag:s23] =	ssyncadd.s32 $0xFFFFFFFF  }
0xa5: {  	s26 =	simm.s32 $execute0_lowered;
	[smem:$0x3FD2] =	sst s25  }
0xa6: {  	s5 =	sshll.u32 s26, $0x1;
	_ =	strace $0x8000004C;
	[dreg:$0x1] =	wrdreg $0xFFFFFFFF  }
0xa7: {  	s28 =	simm.s32 $_size_execute0_lowered;
	s3 =	sadd.s32 s3, s5;
	[dreg:$0x0] =	wrdreg $0x0  }
0xa8: {  	s5 =	sshll.u32 s28, $0x1;
	[dreg:$0x2] =	wrdreg s3  }
0xa9: {  	[dreg:$0x3] =	wrdreg s5  }
0xaa: {  	[dreg:$0x4] =	wrdreg $0xC0  }
0xab: {  	_ =	task [dreg:s7], $0x5FFFF  }
0xac: {  	[dreg:$0x1] =	wrdreg $0xFFFFFFFF  }
0xad: {  	[dreg:$0x0] =	wrdreg $0x60  }
0xae: {  	[dreg:$0x2] =	wrdreg s24  }
0xaf: {  	[dreg:$0x3] =	wrdreg s2  }
0xb0: {  	[dreg:$0x4] =	wrdreg $0xA1000  }
0xb1: {  	[dreg:$0x5] =	wrdreg $0x9  }
0xb2: {  	_ =	task.clear_ibuf [dreg:s7], $0x6FFFF;
	_ =	strace $0x9000004C  }
0xb3: {  	s29 =	simm.s32 $0x9;
	_ =	strace $0x8000004E  }
0xb4: {  	_ =	swait.ge [sflag:s29], $0x1  }
0xb5: {  	[sflag:s29] =	ssyncadd.s32 $0xFFFFFFFF  }
0xb6: {  	_ =	strace $0x9000004E  }
0xb7: {  	_ =	sfence  }
0xb8: {  	s30 =	sld [smem:$0x0];
	_ =	sdelay $0x2  }
0xb9: {  	s31 =	sshll.u32 s1, $0xD;
	s1 =	sshrl.u32 s1, $0x2  }
0xba: {  	s3 =	sand.u32 $0x4000, s31;
	s1 =	sadd.s32 s1, s30  }
0xbb: {  	s0 =	sor.u32 s3, s0;
	s1 =	sshll.u32 s1, $0x11  }
0xbc: {  	s0 =	sor.u32 s1, s0  }
0xbd: {  	s0 =	sadd.s32 $0x8F2B, s0  }
0xbe: {  	[sflag:s0] =	ssyncadd.remote.s32 $0x1  }
0xbf: {  	_ =	sfence.sel $0xFFFF  }
0xc0: {  	[dreg:$0x0] =	wrdreg $0xFFFFFFFF;
	(pc) =	sbr.abs _section_cstart, $3  }
0xc1: {  	[dreg:$0x1] =	wrdreg $0xFFFFFFFF  }
0xc2: {  	_ =	task.clear_ibuf [dreg:s7], $0x2FFFF;
	_ =	strace $0x9FFFFFFF  }
0xc3: {  	(tm) =	ssettm $0x7FFFFFFF  }
tec
execute0_lowered:
.L_overlay_start_1:
0x0: {  	(tag) =	ssettag $0x1  }
0x1: {  	s0 =	rddreg [dreg:$0x0]  }
0x2: {  	s11 =	rddreg [dreg:$0x1]  }
0x3: {  	s1 =	srdreg.scid;
	s12 =	stileid.u32  }
0x4: {  	s3 =	rddreg [dreg:$0x2];
	s4 =	simm.s32 $0x0;
	s28 =	simm.s32 $0x2800  }
0x5: {  	s29 =	simm.s32 $0x5100;
	s30 =	simm.s32 $0x2880;
	s31 =	simm.s32 $0x3  }
0x6: {  	s1 =	sand.u32 $0x1, s1;
	s2 =	sshll.u32 s12, $0x1;
	s14 =	smul.u32 $0x4E000, s12  }
0x7: {  	[smem:$0x7FF] =	sst s4;
	s5 =	sadd.s32 $0x17E00, s0;
	s16 =	smul.u32 $0x2700, s12  }
0x8: {  	s6 =	sadd.s32 $0xE000, s0;
	s18 =	smul.u32 $0x4E20, s12;
	s20 =	sadd.s32 $0x138000, s3  }
0x9: {  	p2 =	seq.s32 s12, $0x0;
	p0 =	sne.s32 s12, $0x0;
	s2 =	sor.u32 s1, s2  }
0xa: {  	_ =	strace $0x8000004D;
	s7 =	smul.u32 $0x27100, s1;
	s8 =	ssub.s32 $0x2, s1  }
0xb: {  	s19 =	smul.u32 $0x2710, s1;
	[dreg:$0xb] =	wrdreg s20;
	p1 =	sne.s32 s1, $0x0  }
0xc: {  	s1 =	simm.s32 $0x7900;
	s2 =	smul.u32 $0x2710, s2;
	s10 =	sshrl.u32 s8, $0x1  }
0xd: {  	s17 =	sshrl.u32 s14, $0x2;
	s11 =	sadd.s32 s11, s16;
	[dreg:$0x6] =	wrdreg s16  }
0xe: {  	s26 =	ssub.s32 s8, s10;
	[dreg:$0xa] =	wrdreg s11;
	s10 =	sadd.s32 s5, s16  }
0xf: {  	s22 =	sadd.s32 s19, s18;
	s2 =	sshrl.u32 s2, $0x3;
	[dreg:$0xc] =	wrdreg s10  }
0x10: {  	s21 =	smax.u32 s26, $0x1;
	s24 =	sadd.s32 $0x190, s22;
	s25 =	sadd.s32 $0x140, s22  }
0x11: {  	s22 =	sadd.s32 $0xF0, s22;
	s10 =	simm.s32 $0x0;
	s9 =	sadd.s32 s2, s0  }
0x12: {  	s0 =	sadd.s32 s7, s0;
	s15 =	sadd.s32 s6, s2;
	[dreg:$0xd] =	wrdreg s21  }
0x13: {  	s7 =	sshrl.u32 s25, $0x3;
	s25 =	simm.s32 $0x50;
	s9 =	sadd.s32 $0x4200, s9  }
0x14: {  	s2 =	sadd.s32 $0xA, s15;
	s13 =	sadd.s32 $0x14, s15;
	[dreg:$0x5] =	wrdreg s15  }
0x15: {  	s16 =	sadd.s32 $0x3F000, s0;
	s23 =	sadd.s32 $0x4CE, s15;
	[dreg:$0x4] =	wrdreg s9  }
0x16: {  	s26 =	sadd.s32 $0x4D8, s15;
	s21 =	sadd.s32 s7, s6;
	[dreg:$0x7] =	wrdreg s2  }
0x17: {  	s0 =	simm.s32 $0x1;
	s15 =	simm.s32 $0x2;
	[dreg:$0x8] =	wrdreg s13  }
0x18: {  	s7 =	simm.s32 $0x6;
	s2 =	sadd.s32 s17, s3;
	[dreg:$0xe] =	wrdreg s23  }
0x19: {  	[dreg:$0xf] =	wrdreg s26;
	s23 =	simm.s32 $0x7;
	s26 =	simm.s32 $0x2900  }
0x1a: {  	s13 =	simm.s32 $0x4;
	[dreg:$0x9] =	wrdreg s2;
	s2 =	sshrl.u32 s24, $0x3  }
0x1b: {  	s24 =	simm.s32 $0x2780;
	s20 =	sadd.s32 s2, s6;
	s2 =	simm.s32 $0x5  }
.LBB2_1:
0x1c: {  	s8 =	rddreg [dreg:$0x4]  }
0x1d: {  	[tilespmem:s4], [sflag:$0x7] =	stream.linear.gather [hbm4b:s8+s4], $0x2710, $0x38;
	[tilespmem:$0x1D980] =	vst v63  }
0x1e: {  	_ =	swait.ge [sflag:s23], $0x2710  }
0x1f: {  	[sflag:s23] =	ssyncset.done $0x0  }
0x20: {  	s11 =	rddreg [dreg:$0x5];
	[sflag:s23] =	ssyncadd.s32 $0xFFFFD8F0  }
0x21: {  	[tilespmem:s24], [sflag:$0x4] =	stream.linear.gather [hbm4b:s11+s4], $0x50, $0x38;
	[tilespmem:$0x1D980] =	vst v63  }
0x22: {  	_ = 	snop  }
0x23: {  	[tilespmem:s26], [sflag:$0x1] =	stream.indirect.gather [hbm4b:s5+s25], $0x80, s4, s25, $0xb8;
	[tilespmem:$0x1D980] =	vst v63  }
0x24: {  	s12 =	rddreg [dreg:$0x7]  }
0x25: {  	[tilespmem:s28], [sflag:$0x5] =	stream.linear.gather [hbm4b:s12+s4], $0x50, $0x38;
	[tilespmem:$0x1D980] =	vst v63  }
0x26: {  	s18 =	stileid.u32  }
0x27: {  	[tilespmem:s29], [sflag:$0x2] =	stream.indirect.gather [hbm4b:s5+s25], $0x80, s25, s25, $0xb8;
	[tilespmem:$0x1D980] =	vst v63  }
.Ltmp0:
0x28: {  	s14 =	rddreg [dreg:$0x8];
	(pc) =	sbr.rel @p1 .LBB2_3-.Ltmp0, $4  }
0x29: {  	s19 =	rddreg [dreg:$0x9];
	s11 =	sshll.u32 s18, $0x6  }
0x2a: {  	[tilespmem:s30], [sflag:$0x6] =	stream.linear.gather [hbm4b:s14+s4], $0x50, $0x38;
	[tilespmem:$0x1D980] =	vst v63  }
0x2b: {  	s17 =	simm.s32 $0xA0;
	s9 =	sor.u32 $0x1C07, s11;
	s12 =	sshrl.u32 s19, $0x3  }
0x2c: {  	[tilespmem:s1], [sflag:$0x3] =	stream.indirect.gather [hbm4b:s5+s25], $0x80, s17, s25, $0xb8;
	[tilespmem:$0x1D980] =	vst v63  }
0x2d: {  	s9 =	sor.u32 $0x1C07, s11;
	s8 =	rddreg [dreg:$0xc]  }
0x2e: {  	[spmem:s12], [sflag:s9] =	dma.local [hbm:s8], $0x2700  }
.Ltmp1:
0x2f: {  	_ = 	snop;
	(pc) =	sbr.rel @!p2 .LBB2_5-.Ltmp1, $4  }
.Ltmp2:
0x30: {  	_ = 	snop;
	(pc) =	sbr.rel @p2 .LBB2_4-.Ltmp2, $4  }
0x31: {  	_ =	swait.ge [sflag:s23], $0x2700  }
0x32: {  	[sflag:s23] =	ssyncset.done $0x0  }
0x33: {  	s8 =	smov.u32 s5;
	[sflag:s23] =	ssyncadd.s32 $0xFFFFD900  }
0x34: {  	_ = 	snop  }
.LBB2_3:
0x35: {  	s8 =	rddreg [dreg:$0xa]  }
0x36: {  	[spmem:s12], [sflag:s9] =	dma.local [hbm:s8], $0x2700  }
.Ltmp3:
0x37: {  	_ = 	snop;
	(pc) =	sbr.rel @p0 .LBB2_5-.Ltmp3, $4  }
0x38: {  	_ =	swait.ge [sflag:s23], $0x2700  }
0x39: {  	[sflag:s23] =	ssyncset.done $0x0  }
0x3a: {  	[sflag:s23] =	ssyncadd.s32 $0xFFFFD900  }
0x3b: {  	s8 =	rddreg [dreg:$0x1]  }
.LBB2_4:
0x3c: {  	s14 =	rddreg [dreg:$0xb]  }
0x3d: {  	s8 =	sadd.s32 $0x27000, s8;
	s17 =	sshrl.u32 s14, $0x3  }
0x3e: {  	[spmem:s17], [sflag:s9] =	dma.local [hbm:s8], $0x100  }
0x3f: {  	_ =	swait.ge [sflag:s23], $0x100  }
0x40: {  	[sflag:s23] =	ssyncset.done $0x0  }
0x41: {  	[sflag:s23] =	ssyncadd.s32 $0xFFFFFF00  }
.LBB2_5:
0x42: {  	[bflag:$0x0] =	sbarrier.arrive $0xFFFF  }
0x43: {  	_ =	swait.ge [sflag:s0], $0x2800  }
0x44: {  	[sflag:s0] =	ssyncset.done $0x0  }
0x45: {  	[sflag:s0] =	ssyncadd.s32 $0xFFFFD800  }
0x46: {  	_ =	swait.ge [sflag:s13], $0x50  }
0x47: {  	[sflag:s13] =	ssyncset.done $0x0  }
0x48: {  	[sflag:s13] =	ssyncadd.s32 $0xFFFFFFB0  }
0x49: {  	[spmem:s3] =	stream.indirect.scatter.add.f32 [tilespmem:s26], [sflag:$0x7], $0x80, s24, s25, $0xb8;
	[tilespmem:$0x1D980] =	vst v63  }
0x4a: {  	_ =	swait.ge [sflag:s23], $0x2800  }
0x4b: {  	s8 =	sshrl.u32 s22, $0x3;
	[sflag:s23] =	ssyncset.done $0x0  }
0x4c: {  	s8 =	sadd.s32 s6, s8;
	[sflag:s23] =	ssyncadd.s32 $0xFFFFD800  }
0x4d: {  	[tilespmem:s24], [sflag:$0x4] =	stream.linear.gather [hbm4b:s8+s4], $0x50, $0x38;
	[tilespmem:$0x1D980] =	vst v63  }
0x4e: {  	s18 =	simm.s32 $0xF0  }
0x4f: {  	[tilespmem:s26], [sflag:$0x1] =	stream.indirect.gather [hbm4b:s5+s25], $0x80, s18, s25, $0xb8;
	[tilespmem:$0x1D980] =	vst v63  }
0x50: {  	_ =	swait.ge [sflag:s15], $0x2800  }
0x51: {  	[sflag:s15] =	ssyncset.done $0x0  }
0x52: {  	[sflag:s15] =	ssyncadd.s32 $0xFFFFD800  }
0x53: {  	_ =	swait.ge [sflag:s2], $0x50  }
0x54: {  	[sflag:s2] =	ssyncset.done $0x0  }
0x55: {  	[sflag:s2] =	ssyncadd.s32 $0xFFFFFFB0  }
0x56: {  	[spmem:s3] =	stream.indirect.scatter.add.f32 [tilespmem:s29], [sflag:$0x7], $0x80, s28, s25, $0xb8;
	[tilespmem:$0x1D980] =	vst v63  }
0x57: {  	_ =	swait.ge [sflag:s23], $0x2800  }
0x58: {  	[sflag:s23] =	ssyncset.done $0x0  }
0x59: {  	[sflag:s23] =	ssyncadd.s32 $0xFFFFD800  }
0x5a: {  	[tilespmem:s28], [sflag:$0x5] =	stream.linear.gather [hbm4b:s21+s4], $0x50, $0x38;
	[tilespmem:$0x1D980] =	vst v63  }
0x5b: {  	s19 =	simm.s32 $0x140  }
0x5c: {  	[tilespmem:s29], [sflag:$0x2] =	stream.indirect.gather [hbm4b:s5+s25], $0x80, s19, s25, $0xb8;
	[tilespmem:$0x1D980] =	vst v63  }
0x5d: {  	_ =	swait.ge [sflag:s31], $0x2800  }
0x5e: {  	[sflag:s31] =	ssyncset.done $0x0  }
0x5f: {  	[sflag:s31] =	ssyncadd.s32 $0xFFFFD800  }
0x60: {  	_ =	swait.ge [sflag:s7], $0x50  }
0x61: {  	[sflag:s7] =	ssyncset.done $0x0  }
0x62: {  	[sflag:s7] =	ssyncadd.s32 $0xFFFFFFB0  }
0x63: {  	[spmem:s3] =	stream.indirect.scatter.add.f32 [tilespmem:s1], [sflag:$0x7], $0x80, s30, s25, $0xb8;
	[tilespmem:$0x1D980] =	vst v63  }
0x64: {  	s17 =	simm.s32 $0x3C0;
	_ =	swait.ge [sflag:s23], $0x2800  }
0x65: {  	s9 =	sadd.s32 $0x1E, s21;
	s8 =	simm.s32 $0x190;
	[sflag:s23] =	ssyncset.done $0x0  }
0x66: {  	s18 =	sadd.s32 $0xF0, s22;
	s19 =	sadd.s32 $0x1E, s20;
	[sflag:s23] =	ssyncadd.s32 $0xFFFFD800  }
0x67: {  	[tilespmem:s30], [sflag:$0x6] =	stream.linear.gather [hbm4b:s20+s4], $0x50, $0x38;
	[tilespmem:$0x1D980] =	vst v63  }
.LBB2_6:
0x68: {  	[tilespmem:s1], [sflag:$0x3] =	stream.indirect.gather [hbm4b:s5+s25], $0x80, s8, s25, $0xb8;
	[tilespmem:$0x1D980] =	vst v63  }
0x69: {  	s8 =	smov.u32 s17  }
0x6a: {  	p3 =	sne.s32 s17, $0x9240;
	s17 =	sadd.s32 $0x3C0, s17;
	_ =	swait.ge [sflag:s0], $0x2800  }
0x6b: {  	[sflag:s0] =	ssyncset.done $0x0  }
0x6c: {  	[sflag:s0] =	ssyncadd.s32 $0xFFFFD800  }
0x6d: {  	_ =	swait.ge [sflag:s13], $0x50  }
0x6e: {  	[sflag:s13] =	ssyncset.done $0x0  }
0x6f: {  	[sflag:s13] =	ssyncadd.s32 $0xFFFFFFB0  }
0x70: {  	[spmem:s3] =	stream.indirect.scatter.add.f32 [tilespmem:s26], [sflag:$0x7], $0x80, s24, s25, $0xb8;
	[tilespmem:$0x1D980] =	vst v63  }
0x71: {  	_ =	swait.ge [sflag:s23], $0x2800  }
0x72: {  	s14 =	sshrl.u32 s18, $0x3;
	[sflag:s23] =	ssyncset.done $0x0  }
0x73: {  	s14 =	sadd.s32 s6, s14;
	s8 =	sshra.s32 s8, $0x2;
	[sflag:s23] =	ssyncadd.s32 $0xFFFFD800  }
0x74: {  	[tilespmem:s24], [sflag:$0x4] =	stream.linear.gather [hbm4b:s14+s4], $0x50, $0x38;
	[tilespmem:$0x1D980] =	vst v63  }
0x75: {  	s14 =	sadd.s32 $0xF0, s8  }
0x76: {  	[tilespmem:s26], [sflag:$0x1] =	stream.indirect.gather [hbm4b:s5+s25], $0x80, s14, s25, $0xb8;
	[tilespmem:$0x1D980] =	vst v63  }
0x77: {  	_ =	swait.ge [sflag:s15], $0x2800  }
0x78: {  	[sflag:s15] =	ssyncset.done $0x0  }
0x79: {  	[sflag:s15] =	ssyncadd.s32 $0xFFFFD800  }
0x7a: {  	_ =	swait.ge [sflag:s2], $0x50  }
0x7b: {  	[sflag:s2] =	ssyncset.done $0x0  }
0x7c: {  	[sflag:s2] =	ssyncadd.s32 $0xFFFFFFB0  }
0x7d: {  	[spmem:s3] =	stream.indirect.scatter.add.f32 [tilespmem:s29], [sflag:$0x7], $0x80, s28, s25, $0xb8;
	[tilespmem:$0x1D980] =	vst v63  }
0x7e: {  	_ =	swait.ge [sflag:s23], $0x2800  }
0x7f: {  	[sflag:s23] =	ssyncset.done $0x0  }
0x80: {  	[sflag:s23] =	ssyncadd.s32 $0xFFFFD800  }
0x81: {  	[tilespmem:s28], [sflag:$0x5] =	stream.linear.gather [hbm4b:s9+s4], $0x50, $0x38;
	[tilespmem:$0x1D980] =	vst v63  }
0x82: {  	s14 =	sadd.s32 $0x140, s8  }
0x83: {  	[tilespmem:s29], [sflag:$0x2] =	stream.indirect.gather [hbm4b:s5+s25], $0x80, s14, s25, $0xb8;
	[tilespmem:$0x1D980] =	vst v63  }
0x84: {  	_ =	swait.ge [sflag:s31], $0x2800  }
0x85: {  	[sflag:s31] =	ssyncset.done $0x0  }
0x86: {  	[sflag:s31] =	ssyncadd.s32 $0xFFFFD800  }
0x87: {  	_ =	swait.ge [sflag:s7], $0x50  }
0x88: {  	[sflag:s7] =	ssyncset.done $0x0  }
0x89: {  	[sflag:s7] =	ssyncadd.s32 $0xFFFFFFB0  }
0x8a: {  	[spmem:s3] =	stream.indirect.scatter.add.f32 [tilespmem:s1], [sflag:$0x7], $0x80, s30, s25, $0xb8;
	[tilespmem:$0x1D980] =	vst v63  }
.Ltmp4:
0x8b: {  	_ =	swait.ge [sflag:s23], $0x2800;
	(pc) =	sbr.rel @p3 .LBB2_6-.Ltmp4, $4  }
0x8c: {  	[sflag:s23] =	ssyncset.done $0x0  }
0x8d: {  	s18 =	sadd.s32 $0xF0, s18;
	[sflag:s23] =	ssyncadd.s32 $0xFFFFD800  }
0x8e: {  	[tilespmem:s30], [sflag:$0x6] =	stream.linear.gather [hbm4b:s19+s4], $0x50, $0x38;
	[tilespmem:$0x1D980] =	vst v63  }
0x8f: {  	s8 =	sadd.s32 $0x190, s8;
	s9 =	sadd.s32 $0x1E, s9;
	s19 =	sadd.s32 $0x1E, s19  }
0x90: {  	[tilespmem:s1], [sflag:$0x3] =	stream.indirect.gather [hbm4b:s5+s25], $0x80, s8, s25, $0xb8;
	[tilespmem:$0x1D980] =	vst v63  }
0x91: {  	_ =	swait.ge [sflag:s0], $0x2800  }
0x92: {  	[sflag:s0] =	ssyncset.done $0x0  }
0x93: {  	[sflag:s0] =	ssyncadd.s32 $0xFFFFD800  }
0x94: {  	_ =	swait.ge [sflag:s13], $0x50  }
0x95: {  	[sflag:s13] =	ssyncset.done $0x0  }
0x96: {  	[sflag:s13] =	ssyncadd.s32 $0xFFFFFFB0  }
0x97: {  	[spmem:s3] =	stream.indirect.scatter.add.f32 [tilespmem:s26], [sflag:$0x7], $0x80, s24, s25, $0xb8;
	[tilespmem:$0x1D980] =	vst v63  }
0x98: {  	_ =	swait.ge [sflag:s23], $0x2800  }
0x99: {  	[sflag:s23] =	ssyncset.done $0x0  }
0x9a: {  	s19 =	rddreg [dreg:$0xe];
	[sflag:s23] =	ssyncadd.s32 $0xFFFFD800  }
0x9b: {  	[tilespmem:s24], [sflag:$0x4] =	stream.linear.gather [hbm4b:s19+s4], $0x50, $0x38;
	[tilespmem:$0x1D980] =	vst v63  }
0x9c: {  	s9 =	simm.s32 $0x2670  }
0x9d: {  	[tilespmem:s26], [sflag:$0x1] =	stream.indirect.gather [hbm4b:s5+s25], $0x80, s9, s25, $0xb8;
	[tilespmem:$0x1D980] =	vst v63  }
0x9e: {  	_ =	swait.ge [sflag:s15], $0x2800  }
0x9f: {  	[sflag:s15] =	ssyncset.done $0x0  }
0xa0: {  	[sflag:s15] =	ssyncadd.s32 $0xFFFFD800  }
0xa1: {  	_ =	swait.ge [sflag:s2], $0x50  }
0xa2: {  	[sflag:s2] =	ssyncset.done $0x0  }
0xa3: {  	[sflag:s2] =	ssyncadd.s32 $0xFFFFFFB0  }
0xa4: {  	[spmem:s3] =	stream.indirect.scatter.add.f32 [tilespmem:s29], [sflag:$0x7], $0x80, s28, s25, $0xb8;
	[tilespmem:$0x1D980] =	vst v63  }
0xa5: {  	_ =	swait.ge [sflag:s23], $0x2800  }
0xa6: {  	[sflag:s23] =	ssyncset.done $0x0  }
0xa7: {  	s14 =	rddreg [dreg:$0xf];
	[sflag:s23] =	ssyncadd.s32 $0xFFFFD800  }
0xa8: {  	[tilespmem:s28], [sflag:$0x5] =	stream.linear.gather [hbm4b:s14+s4], $0x50, $0x38;
	[tilespmem:$0x1D980] =	vst v63  }
0xa9: {  	s17 =	simm.s32 $0x26C0  }
0xaa: {  	[tilespmem:s29], [sflag:$0x2] =	stream.indirect.gather [hbm4b:s5+s25], $0x80, s17, s25, $0xb8;
	[tilespmem:$0x1D980] =	vst v63  }
0xab: {  	_ =	swait.ge [sflag:s31], $0x2800  }
0xac: {  	[sflag:s31] =	ssyncset.done $0x0  }
0xad: {  	[sflag:s31] =	ssyncadd.s32 $0xFFFFD800  }
0xae: {  	_ =	swait.ge [sflag:s7], $0x50  }
0xaf: {  	[sflag:s7] =	ssyncset.done $0x0  }
0xb0: {  	[sflag:s7] =	ssyncadd.s32 $0xFFFFFFB0  }
0xb1: {  	[spmem:s3] =	stream.indirect.scatter.add.f32 [tilespmem:s1], [sflag:$0x7], $0x80, s30, s25, $0xb8;
	[tilespmem:$0x1D980] =	vst v63  }
0xb2: {  	_ =	swait.ge [sflag:s23], $0x2800  }
0xb3: {  	[sflag:s23] =	ssyncset.done $0x0  }
0xb4: {  	[sflag:s23] =	ssyncadd.s32 $0xFFFFD800  }
0xb5: {  	_ =	swait.ge [sflag:s0], $0x2800  }
0xb6: {  	[sflag:s0] =	ssyncset.done $0x0  }
0xb7: {  	[sflag:s0] =	ssyncadd.s32 $0xFFFFD800  }
0xb8: {  	_ =	swait.ge [sflag:s13], $0x50  }
0xb9: {  	[sflag:s13] =	ssyncset.done $0x0  }
0xba: {  	[sflag:s13] =	ssyncadd.s32 $0xFFFFFFB0  }
0xbb: {  	[spmem:s3] =	stream.indirect.scatter.add.f32 [tilespmem:s26], [sflag:$0x7], $0x80, s24, s25, $0xb8;
	[tilespmem:$0x1D980] =	vst v63  }
0xbc: {  	_ =	swait.ge [sflag:s23], $0x2800  }
0xbd: {  	[sflag:s23] =	ssyncset.done $0x0  }
0xbe: {  	[sflag:s23] =	ssyncadd.s32 $0xFFFFD800  }
0xbf: {  	_ =	swait.ge [sflag:s15], $0x2800  }
0xc0: {  	[sflag:s15] =	ssyncset.done $0x0  }
0xc1: {  	[sflag:s15] =	ssyncadd.s32 $0xFFFFD800  }
0xc2: {  	_ =	swait.ge [sflag:s2], $0x50  }
0xc3: {  	[sflag:s2] =	ssyncset.done $0x0  }
0xc4: {  	[sflag:s2] =	ssyncadd.s32 $0xFFFFFFB0  }
0xc5: {  	[spmem:s3] =	stream.indirect.scatter.add.f32 [tilespmem:s29], [sflag:$0x7], $0x80, s28, s25, $0xb8;
	[tilespmem:$0x1D980] =	vst v63  }
0xc6: {  	_ =	swait.ge [sflag:s23], $0x2800  }
0xc7: {  	[sflag:s23] =	ssyncset.done $0x0  }
0xc8: {  	[sflag:s23] =	ssyncadd.s32 $0xFFFFD800  }
0xc9: {  	[bflag:$0x0] =	sbarrier.arrive $0xFFFF  }
0xca: {  	s18 =	rddreg [dreg:$0x6]  }
0xcb: {  	s9 =	sor.u32 $0x1C07, s11;
	s8 =	sadd.s32 s18, s16  }
0xcc: {  	[hbm:s8], [sflag:s9] =	dma.local [spmem:s12], $0x2700  }
0xcd: {  	_ =	swait.ge [sflag:s23], $0x2700  }
0xce: {  	[sflag:s23] =	ssyncset.done $0x0;
	s11 =	rddreg [dreg:$0xb]  }
0xcf: {  	s8 =	sadd.s32 @!p0 $0x27000, s16;
	[sflag:s23] =	ssyncadd.s32 $0xFFFFD900;
	s11 =	sshrl.u32 @!p0 s11, $0x3  }
0xd0: {  	[hbm:s8], [sflag:s9] =	dma.local @!p0 [spmem:s11], $0x100  }
0xd1: {  	s8 =	simm.s32 @!p0 $0x7  }
0xd2: {  	_ =	swait.ge @!p0 [sflag:s8], $0x100  }
0xd3: {  	s10 =	sadd.s32 $0x1, s10;
	s19 =	rddreg [dreg:$0xd]  }
0xd4: {  	p3 =	sne.s32 s10, s19  }
.Ltmp5:
0xd5: {  	_ = 	snop;
	(pc) =	sbr.rel @p3 .LBB2_1-.Ltmp5, $3  }
0xd6: {  	_ =	sdelay $0x1  }
0xd7: {  	[sflag:s8] =	ssyncset.done @!p0 $0x0  }
0xd8: {  	[sflag:s8] =	ssyncadd.s32 @!p0 $0xFFFFFF00  }
0xd9: {  	_ =	sfence.sel $0x180000  }
0xda: {  	[bflag:$0x0] =	sbarrier.arrive $0xFFFF  }
0xdb: {  	_ =	strace $0x9000004D  }
0xdc: {  	[bflag:$0x2] =	sbarrier.arrive $0xFFFF  }
0xdd: {  	s0 =	rddreg [dreg:$0x3]  }
0xde: {  	s0 =	sadd.s32 @!p0 $0x100000, s0  }
0xdf: {  	[sflag:s0] =	ssyncadd.tile.s32 @!p0 $0x1;
	_ =	shalt  }
.Lfunc_end2:
_tile_overlayer_lowered:
.L_overlay_start_2:
0xe0: {  	(tag) =	ssettag $0x2  }
0xe1: {  	s0 =	rddreg [dreg:$0x0];
	s2 =	stileid.u32  }
0xe2: {  	s1 =	rddreg [dreg:$0x1];
	p0 =	sne.s32 s2, $0x0  }
0xe3: {  	s3 =	rddreg [dreg:$0x2];
	[bflag:$0x3] =	sbarrier.arrive $0xFFFF;
	s2 =	simm.s32 @!p0 $0x1C07  }
0xe4: {  	[timem:s3], [sflag:s2] =	dma.local @!p0 [hbm:s0], s1  }
0xe5: {  	s0 =	simm.s32 @!p0 $0x7  }
0xe6: {  	_ =	swait.ge @!p0 [sflag:s0], s1  }
0xe7: {  	s1 =	ssub.s32 @!p0 $0x0, s1;
	[sflag:s0] =	ssyncset.done @!p0 $0x0  }
0xe8: {  	[sflag:s0] =	ssyncadd.s32 @!p0 s1  }
0xe9: {  	[bflag:$0x3] =	sbarrier.arrive $0xFFFF  }
0xea: {  	_ =	shalt  }

// kernel: kernel.22.cloned.1.call-start
scs
__scs_entry_jumppad:
0x0: {  	(pc) =	sbr.rel $0x88, $3  }
0x1: {  	(tag) =	ssettag $0x0;
	lr =	simm.s32 $0x1  }
0x2: {  	[smem:$0x3F91] =	sst lr;
	_ =	strace $0xD0000000  }
0x3: {  	_ = 	snop  }
0x4: {  	_ = 	snop  }
0x5: {  	_ = 	snop  }
0x6: {  	_ = 	snop  }
0x7: {  	_ = 	snop  }
__scs_overlays_trampoline_lowered:
0x8: {  	[smem:$0x3FA0] =	sst s0  }
0x9: {  	[smem:$0x3FA1] =	sst s1  }
0xa: {  	[smem:$0x3FA2] =	sst s2  }
0xb: {  	[smem:$0x3FA3] =	sst s3  }
0xc: {  	[smem:$0x3FA4] =	sst s4  }
0xd: {  	[smem:$0x3FA5] =	sst s5  }
0xe: {  	[smem:$0x3FA6] =	sst s6  }
0xf: {  	[smem:$0x3FA7] =	sst s7  }
0x10: {  	[smem:$0x3FA8] =	sst s8  }
0x11: {  	[smem:$0x3FA9] =	sst s9;
	s0 =	simm.s32 @!p0 $0x0  }
0x12: {  	s1 =	sld [smem:$0x3F8F];
	s0 =	simm.s32 @p0 $0x1  }
0x13: {  	[smem:$0x3FAA] =	sst s0;
	s0 =	simm.s32 @!p1 $0x0  }
0x14: {  	s2 =	sld [smem:$0x3F8E];
	s0 =	simm.s32 @p1 $0x1  }
0x15: {  	[smem:$0x3FAB] =	sst s0;
	s0 =	simm.s32 @!p2 $0x0  }
0x16: {  	s3 =	sld [smem:$0x3FDB];
	s0 =	simm.s32 @p2 $0x1  }
0x17: {  	s4 =	simm.s32 $0x1BF5;
	[smem:$0x3FAD] =	sst s0  }
0x18: {  	s0 =	sld [smem:$0x3F90];
	_ =	swait.ge [sflag:s4], $0x0  }
0x19: {  	s7 =	sld [smem:$0x3F91]  }
0x1a: {  	s8 =	sadd.s32 $0xFFFFE003, lr  }
0x1b: {  	s9 =	sadd.s32 $0xFFFFFEF7, lr;
	s5 =	simm.s32 $0xFFFFFFFF;
	p2 =	slt.u32 s8, $0xFFFFF086  }
0x1c: {  	p1 =	slt.u32 s9, $0xF7A;
	s5 =	simm.s32 @!p2 $0x0  }
0x1d: {  	s5 =	simm.s32 @p1 $0x1;
	p0 =	seq.s32 s7, s2  }
0x1e: {  	s7 =	smul.u32 @!p0 $0xF7A, s2;
	p2 =	seq.s32 @!p0 s5, $0x0  }
0x1f: {  	s9 =	smul.u32 $0xF7A, s1;
	s8 =	simm.s32 @!p0 $0x1BF5;
	p2 =	por !p2, p0  }
0x20: {  	[sflag:s8] =	ssyncset.s32 @!p0 $0xFFFFF086;
	s6 =	sadd.s32 @!p0 s3, s7;
	s7 =	simm.s32 @!p0 $0x108  }
0x21: {  	s3 =	sadd.s32 s3, s9;
	s6 =	sadd.s32 @!p0 $0x88, s6;
	s7 =	simm.s32 @p2 $0x1082  }
0x22: {  	[simem:s7], [sflag:s8] =	dma.local @!p0 [hbm:s6], $0xF7A  }
0x23: {  	s9 =	sor.u32 $0xD0000000, s2;
	s6 =	simm.s32 $0x108;
	_ =	swait.ge @!p0 [sflag:s8], $0x0  }
0x24: {  	s3 =	sadd.s32 $0x88, s3;
	s6 =	simm.s32 @!p1 $0x1082;
	[sflag:s4] =	ssyncset.s32 $0xFFFFF086  }
0x25: {  	[simem:s6], [sflag:s4] =	dma.local [hbm:s3], $0xF7A  }
0x26: {  	[smem:$0x3F91] =	sst s1;
	(tag) =	ssettag s2;
	_ =	strace s9  }
0x27: {  	s1 =	sld [smem:$0x3FA1]  }
0x28: {  	s2 =	sld [smem:$0x3FA2]  }
0x29: {  	s4 =	sld [smem:$0x3FA4]  }
0x2a: {  	p0 =	seq.s32 s5, $0x0;
	s5 =	sld [smem:$0x3FA5]  }
0x2b: {  	s6 =	sld [smem:$0x3FA6]  }
0x2c: {  	s7 =	sld [smem:$0x3FA7]  }
0x2d: {  	s3 =	simm.s32 $0x108;
	s8 =	sld [smem:$0x3FA8]  }
0x2e: {  	s3 =	simm.s32 @!p0 $0x1082;
	s9 =	sld [smem:$0x3FA9]  }
0x2f: {  	lr =	sadd.s32 s0, s3;
	s0 =	sld [smem:$0x3FA0]  }
0x30: {  	s3 =	sld [smem:$0x3FA3]  }
0x31: {  	[smem:$0x3FAC] =	sst s10  }
0x32: {  	s10 =	sld [smem:$0x3FAA];
	_ =	sdelay $0x3  }
0x33: {  	p0 =	seq.s32 s10, $0x1;
	s10 =	sld [smem:$0x3FAC];
	_ =	sdelay $0x3  }
0x34: {  	[smem:$0x3FAC] =	sst s10  }
0x35: {  	s10 =	sld [smem:$0x3FAB];
	_ =	sdelay $0x3  }
0x36: {  	p1 =	seq.s32 s10, $0x1;
	s10 =	sld [smem:$0x3FAC];
	_ =	sdelay $0x3  }
0x37: {  	[smem:$0x3FAC] =	sst s10  }
0x38: {  	s10 =	sld [smem:$0x3FAD]  }
0x39: {  	_ = 	snop;
	(pc) =	sbr.ind lr, $3  }
0x3a: {  	_ = 	snop  }
0x3b: {  	_ = 	snop  }
0x3c: {  	p2 =	seq.s32 s10, $0x1;
	s10 =	sld [smem:$0x3FAC]  }
0x3d: {  	_ =	shalt  }
0x3e: {  	_ =	shalt  }
0x3f: {  	_ =	shalt  }
0x40: {  	_ =	shalt  }
0x41: {  	_ =	shalt  }
0x42: {  	_ =	shalt  }
0x43: {  	_ =	shalt  }
0x44: {  	_ =	shalt  }
0x45: {  	_ =	shalt  }
0x46: {  	_ =	shalt  }
0x47: {  	_ =	shalt  }
0x48: {  	_ =	shalt  }
0x49: {  	_ =	shalt  }
0x4a: {  	_ =	shalt  }
0x4b: {  	_ =	shalt  }
0x4c: {  	_ =	shalt  }
0x4d: {  	_ =	shalt  }
0x4e: {  	_ =	shalt  }
0x4f: {  	_ =	shalt  }
0x50: {  	_ =	shalt  }
0x51: {  	_ =	shalt  }
0x52: {  	_ =	shalt  }
0x53: {  	_ =	shalt  }
0x54: {  	_ =	shalt  }
0x55: {  	_ =	shalt  }
0x56: {  	_ =	shalt  }
0x57: {  	_ =	shalt  }
0x58: {  	_ =	shalt  }
0x59: {  	_ =	shalt  }
0x5a: {  	_ =	shalt  }
0x5b: {  	_ =	shalt  }
0x5c: {  	_ =	shalt  }
0x5d: {  	_ =	shalt  }
0x5e: {  	_ =	shalt  }
0x5f: {  	_ =	shalt  }
0x60: {  	_ =	shalt  }
0x61: {  	_ =	shalt  }
0x62: {  	_ =	shalt  }
0x63: {  	_ =	shalt  }
0x64: {  	_ =	shalt  }
0x65: {  	_ =	shalt  }
0x66: {  	_ =	shalt  }
0x67: {  	_ =	shalt  }
0x68: {  	_ =	shalt  }
0x69: {  	_ =	shalt  }
0x6a: {  	_ =	shalt  }
0x6b: {  	_ =	shalt  }
0x6c: {  	_ =	shalt  }
0x6d: {  	_ =	shalt  }
0x6e: {  	_ =	shalt  }
0x6f: {  	_ =	shalt  }
0x70: {  	_ =	shalt  }
0x71: {  	_ =	shalt  }
0x72: {  	_ =	shalt  }
0x73: {  	_ =	shalt  }
0x74: {  	_ =	shalt  }
0x75: {  	_ =	shalt  }
0x76: {  	_ =	shalt  }
0x77: {  	_ =	shalt  }
0x78: {  	_ =	shalt  }
0x79: {  	_ =	shalt  }
0x7a: {  	_ =	shalt  }
0x7b: {  	_ =	shalt  }
0x7c: {  	_ =	shalt  }
0x7d: {  	_ =	shalt  }
0x7e: {  	_ =	shalt  }
0x7f: {  	_ =	shalt  }
0x80: {  	_ =	shalt  }
0x81: {  	_ =	shalt  }
0x82: {  	_ =	shalt  }
0x83: {  	_ =	shalt  }
0x84: {  	_ =	shalt  }
0x85: {  	_ =	shalt  }
0x86: {  	_ =	shalt  }
0x87: {  	_ =	shalt  }
.Lfunc_end0:
.L_simem_size_0:
called_computation.3_lowered:
.L_overlay_start_0:
0x88: {  	s2 =	sld [smem:$0x3FD9]  }
0x89: {  	s3 =	sld [smem:$0x3FFE];
	_ =	sdelay $0x1  }
0x8a: {  	s1 =	srdreg.scid  }
0x8b: {  	s0 =	sand.u32 $0x1, s1  }
0x8c: {  	s17 =	sshll.u32 s0, $0xA;
	s2 =	sadd.s32 s3, s2  }
0x8d: {  	s2 =	sadd.s32 s2, s17  }
0x8e: {  	[smem:$0x3FB8] =	sst s2  }
0x8f: {  	_ = 	snop  }
0x90: {  	s2 =	sld [smem:$0x3FD0];
	(tm) =	ssettm $0x1  }
0x91: {  	s18 =	sld [smem:$0x3FFB];
	_ =	sdelay $0x3  }
0x92: {  	_ =	strace s18  }
0x93: {  	s3 =	sld [smem:$0x3FFC];
	_ =	sdelay $0x3  }
0x94: {  	_ =	strace s3  }
0x95: {  	s3 =	sld [smem:$0x3FFD];
	_ =	sdelay $0x3  }
0x96: {  	_ =	strace s3  }
0x97: {  	_ =	strace $0x8FFFFFFF  }
0x98: {  	s19 =	sld [smem:$0x3FDB];
	_ =	sdelay $0x1  }
0x99: {  	s4 =	simm.s32 $_scs_section_size  }
0x9a: {  	s5 =	simm.s32 $_size__tile_overlayer_lowered;
	s6 =	simm.s32 $_tile_overlayer_lowered  }
0x9b: {  	s22 =	simm.s32 $0x1BFF;
	s21 =	sshll.u32 s6, $0x1;
	s3 =	sadd.s32 s4, s19  }
0x9c: {  	s7 =	simm.s32 $0x0;
	s20 =	sshll.u32 s5, $0x1;
	s5 =	sadd.s32 s21, s3  }
0x9d: {  	[timem:s7], [sflag:s22] =	dma.local [hbm:s5], s20  }
0x9e: {  	_ =	swait.ge [sflag:s22], s20  }
0x9f: {  	s4 =	ssub.s32 $0x0, s20;
	[sflag:s22] =	ssyncset.done $0x0  }
0xa0: {  	[sflag:s22] =	ssyncadd.s32 s4;
	_ =	sdelay $0x1  }
0xa1: {  	s23 =	simm.s32 $0x1B8B  }
0xa2: {  	_ =	swait.ge [sflag:s23], $0x1  }
0xa3: {  	[sflag:s23] =	ssyncset.done $0x0  }
0xa4: {  	s25 =	simm.s32 $0x1B8E;
	s24 =	sld [smem:$0x3FFE];
	[sflag:s23] =	ssyncadd.s32 $0xFFFFFFFF  }
0xa5: {  	s26 =	simm.s32 $execute0_lowered;
	[smem:$0x3FD2] =	sst s25  }
0xa6: {  	s5 =	sshll.u32 s26, $0x1;
	_ =	strace $0x8000004F;
	[dreg:$0x1] =	wrdreg $0xFFFFFFFF  }
0xa7: {  	s28 =	simm.s32 $_size_execute0_lowered;
	s3 =	sadd.s32 s3, s5;
	[dreg:$0x0] =	wrdreg $0x0  }
0xa8: {  	s5 =	sshll.u32 s28, $0x1;
	[dreg:$0x2] =	wrdreg s3  }
0xa9: {  	[dreg:$0x3] =	wrdreg s5  }
0xaa: {  	[dreg:$0x4] =	wrdreg $0xC0  }
0xab: {  	_ =	task [dreg:s7], $0x5FFFF  }
0xac: {  	[dreg:$0x1] =	wrdreg $0xFFFFFFFF  }
0xad: {  	[dreg:$0x0] =	wrdreg $0x60  }
0xae: {  	[dreg:$0x2] =	wrdreg s24  }
0xaf: {  	[dreg:$0x3] =	wrdreg s2  }
0xb0: {  	[dreg:$0x4] =	wrdreg $0xA1000  }
0xb1: {  	[dreg:$0x5] =	wrdreg $0x9  }
0xb2: {  	_ =	task.clear_ibuf [dreg:s7], $0x6FFFF;
	_ =	strace $0x9000004F  }
0xb3: {  	s29 =	simm.s32 $0x9;
	_ =	strace $0x80000051  }
0xb4: {  	_ =	swait.ge [sflag:s29], $0x1  }
0xb5: {  	[sflag:s29] =	ssyncadd.s32 $0xFFFFFFFF  }
0xb6: {  	_ =	strace $0x90000051  }
0xb7: {  	_ =	sfence  }
0xb8: {  	s30 =	sld [smem:$0x0];
	_ =	sdelay $0x2  }
0xb9: {  	s31 =	sshll.u32 s1, $0xD;
	s1 =	sshrl.u32 s1, $0x2  }
0xba: {  	s3 =	sand.u32 $0x4000, s31;
	s1 =	sadd.s32 s1, s30  }
0xbb: {  	s0 =	sor.u32 s3, s0;
	s1 =	sshll.u32 s1, $0x11  }
0xbc: {  	s0 =	sor.u32 s1, s0  }
0xbd: {  	s0 =	sadd.s32 $0x8F2B, s0  }
0xbe: {  	[sflag:s0] =	ssyncadd.remote.s32 $0x1  }
0xbf: {  	_ =	sfence.sel $0xFFFF  }
0xc0: {  	[dreg:$0x0] =	wrdreg $0xFFFFFFFF;
	(pc) =	sbr.abs _section_cstart, $3  }
0xc1: {  	[dreg:$0x1] =	wrdreg $0xFFFFFFFF  }
0xc2: {  	_ =	task.clear_ibuf [dreg:s7], $0x2FFFF;
	_ =	strace $0x9FFFFFFF  }
0xc3: {  	(tm) =	ssettm $0x7FFFFFFF  }
tec
execute0_lowered:
.L_overlay_start_1:
0x0: {  	(tag) =	ssettag $0x1  }
0x1: {  	s0 =	rddreg [dreg:$0x0]  }
0x2: {  	s11 =	rddreg [dreg:$0x1]  }
0x3: {  	s1 =	srdreg.scid;
	s12 =	stileid.u32  }
0x4: {  	s3 =	rddreg [dreg:$0x2];
	s4 =	simm.s32 $0x0;
	s28 =	simm.s32 $0x2800  }
0x5: {  	s29 =	simm.s32 $0x5100;
	s30 =	simm.s32 $0x2880;
	s31 =	simm.s32 $0x3  }
0x6: {  	s1 =	sand.u32 $0x1, s1;
	s2 =	sshll.u32 s12, $0x1;
	s14 =	smul.u32 $0x4E000, s12  }
0x7: {  	[smem:$0x7FF] =	sst s4;
	s5 =	sadd.s32 $0x17E00, s0;
	s16 =	smul.u32 $0x2700, s12  }
0x8: {  	s6 =	sadd.s32 $0xE000, s0;
	s18 =	smul.u32 $0x4E20, s12;
	s20 =	sadd.s32 $0x138000, s3  }
0x9: {  	p2 =	seq.s32 s12, $0x0;
	p0 =	sne.s32 s12, $0x0;
	s2 =	sor.u32 s1, s2  }
0xa: {  	_ =	strace $0x80000050;
	s7 =	smul.u32 $0x27100, s1;
	s8 =	ssub.s32 $0x2, s1  }
0xb: {  	s19 =	smul.u32 $0x2710, s1;
	[dreg:$0xb] =	wrdreg s20;
	p1 =	sne.s32 s1, $0x0  }
0xc: {  	s1 =	simm.s32 $0x7900;
	s2 =	smul.u32 $0x2710, s2;
	s10 =	sshrl.u32 s8, $0x1  }
0xd: {  	s17 =	sshrl.u32 s14, $0x2;
	s11 =	sadd.s32 s11, s16;
	[dreg:$0x6] =	wrdreg s16  }
0xe: {  	s26 =	ssub.s32 s8, s10;
	[dreg:$0xa] =	wrdreg s11;
	s10 =	sadd.s32 s5, s16  }
0xf: {  	s22 =	sadd.s32 s19, s18;
	s2 =	sshrl.u32 s2, $0x3;
	[dreg:$0xc] =	wrdreg s10  }
0x10: {  	s21 =	smax.u32 s26, $0x1;
	s24 =	sadd.s32 $0x190, s22;
	s25 =	sadd.s32 $0x140, s22  }
0x11: {  	s22 =	sadd.s32 $0xF0, s22;
	s10 =	simm.s32 $0x0;
	s9 =	sadd.s32 s2, s0  }
0x12: {  	s0 =	sadd.s32 s7, s0;
	s15 =	sadd.s32 s6, s2;
	[dreg:$0xd] =	wrdreg s21  }
0x13: {  	s7 =	sshrl.u32 s25, $0x3;
	s25 =	simm.s32 $0x50;
	s9 =	sadd.s32 $0x4200, s9  }
0x14: {  	s2 =	sadd.s32 $0xA, s15;
	s13 =	sadd.s32 $0x14, s15;
	[dreg:$0x5] =	wrdreg s15  }
0x15: {  	s16 =	sadd.s32 $0x3F000, s0;
	s23 =	sadd.s32 $0x4CE, s15;
	[dreg:$0x4] =	wrdreg s9  }
0x16: {  	s26 =	sadd.s32 $0x4D8, s15;
	s21 =	sadd.s32 s7, s6;
	[dreg:$0x7] =	wrdreg s2  }
0x17: {  	s0 =	simm.s32 $0x1;
	s15 =	simm.s32 $0x2;
	[dreg:$0x8] =	wrdreg s13  }
0x18: {  	s7 =	simm.s32 $0x6;
	s2 =	sadd.s32 s17, s3;
	[dreg:$0xe] =	wrdreg s23  }
0x19: {  	[dreg:$0xf] =	wrdreg s26;
	s23 =	simm.s32 $0x7;
	s26 =	simm.s32 $0x2900  }
0x1a: {  	s13 =	simm.s32 $0x4;
	[dreg:$0x9] =	wrdreg s2;
	s2 =	sshrl.u32 s24, $0x3  }
0x1b: {  	s24 =	simm.s32 $0x2780;
	s20 =	sadd.s32 s2, s6;
	s2 =	simm.s32 $0x5  }
.LBB2_1:
0x1c: {  	s8 =	rddreg [dreg:$0x4]  }
0x1d: {  	[tilespmem:s4], [sflag:$0x7] =	stream.linear.gather [hbm4b:s8+s4], $0x2710, $0x38;
	[tilespmem:$0x1D980] =	vst v63  }
0x1e: {  	_ =	swait.ge [sflag:s23], $0x2710  }
0x1f: {  	[sflag:s23] =	ssyncset.done $0x0  }
0x20: {  	s11 =	rddreg [dreg:$0x5];
	[sflag:s23] =	ssyncadd.s32 $0xFFFFD8F0  }
0x21: {  	[tilespmem:s24], [sflag:$0x4] =	stream.linear.gather [hbm4b:s11+s4], $0x50, $0x38;
	[tilespmem:$0x1D980] =	vst v63  }
0x22: {  	_ = 	snop  }
0x23: {  	[tilespmem:s26], [sflag:$0x1] =	stream.indirect.gather [hbm4b:s5+s25], $0x80, s4, s25, $0xb8;
	[tilespmem:$0x1D980] =	vst v63  }
0x24: {  	s12 =	rddreg [dreg:$0x7]  }
0x25: {  	[tilespmem:s28], [sflag:$0x5] =	stream.linear.gather [hbm4b:s12+s4], $0x50, $0x38;
	[tilespmem:$0x1D980] =	vst v63  }
0x26: {  	s18 =	stileid.u32  }
0x27: {  	[tilespmem:s29], [sflag:$0x2] =	stream.indirect.gather [hbm4b:s5+s25], $0x80, s25, s25, $0xb8;
	[tilespmem:$0x1D980] =	vst v63  }
.Ltmp0:
0x28: {  	s14 =	rddreg [dreg:$0x8];
	(pc) =	sbr.rel @p1 .LBB2_3-.Ltmp0, $4  }
0x29: {  	s19 =	rddreg [dreg:$0x9];
	s11 =	sshll.u32 s18, $0x6  }
0x2a: {  	[tilespmem:s30], [sflag:$0x6] =	stream.linear.gather [hbm4b:s14+s4], $0x50, $0x38;
	[tilespmem:$0x1D980] =	vst v63  }
0x2b: {  	s17 =	simm.s32 $0xA0;
	s9 =	sor.u32 $0x1C07, s11;
	s12 =	sshrl.u32 s19, $0x3  }
0x2c: {  	[tilespmem:s1], [sflag:$0x3] =	stream.indirect.gather [hbm4b:s5+s25], $0x80, s17, s25, $0xb8;
	[tilespmem:$0x1D980] =	vst v63  }
0x2d: {  	s9 =	sor.u32 $0x1C07, s11;
	s8 =	rddreg [dreg:$0xc]  }
0x2e: {  	[spmem:s12], [sflag:s9] =	dma.local [hbm:s8], $0x2700  }
.Ltmp1:
0x2f: {  	_ = 	snop;
	(pc) =	sbr.rel @!p2 .LBB2_5-.Ltmp1, $4  }
.Ltmp2:
0x30: {  	_ = 	snop;
	(pc) =	sbr.rel @p2 .LBB2_4-.Ltmp2, $4  }
0x31: {  	_ =	swait.ge [sflag:s23], $0x2700  }
0x32: {  	[sflag:s23] =	ssyncset.done $0x0  }
0x33: {  	s8 =	smov.u32 s5;
	[sflag:s23] =	ssyncadd.s32 $0xFFFFD900  }
0x34: {  	_ = 	snop  }
.LBB2_3:
0x35: {  	s8 =	rddreg [dreg:$0xa]  }
0x36: {  	[spmem:s12], [sflag:s9] =	dma.local [hbm:s8], $0x2700  }
.Ltmp3:
0x37: {  	_ = 	snop;
	(pc) =	sbr.rel @p0 .LBB2_5-.Ltmp3, $4  }
0x38: {  	_ =	swait.ge [sflag:s23], $0x2700  }
0x39: {  	[sflag:s23] =	ssyncset.done $0x0  }
0x3a: {  	[sflag:s23] =	ssyncadd.s32 $0xFFFFD900  }
0x3b: {  	s8 =	rddreg [dreg:$0x1]  }
.LBB2_4:
0x3c: {  	s14 =	rddreg [dreg:$0xb]  }
0x3d: {  	s8 =	sadd.s32 $0x27000, s8;
	s17 =	sshrl.u32 s14, $0x3  }
0x3e: {  	[spmem:s17], [sflag:s9] =	dma.local [hbm:s8], $0x100  }
0x3f: {  	_ =	swait.ge [sflag:s23], $0x100  }
0x40: {  	[sflag:s23] =	ssyncset.done $0x0  }
0x41: {  	[sflag:s23] =	ssyncadd.s32 $0xFFFFFF00  }
.LBB2_5:
0x42: {  	[bflag:$0x0] =	sbarrier.arrive $0xFFFF  }
0x43: {  	_ =	swait.ge [sflag:s0], $0x2800  }
0x44: {  	[sflag:s0] =	ssyncset.done $0x0  }
0x45: {  	[sflag:s0] =	ssyncadd.s32 $0xFFFFD800  }
0x46: {  	_ =	swait.ge [sflag:s13], $0x50  }
0x47: {  	[sflag:s13] =	ssyncset.done $0x0  }
0x48: {  	[sflag:s13] =	ssyncadd.s32 $0xFFFFFFB0  }
0x49: {  	[spmem:s3] =	stream.indirect.scatter.add.f32 [tilespmem:s26], [sflag:$0x7], $0x80, s24, s25, $0xb8;
	[tilespmem:$0x1D980] =	vst v63  }
0x4a: {  	_ =	swait.ge [sflag:s23], $0x2800  }
0x4b: {  	s8 =	sshrl.u32 s22, $0x3;
	[sflag:s23] =	ssyncset.done $0x0  }
0x4c: {  	s8 =	sadd.s32 s6, s8;
	[sflag:s23] =	ssyncadd.s32 $0xFFFFD800  }
0x4d: {  	[tilespmem:s24], [sflag:$0x4] =	stream.linear.gather [hbm4b:s8+s4], $0x50, $0x38;
	[tilespmem:$0x1D980] =	vst v63  }
0x4e: {  	s18 =	simm.s32 $0xF0  }
0x4f: {  	[tilespmem:s26], [sflag:$0x1] =	stream.indirect.gather [hbm4b:s5+s25], $0x80, s18, s25, $0xb8;
	[tilespmem:$0x1D980] =	vst v63  }
0x50: {  	_ =	swait.ge [sflag:s15], $0x2800  }
0x51: {  	[sflag:s15] =	ssyncset.done $0x0  }
0x52: {  	[sflag:s15] =	ssyncadd.s32 $0xFFFFD800  }
0x53: {  	_ =	swait.ge [sflag:s2], $0x50  }
0x54: {  	[sflag:s2] =	ssyncset.done $0x0  }
0x55: {  	[sflag:s2] =	ssyncadd.s32 $0xFFFFFFB0  }
0x56: {  	[spmem:s3] =	stream.indirect.scatter.add.f32 [tilespmem:s29], [sflag:$0x7], $0x80, s28, s25, $0xb8;
	[tilespmem:$0x1D980] =	vst v63  }
0x57: {  	_ =	swait.ge [sflag:s23], $0x2800  }
0x58: {  	[sflag:s23] =	ssyncset.done $0x0  }
0x59: {  	[sflag:s23] =	ssyncadd.s32 $0xFFFFD800  }
0x5a: {  	[tilespmem:s28], [sflag:$0x5] =	stream.linear.gather [hbm4b:s21+s4], $0x50, $0x38;
	[tilespmem:$0x1D980] =	vst v63  }
0x5b: {  	s19 =	simm.s32 $0x140  }
0x5c: {  	[tilespmem:s29], [sflag:$0x2] =	stream.indirect.gather [hbm4b:s5+s25], $0x80, s19, s25, $0xb8;
	[tilespmem:$0x1D980] =	vst v63  }
0x5d: {  	_ =	swait.ge [sflag:s31], $0x2800  }
0x5e: {  	[sflag:s31] =	ssyncset.done $0x0  }
0x5f: {  	[sflag:s31] =	ssyncadd.s32 $0xFFFFD800  }
0x60: {  	_ =	swait.ge [sflag:s7], $0x50  }
0x61: {  	[sflag:s7] =	ssyncset.done $0x0  }
0x62: {  	[sflag:s7] =	ssyncadd.s32 $0xFFFFFFB0  }
0x63: {  	[spmem:s3] =	stream.indirect.scatter.add.f32 [tilespmem:s1], [sflag:$0x7], $0x80, s30, s25, $0xb8;
	[tilespmem:$0x1D980] =	vst v63  }
0x64: {  	s17 =	simm.s32 $0x3C0;
	_ =	swait.ge [sflag:s23], $0x2800  }
0x65: {  	s9 =	sadd.s32 $0x1E, s21;
	s8 =	simm.s32 $0x190;
	[sflag:s23] =	ssyncset.done $0x0  }
0x66: {  	s18 =	sadd.s32 $0xF0, s22;
	s19 =	sadd.s32 $0x1E, s20;
	[sflag:s23] =	ssyncadd.s32 $0xFFFFD800  }
0x67: {  	[tilespmem:s30], [sflag:$0x6] =	stream.linear.gather [hbm4b:s20+s4], $0x50, $0x38;
	[tilespmem:$0x1D980] =	vst v63  }
.LBB2_6:
0x68: {  	[tilespmem:s1], [sflag:$0x3] =	stream.indirect.gather [hbm4b:s5+s25], $0x80, s8, s25, $0xb8;
	[tilespmem:$0x1D980] =	vst v63  }
0x69: {  	s8 =	smov.u32 s17  }
0x6a: {  	p3 =	sne.s32 s17, $0x9240;
	s17 =	sadd.s32 $0x3C0, s17;
	_ =	swait.ge [sflag:s0], $0x2800  }
0x6b: {  	[sflag:s0] =	ssyncset.done $0x0  }
0x6c: {  	[sflag:s0] =	ssyncadd.s32 $0xFFFFD800  }
0x6d: {  	_ =	swait.ge [sflag:s13], $0x50  }
0x6e: {  	[sflag:s13] =	ssyncset.done $0x0  }
0x6f: {  	[sflag:s13] =	ssyncadd.s32 $0xFFFFFFB0  }
0x70: {  	[spmem:s3] =	stream.indirect.scatter.add.f32 [tilespmem:s26], [sflag:$0x7], $0x80, s24, s25, $0xb8;
	[tilespmem:$0x1D980] =	vst v63  }
0x71: {  	_ =	swait.ge [sflag:s23], $0x2800  }
0x72: {  	s14 =	sshrl.u32 s18, $0x3;
	[sflag:s23] =	ssyncset.done $0x0  }
0x73: {  	s14 =	sadd.s32 s6, s14;
	s8 =	sshra.s32 s8, $0x2;
	[sflag:s23] =	ssyncadd.s32 $0xFFFFD800  }
0x74: {  	[tilespmem:s24], [sflag:$0x4] =	stream.linear.gather [hbm4b:s14+s4], $0x50, $0x38;
	[tilespmem:$0x1D980] =	vst v63  }
0x75: {  	s14 =	sadd.s32 $0xF0, s8  }
0x76: {  	[tilespmem:s26], [sflag:$0x1] =	stream.indirect.gather [hbm4b:s5+s25], $0x80, s14, s25, $0xb8;
	[tilespmem:$0x1D980] =	vst v63  }
0x77: {  	_ =	swait.ge [sflag:s15], $0x2800  }
0x78: {  	[sflag:s15] =	ssyncset.done $0x0  }
0x79: {  	[sflag:s15] =	ssyncadd.s32 $0xFFFFD800  }
0x7a: {  	_ =	swait.ge [sflag:s2], $0x50  }
0x7b: {  	[sflag:s2] =	ssyncset.done $0x0  }
0x7c: {  	[sflag:s2] =	ssyncadd.s32 $0xFFFFFFB0  }
0x7d: {  	[spmem:s3] =	stream.indirect.scatter.add.f32 [tilespmem:s29], [sflag:$0x7], $0x80, s28, s25, $0xb8;
	[tilespmem:$0x1D980] =	vst v63  }
0x7e: {  	_ =	swait.ge [sflag:s23], $0x2800  }
0x7f: {  	[sflag:s23] =	ssyncset.done $0x0  }
0x80: {  	[sflag:s23] =	ssyncadd.s32 $0xFFFFD800  }
0x81: {  	[tilespmem:s28], [sflag:$0x5] =	stream.linear.gather [hbm4b:s9+s4], $0x50, $0x38;
	[tilespmem:$0x1D980] =	vst v63  }
0x82: {  	s14 =	sadd.s32 $0x140, s8  }
0x83: {  	[tilespmem:s29], [sflag:$0x2] =	stream.indirect.gather [hbm4b:s5+s25], $0x80, s14, s25, $0xb8;
	[tilespmem:$0x1D980] =	vst v63  }
0x84: {  	_ =	swait.ge [sflag:s31], $0x2800  }
0x85: {  	[sflag:s31] =	ssyncset.done $0x0  }
0x86: {  	[sflag:s31] =	ssyncadd.s32 $0xFFFFD800  }
0x87: {  	_ =	swait.ge [sflag:s7], $0x50  }
0x88: {  	[sflag:s7] =	ssyncset.done $0x0  }
0x89: {  	[sflag:s7] =	ssyncadd.s32 $0xFFFFFFB0  }
0x8a: {  	[spmem:s3] =	stream.indirect.scatter.add.f32 [tilespmem:s1], [sflag:$0x7], $0x80, s30, s25, $0xb8;
	[tilespmem:$0x1D980] =	vst v63  }
.Ltmp4:
0x8b: {  	_ =	swait.ge [sflag:s23], $0x2800;
	(pc) =	sbr.rel @p3 .LBB2_6-.Ltmp4, $4  }
0x8c: {  	[sflag:s23] =	ssyncset.done $0x0  }
0x8d: {  	s18 =	sadd.s32 $0xF0, s18;
	[sflag:s23] =	ssyncadd.s32 $0xFFFFD800  }
0x8e: {  	[tilespmem:s30], [sflag:$0x6] =	stream.linear.gather [hbm4b:s19+s4], $0x50, $0x38;
	[tilespmem:$0x1D980] =	vst v63  }
0x8f: {  	s8 =	sadd.s32 $0x190, s8;
	s9 =	sadd.s32 $0x1E, s9;
	s19 =	sadd.s32 $0x1E, s19  }
0x90: {  	[tilespmem:s1], [sflag:$0x3] =	stream.indirect.gather [hbm4b:s5+s25], $0x80, s8, s25, $0xb8;
	[tilespmem:$0x1D980] =	vst v63  }
0x91: {  	_ =	swait.ge [sflag:s0], $0x2800  }
0x92: {  	[sflag:s0] =	ssyncset.done $0x0  }
0x93: {  	[sflag:s0] =	ssyncadd.s32 $0xFFFFD800  }
0x94: {  	_ =	swait.ge [sflag:s13], $0x50  }
0x95: {  	[sflag:s13] =	ssyncset.done $0x0  }
0x96: {  	[sflag:s13] =	ssyncadd.s32 $0xFFFFFFB0  }
0x97: {  	[spmem:s3] =	stream.indirect.scatter.add.f32 [tilespmem:s26], [sflag:$0x7], $0x80, s24, s25, $0xb8;
	[tilespmem:$0x1D980] =	vst v63  }
0x98: {  	_ =	swait.ge [sflag:s23], $0x2800  }
0x99: {  	[sflag:s23] =	ssyncset.done $0x0  }
0x9a: {  	s19 =	rddreg [dreg:$0xe];
	[sflag:s23] =	ssyncadd.s32 $0xFFFFD800  }
0x9b: {  	[tilespmem:s24], [sflag:$0x4] =	stream.linear.gather [hbm4b:s19+s4], $0x50, $0x38;
	[tilespmem:$0x1D980] =	vst v63  }
0x9c: {  	s9 =	simm.s32 $0x2670  }
0x9d: {  	[tilespmem:s26], [sflag:$0x1] =	stream.indirect.gather [hbm4b:s5+s25], $0x80, s9, s25, $0xb8;
	[tilespmem:$0x1D980] =	vst v63  }
0x9e: {  	_ =	swait.ge [sflag:s15], $0x2800  }
0x9f: {  	[sflag:s15] =	ssyncset.done $0x0  }
0xa0: {  	[sflag:s15] =	ssyncadd.s32 $0xFFFFD800  }
0xa1: {  	_ =	swait.ge [sflag:s2], $0x50  }
0xa2: {  	[sflag:s2] =	ssyncset.done $0x0  }
0xa3: {  	[sflag:s2] =	ssyncadd.s32 $0xFFFFFFB0  }
0xa4: {  	[spmem:s3] =	stream.indirect.scatter.add.f32 [tilespmem:s29], [sflag:$0x7], $0x80, s28, s25, $0xb8;
	[tilespmem:$0x1D980] =	vst v63  }
0xa5: {  	_ =	swait.ge [sflag:s23], $0x2800  }
0xa6: {  	[sflag:s23] =	ssyncset.done $0x0  }
0xa7: {  	s14 =	rddreg [dreg:$0xf];
	[sflag:s23] =	ssyncadd.s32 $0xFFFFD800  }
0xa8: {  	[tilespmem:s28], [sflag:$0x5] =	stream.linear.gather [hbm4b:s14+s4], $0x50, $0x38;
	[tilespmem:$0x1D980] =	vst v63  }
0xa9: {  	s17 =	simm.s32 $0x26C0  }
0xaa: {  	[tilespmem:s29], [sflag:$0x2] =	stream.indirect.gather [hbm4b:s5+s25], $0x80, s17, s25, $0xb8;
	[tilespmem:$0x1D980] =	vst v63  }
0xab: {  	_ =	swait.ge [sflag:s31], $0x2800  }
0xac: {  	[sflag:s31] =	ssyncset.done $0x0  }
0xad: {  	[sflag:s31] =	ssyncadd.s32 $0xFFFFD800  }
0xae: {  	_ =	swait.ge [sflag:s7], $0x50  }
0xaf: {  	[sflag:s7] =	ssyncset.done $0x0  }
0xb0: {  	[sflag:s7] =	ssyncadd.s32 $0xFFFFFFB0  }
0xb1: {  	[spmem:s3] =	stream.indirect.scatter.add.f32 [tilespmem:s1], [sflag:$0x7], $0x80, s30, s25, $0xb8;
	[tilespmem:$0x1D980] =	vst v63  }
0xb2: {  	_ =	swait.ge [sflag:s23], $0x2800  }
0xb3: {  	[sflag:s23] =	ssyncset.done $0x0  }
0xb4: {  	[sflag:s23] =	ssyncadd.s32 $0xFFFFD800  }
0xb5: {  	_ =	swait.ge [sflag:s0], $0x2800  }
0xb6: {  	[sflag:s0] =	ssyncset.done $0x0  }
0xb7: {  	[sflag:s0] =	ssyncadd.s32 $0xFFFFD800  }
0xb8: {  	_ =	swait.ge [sflag:s13], $0x50  }
0xb9: {  	[sflag:s13] =	ssyncset.done $0x0  }
0xba: {  	[sflag:s13] =	ssyncadd.s32 $0xFFFFFFB0  }
0xbb: {  	[spmem:s3] =	stream.indirect.scatter.add.f32 [tilespmem:s26], [sflag:$0x7], $0x80, s24, s25, $0xb8;
	[tilespmem:$0x1D980] =	vst v63  }
0xbc: {  	_ =	swait.ge [sflag:s23], $0x2800  }
0xbd: {  	[sflag:s23] =	ssyncset.done $0x0  }
0xbe: {  	[sflag:s23] =	ssyncadd.s32 $0xFFFFD800  }
0xbf: {  	_ =	swait.ge [sflag:s15], $0x2800  }
0xc0: {  	[sflag:s15] =	ssyncset.done $0x0  }
0xc1: {  	[sflag:s15] =	ssyncadd.s32 $0xFFFFD800  }
0xc2: {  	_ =	swait.ge [sflag:s2], $0x50  }
0xc3: {  	[sflag:s2] =	ssyncset.done $0x0  }
0xc4: {  	[sflag:s2] =	ssyncadd.s32 $0xFFFFFFB0  }
0xc5: {  	[spmem:s3] =	stream.indirect.scatter.add.f32 [tilespmem:s29], [sflag:$0x7], $0x80, s28, s25, $0xb8;
	[tilespmem:$0x1D980] =	vst v63  }
0xc6: {  	_ =	swait.ge [sflag:s23], $0x2800  }
0xc7: {  	[sflag:s23] =	ssyncset.done $0x0  }
0xc8: {  	[sflag:s23] =	ssyncadd.s32 $0xFFFFD800  }
0xc9: {  	[bflag:$0x0] =	sbarrier.arrive $0xFFFF  }
0xca: {  	s18 =	rddreg [dreg:$0x6]  }
0xcb: {  	s9 =	sor.u32 $0x1C07, s11;
	s8 =	sadd.s32 s18, s16  }
0xcc: {  	[hbm:s8], [sflag:s9] =	dma.local [spmem:s12], $0x2700  }
0xcd: {  	_ =	swait.ge [sflag:s23], $0x2700  }
0xce: {  	[sflag:s23] =	ssyncset.done $0x0;
	s11 =	rddreg [dreg:$0xb]  }
0xcf: {  	s8 =	sadd.s32 @!p0 $0x27000, s16;
	[sflag:s23] =	ssyncadd.s32 $0xFFFFD900;
	s11 =	sshrl.u32 @!p0 s11, $0x3  }
0xd0: {  	[hbm:s8], [sflag:s9] =	dma.local @!p0 [spmem:s11], $0x100  }
0xd1: {  	s8 =	simm.s32 @!p0 $0x7  }
0xd2: {  	_ =	swait.ge @!p0 [sflag:s8], $0x100  }
0xd3: {  	s10 =	sadd.s32 $0x1, s10;
	s19 =	rddreg [dreg:$0xd]  }
0xd4: {  	p3 =	sne.s32 s10, s19  }
.Ltmp5:
0xd5: {  	_ = 	snop;
	(pc) =	sbr.rel @p3 .LBB2_1-.Ltmp5, $3  }
0xd6: {  	_ =	sdelay $0x1  }
0xd7: {  	[sflag:s8] =	ssyncset.done @!p0 $0x0  }
0xd8: {  	[sflag:s8] =	ssyncadd.s32 @!p0 $0xFFFFFF00  }
0xd9: {  	_ =	sfence.sel $0x180000  }
0xda: {  	[bflag:$0x0] =	sbarrier.arrive $0xFFFF  }
0xdb: {  	_ =	strace $0x90000050  }
0xdc: {  	[bflag:$0x2] =	sbarrier.arrive $0xFFFF  }
0xdd: {  	s0 =	rddreg [dreg:$0x3]  }
0xde: {  	s0 =	sadd.s32 @!p0 $0x100000, s0  }
0xdf: {  	[sflag:s0] =	ssyncadd.tile.s32 @!p0 $0x1;
	_ =	shalt  }
.Lfunc_end2:
_tile_overlayer_lowered:
.L_overlay_start_2:
0xe0: {  	(tag) =	ssettag $0x2  }
0xe1: {  	s0 =	rddreg [dreg:$0x0];
	s2 =	stileid.u32  }
0xe2: {  	s1 =	rddreg [dreg:$0x1];
	p0 =	sne.s32 s2, $0x0  }
0xe3: {  	s3 =	rddreg [dreg:$0x2];
	[bflag:$0x3] =	sbarrier.arrive $0xFFFF;
	s2 =	simm.s32 @!p0 $0x1C07  }
0xe4: {  	[timem:s3], [sflag:s2] =	dma.local @!p0 [hbm:s0], s1  }
0xe5: {  	s0 =	simm.s32 @!p0 $0x7  }
0xe6: {  	_ =	swait.ge @!p0 [sflag:s0], s1  }
0xe7: {  	s1 =	ssub.s32 @!p0 $0x0, s1;
	[sflag:s0] =	ssyncset.done @!p0 $0x0  }
0xe8: {  	[sflag:s0] =	ssyncadd.s32 @!p0 s1  }
0xe9: {  	[bflag:$0x3] =	sbarrier.arrive $0xFFFF  }
0xea: {  	_ =	shalt  }

// kernel: kernel.25.cloned.1.call-start
scs
__scs_entry_jumppad:
0x0: {  	(pc) =	sbr.rel $0x88, $3  }
0x1: {  	(tag) =	ssettag $0x0;
	lr =	simm.s32 $0x1  }
0x2: {  	[smem:$0x3F91] =	sst lr;
	_ =	strace $0xD0000000  }
0x3: {  	_ = 	snop  }
0x4: {  	_ = 	snop  }
0x5: {  	_ = 	snop  }
0x6: {  	_ = 	snop  }
0x7: {  	_ = 	snop  }
__scs_overlays_trampoline_lowered:
0x8: {  	[smem:$0x3FA0] =	sst s0  }
0x9: {  	[smem:$0x3FA1] =	sst s1  }
0xa: {  	[smem:$0x3FA2] =	sst s2  }
0xb: {  	[smem:$0x3FA3] =	sst s3  }
0xc: {  	[smem:$0x3FA4] =	sst s4  }
0xd: {  	[smem:$0x3FA5] =	sst s5  }
0xe: {  	[smem:$0x3FA6] =	sst s6  }
0xf: {  	[smem:$0x3FA7] =	sst s7  }
0x10: {  	[smem:$0x3FA8] =	sst s8  }
0x11: {  	[smem:$0x3FA9] =	sst s9;
	s0 =	simm.s32 @!p0 $0x0  }
0x12: {  	s1 =	sld [smem:$0x3F8F];
	s0 =	simm.s32 @p0 $0x1  }
0x13: {  	[smem:$0x3FAA] =	sst s0;
	s0 =	simm.s32 @!p1 $0x0  }
0x14: {  	s2 =	sld [smem:$0x3F8E];
	s0 =	simm.s32 @p1 $0x1  }
0x15: {  	[smem:$0x3FAB] =	sst s0;
	s0 =	simm.s32 @!p2 $0x0  }
0x16: {  	s3 =	sld [smem:$0x3FDB];
	s0 =	simm.s32 @p2 $0x1  }
0x17: {  	s4 =	simm.s32 $0x1BF5;
	[smem:$0x3FAD] =	sst s0  }
0x18: {  	s0 =	sld [smem:$0x3F90];
	_ =	swait.ge [sflag:s4], $0x0  }
0x19: {  	s7 =	sld [smem:$0x3F91]  }
0x1a: {  	s8 =	sadd.s32 $0xFFFFE003, lr  }
0x1b: {  	s9 =	sadd.s32 $0xFFFFFEF7, lr;
	s5 =	simm.s32 $0xFFFFFFFF;
	p2 =	slt.u32 s8, $0xFFFFF086  }
0x1c: {  	p1 =	slt.u32 s9, $0xF7A;
	s5 =	simm.s32 @!p2 $0x0  }
0x1d: {  	s5 =	simm.s32 @p1 $0x1;
	p0 =	seq.s32 s7, s2  }
0x1e: {  	s7 =	smul.u32 @!p0 $0xF7A, s2;
	p2 =	seq.s32 @!p0 s5, $0x0  }
0x1f: {  	s9 =	smul.u32 $0xF7A, s1;
	s8 =	simm.s32 @!p0 $0x1BF5;
	p2 =	por !p2, p0  }
0x20: {  	[sflag:s8] =	ssyncset.s32 @!p0 $0xFFFFF086;
	s6 =	sadd.s32 @!p0 s3, s7;
	s7 =	simm.s32 @!p0 $0x108  }
0x21: {  	s3 =	sadd.s32 s3, s9;
	s6 =	sadd.s32 @!p0 $0x88, s6;
	s7 =	simm.s32 @p2 $0x1082  }
0x22: {  	[simem:s7], [sflag:s8] =	dma.local @!p0 [hbm:s6], $0xF7A  }
0x23: {  	s9 =	sor.u32 $0xD0000000, s2;
	s6 =	simm.s32 $0x108;
	_ =	swait.ge @!p0 [sflag:s8], $0x0  }
0x24: {  	s3 =	sadd.s32 $0x88, s3;
	s6 =	simm.s32 @!p1 $0x1082;
	[sflag:s4] =	ssyncset.s32 $0xFFFFF086  }
0x25: {  	[simem:s6], [sflag:s4] =	dma.local [hbm:s3], $0xF7A  }
0x26: {  	[smem:$0x3F91] =	sst s1;
	(tag) =	ssettag s2;
	_ =	strace s9  }
0x27: {  	s1 =	sld [smem:$0x3FA1]  }
0x28: {  	s2 =	sld [smem:$0x3FA2]  }
0x29: {  	s4 =	sld [smem:$0x3FA4]  }
0x2a: {  	p0 =	seq.s32 s5, $0x0;
	s5 =	sld [smem:$0x3FA5]  }
0x2b: {  	s6 =	sld [smem:$0x3FA6]  }
0x2c: {  	s7 =	sld [smem:$0x3FA7]  }
0x2d: {  	s3 =	simm.s32 $0x108;
	s8 =	sld [smem:$0x3FA8]  }
0x2e: {  	s3 =	simm.s32 @!p0 $0x1082;
	s9 =	sld [smem:$0x3FA9]  }
0x2f: {  	lr =	sadd.s32 s0, s3;
	s0 =	sld [smem:$0x3FA0]  }
0x30: {  	s3 =	sld [smem:$0x3FA3]  }
0x31: {  	[smem:$0x3FAC] =	sst s10  }
0x32: {  	s10 =	sld [smem:$0x3FAA];
	_ =	sdelay $0x3  }
0x33: {  	p0 =	seq.s32 s10, $0x1;
	s10 =	sld [smem:$0x3FAC];
	_ =	sdelay $0x3  }
0x34: {  	[smem:$0x3FAC] =	sst s10  }
0x35: {  	s10 =	sld [smem:$0x3FAB];
	_ =	sdelay $0x3  }
0x36: {  	p1 =	seq.s32 s10, $0x1;
	s10 =	sld [smem:$0x3FAC];
	_ =	sdelay $0x3  }
0x37: {  	[smem:$0x3FAC] =	sst s10  }
0x38: {  	s10 =	sld [smem:$0x3FAD]  }
0x39: {  	_ = 	snop;
	(pc) =	sbr.ind lr, $3  }
0x3a: {  	_ = 	snop  }
0x3b: {  	_ = 	snop  }
0x3c: {  	p2 =	seq.s32 s10, $0x1;
	s10 =	sld [smem:$0x3FAC]  }
0x3d: {  	_ =	shalt  }
0x3e: {  	_ =	shalt  }
0x3f: {  	_ =	shalt  }
0x40: {  	_ =	shalt  }
0x41: {  	_ =	shalt  }
0x42: {  	_ =	shalt  }
0x43: {  	_ =	shalt  }
0x44: {  	_ =	shalt  }
0x45: {  	_ =	shalt  }
0x46: {  	_ =	shalt  }
0x47: {  	_ =	shalt  }
0x48: {  	_ =	shalt  }
0x49: {  	_ =	shalt  }
0x4a: {  	_ =	shalt  }
0x4b: {  	_ =	shalt  }
0x4c: {  	_ =	shalt  }
0x4d: {  	_ =	shalt  }
0x4e: {  	_ =	shalt  }
0x4f: {  	_ =	shalt  }
0x50: {  	_ =	shalt  }
0x51: {  	_ =	shalt  }
0x52: {  	_ =	shalt  }
0x53: {  	_ =	shalt  }
0x54: {  	_ =	shalt  }
0x55: {  	_ =	shalt  }
0x56: {  	_ =	shalt  }
0x57: {  	_ =	shalt  }
0x58: {  	_ =	shalt  }
0x59: {  	_ =	shalt  }
0x5a: {  	_ =	shalt  }
0x5b: {  	_ =	shalt  }
0x5c: {  	_ =	shalt  }
0x5d: {  	_ =	shalt  }
0x5e: {  	_ =	shalt  }
0x5f: {  	_ =	shalt  }
0x60: {  	_ =	shalt  }
0x61: {  	_ =	shalt  }
0x62: {  	_ =	shalt  }
0x63: {  	_ =	shalt  }
0x64: {  	_ =	shalt  }
0x65: {  	_ =	shalt  }
0x66: {  	_ =	shalt  }
0x67: {  	_ =	shalt  }
0x68: {  	_ =	shalt  }
0x69: {  	_ =	shalt  }
0x6a: {  	_ =	shalt  }
0x6b: {  	_ =	shalt  }
0x6c: {  	_ =	shalt  }
0x6d: {  	_ =	shalt  }
0x6e: {  	_ =	shalt  }
0x6f: {  	_ =	shalt  }
0x70: {  	_ =	shalt  }
0x71: {  	_ =	shalt  }
0x72: {  	_ =	shalt  }
0x73: {  	_ =	shalt  }
0x74: {  	_ =	shalt  }
0x75: {  	_ =	shalt  }
0x76: {  	_ =	shalt  }
0x77: {  	_ =	shalt  }
0x78: {  	_ =	shalt  }
0x79: {  	_ =	shalt  }
0x7a: {  	_ =	shalt  }
0x7b: {  	_ =	shalt  }
0x7c: {  	_ =	shalt  }
0x7d: {  	_ =	shalt  }
0x7e: {  	_ =	shalt  }
0x7f: {  	_ =	shalt  }
0x80: {  	_ =	shalt  }
0x81: {  	_ =	shalt  }
0x82: {  	_ =	shalt  }
0x83: {  	_ =	shalt  }
0x84: {  	_ =	shalt  }
0x85: {  	_ =	shalt  }
0x86: {  	_ =	shalt  }
0x87: {  	_ =	shalt  }
.Lfunc_end0:
.L_simem_size_0:
called_computation.4_lowered:
.L_overlay_start_0:
0x88: {  	s2 =	sld [smem:$0x3FD9]  }
0x89: {  	s3 =	sld [smem:$0x3FFE];
	_ =	sdelay $0x1  }
0x8a: {  	s1 =	srdreg.scid  }
0x8b: {  	s0 =	sand.u32 $0x1, s1  }
0x8c: {  	s17 =	sshll.u32 s0, $0xA;
	s2 =	sadd.s32 s3, s2  }
0x8d: {  	s2 =	sadd.s32 s2, s17  }
0x8e: {  	[smem:$0x3FB8] =	sst s2  }
0x8f: {  	_ = 	snop  }
0x90: {  	s2 =	sld [smem:$0x3FD0];
	(tm) =	ssettm $0x1  }
0x91: {  	s18 =	sld [smem:$0x3FFB];
	_ =	sdelay $0x3  }
0x92: {  	_ =	strace s18  }
0x93: {  	s3 =	sld [smem:$0x3FFC];
	_ =	sdelay $0x3  }
0x94: {  	_ =	strace s3  }
0x95: {  	s3 =	sld [smem:$0x3FFD];
	_ =	sdelay $0x3  }
0x96: {  	_ =	strace s3  }
0x97: {  	_ =	strace $0x8FFFFFFF  }
0x98: {  	s19 =	sld [smem:$0x3FDB];
	_ =	sdelay $0x1  }
0x99: {  	s4 =	simm.s32 $_scs_section_size  }
0x9a: {  	s5 =	simm.s32 $_size__tile_overlayer_lowered;
	s6 =	simm.s32 $_tile_overlayer_lowered  }
0x9b: {  	s22 =	simm.s32 $0x1BFF;
	s21 =	sshll.u32 s6, $0x1;
	s3 =	sadd.s32 s4, s19  }
0x9c: {  	s7 =	simm.s32 $0x0;
	s20 =	sshll.u32 s5, $0x1;
	s5 =	sadd.s32 s21, s3  }
0x9d: {  	[timem:s7], [sflag:s22] =	dma.local [hbm:s5], s20  }
0x9e: {  	_ =	swait.ge [sflag:s22], s20  }
0x9f: {  	s4 =	ssub.s32 $0x0, s20;
	[sflag:s22] =	ssyncset.done $0x0  }
0xa0: {  	[sflag:s22] =	ssyncadd.s32 s4;
	_ =	sdelay $0x1  }
0xa1: {  	s23 =	simm.s32 $0x1B8B  }
0xa2: {  	_ =	swait.ge [sflag:s23], $0x1  }
0xa3: {  	[sflag:s23] =	ssyncset.done $0x0  }
0xa4: {  	s25 =	simm.s32 $0x1B8E;
	s24 =	sld [smem:$0x3FFE];
	[sflag:s23] =	ssyncadd.s32 $0xFFFFFFFF  }
0xa5: {  	s26 =	simm.s32 $execute0_lowered;
	[smem:$0x3FD2] =	sst s25  }
0xa6: {  	s5 =	sshll.u32 s26, $0x1;
	_ =	strace $0x80000052;
	[dreg:$0x1] =	wrdreg $0xFFFFFFFF  }
0xa7: {  	s28 =	simm.s32 $_size_execute0_lowered;
	s3 =	sadd.s32 s3, s5;
	[dreg:$0x0] =	wrdreg $0x0  }
0xa8: {  	s5 =	sshll.u32 s28, $0x1;
	[dreg:$0x2] =	wrdreg s3  }
0xa9: {  	[dreg:$0x3] =	wrdreg s5  }
0xaa: {  	[dreg:$0x4] =	wrdreg $0xC0  }
0xab: {  	_ =	task [dreg:s7], $0x5FFFF  }
0xac: {  	[dreg:$0x1] =	wrdreg $0xFFFFFFFF  }
0xad: {  	[dreg:$0x0] =	wrdreg $0x60  }
0xae: {  	[dreg:$0x2] =	wrdreg s24  }
0xaf: {  	[dreg:$0x3] =	wrdreg s2  }
0xb0: {  	[dreg:$0x4] =	wrdreg $0xA1000  }
0xb1: {  	[dreg:$0x5] =	wrdreg $0x9  }
0xb2: {  	_ =	task.clear_ibuf [dreg:s7], $0x6FFFF;
	_ =	strace $0x90000052  }
0xb3: {  	s29 =	simm.s32 $0x9;
	_ =	strace $0x80000054  }
0xb4: {  	_ =	swait.ge [sflag:s29], $0x1  }
0xb5: {  	[sflag:s29] =	ssyncadd.s32 $0xFFFFFFFF  }
0xb6: {  	_ =	strace $0x90000054  }
0xb7: {  	_ =	sfence  }
0xb8: {  	s30 =	sld [smem:$0x0];
	_ =	sdelay $0x2  }
0xb9: {  	s31 =	sshll.u32 s1, $0xD;
	s1 =	sshrl.u32 s1, $0x2  }
0xba: {  	s3 =	sand.u32 $0x4000, s31;
	s1 =	sadd.s32 s1, s30  }
0xbb: {  	s0 =	sor.u32 s3, s0;
	s1 =	sshll.u32 s1, $0x11  }
0xbc: {  	s0 =	sor.u32 s1, s0  }
0xbd: {  	s0 =	sadd.s32 $0x8F2B, s0  }
0xbe: {  	[sflag:s0] =	ssyncadd.remote.s32 $0x1  }
0xbf: {  	_ =	sfence.sel $0xFFFF  }
0xc0: {  	[dreg:$0x0] =	wrdreg $0xFFFFFFFF;
	(pc) =	sbr.abs _section_cstart, $3  }
0xc1: {  	[dreg:$0x1] =	wrdreg $0xFFFFFFFF  }
0xc2: {  	_ =	task.clear_ibuf [dreg:s7], $0x2FFFF;
	_ =	strace $0x9FFFFFFF  }
0xc3: {  	(tm) =	ssettm $0x7FFFFFFF  }
tec
execute0_lowered:
.L_overlay_start_1:
0x0: {  	(tag) =	ssettag $0x1  }
0x1: {  	s0 =	rddreg [dreg:$0x0]  }
0x2: {  	s11 =	rddreg [dreg:$0x1]  }
0x3: {  	s1 =	srdreg.scid;
	s12 =	stileid.u32  }
0x4: {  	s3 =	rddreg [dreg:$0x2];
	s4 =	simm.s32 $0x0;
	s28 =	simm.s32 $0x2800  }
0x5: {  	s29 =	simm.s32 $0x5100;
	s30 =	simm.s32 $0x2880;
	s31 =	simm.s32 $0x3  }
0x6: {  	s1 =	sand.u32 $0x1, s1;
	s2 =	sshll.u32 s12, $0x1;
	s14 =	smul.u32 $0x4E000, s12  }
0x7: {  	[smem:$0x7FF] =	sst s4;
	s5 =	sadd.s32 $0x17E00, s0;
	s16 =	smul.u32 $0x2700, s12  }
0x8: {  	s6 =	sadd.s32 $0xE000, s0;
	s18 =	smul.u32 $0x4E20, s12;
	s20 =	sadd.s32 $0x138000, s3  }
0x9: {  	p2 =	seq.s32 s12, $0x0;
	p0 =	sne.s32 s12, $0x0;
	s2 =	sor.u32 s1, s2  }
0xa: {  	_ =	strace $0x80000053;
	s7 =	smul.u32 $0x27100, s1;
	s8 =	ssub.s32 $0x2, s1  }
0xb: {  	s19 =	smul.u32 $0x2710, s1;
	[dreg:$0xb] =	wrdreg s20;
	p1 =	sne.s32 s1, $0x0  }
0xc: {  	s1 =	simm.s32 $0x7900;
	s2 =	smul.u32 $0x2710, s2;
	s10 =	sshrl.u32 s8, $0x1  }
0xd: {  	s17 =	sshrl.u32 s14, $0x2;
	s11 =	sadd.s32 s11, s16;
	[dreg:$0x6] =	wrdreg s16  }
0xe: {  	s26 =	ssub.s32 s8, s10;
	[dreg:$0xa] =	wrdreg s11;
	s10 =	sadd.s32 s5, s16  }
0xf: {  	s22 =	sadd.s32 s19, s18;
	s2 =	sshrl.u32 s2, $0x3;
	[dreg:$0xc] =	wrdreg s10  }
0x10: {  	s21 =	smax.u32 s26, $0x1;
	s24 =	sadd.s32 $0x190, s22;
	s25 =	sadd.s32 $0x140, s22  }
0x11: {  	s22 =	sadd.s32 $0xF0, s22;
	s10 =	simm.s32 $0x0;
	s9 =	sadd.s32 s2, s0  }
0x12: {  	s0 =	sadd.s32 s7, s0;
	s15 =	sadd.s32 s6, s2;
	[dreg:$0xd] =	wrdreg s21  }
0x13: {  	s7 =	sshrl.u32 s25, $0x3;
	s25 =	simm.s32 $0x50;
	s9 =	sadd.s32 $0x4200, s9  }
0x14: {  	s2 =	sadd.s32 $0xA, s15;
	s13 =	sadd.s32 $0x14, s15;
	[dreg:$0x5] =	wrdreg s15  }
0x15: {  	s16 =	sadd.s32 $0x3F000, s0;
	s23 =	sadd.s32 $0x4CE, s15;
	[dreg:$0x4] =	wrdreg s9  }
0x16: {  	s26 =	sadd.s32 $0x4D8, s15;
	s21 =	sadd.s32 s7, s6;
	[dreg:$0x7] =	wrdreg s2  }
0x17: {  	s0 =	simm.s32 $0x1;
	s15 =	simm.s32 $0x2;
	[dreg:$0x8] =	wrdreg s13  }
0x18: {  	s7 =	simm.s32 $0x6;
	s2 =	sadd.s32 s17, s3;
	[dreg:$0xe] =	wrdreg s23  }
0x19: {  	[dreg:$0xf] =	wrdreg s26;
	s23 =	simm.s32 $0x7;
	s26 =	simm.s32 $0x2900  }
0x1a: {  	s13 =	simm.s32 $0x4;
	[dreg:$0x9] =	wrdreg s2;
	s2 =	sshrl.u32 s24, $0x3  }
0x1b: {  	s24 =	simm.s32 $0x2780;
	s20 =	sadd.s32 s2, s6;
	s2 =	simm.s32 $0x5  }
.LBB2_1:
0x1c: {  	s8 =	rddreg [dreg:$0x4]  }
0x1d: {  	[tilespmem:s4], [sflag:$0x7] =	stream.linear.gather [hbm4b:s8+s4], $0x2710, $0x38;
	[tilespmem:$0x1D980] =	vst v63  }
0x1e: {  	_ =	swait.ge [sflag:s23], $0x2710  }
0x1f: {  	[sflag:s23] =	ssyncset.done $0x0  }
0x20: {  	s11 =	rddreg [dreg:$0x5];
	[sflag:s23] =	ssyncadd.s32 $0xFFFFD8F0  }
0x21: {  	[tilespmem:s24], [sflag:$0x4] =	stream.linear.gather [hbm4b:s11+s4], $0x50, $0x38;
	[tilespmem:$0x1D980] =	vst v63  }
0x22: {  	_ = 	snop  }
0x23: {  	[tilespmem:s26], [sflag:$0x1] =	stream.indirect.gather [hbm4b:s5+s25], $0x80, s4, s25, $0xb8;
	[tilespmem:$0x1D980] =	vst v63  }
0x24: {  	s12 =	rddreg [dreg:$0x7]  }
0x25: {  	[tilespmem:s28], [sflag:$0x5] =	stream.linear.gather [hbm4b:s12+s4], $0x50, $0x38;
	[tilespmem:$0x1D980] =	vst v63  }
0x26: {  	s18 =	stileid.u32  }
0x27: {  	[tilespmem:s29], [sflag:$0x2] =	stream.indirect.gather [hbm4b:s5+s25], $0x80, s25, s25, $0xb8;
	[tilespmem:$0x1D980] =	vst v63  }
.Ltmp0:
0x28: {  	s14 =	rddreg [dreg:$0x8];
	(pc) =	sbr.rel @p1 .LBB2_3-.Ltmp0, $4  }
0x29: {  	s19 =	rddreg [dreg:$0x9];
	s11 =	sshll.u32 s18, $0x6  }
0x2a: {  	[tilespmem:s30], [sflag:$0x6] =	stream.linear.gather [hbm4b:s14+s4], $0x50, $0x38;
	[tilespmem:$0x1D980] =	vst v63  }
0x2b: {  	s17 =	simm.s32 $0xA0;
	s9 =	sor.u32 $0x1C07, s11;
	s12 =	sshrl.u32 s19, $0x3  }
0x2c: {  	[tilespmem:s1], [sflag:$0x3] =	stream.indirect.gather [hbm4b:s5+s25], $0x80, s17, s25, $0xb8;
	[tilespmem:$0x1D980] =	vst v63  }
0x2d: {  	s9 =	sor.u32 $0x1C07, s11;
	s8 =	rddreg [dreg:$0xc]  }
0x2e: {  	[spmem:s12], [sflag:s9] =	dma.local [hbm:s8], $0x2700  }
.Ltmp1:
0x2f: {  	_ = 	snop;
	(pc) =	sbr.rel @!p2 .LBB2_5-.Ltmp1, $4  }
.Ltmp2:
0x30: {  	_ = 	snop;
	(pc) =	sbr.rel @p2 .LBB2_4-.Ltmp2, $4  }
0x31: {  	_ =	swait.ge [sflag:s23], $0x2700  }
0x32: {  	[sflag:s23] =	ssyncset.done $0x0  }
0x33: {  	s8 =	smov.u32 s5;
	[sflag:s23] =	ssyncadd.s32 $0xFFFFD900  }
0x34: {  	_ = 	snop  }
.LBB2_3:
0x35: {  	s8 =	rddreg [dreg:$0xa]  }
0x36: {  	[spmem:s12], [sflag:s9] =	dma.local [hbm:s8], $0x2700  }
.Ltmp3:
0x37: {  	_ = 	snop;
	(pc) =	sbr.rel @p0 .LBB2_5-.Ltmp3, $4  }
0x38: {  	_ =	swait.ge [sflag:s23], $0x2700  }
0x39: {  	[sflag:s23] =	ssyncset.done $0x0  }
0x3a: {  	[sflag:s23] =	ssyncadd.s32 $0xFFFFD900  }
0x3b: {  	s8 =	rddreg [dreg:$0x1]  }
.LBB2_4:
0x3c: {  	s14 =	rddreg [dreg:$0xb]  }
0x3d: {  	s8 =	sadd.s32 $0x27000, s8;
	s17 =	sshrl.u32 s14, $0x3  }
0x3e: {  	[spmem:s17], [sflag:s9] =	dma.local [hbm:s8], $0x100  }
0x3f: {  	_ =	swait.ge [sflag:s23], $0x100  }
0x40: {  	[sflag:s23] =	ssyncset.done $0x0  }
0x41: {  	[sflag:s23] =	ssyncadd.s32 $0xFFFFFF00  }
.LBB2_5:
0x42: {  	[bflag:$0x0] =	sbarrier.arrive $0xFFFF  }
0x43: {  	_ =	swait.ge [sflag:s0], $0x2800  }
0x44: {  	[sflag:s0] =	ssyncset.done $0x0  }
0x45: {  	[sflag:s0] =	ssyncadd.s32 $0xFFFFD800  }
0x46: {  	_ =	swait.ge [sflag:s13], $0x50  }
0x47: {  	[sflag:s13] =	ssyncset.done $0x0  }
0x48: {  	[sflag:s13] =	ssyncadd.s32 $0xFFFFFFB0  }
0x49: {  	[spmem:s3] =	stream.indirect.scatter.add.f32 [tilespmem:s26], [sflag:$0x7], $0x80, s24, s25, $0xb8;
	[tilespmem:$0x1D980] =	vst v63  }
0x4a: {  	_ =	swait.ge [sflag:s23], $0x2800  }
0x4b: {  	s8 =	sshrl.u32 s22, $0x3;
	[sflag:s23] =	ssyncset.done $0x0  }
0x4c: {  	s8 =	sadd.s32 s6, s8;
	[sflag:s23] =	ssyncadd.s32 $0xFFFFD800  }
0x4d: {  	[tilespmem:s24], [sflag:$0x4] =	stream.linear.gather [hbm4b:s8+s4], $0x50, $0x38;
	[tilespmem:$0x1D980] =	vst v63  }
0x4e: {  	s18 =	simm.s32 $0xF0  }
0x4f: {  	[tilespmem:s26], [sflag:$0x1] =	stream.indirect.gather [hbm4b:s5+s25], $0x80, s18, s25, $0xb8;
	[tilespmem:$0x1D980] =	vst v63  }
0x50: {  	_ =	swait.ge [sflag:s15], $0x2800  }
0x51: {  	[sflag:s15] =	ssyncset.done $0x0  }
0x52: {  	[sflag:s15] =	ssyncadd.s32 $0xFFFFD800  }
0x53: {  	_ =	swait.ge [sflag:s2], $0x50  }
0x54: {  	[sflag:s2] =	ssyncset.done $0x0  }
0x55: {  	[sflag:s2] =	ssyncadd.s32 $0xFFFFFFB0  }
0x56: {  	[spmem:s3] =	stream.indirect.scatter.add.f32 [tilespmem:s29], [sflag:$0x7], $0x80, s28, s25, $0xb8;
	[tilespmem:$0x1D980] =	vst v63  }
0x57: {  	_ =	swait.ge [sflag:s23], $0x2800  }
0x58: {  	[sflag:s23] =	ssyncset.done $0x0  }
0x59: {  	[sflag:s23] =	ssyncadd.s32 $0xFFFFD800  }
0x5a: {  	[tilespmem:s28], [sflag:$0x5] =	stream.linear.gather [hbm4b:s21+s4], $0x50, $0x38;
	[tilespmem:$0x1D980] =	vst v63  }
0x5b: {  	s19 =	simm.s32 $0x140  }
0x5c: {  	[tilespmem:s29], [sflag:$0x2] =	stream.indirect.gather [hbm4b:s5+s25], $0x80, s19, s25, $0xb8;
	[tilespmem:$0x1D980] =	vst v63  }
0x5d: {  	_ =	swait.ge [sflag:s31], $0x2800  }
0x5e: {  	[sflag:s31] =	ssyncset.done $0x0  }
0x5f: {  	[sflag:s31] =	ssyncadd.s32 $0xFFFFD800  }
0x60: {  	_ =	swait.ge [sflag:s7], $0x50  }
0x61: {  	[sflag:s7] =	ssyncset.done $0x0  }
0x62: {  	[sflag:s7] =	ssyncadd.s32 $0xFFFFFFB0  }
0x63: {  	[spmem:s3] =	stream.indirect.scatter.add.f32 [tilespmem:s1], [sflag:$0x7], $0x80, s30, s25, $0xb8;
	[tilespmem:$0x1D980] =	vst v63  }
0x64: {  	s17 =	simm.s32 $0x3C0;
	_ =	swait.ge [sflag:s23], $0x2800  }
0x65: {  	s9 =	sadd.s32 $0x1E, s21;
	s8 =	simm.s32 $0x190;
	[sflag:s23] =	ssyncset.done $0x0  }
0x66: {  	s18 =	sadd.s32 $0xF0, s22;
	s19 =	sadd.s32 $0x1E, s20;
	[sflag:s23] =	ssyncadd.s32 $0xFFFFD800  }
0x67: {  	[tilespmem:s30], [sflag:$0x6] =	stream.linear.gather [hbm4b:s20+s4], $0x50, $0x38;
	[tilespmem:$0x1D980] =	vst v63  }
.LBB2_6:
0x68: {  	[tilespmem:s1], [sflag:$0x3] =	stream.indirect.gather [hbm4b:s5+s25], $0x80, s8, s25, $0xb8;
	[tilespmem:$0x1D980] =	vst v63  }
0x69: {  	s8 =	smov.u32 s17  }
0x6a: {  	p3 =	sne.s32 s17, $0x9240;
	s17 =	sadd.s32 $0x3C0, s17;
	_ =	swait.ge [sflag:s0], $0x2800  }
0x6b: {  	[sflag:s0] =	ssyncset.done $0x0  }
0x6c: {  	[sflag:s0] =	ssyncadd.s32 $0xFFFFD800  }
0x6d: {  	_ =	swait.ge [sflag:s13], $0x50  }
0x6e: {  	[sflag:s13] =	ssyncset.done $0x0  }
0x6f: {  	[sflag:s13] =	ssyncadd.s32 $0xFFFFFFB0  }
0x70: {  	[spmem:s3] =	stream.indirect.scatter.add.f32 [tilespmem:s26], [sflag:$0x7], $0x80, s24, s25, $0xb8;
	[tilespmem:$0x1D980] =	vst v63  }
0x71: {  	_ =	swait.ge [sflag:s23], $0x2800  }
0x72: {  	s14 =	sshrl.u32 s18, $0x3;
	[sflag:s23] =	ssyncset.done $0x0  }
0x73: {  	s14 =	sadd.s32 s6, s14;
	s8 =	sshra.s32 s8, $0x2;
	[sflag:s23] =	ssyncadd.s32 $0xFFFFD800  }
0x74: {  	[tilespmem:s24], [sflag:$0x4] =	stream.linear.gather [hbm4b:s14+s4], $0x50, $0x38;
	[tilespmem:$0x1D980] =	vst v63  }
0x75: {  	s14 =	sadd.s32 $0xF0, s8  }
0x76: {  	[tilespmem:s26], [sflag:$0x1] =	stream.indirect.gather [hbm4b:s5+s25], $0x80, s14, s25, $0xb8;
	[tilespmem:$0x1D980] =	vst v63  }
0x77: {  	_ =	swait.ge [sflag:s15], $0x2800  }
0x78: {  	[sflag:s15] =	ssyncset.done $0x0  }
0x79: {  	[sflag:s15] =	ssyncadd.s32 $0xFFFFD800  }
0x7a: {  	_ =	swait.ge [sflag:s2], $0x50  }
0x7b: {  	[sflag:s2] =	ssyncset.done $0x0  }
0x7c: {  	[sflag:s2] =	ssyncadd.s32 $0xFFFFFFB0  }
0x7d: {  	[spmem:s3] =	stream.indirect.scatter.add.f32 [tilespmem:s29], [sflag:$0x7], $0x80, s28, s25, $0xb8;
	[tilespmem:$0x1D980] =	vst v63  }
0x7e: {  	_ =	swait.ge [sflag:s23], $0x2800  }
0x7f: {  	[sflag:s23] =	ssyncset.done $0x0  }
0x80: {  	[sflag:s23] =	ssyncadd.s32 $0xFFFFD800  }
0x81: {  	[tilespmem:s28], [sflag:$0x5] =	stream.linear.gather [hbm4b:s9+s4], $0x50, $0x38;
	[tilespmem:$0x1D980] =	vst v63  }
0x82: {  	s14 =	sadd.s32 $0x140, s8  }
0x83: {  	[tilespmem:s29], [sflag:$0x2] =	stream.indirect.gather [hbm4b:s5+s25], $0x80, s14, s25, $0xb8;
	[tilespmem:$0x1D980] =	vst v63  }
0x84: {  	_ =	swait.ge [sflag:s31], $0x2800  }
0x85: {  	[sflag:s31] =	ssyncset.done $0x0  }
0x86: {  	[sflag:s31] =	ssyncadd.s32 $0xFFFFD800  }
0x87: {  	_ =	swait.ge [sflag:s7], $0x50  }
0x88: {  	[sflag:s7] =	ssyncset.done $0x0  }
0x89: {  	[sflag:s7] =	ssyncadd.s32 $0xFFFFFFB0  }
0x8a: {  	[spmem:s3] =	stream.indirect.scatter.add.f32 [tilespmem:s1], [sflag:$0x7], $0x80, s30, s25, $0xb8;
	[tilespmem:$0x1D980] =	vst v63  }
.Ltmp4:
0x8b: {  	_ =	swait.ge [sflag:s23], $0x2800;
	(pc) =	sbr.rel @p3 .LBB2_6-.Ltmp4, $4  }
0x8c: {  	[sflag:s23] =	ssyncset.done $0x0  }
0x8d: {  	s18 =	sadd.s32 $0xF0, s18;
	[sflag:s23] =	ssyncadd.s32 $0xFFFFD800  }
0x8e: {  	[tilespmem:s30], [sflag:$0x6] =	stream.linear.gather [hbm4b:s19+s4], $0x50, $0x38;
	[tilespmem:$0x1D980] =	vst v63  }
0x8f: {  	s8 =	sadd.s32 $0x190, s8;
	s9 =	sadd.s32 $0x1E, s9;
	s19 =	sadd.s32 $0x1E, s19  }
0x90: {  	[tilespmem:s1], [sflag:$0x3] =	stream.indirect.gather [hbm4b:s5+s25], $0x80, s8, s25, $0xb8;
	[tilespmem:$0x1D980] =	vst v63  }
0x91: {  	_ =	swait.ge [sflag:s0], $0x2800  }
0x92: {  	[sflag:s0] =	ssyncset.done $0x0  }
0x93: {  	[sflag:s0] =	ssyncadd.s32 $0xFFFFD800  }
0x94: {  	_ =	swait.ge [sflag:s13], $0x50  }
0x95: {  	[sflag:s13] =	ssyncset.done $0x0  }
0x96: {  	[sflag:s13] =	ssyncadd.s32 $0xFFFFFFB0  }
0x97: {  	[spmem:s3] =	stream.indirect.scatter.add.f32 [tilespmem:s26], [sflag:$0x7], $0x80, s24, s25, $0xb8;
	[tilespmem:$0x1D980] =	vst v63  }
0x98: {  	_ =	swait.ge [sflag:s23], $0x2800  }
0x99: {  	[sflag:s23] =	ssyncset.done $0x0  }
0x9a: {  	s19 =	rddreg [dreg:$0xe];
	[sflag:s23] =	ssyncadd.s32 $0xFFFFD800  }
0x9b: {  	[tilespmem:s24], [sflag:$0x4] =	stream.linear.gather [hbm4b:s19+s4], $0x50, $0x38;
	[tilespmem:$0x1D980] =	vst v63  }
0x9c: {  	s9 =	simm.s32 $0x2670  }
0x9d: {  	[tilespmem:s26], [sflag:$0x1] =	stream.indirect.gather [hbm4b:s5+s25], $0x80, s9, s25, $0xb8;
	[tilespmem:$0x1D980] =	vst v63  }
0x9e: {  	_ =	swait.ge [sflag:s15], $0x2800  }
0x9f: {  	[sflag:s15] =	ssyncset.done $0x0  }
0xa0: {  	[sflag:s15] =	ssyncadd.s32 $0xFFFFD800  }
0xa1: {  	_ =	swait.ge [sflag:s2], $0x50  }
0xa2: {  	[sflag:s2] =	ssyncset.done $0x0  }
0xa3: {  	[sflag:s2] =	ssyncadd.s32 $0xFFFFFFB0  }
0xa4: {  	[spmem:s3] =	stream.indirect.scatter.add.f32 [tilespmem:s29], [sflag:$0x7], $0x80, s28, s25, $0xb8;
	[tilespmem:$0x1D980] =	vst v63  }
0xa5: {  	_ =	swait.ge [sflag:s23], $0x2800  }
0xa6: {  	[sflag:s23] =	ssyncset.done $0x0  }
0xa7: {  	s14 =	rddreg [dreg:$0xf];
	[sflag:s23] =	ssyncadd.s32 $0xFFFFD800  }
0xa8: {  	[tilespmem:s28], [sflag:$0x5] =	stream.linear.gather [hbm4b:s14+s4], $0x50, $0x38;
	[tilespmem:$0x1D980] =	vst v63  }
0xa9: {  	s17 =	simm.s32 $0x26C0  }
0xaa: {  	[tilespmem:s29], [sflag:$0x2] =	stream.indirect.gather [hbm4b:s5+s25], $0x80, s17, s25, $0xb8;
	[tilespmem:$0x1D980] =	vst v63  }
0xab: {  	_ =	swait.ge [sflag:s31], $0x2800  }
0xac: {  	[sflag:s31] =	ssyncset.done $0x0  }
0xad: {  	[sflag:s31] =	ssyncadd.s32 $0xFFFFD800  }
0xae: {  	_ =	swait.ge [sflag:s7], $0x50  }
0xaf: {  	[sflag:s7] =	ssyncset.done $0x0  }
0xb0: {  	[sflag:s7] =	ssyncadd.s32 $0xFFFFFFB0  }
0xb1: {  	[spmem:s3] =	stream.indirect.scatter.add.f32 [tilespmem:s1], [sflag:$0x7], $0x80, s30, s25, $0xb8;
	[tilespmem:$0x1D980] =	vst v63  }
0xb2: {  	_ =	swait.ge [sflag:s23], $0x2800  }
0xb3: {  	[sflag:s23] =	ssyncset.done $0x0  }
0xb4: {  	[sflag:s23] =	ssyncadd.s32 $0xFFFFD800  }
0xb5: {  	_ =	swait.ge [sflag:s0], $0x2800  }
0xb6: {  	[sflag:s0] =	ssyncset.done $0x0  }
0xb7: {  	[sflag:s0] =	ssyncadd.s32 $0xFFFFD800  }
0xb8: {  	_ =	swait.ge [sflag:s13], $0x50  }
0xb9: {  	[sflag:s13] =	ssyncset.done $0x0  }
0xba: {  	[sflag:s13] =	ssyncadd.s32 $0xFFFFFFB0  }
0xbb: {  	[spmem:s3] =	stream.indirect.scatter.add.f32 [tilespmem:s26], [sflag:$0x7], $0x80, s24, s25, $0xb8;
	[tilespmem:$0x1D980] =	vst v63  }
0xbc: {  	_ =	swait.ge [sflag:s23], $0x2800  }
0xbd: {  	[sflag:s23] =	ssyncset.done $0x0  }
0xbe: {  	[sflag:s23] =	ssyncadd.s32 $0xFFFFD800  }
0xbf: {  	_ =	swait.ge [sflag:s15], $0x2800  }
0xc0: {  	[sflag:s15] =	ssyncset.done $0x0  }
0xc1: {  	[sflag:s15] =	ssyncadd.s32 $0xFFFFD800  }
0xc2: {  	_ =	swait.ge [sflag:s2], $0x50  }
0xc3: {  	[sflag:s2] =	ssyncset.done $0x0  }
0xc4: {  	[sflag:s2] =	ssyncadd.s32 $0xFFFFFFB0  }
0xc5: {  	[spmem:s3] =	stream.indirect.scatter.add.f32 [tilespmem:s29], [sflag:$0x7], $0x80, s28, s25, $0xb8;
	[tilespmem:$0x1D980] =	vst v63  }
0xc6: {  	_ =	swait.ge [sflag:s23], $0x2800  }
0xc7: {  	[sflag:s23] =	ssyncset.done $0x0  }
0xc8: {  	[sflag:s23] =	ssyncadd.s32 $0xFFFFD800  }
0xc9: {  	[bflag:$0x0] =	sbarrier.arrive $0xFFFF  }
0xca: {  	s18 =	rddreg [dreg:$0x6]  }
0xcb: {  	s9 =	sor.u32 $0x1C07, s11;
	s8 =	sadd.s32 s18, s16  }
0xcc: {  	[hbm:s8], [sflag:s9] =	dma.local [spmem:s12], $0x2700  }
0xcd: {  	_ =	swait.ge [sflag:s23], $0x2700  }
0xce: {  	[sflag:s23] =	ssyncset.done $0x0;
	s11 =	rddreg [dreg:$0xb]  }
0xcf: {  	s8 =	sadd.s32 @!p0 $0x27000, s16;
	[sflag:s23] =	ssyncadd.s32 $0xFFFFD900;
	s11 =	sshrl.u32 @!p0 s11, $0x3  }
0xd0: {  	[hbm:s8], [sflag:s9] =	dma.local @!p0 [spmem:s11], $0x100  }
0xd1: {  	s8 =	simm.s32 @!p0 $0x7  }
0xd2: {  	_ =	swait.ge @!p0 [sflag:s8], $0x100  }
0xd3: {  	s10 =	sadd.s32 $0x1, s10;
	s19 =	rddreg [dreg:$0xd]  }
0xd4: {  	p3 =	sne.s32 s10, s19  }
.Ltmp5:
0xd5: {  	_ = 	snop;
	(pc) =	sbr.rel @p3 .LBB2_1-.Ltmp5, $3  }
0xd6: {  	_ =	sdelay $0x1  }
0xd7: {  	[sflag:s8] =	ssyncset.done @!p0 $0x0  }
0xd8: {  	[sflag:s8] =	ssyncadd.s32 @!p0 $0xFFFFFF00  }
0xd9: {  	_ =	sfence.sel $0x180000  }
0xda: {  	[bflag:$0x0] =	sbarrier.arrive $0xFFFF  }
0xdb: {  	_ =	strace $0x90000053  }
0xdc: {  	[bflag:$0x2] =	sbarrier.arrive $0xFFFF  }
0xdd: {  	s0 =	rddreg [dreg:$0x3]  }
0xde: {  	s0 =	sadd.s32 @!p0 $0x100000, s0  }
0xdf: {  	[sflag:s0] =	ssyncadd.tile.s32 @!p0 $0x1;
	_ =	shalt  }
.Lfunc_end2:
_tile_overlayer_lowered:
.L_overlay_start_2:
0xe0: {  	(tag) =	ssettag $0x2  }
0xe1: {  	s0 =	rddreg [dreg:$0x0];
	s2 =	stileid.u32  }
0xe2: {  	s1 =	rddreg [dreg:$0x1];
	p0 =	sne.s32 s2, $0x0  }
0xe3: {  	s3 =	rddreg [dreg:$0x2];
	[bflag:$0x3] =	sbarrier.arrive $0xFFFF;
	s2 =	simm.s32 @!p0 $0x1C07  }
0xe4: {  	[timem:s3], [sflag:s2] =	dma.local @!p0 [hbm:s0], s1  }
0xe5: {  	s0 =	simm.s32 @!p0 $0x7  }
0xe6: {  	_ =	swait.ge @!p0 [sflag:s0], s1  }
0xe7: {  	s1 =	ssub.s32 @!p0 $0x0, s1;
	[sflag:s0] =	ssyncset.done @!p0 $0x0  }
0xe8: {  	[sflag:s0] =	ssyncadd.s32 @!p0 s1  }
0xe9: {  	[bflag:$0x3] =	sbarrier.arrive $0xFFFF  }
0xea: {  	_ =	shalt  }

</sc_bundles>
